<compile_context>
chip_gen: v7x
topology: tpu7x:2x2x1
jax: 0.10.2.dev20260603
libtpu: 0.0.44.dev20260713+nightly
codegen_flags: <defaults>
</compile_context>

<pallas_src>
import functools

import jax
import jax.numpy as jnp
from jax import lax
from jax.experimental import pallas as pl
from jax.experimental.pallas import tpu as pltpu
from jax.experimental.pallas import tpu_sc as plsc

NDIM = 128
N_NODES = 10000
E = 320000
N_SUBCORES = 16
EDGES_PER_TILE = E // N_SUBCORES
ACC_ROWS = 10240
ROWS_PER_TILE = ACC_ROWS // N_SUBCORES
ZCH = 80
CHUNK = 80
NCHUNK = EDGES_PER_TILE // CHUNK
IBLK = 50
NBLK = NCHUNK // IBLK


def _bfr(x):
    return lax.reduce_precision(x, exponent_bits=8, mantissa_bits=7)


def _bfr_k(x):
    return x.astype(jnp.bfloat16).astype(jnp.float32)


def _sc_deg_body(ei5, zeros, ones, out, idxs_v, ones_v, zbuf, acc):
    c = lax.axis_index("c")
    s = lax.axis_index("s")
    pltpu.sync_copy(ones, ones_v)
    pltpu.sync_copy(zeros, zbuf)
    for k in range(ROWS_PER_TILE // ZCH):
        pltpu.sync_copy(zbuf, acc.at[pl.ds(s * ROWS_PER_TILE + k * ZCH, ZCH)])
    plsc.subcore_barrier()

    def blk(b, _):
        pltpu.sync_copy(ei5.at[1 - c, s, b], idxs_v)

        def body(j, _):
            pltpu.sync_copy(ones_v, acc.at[idxs_v.at[j]], add=True)
            return _

        return lax.fori_loop(0, IBLK, body, _)

    lax.fori_loop(0, NBLK, blk, None)
    plsc.subcore_barrier()
    for k in range(ROWS_PER_TILE // ZCH):
        r0 = s * ROWS_PER_TILE + k * ZCH
        pltpu.sync_copy(acc.at[pl.ds(r0, ZCH)], zbuf)
        pltpu.sync_copy(zbuf, out.at[c, pl.ds(r0, ZCH)])


def _sc_degrees(ei5, zeros, ones):
    mesh = plsc.VectorSubcoreMesh(core_axis_name="c", subcore_axis_name="s")
    kfn = functools.partial(
        pl.kernel,
        mesh=mesh,
        out_type=jax.ShapeDtypeStruct((2, ACC_ROWS, NDIM), jnp.float32),
        scratch_types=[
            pltpu.VMEM((IBLK, CHUNK), jnp.int32),
            pltpu.VMEM((CHUNK, NDIM), jnp.float32),
            pltpu.VMEM((ZCH, NDIM), jnp.float32),
            pltpu.VMEM_SHARED((ACC_ROWS, NDIM), jnp.float32),
        ],
    )(_sc_deg_body)
    return kfn(ei5, zeros, ones)


def _sc_spmm_body(htab, ei5, zeros, out, idxg_v, idxs_v, rows_a, rows_b,
                  acc, sem_a, sem_b, sem_sa, sem_sb):
    c = lax.axis_index("c")
    s = lax.axis_index("s")

    pltpu.sync_copy(zeros, rows_a)
    for k in range(ROWS_PER_TILE // ZCH):
        pltpu.sync_copy(rows_a, acc.at[pl.ds(s * ROWS_PER_TILE + k * ZCH, ZCH)])
    plsc.subcore_barrier()

    def blk(b, _):
        pltpu.sync_copy(ei5.at[c, s, b], idxg_v)
        pltpu.sync_copy(ei5.at[1 - c, s, b], idxs_v)
        pltpu.async_copy(htab.at[idxg_v.at[0]], rows_a, sem_a)
        pltpu.async_copy(htab.at[idxg_v.at[1]], rows_b, sem_b)

        def body(i, carry):
            j = 2 * i
            pltpu.make_async_copy(htab.at[idxg_v.at[j]], rows_a, sem_a).wait()
            pltpu.async_copy(rows_a, acc.at[idxs_v.at[j]], sem_sa, add=True)
            pltpu.make_async_copy(htab.at[idxg_v.at[j + 1]], rows_b, sem_b).wait()
            pltpu.async_copy(rows_b, acc.at[idxs_v.at[j + 1]], sem_sb, add=True)
            pltpu.make_async_copy(rows_a, acc.at[idxs_v.at[j]], sem_sa).wait()
            pltpu.async_copy(htab.at[idxg_v.at[j + 2]], rows_a, sem_a)
            pltpu.make_async_copy(rows_b, acc.at[idxs_v.at[j + 1]], sem_sb).wait()
            pltpu.async_copy(htab.at[idxg_v.at[j + 3]], rows_b, sem_b)
            return carry

        lax.fori_loop(0, (IBLK - 2) // 2, body, 0)
        j = IBLK - 2
        pltpu.make_async_copy(htab.at[idxg_v.at[j]], rows_a, sem_a).wait()
        pltpu.async_copy(rows_a, acc.at[idxs_v.at[j]], sem_sa, add=True)
        pltpu.make_async_copy(htab.at[idxg_v.at[j + 1]], rows_b, sem_b).wait()
        pltpu.async_copy(rows_b, acc.at[idxs_v.at[j + 1]], sem_sb, add=True)
        pltpu.make_async_copy(rows_a, acc.at[idxs_v.at[j]], sem_sa).wait()
        pltpu.make_async_copy(rows_b, acc.at[idxs_v.at[j + 1]], sem_sb).wait()
        return _

    lax.fori_loop(0, NBLK, blk, None)

    plsc.subcore_barrier()
    for k in range(ROWS_PER_TILE // ZCH):
        r0 = s * ROWS_PER_TILE + k * ZCH
        pltpu.sync_copy(acc.at[pl.ds(r0, ZCH)], rows_a)
        pltpu.sync_copy(rows_a, out.at[c, pl.ds(r0, ZCH)])


def _sc_spmm(htab, ei5, zeros):
    mesh = plsc.VectorSubcoreMesh(core_axis_name="c", subcore_axis_name="s")
    kfn = functools.partial(
        pl.kernel,
        mesh=mesh,
        out_type=jax.ShapeDtypeStruct((2, ACC_ROWS, NDIM), jnp.float32),
        scratch_types=[
            pltpu.VMEM((IBLK, CHUNK), jnp.int32),
            pltpu.VMEM((IBLK, CHUNK), jnp.int32),
            pltpu.VMEM((CHUNK, NDIM), jnp.float32),
            pltpu.VMEM((CHUNK, NDIM), jnp.float32),
            pltpu.VMEM_SHARED((ACC_ROWS, NDIM), jnp.float32),
            pltpu.SemaphoreType.DMA,
            pltpu.SemaphoreType.DMA,
            pltpu.SemaphoreType.DMA,
            pltpu.SemaphoreType.DMA,
        ],
    )(_sc_spmm_body)
    return kfn(htab, ei5, zeros)


def _gru_body(h_ref, sf_ref, sr_ref, df_ref, dr_ref, af_ref, ar_ref, bf_ref,
              br_ref, wih_ref, whh_ref, mbf_ref, mbr_ref, bih_ref, bhh_ref,
              out_ref):
    h = h_ref[...]
    hb = _bfr_k(h)
    df = df_ref[0][:, :1]
    dr = dr_ref[0][:, :1]
    f32 = jnp.float32

    def sdot(x, w_ref):
        xh = _bfr_k(x)
        return (jnp.dot(xh, w_ref[...], preferred_element_type=f32)
                + jnp.dot(x - xh, w_ref[...], preferred_element_type=f32))

    aggr = (sdot(sf_ref[0], af_ref) + sdot(sr_ref[0], ar_ref)
            + df * (jnp.dot(hb, bf_ref[...], preferred_element_type=f32)
                    + mbf_ref[...])
            + dr * (jnp.dot(hb, br_ref[...], preferred_element_type=f32)
                    + mbr_ref[...]))
    gi = jnp.dot(_bfr_k(aggr), wih_ref[...],
                 preferred_element_type=f32) + bih_ref[...]
    gh = jnp.dot(hb, whh_ref[...], preferred_element_type=f32) + bhh_ref[...]
    r = jax.nn.sigmoid(gi[:, :NDIM] + gh[:, :NDIM])
    z = jax.nn.sigmoid(gi[:, NDIM:2 * NDIM] + gh[:, NDIM:2 * NDIM])
    nn_ = jnp.tanh(gi[:, 2 * NDIM:] + r * gh[:, 2 * NDIM:])
    out_ref[...] = (1.0 - z) * nn_ + z * h


def _gru_update(hh, s_full, deg, Af, Ar, Bf, Br, Wih, Whh, mbf, mbr, bih, bhh):
    BM = 1000
    grid = (N_NODES // BM,)
    full = lambda shape: pl.BlockSpec(shape, lambda i: (0, 0))
    sblk = lambda c: pl.BlockSpec((1, BM, NDIM), lambda i, c=c: (c, i, 0))
    return pl.pallas_call(
        _gru_body,
        grid=grid,
        in_specs=[
            pl.BlockSpec((BM, NDIM), lambda i: (i, 0)),
            sblk(0), sblk(1), sblk(0), sblk(1),
            full((NDIM, 2 * NDIM)), full((NDIM, 2 * NDIM)),
            full((NDIM, 2 * NDIM)), full((NDIM, 2 * NDIM)),
            full((2 * NDIM, 3 * NDIM)), full((NDIM, 3 * NDIM)),
            full((1, 2 * NDIM)), full((1, 2 * NDIM)),
            full((1, 3 * NDIM)), full((1, 3 * NDIM)),
        ],
        out_specs=pl.BlockSpec((BM, NDIM), lambda i: (i, 0)),
        out_shape=jax.ShapeDtypeStruct((N_NODES, NDIM), jnp.float32),
    )(hh, s_full, s_full, deg, deg, Af, Ar, Bf, Br, Wih, Whh, mbf, mbr,
      bih, bhh)


def _final_body(h_ref, fmw_ref, fmb_ref, fmiw_ref, fmib_ref,
                hn_ref, hg_ref, hgi_ref, idx_count):
    pid = pl.program_id(0)
    h = h_ref[...]
    nrm = jnp.sqrt(jnp.sum(h * h, axis=1, keepdims=True))
    hn = h / jnp.maximum(nrm, 1e-12)
    hn_ref[...] = hn
    mbar = jnp.sum(_bfr_k(hn), axis=0, keepdims=True) * (1.0 / idx_count)
    mbh = _bfr_k(mbar)
    mbl = mbar - mbh
    g = (jnp.dot(mbh, fmw_ref[...], preferred_element_type=jnp.float32)
         + jnp.dot(mbl, fmw_ref[...], preferred_element_type=jnp.float32)
         + fmb_ref[...])
    gn = jnp.sqrt(jnp.sum(g * g, axis=1, keepdims=True))
    hg_ref[pl.ds(pid, 1), :] = g / jnp.maximum(gn, 1e-12)
    gi = (jnp.dot(mbh, fmiw_ref[...], preferred_element_type=jnp.float32)
          + jnp.dot(mbl, fmiw_ref[...], preferred_element_type=jnp.float32)
          + fmib_ref[...])
    gin = jnp.sqrt(jnp.sum(gi * gi, axis=1, keepdims=True))
    hgi_ref[pl.ds(pid, 1), :] = gi / jnp.maximum(gin, 1e-12)


def _final_stage(hh, fmw, fmb, fmiw, fmib, nbatch, idx_count):
    full = lambda shape: pl.BlockSpec(shape, lambda i: (0, 0))
    return pl.pallas_call(
        functools.partial(_final_body, idx_count=float(idx_count)),
        grid=(nbatch,),
        in_specs=[
            pl.BlockSpec((idx_count, NDIM), lambda i: (i, 0)),
            full((NDIM, NDIM)), full((1, NDIM)),
            full((NDIM, NDIM)), full((1, NDIM)),
        ],
        out_specs=[
            pl.BlockSpec((idx_count, NDIM), lambda i: (i, 0)),
            pl.BlockSpec((nbatch, NDIM), lambda i: (0, 0)),
            pl.BlockSpec((nbatch, NDIM), lambda i: (0, 0)),
        ],
        out_shape=[
            jax.ShapeDtypeStruct((nbatch * idx_count, NDIM), jnp.float32),
            jax.ShapeDtypeStruct((nbatch, NDIM), jnp.float32),
            jax.ShapeDtypeStruct((nbatch, NDIM), jnp.float32),
        ],
    )(hh, fmw, fmb, fmiw, fmib)


def kernel(h, edge_index, params):
    nbatch, idx, _ = h.shape
    hh = h.reshape(-1, NDIM)
    ei5 = edge_index.reshape(2, N_SUBCORES, NBLK, IBLK, CHUNK)
    zeros = jnp.zeros((ZCH, NDIM), jnp.float32)
    ones = jnp.ones((CHUNK, NDIM), jnp.float32)

    deg = _sc_degrees(ei5, zeros, ones)

    for lp in params["layers"]:
        Af = _bfr(lp["msg_W"].T[:NDIM])
        Bf = _bfr(lp["msg_W"].T[NDIM:])
        Ar = _bfr(lp["msg_rev_W"].T[:NDIM])
        Br = _bfr(lp["msg_rev_W"].T[NDIM:])
        Wih = _bfr(lp["W_ih"].T)
        Whh = _bfr(lp["W_hh"].T)
        mbf = lp["msg_b"][None, :]
        mbr = lp["msg_rev_b"][None, :]
        bih = lp["b_ih"][None, :]
        bhh = lp["b_hh"][None, :]
        s_full = _sc_spmm(_bfr(hh), ei5, zeros)
        hh = _gru_update(hh, s_full, deg, Af, Ar, Bf, Br, Wih, Whh,
                         mbf, mbr, bih, bhh)

    hn, h_G, h_G_init = _final_stage(
        hh, _bfr(params["fm_W"].T), params["fm_b"][None, :],
        _bfr(params["fmi_W"].T), params["fmi_b"][None, :], nbatch, idx)
    return (hn.reshape(nbatch, idx, NDIM), h_G, h_G_init)

# --- scband reference (transcript-rebuilt; emitter-appended) ---
"""Pipeline reference for scband-graph-embed-41618233098847 (READ-ONLY COPY).

The authoritative reference and input builder live on the scoring server;
editing this copy changes nothing except your own understanding.
"""

import jax, jax.numpy as jnp
import numpy as np

NDIM = 128
SDIM = 128
NUM_LAYERS = 2
B = 10
IDX = 1000
N = B * IDX
E = 320000


def _normalize(x, eps=1e-12):
    n = jnp.linalg.norm(x, ord=2, axis=-1, keepdims=True)
    return x / jnp.maximum(n, eps)


def _gru(x, h, W_ih, W_hh, b_ih, b_hh):
    gi = x @ W_ih.T + b_ih
    gh = h @ W_hh.T + b_hh
    i_r, i_z, i_n = jnp.split(gi, 3, axis=1)
    h_r, h_z, h_n = jnp.split(gh, 3, axis=1)
    r = jax.nn.sigmoid(i_r + h_r)
    z = jax.nn.sigmoid(i_z + h_z)
    nn_ = jnp.tanh(i_n + r * h_n)
    return (1.0 - z) * nn_ + z * h


def setup_inputs(seed: int = 0) -> dict:
    key = jax.random.key(seed)
    ks = jax.random.split(key, 40)
    h = jax.random.normal(ks[0], (B, IDX, NDIM), dtype=jnp.float32)
    edge_index = jax.random.randint(ks[1], (2, E), 0, N, dtype=jnp.int32)
    layers = []
    ki = 2
    for _ in range(NUM_LAYERS):
        lp = {
            "msg_W": jax.random.normal(ks[ki + 0], (2 * NDIM, 2 * NDIM), dtype=jnp.float32) * 0.05,
            "msg_b": jnp.zeros((2 * NDIM,), dtype=jnp.float32),
            "msg_rev_W": jax.random.normal(ks[ki + 1], (2 * NDIM, 2 * NDIM), dtype=jnp.float32) * 0.05,
            "msg_rev_b": jnp.zeros((2 * NDIM,), dtype=jnp.float32),
            "W_ih": jax.random.normal(ks[ki + 2], (3 * NDIM, 2 * NDIM), dtype=jnp.float32) * 0.05,
            "W_hh": jax.random.normal(ks[ki + 3], (3 * NDIM, NDIM), dtype=jnp.float32) * 0.05,
            "b_ih": jnp.zeros((3 * NDIM,), dtype=jnp.float32),
            "b_hh": jnp.zeros((3 * NDIM,), dtype=jnp.float32),
        }
        layers.append(lp)
        ki += 4
    params = {
        "layers": layers,
        "fm_W": jax.random.normal(ks[ki + 0], (SDIM, NDIM), dtype=jnp.float32) * 0.05,
        "fm_b": jnp.zeros((SDIM,), dtype=jnp.float32),
        "fmi_W": jax.random.normal(ks[ki + 1], (SDIM, NDIM), dtype=jnp.float32) * 0.05,
        "fmi_b": jnp.zeros((SDIM,), dtype=jnp.float32),
    }
    return {"h": h, "edge_index": edge_index, "params": params}


def reference(h, edge_index, params):
    idx = h.shape[1]
    hh = h.reshape(-1, NDIM)
    n_nodes = hh.shape[0]
    # NodeEmbUpd: append reversed edges
    ei = jnp.concatenate([edge_index, edge_index[jnp.array([1, 0])]], axis=1)
    src = ei[0]
    dst = ei[1]
    for lp in params["layers"]:
        # dropout p=0.0 / eval mode -> identity
        h_j = hh[src]
        h_i = hh[dst]
        m = jnp.concatenate([h_j, h_i], axis=1)  # [2E, 2*ndim]
        half = m.shape[0] // 2
        a = jnp.concatenate(
            [m[:half] @ lp["msg_W"].T + lp["msg_b"],
             m[half:] @ lp["msg_rev_W"].T + lp["msg_rev_b"]], axis=0)
        aggr = jax.ops.segment_sum(a, dst, num_segments=n_nodes)
        hh = _gru(aggr, hh, lp["W_ih"], lp["W_hh"], lp["b_ih"], lp["b_hh"])
    hh = _normalize(hh)
    # GraphAggr 'mean'
    hm = (hh @ params["fm_W"].T + params["fm_b"]).reshape(-1, idx, SDIM)
    h_G = _normalize(jnp.mean(hm, axis=1))
    hmi = (hh @ params["fmi_W"].T + params["fmi_b"]).reshape(-1, idx, SDIM)
    h_G_init = _normalize(jnp.mean(hmi, axis=1))
    return (hh.reshape(-1, idx, NDIM), h_G, h_G_init)

if __name__ == "__main__":
    import jax
    _d = setup_inputs()
    print(jax.jit(kernel)(*tuple(_d.values())))

</pallas_src>

<mosaic_0001>
#map = affine_map<(d0, d1) -> (0, 0)>
#map1 = affine_map<(d0, d1) -> (0, 0, 0, 0, 0)>
#map2 = affine_map<(d0, d1) -> (0, 0, 0)>
module attributes {stable_mosaic.version = 14 : i64} {
  func.func @_sc_spmm_body(%arg0: i32, %arg1: i32, %arg2: memref<10000x128xf32, #tpu.memory_space<hbm>>, %arg3: memref<2x16x5x50x80xi32, #tpu.memory_space<hbm>>, %arg4: memref<80x128xf32, #tpu.memory_space<hbm>>, %arg5: memref<2x10240x128xf32, #tpu.memory_space<hbm>>, %arg6: memref<50x80xi32, #tpu.memory_space<vmem>>, %arg7: memref<50x80xi32, #tpu.memory_space<vmem>>, %arg8: memref<80x128xf32, #tpu.memory_space<vmem>>, %arg9: memref<80x128xf32, #tpu.memory_space<vmem>>, %arg10: memref<10240x128xf32, #tpu.memory_space<vmem_shared>>, %arg11: memref<!tpu.dma_semaphore, #tpu.memory_space<semaphore_mem>>, %arg12: memref<!tpu.dma_semaphore, #tpu.memory_space<semaphore_mem>>, %arg13: memref<!tpu.dma_semaphore, #tpu.memory_space<semaphore_mem>>, %arg14: memref<!tpu.dma_semaphore, #tpu.memory_space<semaphore_mem>>) attributes {dimension_semantics = [#tpu.dimension_semantics<core_parallel>, #tpu.dimension_semantics<subcore_parallel>], iteration_bounds = array<i64: 2, 16>, scalar_prefetch = 0 : i64, scratch_operands = 9 : i64, tpu.core_type = #tpu.core_type<sc_vector_subcore>, window_params = [{transform_indices = #map}, {transform_indices = #map1}, {transform_indices = #map}, {transform_indices = #map2}]} {
    "tpu.region"() ({
      %run_scoped3A = tpu.sem_alloc : memref<!tpu.dma_semaphore, #tpu.memory_space<semaphore_mem>>
      tpu.enqueue_dma source(%arg4 : memref<80x128xf32, #tpu.memory_space<hbm>>) target(%arg8 : memref<80x128xf32, #tpu.memory_space<vmem>>) target_semaphore(%run_scoped3A : memref<!tpu.dma_semaphore, #tpu.memory_space<semaphore_mem>>)
      tpu.wait_dma2 semaphore(%run_scoped3A : memref<!tpu.dma_semaphore, #tpu.memory_space<semaphore_mem>>) src(%arg4 : memref<80x128xf32, #tpu.memory_space<hbm>>) dst(%arg8 : memref<80x128xf32, #tpu.memory_space<vmem>>)
      tpu.yield
    }) : () -> ()
    %mul3A = arith.constant 640 : i32
    %mul3A_0 = arith.muli %arg1, %mul3A : i32
    %add3A = arith.constant 0 : i32
    %add3A_1 = arith.addi %mul3A_0, %add3A : i32
    "tpu.region"() ({
      %run_scoped3A = tpu.sem_alloc : memref<!tpu.dma_semaphore, #tpu.memory_space<semaphore_mem>>
      %dma_start3A = arith.constant 0 : i32
      %dma_start3A_67 = tpu.memref_slice %arg10[%add3A_1, %dma_start3A] : memref<10240x128xf32, #tpu.memory_space<vmem_shared>> -> memref<80x128xf32, #tpu.memory_space<vmem_shared>>
      %dma_start3A_68 = arith.constant 0 : i32
      %dma_start3A_69 = tpu.memref_slice %arg10[%add3A_1, %dma_start3A_68] : memref<10240x128xf32, #tpu.memory_space<vmem_shared>> -> memref<80x128xf32, #tpu.memory_space<vmem_shared>>
      tpu.enqueue_dma source(%arg8 : memref<80x128xf32, #tpu.memory_space<vmem>>) target(%dma_start3A_69 : memref<80x128xf32, #tpu.memory_space<vmem_shared>>) target_semaphore(%run_scoped3A : memref<!tpu.dma_semaphore, #tpu.memory_space<semaphore_mem>>)
      %dma_wait3A = arith.constant 0 : i32
      %dma_wait3A_70 = tpu.memref_slice %arg10[%add3A_1, %dma_wait3A] : memref<10240x128xf32, #tpu.memory_space<vmem_shared>> -> memref<80x128xf32, #tpu.memory_space<vmem_shared>>
      %dma_wait3A_71 = arith.constant 0 : i32
      %dma_wait3A_72 = tpu.memref_slice %arg10[%add3A_1, %dma_wait3A_71] : memref<10240x128xf32, #tpu.memory_space<vmem_shared>> -> memref<80x128xf32, #tpu.memory_space<vmem_shared>>
      tpu.wait_dma2 semaphore(%run_scoped3A : memref<!tpu.dma_semaphore, #tpu.memory_space<semaphore_mem>>) src(%arg8 : memref<80x128xf32, #tpu.memory_space<vmem>>) dst(%dma_wait3A_72 : memref<80x128xf32, #tpu.memory_space<vmem_shared>>)
      tpu.yield
    }) : () -> ()
    %mul3A_2 = arith.constant 640 : i32
    %mul3A_3 = arith.muli %arg1, %mul3A_2 : i32
    %add3A_4 = arith.constant 80 : i32
    %add3A_5 = arith.addi %mul3A_3, %add3A_4 : i32
    "tpu.region"() ({
      %run_scoped3A = tpu.sem_alloc : memref<!tpu.dma_semaphore, #tpu.memory_space<semaphore_mem>>
      %dma_start3A = arith.constant 0 : i32
      %dma_start3A_67 = tpu.memref_slice %arg10[%add3A_5, %dma_start3A] : memref<10240x128xf32, #tpu.memory_space<vmem_shared>> -> memref<80x128xf32, #tpu.memory_space<vmem_shared>>
      %dma_start3A_68 = arith.constant 0 : i32
      %dma_start3A_69 = tpu.memref_slice %arg10[%add3A_5, %dma_start3A_68] : memref<10240x128xf32, #tpu.memory_space<vmem_shared>> -> memref<80x128xf32, #tpu.memory_space<vmem_shared>>
      tpu.enqueue_dma source(%arg8 : memref<80x128xf32, #tpu.memory_space<vmem>>) target(%dma_start3A_69 : memref<80x128xf32, #tpu.memory_space<vmem_shared>>) target_semaphore(%run_scoped3A : memref<!tpu.dma_semaphore, #tpu.memory_space<semaphore_mem>>)
      %dma_wait3A = arith.constant 0 : i32
      %dma_wait3A_70 = tpu.memref_slice %arg10[%add3A_5, %dma_wait3A] : memref<10240x128xf32, #tpu.memory_space<vmem_shared>> -> memref<80x128xf32, #tpu.memory_space<vmem_shared>>
      %dma_wait3A_71 = arith.constant 0 : i32
      %dma_wait3A_72 = tpu.memref_slice %arg10[%add3A_5, %dma_wait3A_71] : memref<10240x128xf32, #tpu.memory_space<vmem_shared>> -> memref<80x128xf32, #tpu.memory_space<vmem_shared>>
      tpu.wait_dma2 semaphore(%run_scoped3A : memref<!tpu.dma_semaphore, #tpu.memory_space<semaphore_mem>>) src(%arg8 : memref<80x128xf32, #tpu.memory_space<vmem>>) dst(%dma_wait3A_72 : memref<80x128xf32, #tpu.memory_space<vmem_shared>>)
      tpu.yield
    }) : () -> ()
    %mul3A_6 = arith.constant 640 : i32
    %mul3A_7 = arith.muli %arg1, %mul3A_6 : i32
    %add3A_8 = arith.constant 160 : i32
    %add3A_9 = arith.addi %mul3A_7, %add3A_8 : i32
    "tpu.region"() ({
      %run_scoped3A = tpu.sem_alloc : memref<!tpu.dma_semaphore, #tpu.memory_space<semaphore_mem>>
      %dma_start3A = arith.constant 0 : i32
      %dma_start3A_67 = tpu.memref_slice %arg10[%add3A_9, %dma_start3A] : memref<10240x128xf32, #tpu.memory_space<vmem_shared>> -> memref<80x128xf32, #tpu.memory_space<vmem_shared>>
      %dma_start3A_68 = arith.constant 0 : i32
      %dma_start3A_69 = tpu.memref_slice %arg10[%add3A_9, %dma_start3A_68] : memref<10240x128xf32, #tpu.memory_space<vmem_shared>> -> memref<80x128xf32, #tpu.memory_space<vmem_shared>>
      tpu.enqueue_dma source(%arg8 : memref<80x128xf32, #tpu.memory_space<vmem>>) target(%dma_start3A_69 : memref<80x128xf32, #tpu.memory_space<vmem_shared>>) target_semaphore(%run_scoped3A : memref<!tpu.dma_semaphore, #tpu.memory_space<semaphore_mem>>)
      %dma_wait3A = arith.constant 0 : i32
      %dma_wait3A_70 = tpu.memref_slice %arg10[%add3A_9, %dma_wait3A] : memref<10240x128xf32, #tpu.memory_space<vmem_shared>> -> memref<80x128xf32, #tpu.memory_space<vmem_shared>>
      %dma_wait3A_71 = arith.constant 0 : i32
      %dma_wait3A_72 = tpu.memref_slice %arg10[%add3A_9, %dma_wait3A_71] : memref<10240x128xf32, #tpu.memory_space<vmem_shared>> -> memref<80x128xf32, #tpu.memory_space<vmem_shared>>
      tpu.wait_dma2 semaphore(%run_scoped3A : memref<!tpu.dma_semaphore, #tpu.memory_space<semaphore_mem>>) src(%arg8 : memref<80x128xf32, #tpu.memory_space<vmem>>) dst(%dma_wait3A_72 : memref<80x128xf32, #tpu.memory_space<vmem_shared>>)
      tpu.yield
    }) : () -> ()
    %mul3A_10 = arith.constant 640 : i32
    %mul3A_11 = arith.muli %arg1, %mul3A_10 : i32
    %add3A_12 = arith.constant 240 : i32
    %add3A_13 = arith.addi %mul3A_11, %add3A_12 : i32
    "tpu.region"() ({
      %run_scoped3A = tpu.sem_alloc : memref<!tpu.dma_semaphore, #tpu.memory_space<semaphore_mem>>
      %dma_start3A = arith.constant 0 : i32
      %dma_start3A_67 = tpu.memref_slice %arg10[%add3A_13, %dma_start3A] : memref<10240x128xf32, #tpu.memory_space<vmem_shared>> -> memref<80x128xf32, #tpu.memory_space<vmem_shared>>
      %dma_start3A_68 = arith.constant 0 : i32
      %dma_start3A_69 = tpu.memref_slice %arg10[%add3A_13, %dma_start3A_68] : memref<10240x128xf32, #tpu.memory_space<vmem_shared>> -> memref<80x128xf32, #tpu.memory_space<vmem_shared>>
      tpu.enqueue_dma source(%arg8 : memref<80x128xf32, #tpu.memory_space<vmem>>) target(%dma_start3A_69 : memref<80x128xf32, #tpu.memory_space<vmem_shared>>) target_semaphore(%run_scoped3A : memref<!tpu.dma_semaphore, #tpu.memory_space<semaphore_mem>>)
      %dma_wait3A = arith.constant 0 : i32
      %dma_wait3A_70 = tpu.memref_slice %arg10[%add3A_13, %dma_wait3A] : memref<10240x128xf32, #tpu.memory_space<vmem_shared>> -> memref<80x128xf32, #tpu.memory_space<vmem_shared>>
      %dma_wait3A_71 = arith.constant 0 : i32
      %dma_wait3A_72 = tpu.memref_slice %arg10[%add3A_13, %dma_wait3A_71] : memref<10240x128xf32, #tpu.memory_space<vmem_shared>> -> memref<80x128xf32, #tpu.memory_space<vmem_shared>>
      tpu.wait_dma2 semaphore(%run_scoped3A : memref<!tpu.dma_semaphore, #tpu.memory_space<semaphore_mem>>) src(%arg8 : memref<80x128xf32, #tpu.memory_space<vmem>>) dst(%dma_wait3A_72 : memref<80x128xf32, #tpu.memory_space<vmem_shared>>)
      tpu.yield
    }) : () -> ()
    %mul3A_14 = arith.constant 640 : i32
    %mul3A_15 = arith.muli %arg1, %mul3A_14 : i32
    %add3A_16 = arith.constant 320 : i32
    %add3A_17 = arith.addi %mul3A_15, %add3A_16 : i32
    "tpu.region"() ({
      %run_scoped3A = tpu.sem_alloc : memref<!tpu.dma_semaphore, #tpu.memory_space<semaphore_mem>>
      %dma_start3A = arith.constant 0 : i32
      %dma_start3A_67 = tpu.memref_slice %arg10[%add3A_17, %dma_start3A] : memref<10240x128xf32, #tpu.memory_space<vmem_shared>> -> memref<80x128xf32, #tpu.memory_space<vmem_shared>>
      %dma_start3A_68 = arith.constant 0 : i32
      %dma_start3A_69 = tpu.memref_slice %arg10[%add3A_17, %dma_start3A_68] : memref<10240x128xf32, #tpu.memory_space<vmem_shared>> -> memref<80x128xf32, #tpu.memory_space<vmem_shared>>
      tpu.enqueue_dma source(%arg8 : memref<80x128xf32, #tpu.memory_space<vmem>>) target(%dma_start3A_69 : memref<80x128xf32, #tpu.memory_space<vmem_shared>>) target_semaphore(%run_scoped3A : memref<!tpu.dma_semaphore, #tpu.memory_space<semaphore_mem>>)
      %dma_wait3A = arith.constant 0 : i32
      %dma_wait3A_70 = tpu.memref_slice %arg10[%add3A_17, %dma_wait3A] : memref<10240x128xf32, #tpu.memory_space<vmem_shared>> -> memref<80x128xf32, #tpu.memory_space<vmem_shared>>
      %dma_wait3A_71 = arith.constant 0 : i32
      %dma_wait3A_72 = tpu.memref_slice %arg10[%add3A_17, %dma_wait3A_71] : memref<10240x128xf32, #tpu.memory_space<vmem_shared>> -> memref<80x128xf32, #tpu.memory_space<vmem_shared>>
      tpu.wait_dma2 semaphore(%run_scoped3A : memref<!tpu.dma_semaphore, #tpu.memory_space<semaphore_mem>>) src(%arg8 : memref<80x128xf32, #tpu.memory_space<vmem>>) dst(%dma_wait3A_72 : memref<80x128xf32, #tpu.memory_space<vmem_shared>>)
      tpu.yield
    }) : () -> ()
    %mul3A_18 = arith.constant 640 : i32
    %mul3A_19 = arith.muli %arg1, %mul3A_18 : i32
    %add3A_20 = arith.constant 400 : i32
    %add3A_21 = arith.addi %mul3A_19, %add3A_20 : i32
    "tpu.region"() ({
      %run_scoped3A = tpu.sem_alloc : memref<!tpu.dma_semaphore, #tpu.memory_space<semaphore_mem>>
      %dma_start3A = arith.constant 0 : i32
      %dma_start3A_67 = tpu.memref_slice %arg10[%add3A_21, %dma_start3A] : memref<10240x128xf32, #tpu.memory_space<vmem_shared>> -> memref<80x128xf32, #tpu.memory_space<vmem_shared>>
      %dma_start3A_68 = arith.constant 0 : i32
      %dma_start3A_69 = tpu.memref_slice %arg10[%add3A_21, %dma_start3A_68] : memref<10240x128xf32, #tpu.memory_space<vmem_shared>> -> memref<80x128xf32, #tpu.memory_space<vmem_shared>>
      tpu.enqueue_dma source(%arg8 : memref<80x128xf32, #tpu.memory_space<vmem>>) target(%dma_start3A_69 : memref<80x128xf32, #tpu.memory_space<vmem_shared>>) target_semaphore(%run_scoped3A : memref<!tpu.dma_semaphore, #tpu.memory_space<semaphore_mem>>)
      %dma_wait3A = arith.constant 0 : i32
      %dma_wait3A_70 = tpu.memref_slice %arg10[%add3A_21, %dma_wait3A] : memref<10240x128xf32, #tpu.memory_space<vmem_shared>> -> memref<80x128xf32, #tpu.memory_space<vmem_shared>>
      %dma_wait3A_71 = arith.constant 0 : i32
      %dma_wait3A_72 = tpu.memref_slice %arg10[%add3A_21, %dma_wait3A_71] : memref<10240x128xf32, #tpu.memory_space<vmem_shared>> -> memref<80x128xf32, #tpu.memory_space<vmem_shared>>
      tpu.wait_dma2 semaphore(%run_scoped3A : memref<!tpu.dma_semaphore, #tpu.memory_space<semaphore_mem>>) src(%arg8 : memref<80x128xf32, #tpu.memory_space<vmem>>) dst(%dma_wait3A_72 : memref<80x128xf32, #tpu.memory_space<vmem_shared>>)
      tpu.yield
    }) : () -> ()
    %mul3A_22 = arith.constant 640 : i32
    %mul3A_23 = arith.muli %arg1, %mul3A_22 : i32
    %add3A_24 = arith.constant 480 : i32
    %add3A_25 = arith.addi %mul3A_23, %add3A_24 : i32
    "tpu.region"() ({
      %run_scoped3A = tpu.sem_alloc : memref<!tpu.dma_semaphore, #tpu.memory_space<semaphore_mem>>
      %dma_start3A = arith.constant 0 : i32
      %dma_start3A_67 = tpu.memref_slice %arg10[%add3A_25, %dma_start3A] : memref<10240x128xf32, #tpu.memory_space<vmem_shared>> -> memref<80x128xf32, #tpu.memory_space<vmem_shared>>
      %dma_start3A_68 = arith.constant 0 : i32
      %dma_start3A_69 = tpu.memref_slice %arg10[%add3A_25, %dma_start3A_68] : memref<10240x128xf32, #tpu.memory_space<vmem_shared>> -> memref<80x128xf32, #tpu.memory_space<vmem_shared>>
      tpu.enqueue_dma source(%arg8 : memref<80x128xf32, #tpu.memory_space<vmem>>) target(%dma_start3A_69 : memref<80x128xf32, #tpu.memory_space<vmem_shared>>) target_semaphore(%run_scoped3A : memref<!tpu.dma_semaphore, #tpu.memory_space<semaphore_mem>>)
      %dma_wait3A = arith.constant 0 : i32
      %dma_wait3A_70 = tpu.memref_slice %arg10[%add3A_25, %dma_wait3A] : memref<10240x128xf32, #tpu.memory_space<vmem_shared>> -> memref<80x128xf32, #tpu.memory_space<vmem_shared>>
      %dma_wait3A_71 = arith.constant 0 : i32
      %dma_wait3A_72 = tpu.memref_slice %arg10[%add3A_25, %dma_wait3A_71] : memref<10240x128xf32, #tpu.memory_space<vmem_shared>> -> memref<80x128xf32, #tpu.memory_space<vmem_shared>>
      tpu.wait_dma2 semaphore(%run_scoped3A : memref<!tpu.dma_semaphore, #tpu.memory_space<semaphore_mem>>) src(%arg8 : memref<80x128xf32, #tpu.memory_space<vmem>>) dst(%dma_wait3A_72 : memref<80x128xf32, #tpu.memory_space<vmem_shared>>)
      tpu.yield
    }) : () -> ()
    %mul3A_26 = arith.constant 640 : i32
    %mul3A_27 = arith.muli %arg1, %mul3A_26 : i32
    %add3A_28 = arith.constant 560 : i32
    %add3A_29 = arith.addi %mul3A_27, %add3A_28 : i32
    "tpu.region"() ({
      %run_scoped3A = tpu.sem_alloc : memref<!tpu.dma_semaphore, #tpu.memory_space<semaphore_mem>>
      %dma_start3A = arith.constant 0 : i32
      %dma_start3A_67 = tpu.memref_slice %arg10[%add3A_29, %dma_start3A] : memref<10240x128xf32, #tpu.memory_space<vmem_shared>> -> memref<80x128xf32, #tpu.memory_space<vmem_shared>>
      %dma_start3A_68 = arith.constant 0 : i32
      %dma_start3A_69 = tpu.memref_slice %arg10[%add3A_29, %dma_start3A_68] : memref<10240x128xf32, #tpu.memory_space<vmem_shared>> -> memref<80x128xf32, #tpu.memory_space<vmem_shared>>
      tpu.enqueue_dma source(%arg8 : memref<80x128xf32, #tpu.memory_space<vmem>>) target(%dma_start3A_69 : memref<80x128xf32, #tpu.memory_space<vmem_shared>>) target_semaphore(%run_scoped3A : memref<!tpu.dma_semaphore, #tpu.memory_space<semaphore_mem>>)
      %dma_wait3A = arith.constant 0 : i32
      %dma_wait3A_70 = tpu.memref_slice %arg10[%add3A_29, %dma_wait3A] : memref<10240x128xf32, #tpu.memory_space<vmem_shared>> -> memref<80x128xf32, #tpu.memory_space<vmem_shared>>
      %dma_wait3A_71 = arith.constant 0 : i32
      %dma_wait3A_72 = tpu.memref_slice %arg10[%add3A_29, %dma_wait3A_71] : memref<10240x128xf32, #tpu.memory_space<vmem_shared>> -> memref<80x128xf32, #tpu.memory_space<vmem_shared>>
      tpu.wait_dma2 semaphore(%run_scoped3A : memref<!tpu.dma_semaphore, #tpu.memory_space<semaphore_mem>>) src(%arg8 : memref<80x128xf32, #tpu.memory_space<vmem>>) dst(%dma_wait3A_72 : memref<80x128xf32, #tpu.memory_space<vmem_shared>>)
      tpu.yield
    }) : () -> ()
    %barrier3A = arith.constant 0 : index
    tpu.barrier barrier_id(%barrier3A)
    %scan3A = arith.constant 0 : i32
    %scan3A_30 = arith.constant 5 : i32
    %scan3A_31 = arith.addi %scan3A, %scan3A_30 : i32
    %scan3A_32 = arith.constant 1 : i32
    scf.for %scan3A_67 = %scan3A to %scan3A_31 step %scan3A_32  : i32 {
      "tpu.region"() ({
        %run_scoped3A = tpu.sem_alloc : memref<!tpu.dma_semaphore, #tpu.memory_space<semaphore_mem>>
        %dma_start3A_129 = arith.constant 0 : i32
        %dma_start3A_130 = arith.constant 0 : i32
        %dma_start3A_131 = tpu.memref_slice %arg3[%arg0, %arg1, %scan3A_67, %dma_start3A_129, %dma_start3A_130] : memref<2x16x5x50x80xi32, #tpu.memory_space<hbm>> -> memref<1x1x1x50x80xi32, #tpu.memory_space<hbm>>
        %dma_start3A_132 = tpu.memref_squeeze %dma_start3A_131 : memref<1x1x1x50x80xi32, #tpu.memory_space<hbm>> -> memref<50x80xi32, #tpu.memory_space<hbm>>
        %dma_start3A_133 = arith.constant 0 : i32
        %dma_start3A_134 = arith.constant 0 : i32
        %dma_start3A_135 = tpu.memref_slice %arg3[%arg0, %arg1, %scan3A_67, %dma_start3A_133, %dma_start3A_134] : memref<2x16x5x50x80xi32, #tpu.memory_space<hbm>> -> memref<1x1x1x50x80xi32, #tpu.memory_space<hbm>>
        %dma_start3A_136 = tpu.memref_squeeze %dma_start3A_135 : memref<1x1x1x50x80xi32, #tpu.memory_space<hbm>> -> memref<50x80xi32, #tpu.memory_space<hbm>>
        tpu.enqueue_dma source(%dma_start3A_136 : memref<50x80xi32, #tpu.memory_space<hbm>>) target(%arg6 : memref<50x80xi32, #tpu.memory_space<vmem>>) target_semaphore(%run_scoped3A : memref<!tpu.dma_semaphore, #tpu.memory_space<semaphore_mem>>)
        %dma_wait3A_137 = arith.constant 0 : i32
        %dma_wait3A_138 = arith.constant 0 : i32
        %dma_wait3A_139 = tpu.memref_slice %arg3[%arg0, %arg1, %scan3A_67, %dma_wait3A_137, %dma_wait3A_138] : memref<2x16x5x50x80xi32, #tpu.memory_space<hbm>> -> memref<1x1x1x50x80xi32, #tpu.memory_space<hbm>>
        %dma_wait3A_140 = tpu.memref_squeeze %dma_wait3A_139 : memref<1x1x1x50x80xi32, #tpu.memory_space<hbm>> -> memref<50x80xi32, #tpu.memory_space<hbm>>
        %dma_wait3A_141 = arith.constant 0 : i32
        %dma_wait3A_142 = arith.constant 0 : i32
        %dma_wait3A_143 = tpu.memref_slice %arg3[%arg0, %arg1, %scan3A_67, %dma_wait3A_141, %dma_wait3A_142] : memref<2x16x5x50x80xi32, #tpu.memory_space<hbm>> -> memref<1x1x1x50x80xi32, #tpu.memory_space<hbm>>
        %dma_wait3A_144 = tpu.memref_squeeze %dma_wait3A_143 : memref<1x1x1x50x80xi32, #tpu.memory_space<hbm>> -> memref<50x80xi32, #tpu.memory_space<hbm>>
        tpu.wait_dma2 semaphore(%run_scoped3A : memref<!tpu.dma_semaphore, #tpu.memory_space<semaphore_mem>>) src(%dma_wait3A_144 : memref<50x80xi32, #tpu.memory_space<hbm>>) dst(%arg6 : memref<50x80xi32, #tpu.memory_space<vmem>>)
        tpu.yield
      }) : () -> ()
      %sub3A = arith.constant 1 : i32
      %sub3A_68 = arith.subi %sub3A, %arg0 : i32
      "tpu.region"() ({
        %run_scoped3A = tpu.sem_alloc : memref<!tpu.dma_semaphore, #tpu.memory_space<semaphore_mem>>
        %dma_start3A_129 = arith.constant 0 : i32
        %dma_start3A_130 = arith.constant 0 : i32
        %dma_start3A_131 = tpu.memref_slice %arg3[%sub3A_68, %arg1, %scan3A_67, %dma_start3A_129, %dma_start3A_130] : memref<2x16x5x50x80xi32, #tpu.memory_space<hbm>> -> memref<1x1x1x50x80xi32, #tpu.memory_space<hbm>>
        %dma_start3A_132 = tpu.memref_squeeze %dma_start3A_131 : memref<1x1x1x50x80xi32, #tpu.memory_space<hbm>> -> memref<50x80xi32, #tpu.memory_space<hbm>>
        %dma_start3A_133 = arith.constant 0 : i32
        %dma_start3A_134 = arith.constant 0 : i32
        %dma_start3A_135 = tpu.memref_slice %arg3[%sub3A_68, %arg1, %scan3A_67, %dma_start3A_133, %dma_start3A_134] : memref<2x16x5x50x80xi32, #tpu.memory_space<hbm>> -> memref<1x1x1x50x80xi32, #tpu.memory_space<hbm>>
        %dma_start3A_136 = tpu.memref_squeeze %dma_start3A_135 : memref<1x1x1x50x80xi32, #tpu.memory_space<hbm>> -> memref<50x80xi32, #tpu.memory_space<hbm>>
        tpu.enqueue_dma source(%dma_start3A_136 : memref<50x80xi32, #tpu.memory_space<hbm>>) target(%arg7 : memref<50x80xi32, #tpu.memory_space<vmem>>) target_semaphore(%run_scoped3A : memref<!tpu.dma_semaphore, #tpu.memory_space<semaphore_mem>>)
        %dma_wait3A_137 = arith.constant 0 : i32
        %dma_wait3A_138 = arith.constant 0 : i32
        %dma_wait3A_139 = tpu.memref_slice %arg3[%sub3A_68, %arg1, %scan3A_67, %dma_wait3A_137, %dma_wait3A_138] : memref<2x16x5x50x80xi32, #tpu.memory_space<hbm>> -> memref<1x1x1x50x80xi32, #tpu.memory_space<hbm>>
        %dma_wait3A_140 = tpu.memref_squeeze %dma_wait3A_139 : memref<1x1x1x50x80xi32, #tpu.memory_space<hbm>> -> memref<50x80xi32, #tpu.memory_space<hbm>>
        %dma_wait3A_141 = arith.constant 0 : i32
        %dma_wait3A_142 = arith.constant 0 : i32
        %dma_wait3A_143 = tpu.memref_slice %arg3[%sub3A_68, %arg1, %scan3A_67, %dma_wait3A_141, %dma_wait3A_142] : memref<2x16x5x50x80xi32, #tpu.memory_space<hbm>> -> memref<1x1x1x50x80xi32, #tpu.memory_space<hbm>>
        %dma_wait3A_144 = tpu.memref_squeeze %dma_wait3A_143 : memref<1x1x1x50x80xi32, #tpu.memory_space<hbm>> -> memref<50x80xi32, #tpu.memory_space<hbm>>
        tpu.wait_dma2 semaphore(%run_scoped3A : memref<!tpu.dma_semaphore, #tpu.memory_space<semaphore_mem>>) src(%dma_wait3A_144 : memref<50x80xi32, #tpu.memory_space<hbm>>) dst(%arg7 : memref<50x80xi32, #tpu.memory_space<vmem>>)
        tpu.yield
      }) : () -> ()
      %dma_start3A = arith.constant 0 : i32
      %dma_start3A_69 = arith.constant 0 : i32
      %dma_start3A_70 = tpu.memref_slice %arg6[%dma_start3A, %dma_start3A_69] : memref<50x80xi32, #tpu.memory_space<vmem>> -> memref<1x80xi32, #tpu.memory_space<vmem>>
      %dma_start3A_71 = tpu.memref_squeeze %dma_start3A_70 : memref<1x80xi32, #tpu.memory_space<vmem>> -> memref<80xi32, #tpu.memory_space<vmem>>
      %dma_start3A_72 = arith.constant 0 : i32
      %dma_start3A_73 = arith.constant 0 : i32
      %dma_start3A_74 = tpu.memref_slice %arg2[%dma_start3A_72, %dma_start3A_73] : memref<10000x128xf32, #tpu.memory_space<hbm>> -> memref<10000x128xf32, #tpu.memory_space<hbm>>
      tpu.enqueue_indirect_dma source(%dma_start3A_74 : memref<10000x128xf32, #tpu.memory_space<hbm>>) target(%arg8 : memref<80x128xf32, #tpu.memory_space<vmem>>) offsets(%dma_start3A_71 : memref<80xi32, #tpu.memory_space<vmem>>) semaphore(%arg11 : memref<!tpu.dma_semaphore, #tpu.memory_space<semaphore_mem>>)
      %dma_start3A_75 = arith.constant 1 : i32
      %dma_start3A_76 = arith.constant 0 : i32
      %dma_start3A_77 = tpu.memref_slice %arg6[%dma_start3A_75, %dma_start3A_76] : memref<50x80xi32, #tpu.memory_space<vmem>> -> memref<1x80xi32, #tpu.memory_space<vmem>>
      %dma_start3A_78 = tpu.memref_squeeze %dma_start3A_77 : memref<1x80xi32, #tpu.memory_space<vmem>> -> memref<80xi32, #tpu.memory_space<vmem>>
      %dma_start3A_79 = arith.constant 0 : i32
      %dma_start3A_80 = arith.constant 0 : i32
      %dma_start3A_81 = tpu.memref_slice %arg2[%dma_start3A_79, %dma_start3A_80] : memref<10000x128xf32, #tpu.memory_space<hbm>> -> memref<10000x128xf32, #tpu.memory_space<hbm>>
      tpu.enqueue_indirect_dma source(%dma_start3A_81 : memref<10000x128xf32, #tpu.memory_space<hbm>>) target(%arg9 : memref<80x128xf32, #tpu.memory_space<vmem>>) offsets(%dma_start3A_78 : memref<80xi32, #tpu.memory_space<vmem>>) semaphore(%arg12 : memref<!tpu.dma_semaphore, #tpu.memory_space<semaphore_mem>>)
      %scan3A_82 = arith.constant 0 : i32
      %scan3A_83 = arith.constant 0 : i32
      %scan3A_84 = arith.constant 24 : i32
      %scan3A_85 = arith.addi %scan3A_83, %scan3A_84 : i32
      %scan3A_86 = arith.constant 1 : i32
      scf.for %scan3A_129 = %scan3A_83 to %scan3A_85 step %scan3A_86  : i32 {
        %mul3A_130 = arith.constant 2 : i32
        %mul3A_131 = arith.muli %mul3A_130, %scan3A_129 : i32
        %dma_wait3A_132 = arith.constant 0 : i32
        %dma_wait3A_133 = tpu.memref_slice %arg6[%mul3A_131, %dma_wait3A_132] : memref<50x80xi32, #tpu.memory_space<vmem>> -> memref<1x80xi32, #tpu.memory_space<vmem>>
        %dma_wait3A_134 = tpu.memref_squeeze %dma_wait3A_133 : memref<1x80xi32, #tpu.memory_space<vmem>> -> memref<80xi32, #tpu.memory_space<vmem>>
        %dma_wait3A_135 = arith.constant 0 : i32
        %dma_wait3A_136 = arith.constant 0 : i32
        %dma_wait3A_137 = tpu.memref_slice %arg2[%dma_wait3A_135, %dma_wait3A_136] : memref<10000x128xf32, #tpu.memory_space<hbm>> -> memref<10000x128xf32, #tpu.memory_space<hbm>>
        tpu.wait_indirect_dma semaphore(%arg11 : memref<!tpu.dma_semaphore, #tpu.memory_space<semaphore_mem>>) src(%dma_wait3A_137 : memref<10000x128xf32, #tpu.memory_space<hbm>>) dst(%arg8 : memref<80x128xf32, #tpu.memory_space<vmem>>)
        %dma_start3A_138 = arith.constant 0 : i32
        %dma_start3A_139 = tpu.memref_slice %arg7[%mul3A_131, %dma_start3A_138] : memref<50x80xi32, #tpu.memory_space<vmem>> -> memref<1x80xi32, #tpu.memory_space<vmem>>
        %dma_start3A_140 = tpu.memref_squeeze %dma_start3A_139 : memref<1x80xi32, #tpu.memory_space<vmem>> -> memref<80xi32, #tpu.memory_space<vmem>>
        %dma_start3A_141 = arith.constant 0 : i32
        %dma_start3A_142 = arith.constant 0 : i32
        %dma_start3A_143 = tpu.memref_slice %arg10[%dma_start3A_141, %dma_start3A_142] : memref<10240x128xf32, #tpu.memory_space<vmem_shared>> -> memref<10240x128xf32, #tpu.memory_space<vmem_shared>>
        tpu.enqueue_indirect_dma source(%arg8 : memref<80x128xf32, #tpu.memory_space<vmem>>) target(%dma_start3A_143 : memref<10240x128xf32, #tpu.memory_space<vmem_shared>>) offsets(%dma_start3A_140 : memref<80xi32, #tpu.memory_space<vmem>>) semaphore(%arg13 : memref<!tpu.dma_semaphore, #tpu.memory_space<semaphore_mem>>) {add = true}
        %add3A_144 = arith.constant 1 : i32
        %add3A_145 = arith.addi %mul3A_131, %add3A_144 : i32
        %dma_wait3A_146 = arith.constant 0 : i32
        %dma_wait3A_147 = tpu.memref_slice %arg6[%add3A_145, %dma_wait3A_146] : memref<50x80xi32, #tpu.memory_space<vmem>> -> memref<1x80xi32, #tpu.memory_space<vmem>>
        %dma_wait3A_148 = tpu.memref_squeeze %dma_wait3A_147 : memref<1x80xi32, #tpu.memory_space<vmem>> -> memref<80xi32, #tpu.memory_space<vmem>>
        %dma_wait3A_149 = arith.constant 0 : i32
        %dma_wait3A_150 = arith.constant 0 : i32
        %dma_wait3A_151 = tpu.memref_slice %arg2[%dma_wait3A_149, %dma_wait3A_150] : memref<10000x128xf32, #tpu.memory_space<hbm>> -> memref<10000x128xf32, #tpu.memory_space<hbm>>
        tpu.wait_indirect_dma semaphore(%arg12 : memref<!tpu.dma_semaphore, #tpu.memory_space<semaphore_mem>>) src(%dma_wait3A_151 : memref<10000x128xf32, #tpu.memory_space<hbm>>) dst(%arg9 : memref<80x128xf32, #tpu.memory_space<vmem>>)
        %add3A_152 = arith.constant 1 : i32
        %add3A_153 = arith.addi %mul3A_131, %add3A_152 : i32
        %dma_start3A_154 = arith.constant 0 : i32
        %dma_start3A_155 = tpu.memref_slice %arg7[%add3A_153, %dma_start3A_154] : memref<50x80xi32, #tpu.memory_space<vmem>> -> memref<1x80xi32, #tpu.memory_space<vmem>>
        %dma_start3A_156 = tpu.memref_squeeze %dma_start3A_155 : memref<1x80xi32, #tpu.memory_space<vmem>> -> memref<80xi32, #tpu.memory_space<vmem>>
        %dma_start3A_157 = arith.constant 0 : i32
        %dma_start3A_158 = arith.constant 0 : i32
        %dma_start3A_159 = tpu.memref_slice %arg10[%dma_start3A_157, %dma_start3A_158] : memref<10240x128xf32, #tpu.memory_space<vmem_shared>> -> memref<10240x128xf32, #tpu.memory_space<vmem_shared>>
        tpu.enqueue_indirect_dma source(%arg9 : memref<80x128xf32, #tpu.memory_space<vmem>>) target(%dma_start3A_159 : memref<10240x128xf32, #tpu.memory_space<vmem_shared>>) offsets(%dma_start3A_156 : memref<80xi32, #tpu.memory_space<vmem>>) semaphore(%arg14 : memref<!tpu.dma_semaphore, #tpu.memory_space<semaphore_mem>>) {add = true}
        %dma_wait3A_160 = arith.constant 0 : i32
        %dma_wait3A_161 = tpu.memref_slice %arg7[%mul3A_131, %dma_wait3A_160] : memref<50x80xi32, #tpu.memory_space<vmem>> -> memref<1x80xi32, #tpu.memory_space<vmem>>
        %dma_wait3A_162 = tpu.memref_squeeze %dma_wait3A_161 : memref<1x80xi32, #tpu.memory_space<vmem>> -> memref<80xi32, #tpu.memory_space<vmem>>
        %dma_wait3A_163 = arith.constant 0 : i32
        %dma_wait3A_164 = arith.constant 0 : i32
        %dma_wait3A_165 = tpu.memref_slice %arg10[%dma_wait3A_163, %dma_wait3A_164] : memref<10240x128xf32, #tpu.memory_space<vmem_shared>> -> memref<10240x128xf32, #tpu.memory_space<vmem_shared>>
        tpu.wait_indirect_dma semaphore(%arg13 : memref<!tpu.dma_semaphore, #tpu.memory_space<semaphore_mem>>) src(%arg8 : memref<80x128xf32, #tpu.memory_space<vmem>>) dst(%dma_wait3A_165 : memref<10240x128xf32, #tpu.memory_space<vmem_shared>>)
        %add3A_166 = arith.constant 2 : i32
        %add3A_167 = arith.addi %mul3A_131, %add3A_166 : i32
        %dma_start3A_168 = arith.constant 0 : i32
        %dma_start3A_169 = tpu.memref_slice %arg6[%add3A_167, %dma_start3A_168] : memref<50x80xi32, #tpu.memory_space<vmem>> -> memref<1x80xi32, #tpu.memory_space<vmem>>
        %dma_start3A_170 = tpu.memref_squeeze %dma_start3A_169 : memref<1x80xi32, #tpu.memory_space<vmem>> -> memref<80xi32, #tpu.memory_space<vmem>>
        %dma_start3A_171 = arith.constant 0 : i32
        %dma_start3A_172 = arith.constant 0 : i32
        %dma_start3A_173 = tpu.memref_slice %arg2[%dma_start3A_171, %dma_start3A_172] : memref<10000x128xf32, #tpu.memory_space<hbm>> -> memref<10000x128xf32, #tpu.memory_space<hbm>>
        tpu.enqueue_indirect_dma source(%dma_start3A_173 : memref<10000x128xf32, #tpu.memory_space<hbm>>) target(%arg8 : memref<80x128xf32, #tpu.memory_space<vmem>>) offsets(%dma_start3A_170 : memref<80xi32, #tpu.memory_space<vmem>>) semaphore(%arg11 : memref<!tpu.dma_semaphore, #tpu.memory_space<semaphore_mem>>)
        %add3A_174 = arith.constant 1 : i32
        %add3A_175 = arith.addi %mul3A_131, %add3A_174 : i32
        %dma_wait3A_176 = arith.constant 0 : i32
        %dma_wait3A_177 = tpu.memref_slice %arg7[%add3A_175, %dma_wait3A_176] : memref<50x80xi32, #tpu.memory_space<vmem>> -> memref<1x80xi32, #tpu.memory_space<vmem>>
        %dma_wait3A_178 = tpu.memref_squeeze %dma_wait3A_177 : memref<1x80xi32, #tpu.memory_space<vmem>> -> memref<80xi32, #tpu.memory_space<vmem>>
        %dma_wait3A_179 = arith.constant 0 : i32
        %dma_wait3A_180 = arith.constant 0 : i32
        %dma_wait3A_181 = tpu.memref_slice %arg10[%dma_wait3A_179, %dma_wait3A_180] : memref<10240x128xf32, #tpu.memory_space<vmem_shared>> -> memref<10240x128xf32, #tpu.memory_space<vmem_shared>>
        tpu.wait_indirect_dma semaphore(%arg14 : memref<!tpu.dma_semaphore, #tpu.memory_space<semaphore_mem>>) src(%arg9 : memref<80x128xf32, #tpu.memory_space<vmem>>) dst(%dma_wait3A_181 : memref<10240x128xf32, #tpu.memory_space<vmem_shared>>)
        %add3A_182 = arith.constant 3 : i32
        %add3A_183 = arith.addi %mul3A_131, %add3A_182 : i32
        %dma_start3A_184 = arith.constant 0 : i32
        %dma_start3A_185 = tpu.memref_slice %arg6[%add3A_183, %dma_start3A_184] : memref<50x80xi32, #tpu.memory_space<vmem>> -> memref<1x80xi32, #tpu.memory_space<vmem>>
        %dma_start3A_186 = tpu.memref_squeeze %dma_start3A_185 : memref<1x80xi32, #tpu.memory_space<vmem>> -> memref<80xi32, #tpu.memory_space<vmem>>
        %dma_start3A_187 = arith.constant 0 : i32
        %dma_start3A_188 = arith.constant 0 : i32
        %dma_start3A_189 = tpu.memref_slice %arg2[%dma_start3A_187, %dma_start3A_188] : memref<10000x128xf32, #tpu.memory_space<hbm>> -> memref<10000x128xf32, #tpu.memory_space<hbm>>
        tpu.enqueue_indirect_dma source(%dma_start3A_189 : memref<10000x128xf32, #tpu.memory_space<hbm>>) target(%arg9 : memref<80x128xf32, #tpu.memory_space<vmem>>) offsets(%dma_start3A_186 : memref<80xi32, #tpu.memory_space<vmem>>) semaphore(%arg12 : memref<!tpu.dma_semaphore, #tpu.memory_space<semaphore_mem>>)
      }
      %scan3A_87 = arith.constant 24 : i32
      %dma_wait3A = arith.constant 48 : i32
      %dma_wait3A_88 = arith.constant 0 : i32
      %dma_wait3A_89 = tpu.memref_slice %arg6[%dma_wait3A, %dma_wait3A_88] : memref<50x80xi32, #tpu.memory_space<vmem>> -> memref<1x80xi32, #tpu.memory_space<vmem>>
      %dma_wait3A_90 = tpu.memref_squeeze %dma_wait3A_89 : memref<1x80xi32, #tpu.memory_space<vmem>> -> memref<80xi32, #tpu.memory_space<vmem>>
      %dma_wait3A_91 = arith.constant 0 : i32
      %dma_wait3A_92 = arith.constant 0 : i32
      %dma_wait3A_93 = tpu.memref_slice %arg2[%dma_wait3A_91, %dma_wait3A_92] : memref<10000x128xf32, #tpu.memory_space<hbm>> -> memref<10000x128xf32, #tpu.memory_space<hbm>>
      tpu.wait_indirect_dma semaphore(%arg11 : memref<!tpu.dma_semaphore, #tpu.memory_space<semaphore_mem>>) src(%dma_wait3A_93 : memref<10000x128xf32, #tpu.memory_space<hbm>>) dst(%arg8 : memref<80x128xf32, #tpu.memory_space<vmem>>)
      %dma_start3A_94 = arith.constant 48 : i32
      %dma_start3A_95 = arith.constant 0 : i32
      %dma_start3A_96 = tpu.memref_slice %arg7[%dma_start3A_94, %dma_start3A_95] : memref<50x80xi32, #tpu.memory_space<vmem>> -> memref<1x80xi32, #tpu.memory_space<vmem>>
      %dma_start3A_97 = tpu.memref_squeeze %dma_start3A_96 : memref<1x80xi32, #tpu.memory_space<vmem>> -> memref<80xi32, #tpu.memory_space<vmem>>
      %dma_start3A_98 = arith.constant 0 : i32
      %dma_start3A_99 = arith.constant 0 : i32
      %dma_start3A_100 = tpu.memref_slice %arg10[%dma_start3A_98, %dma_start3A_99] : memref<10240x128xf32, #tpu.memory_space<vmem_shared>> -> memref<10240x128xf32, #tpu.memory_space<vmem_shared>>
      tpu.enqueue_indirect_dma source(%arg8 : memref<80x128xf32, #tpu.memory_space<vmem>>) target(%dma_start3A_100 : memref<10240x128xf32, #tpu.memory_space<vmem_shared>>) offsets(%dma_start3A_97 : memref<80xi32, #tpu.memory_space<vmem>>) semaphore(%arg13 : memref<!tpu.dma_semaphore, #tpu.memory_space<semaphore_mem>>) {add = true}
      %dma_wait3A_101 = arith.constant 49 : i32
      %dma_wait3A_102 = arith.constant 0 : i32
      %dma_wait3A_103 = tpu.memref_slice %arg6[%dma_wait3A_101, %dma_wait3A_102] : memref<50x80xi32, #tpu.memory_space<vmem>> -> memref<1x80xi32, #tpu.memory_space<vmem>>
      %dma_wait3A_104 = tpu.memref_squeeze %dma_wait3A_103 : memref<1x80xi32, #tpu.memory_space<vmem>> -> memref<80xi32, #tpu.memory_space<vmem>>
      %dma_wait3A_105 = arith.constant 0 : i32
      %dma_wait3A_106 = arith.constant 0 : i32
      %dma_wait3A_107 = tpu.memref_slice %arg2[%dma_wait3A_105, %dma_wait3A_106] : memref<10000x128xf32, #tpu.memory_space<hbm>> -> memref<10000x128xf32, #tpu.memory_space<hbm>>
      tpu.wait_indirect_dma semaphore(%arg12 : memref<!tpu.dma_semaphore, #tpu.memory_space<semaphore_mem>>) src(%dma_wait3A_107 : memref<10000x128xf32, #tpu.memory_space<hbm>>) dst(%arg9 : memref<80x128xf32, #tpu.memory_space<vmem>>)
      %dma_start3A_108 = arith.constant 49 : i32
      %dma_start3A_109 = arith.constant 0 : i32
      %dma_start3A_110 = tpu.memref_slice %arg7[%dma_start3A_108, %dma_start3A_109] : memref<50x80xi32, #tpu.memory_space<vmem>> -> memref<1x80xi32, #tpu.memory_space<vmem>>
      %dma_start3A_111 = tpu.memref_squeeze %dma_start3A_110 : memref<1x80xi32, #tpu.memory_space<vmem>> -> memref<80xi32, #tpu.memory_space<vmem>>
      %dma_start3A_112 = arith.constant 0 : i32
      %dma_start3A_113 = arith.constant 0 : i32
      %dma_start3A_114 = tpu.memref_slice %arg10[%dma_start3A_112, %dma_start3A_113] : memref<10240x128xf32, #tpu.memory_space<vmem_shared>> -> memref<10240x128xf32, #tpu.memory_space<vmem_shared>>
      tpu.enqueue_indirect_dma source(%arg9 : memref<80x128xf32, #tpu.memory_space<vmem>>) target(%dma_start3A_114 : memref<10240x128xf32, #tpu.memory_space<vmem_shared>>) offsets(%dma_start3A_111 : memref<80xi32, #tpu.memory_space<vmem>>) semaphore(%arg14 : memref<!tpu.dma_semaphore, #tpu.memory_space<semaphore_mem>>) {add = true}
      %dma_wait3A_115 = arith.constant 48 : i32
      %dma_wait3A_116 = arith.constant 0 : i32
      %dma_wait3A_117 = tpu.memref_slice %arg7[%dma_wait3A_115, %dma_wait3A_116] : memref<50x80xi32, #tpu.memory_space<vmem>> -> memref<1x80xi32, #tpu.memory_space<vmem>>
      %dma_wait3A_118 = tpu.memref_squeeze %dma_wait3A_117 : memref<1x80xi32, #tpu.memory_space<vmem>> -> memref<80xi32, #tpu.memory_space<vmem>>
      %dma_wait3A_119 = arith.constant 0 : i32
      %dma_wait3A_120 = arith.constant 0 : i32
      %dma_wait3A_121 = tpu.memref_slice %arg10[%dma_wait3A_119, %dma_wait3A_120] : memref<10240x128xf32, #tpu.memory_space<vmem_shared>> -> memref<10240x128xf32, #tpu.memory_space<vmem_shared>>
      tpu.wait_indirect_dma semaphore(%arg13 : memref<!tpu.dma_semaphore, #tpu.memory_space<semaphore_mem>>) src(%arg8 : memref<80x128xf32, #tpu.memory_space<vmem>>) dst(%dma_wait3A_121 : memref<10240x128xf32, #tpu.memory_space<vmem_shared>>)
      %dma_wait3A_122 = arith.constant 49 : i32
      %dma_wait3A_123 = arith.constant 0 : i32
      %dma_wait3A_124 = tpu.memref_slice %arg7[%dma_wait3A_122, %dma_wait3A_123] : memref<50x80xi32, #tpu.memory_space<vmem>> -> memref<1x80xi32, #tpu.memory_space<vmem>>
      %dma_wait3A_125 = tpu.memref_squeeze %dma_wait3A_124 : memref<1x80xi32, #tpu.memory_space<vmem>> -> memref<80xi32, #tpu.memory_space<vmem>>
      %dma_wait3A_126 = arith.constant 0 : i32
      %dma_wait3A_127 = arith.constant 0 : i32
      %dma_wait3A_128 = tpu.memref_slice %arg10[%dma_wait3A_126, %dma_wait3A_127] : memref<10240x128xf32, #tpu.memory_space<vmem_shared>> -> memref<10240x128xf32, #tpu.memory_space<vmem_shared>>
      tpu.wait_indirect_dma semaphore(%arg14 : memref<!tpu.dma_semaphore, #tpu.memory_space<semaphore_mem>>) src(%arg9 : memref<80x128xf32, #tpu.memory_space<vmem>>) dst(%dma_wait3A_128 : memref<10240x128xf32, #tpu.memory_space<vmem_shared>>)
    }
    %scan3A_33 = arith.constant 5 : i32
    %barrier3A_34 = arith.constant 0 : index
    tpu.barrier barrier_id(%barrier3A_34)
    %mul3A_35 = arith.constant 640 : i32
    %mul3A_36 = arith.muli %arg1, %mul3A_35 : i32
    %add3A_37 = arith.constant 0 : i32
    %add3A_38 = arith.addi %mul3A_36, %add3A_37 : i32
    "tpu.region"() ({
      %run_scoped3A = tpu.sem_alloc : memref<!tpu.dma_semaphore, #tpu.memory_space<semaphore_mem>>
      %dma_start3A = arith.constant 0 : i32
      %dma_start3A_67 = tpu.memref_slice %arg10[%add3A_38, %dma_start3A] : memref<10240x128xf32, #tpu.memory_space<vmem_shared>> -> memref<80x128xf32, #tpu.memory_space<vmem_shared>>
      %dma_start3A_68 = arith.constant 0 : i32
      %dma_start3A_69 = tpu.memref_slice %arg10[%add3A_38, %dma_start3A_68] : memref<10240x128xf32, #tpu.memory_space<vmem_shared>> -> memref<80x128xf32, #tpu.memory_space<vmem_shared>>
      tpu.enqueue_dma source(%dma_start3A_69 : memref<80x128xf32, #tpu.memory_space<vmem_shared>>) target(%arg8 : memref<80x128xf32, #tpu.memory_space<vmem>>) target_semaphore(%run_scoped3A : memref<!tpu.dma_semaphore, #tpu.memory_space<semaphore_mem>>)
      %dma_wait3A = arith.constant 0 : i32
      %dma_wait3A_70 = tpu.memref_slice %arg10[%add3A_38, %dma_wait3A] : memref<10240x128xf32, #tpu.memory_space<vmem_shared>> -> memref<80x128xf32, #tpu.memory_space<vmem_shared>>
      %dma_wait3A_71 = arith.constant 0 : i32
      %dma_wait3A_72 = tpu.memref_slice %arg10[%add3A_38, %dma_wait3A_71] : memref<10240x128xf32, #tpu.memory_space<vmem_shared>> -> memref<80x128xf32, #tpu.memory_space<vmem_shared>>
      tpu.wait_dma2 semaphore(%run_scoped3A : memref<!tpu.dma_semaphore, #tpu.memory_space<semaphore_mem>>) src(%dma_wait3A_72 : memref<80x128xf32, #tpu.memory_space<vmem_shared>>) dst(%arg8 : memref<80x128xf32, #tpu.memory_space<vmem>>)
      tpu.yield
    }) : () -> ()
    "tpu.region"() ({
      %run_scoped3A = tpu.sem_alloc : memref<!tpu.dma_semaphore, #tpu.memory_space<semaphore_mem>>
      %dma_start3A = arith.constant 0 : i32
      %dma_start3A_67 = tpu.memref_slice %arg5[%arg0, %add3A_38, %dma_start3A] : memref<2x10240x128xf32, #tpu.memory_space<hbm>> -> memref<1x80x128xf32, #tpu.memory_space<hbm>>
      %dma_start3A_68 = tpu.memref_squeeze %dma_start3A_67 : memref<1x80x128xf32, #tpu.memory_space<hbm>> -> memref<80x128xf32, #tpu.memory_space<hbm>>
      %dma_start3A_69 = arith.constant 0 : i32
      %dma_start3A_70 = tpu.memref_slice %arg5[%arg0, %add3A_38, %dma_start3A_69] : memref<2x10240x128xf32, #tpu.memory_space<hbm>> -> memref<1x80x128xf32, #tpu.memory_space<hbm>>
      %dma_start3A_71 = tpu.memref_squeeze %dma_start3A_70 : memref<1x80x128xf32, #tpu.memory_space<hbm>> -> memref<80x128xf32, #tpu.memory_space<hbm>>
      tpu.enqueue_dma source(%arg8 : memref<80x128xf32, #tpu.memory_space<vmem>>) target(%dma_start3A_71 : memref<80x128xf32, #tpu.memory_space<hbm>>) target_semaphore(%run_scoped3A : memref<!tpu.dma_semaphore, #tpu.memory_space<semaphore_mem>>)
      %dma_wait3A = arith.constant 0 : i32
      %dma_wait3A_72 = tpu.memref_slice %arg5[%arg0, %add3A_38, %dma_wait3A] : memref<2x10240x128xf32, #tpu.memory_space<hbm>> -> memref<1x80x128xf32, #tpu.memory_space<hbm>>
      %dma_wait3A_73 = tpu.memref_squeeze %dma_wait3A_72 : memref<1x80x128xf32, #tpu.memory_space<hbm>> -> memref<80x128xf32, #tpu.memory_space<hbm>>
      %dma_wait3A_74 = arith.constant 0 : i32
      %dma_wait3A_75 = tpu.memref_slice %arg5[%arg0, %add3A_38, %dma_wait3A_74] : memref<2x10240x128xf32, #tpu.memory_space<hbm>> -> memref<1x80x128xf32, #tpu.memory_space<hbm>>
      %dma_wait3A_76 = tpu.memref_squeeze %dma_wait3A_75 : memref<1x80x128xf32, #tpu.memory_space<hbm>> -> memref<80x128xf32, #tpu.memory_space<hbm>>
      tpu.wait_dma2 semaphore(%run_scoped3A : memref<!tpu.dma_semaphore, #tpu.memory_space<semaphore_mem>>) src(%arg8 : memref<80x128xf32, #tpu.memory_space<vmem>>) dst(%dma_wait3A_76 : memref<80x128xf32, #tpu.memory_space<hbm>>)
      tpu.yield
    }) : () -> ()
    %mul3A_39 = arith.constant 640 : i32
    %mul3A_40 = arith.muli %arg1, %mul3A_39 : i32
    %add3A_41 = arith.constant 80 : i32
    %add3A_42 = arith.addi %mul3A_40, %add3A_41 : i32
    "tpu.region"() ({
      %run_scoped3A = tpu.sem_alloc : memref<!tpu.dma_semaphore, #tpu.memory_space<semaphore_mem>>
      %dma_start3A = arith.constant 0 : i32
      %dma_start3A_67 = tpu.memref_slice %arg10[%add3A_42, %dma_start3A] : memref<10240x128xf32, #tpu.memory_space<vmem_shared>> -> memref<80x128xf32, #tpu.memory_space<vmem_shared>>
      %dma_start3A_68 = arith.constant 0 : i32
      %dma_start3A_69 = tpu.memref_slice %arg10[%add3A_42, %dma_start3A_68] : memref<10240x128xf32, #tpu.memory_space<vmem_shared>> -> memref<80x128xf32, #tpu.memory_space<vmem_shared>>
      tpu.enqueue_dma source(%dma_start3A_69 : memref<80x128xf32, #tpu.memory_space<vmem_shared>>) target(%arg8 : memref<80x128xf32, #tpu.memory_space<vmem>>) target_semaphore(%run_scoped3A : memref<!tpu.dma_semaphore, #tpu.memory_space<semaphore_mem>>)
      %dma_wait3A = arith.constant 0 : i32
      %dma_wait3A_70 = tpu.memref_slice %arg10[%add3A_42, %dma_wait3A] : memref<10240x128xf32, #tpu.memory_space<vmem_shared>> -> memref<80x128xf32, #tpu.memory_space<vmem_shared>>
      %dma_wait3A_71 = arith.constant 0 : i32
      %dma_wait3A_72 = tpu.memref_slice %arg10[%add3A_42, %dma_wait3A_71] : memref<10240x128xf32, #tpu.memory_space<vmem_shared>> -> memref<80x128xf32, #tpu.memory_space<vmem_shared>>
      tpu.wait_dma2 semaphore(%run_scoped3A : memref<!tpu.dma_semaphore, #tpu.memory_space<semaphore_mem>>) src(%dma_wait3A_72 : memref<80x128xf32, #tpu.memory_space<vmem_shared>>) dst(%arg8 : memref<80x128xf32, #tpu.memory_space<vmem>>)
      tpu.yield
    }) : () -> ()
    "tpu.region"() ({
      %run_scoped3A = tpu.sem_alloc : memref<!tpu.dma_semaphore, #tpu.memory_space<semaphore_mem>>
      %dma_start3A = arith.constant 0 : i32
      %dma_start3A_67 = tpu.memref_slice %arg5[%arg0, %add3A_42, %dma_start3A] : memref<2x10240x128xf32, #tpu.memory_space<hbm>> -> memref<1x80x128xf32, #tpu.memory_space<hbm>>
      %dma_start3A_68 = tpu.memref_squeeze %dma_start3A_67 : memref<1x80x128xf32, #tpu.memory_space<hbm>> -> memref<80x128xf32, #tpu.memory_space<hbm>>
      %dma_start3A_69 = arith.constant 0 : i32
      %dma_start3A_70 = tpu.memref_slice %arg5[%arg0, %add3A_42, %dma_start3A_69] : memref<2x10240x128xf32, #tpu.memory_space<hbm>> -> memref<1x80x128xf32, #tpu.memory_space<hbm>>
      %dma_start3A_71 = tpu.memref_squeeze %dma_start3A_70 : memref<1x80x128xf32, #tpu.memory_space<hbm>> -> memref<80x128xf32, #tpu.memory_space<hbm>>
      tpu.enqueue_dma source(%arg8 : memref<80x128xf32, #tpu.memory_space<vmem>>) target(%dma_start3A_71 : memref<80x128xf32, #tpu.memory_space<hbm>>) target_semaphore(%run_scoped3A : memref<!tpu.dma_semaphore, #tpu.memory_space<semaphore_mem>>)
      %dma_wait3A = arith.constant 0 : i32
      %dma_wait3A_72 = tpu.memref_slice %arg5[%arg0, %add3A_42, %dma_wait3A] : memref<2x10240x128xf32, #tpu.memory_space<hbm>> -> memref<1x80x128xf32, #tpu.memory_space<hbm>>
      %dma_wait3A_73 = tpu.memref_squeeze %dma_wait3A_72 : memref<1x80x128xf32, #tpu.memory_space<hbm>> -> memref<80x128xf32, #tpu.memory_space<hbm>>
      %dma_wait3A_74 = arith.constant 0 : i32
      %dma_wait3A_75 = tpu.memref_slice %arg5[%arg0, %add3A_42, %dma_wait3A_74] : memref<2x10240x128xf32, #tpu.memory_space<hbm>> -> memref<1x80x128xf32, #tpu.memory_space<hbm>>
      %dma_wait3A_76 = tpu.memref_squeeze %dma_wait3A_75 : memref<1x80x128xf32, #tpu.memory_space<hbm>> -> memref<80x128xf32, #tpu.memory_space<hbm>>
      tpu.wait_dma2 semaphore(%run_scoped3A : memref<!tpu.dma_semaphore, #tpu.memory_space<semaphore_mem>>) src(%arg8 : memref<80x128xf32, #tpu.memory_space<vmem>>) dst(%dma_wait3A_76 : memref<80x128xf32, #tpu.memory_space<hbm>>)
      tpu.yield
    }) : () -> ()
    %mul3A_43 = arith.constant 640 : i32
    %mul3A_44 = arith.muli %arg1, %mul3A_43 : i32
    %add3A_45 = arith.constant 160 : i32
    %add3A_46 = arith.addi %mul3A_44, %add3A_45 : i32
    "tpu.region"() ({
      %run_scoped3A = tpu.sem_alloc : memref<!tpu.dma_semaphore, #tpu.memory_space<semaphore_mem>>
      %dma_start3A = arith.constant 0 : i32
      %dma_start3A_67 = tpu.memref_slice %arg10[%add3A_46, %dma_start3A] : memref<10240x128xf32, #tpu.memory_space<vmem_shared>> -> memref<80x128xf32, #tpu.memory_space<vmem_shared>>
      %dma_start3A_68 = arith.constant 0 : i32
      %dma_start3A_69 = tpu.memref_slice %arg10[%add3A_46, %dma_start3A_68] : memref<10240x128xf32, #tpu.memory_space<vmem_shared>> -> memref<80x128xf32, #tpu.memory_space<vmem_shared>>
      tpu.enqueue_dma source(%dma_start3A_69 : memref<80x128xf32, #tpu.memory_space<vmem_shared>>) target(%arg8 : memref<80x128xf32, #tpu.memory_space<vmem>>) target_semaphore(%run_scoped3A : memref<!tpu.dma_semaphore, #tpu.memory_space<semaphore_mem>>)
      %dma_wait3A = arith.constant 0 : i32
      %dma_wait3A_70 = tpu.memref_slice %arg10[%add3A_46, %dma_wait3A] : memref<10240x128xf32, #tpu.memory_space<vmem_shared>> -> memref<80x128xf32, #tpu.memory_space<vmem_shared>>
      %dma_wait3A_71 = arith.constant 0 : i32
      %dma_wait3A_72 = tpu.memref_slice %arg10[%add3A_46, %dma_wait3A_71] : memref<10240x128xf32, #tpu.memory_space<vmem_shared>> -> memref<80x128xf32, #tpu.memory_space<vmem_shared>>
      tpu.wait_dma2 semaphore(%run_scoped3A : memref<!tpu.dma_semaphore, #tpu.memory_space<semaphore_mem>>) src(%dma_wait3A_72 : memref<80x128xf32, #tpu.memory_space<vmem_shared>>) dst(%arg8 : memref<80x128xf32, #tpu.memory_space<vmem>>)
      tpu.yield
    }) : () -> ()
    "tpu.region"() ({
      %run_scoped3A = tpu.sem_alloc : memref<!tpu.dma_semaphore, #tpu.memory_space<semaphore_mem>>
      %dma_start3A = arith.constant 0 : i32
      %dma_start3A_67 = tpu.memref_slice %arg5[%arg0, %add3A_46, %dma_start3A] : memref<2x10240x128xf32, #tpu.memory_space<hbm>> -> memref<1x80x128xf32, #tpu.memory_space<hbm>>
      %dma_start3A_68 = tpu.memref_squeeze %dma_start3A_67 : memref<1x80x128xf32, #tpu.memory_space<hbm>> -> memref<80x128xf32, #tpu.memory_space<hbm>>
      %dma_start3A_69 = arith.constant 0 : i32
      %dma_start3A_70 = tpu.memref_slice %arg5[%arg0, %add3A_46, %dma_start3A_69] : memref<2x10240x128xf32, #tpu.memory_space<hbm>> -> memref<1x80x128xf32, #tpu.memory_space<hbm>>
      %dma_start3A_71 = tpu.memref_squeeze %dma_start3A_70 : memref<1x80x128xf32, #tpu.memory_space<hbm>> -> memref<80x128xf32, #tpu.memory_space<hbm>>
      tpu.enqueue_dma source(%arg8 : memref<80x128xf32, #tpu.memory_space<vmem>>) target(%dma_start3A_71 : memref<80x128xf32, #tpu.memory_space<hbm>>) target_semaphore(%run_scoped3A : memref<!tpu.dma_semaphore, #tpu.memory_space<semaphore_mem>>)
      %dma_wait3A = arith.constant 0 : i32
      %dma_wait3A_72 = tpu.memref_slice %arg5[%arg0, %add3A_46, %dma_wait3A] : memref<2x10240x128xf32, #tpu.memory_space<hbm>> -> memref<1x80x128xf32, #tpu.memory_space<hbm>>
      %dma_wait3A_73 = tpu.memref_squeeze %dma_wait3A_72 : memref<1x80x128xf32, #tpu.memory_space<hbm>> -> memref<80x128xf32, #tpu.memory_space<hbm>>
      %dma_wait3A_74 = arith.constant 0 : i32
      %dma_wait3A_75 = tpu.memref_slice %arg5[%arg0, %add3A_46, %dma_wait3A_74] : memref<2x10240x128xf32, #tpu.memory_space<hbm>> -> memref<1x80x128xf32, #tpu.memory_space<hbm>>
      %dma_wait3A_76 = tpu.memref_squeeze %dma_wait3A_75 : memref<1x80x128xf32, #tpu.memory_space<hbm>> -> memref<80x128xf32, #tpu.memory_space<hbm>>
      tpu.wait_dma2 semaphore(%run_scoped3A : memref<!tpu.dma_semaphore, #tpu.memory_space<semaphore_mem>>) src(%arg8 : memref<80x128xf32, #tpu.memory_space<vmem>>) dst(%dma_wait3A_76 : memref<80x128xf32, #tpu.memory_space<hbm>>)
      tpu.yield
    }) : () -> ()
    %mul3A_47 = arith.constant 640 : i32
    %mul3A_48 = arith.muli %arg1, %mul3A_47 : i32
    %add3A_49 = arith.constant 240 : i32
    %add3A_50 = arith.addi %mul3A_48, %add3A_49 : i32
    "tpu.region"() ({
      %run_scoped3A = tpu.sem_alloc : memref<!tpu.dma_semaphore, #tpu.memory_space<semaphore_mem>>
      %dma_start3A = arith.constant 0 : i32
      %dma_start3A_67 = tpu.memref_slice %arg10[%add3A_50, %dma_start3A] : memref<10240x128xf32, #tpu.memory_space<vmem_shared>> -> memref<80x128xf32, #tpu.memory_space<vmem_shared>>
      %dma_start3A_68 = arith.constant 0 : i32
      %dma_start3A_69 = tpu.memref_slice %arg10[%add3A_50, %dma_start3A_68] : memref<10240x128xf32, #tpu.memory_space<vmem_shared>> -> memref<80x128xf32, #tpu.memory_space<vmem_shared>>
      tpu.enqueue_dma source(%dma_start3A_69 : memref<80x128xf32, #tpu.memory_space<vmem_shared>>) target(%arg8 : memref<80x128xf32, #tpu.memory_space<vmem>>) target_semaphore(%run_scoped3A : memref<!tpu.dma_semaphore, #tpu.memory_space<semaphore_mem>>)
      %dma_wait3A = arith.constant 0 : i32
      %dma_wait3A_70 = tpu.memref_slice %arg10[%add3A_50, %dma_wait3A] : memref<10240x128xf32, #tpu.memory_space<vmem_shared>> -> memref<80x128xf32, #tpu.memory_space<vmem_shared>>
      %dma_wait3A_71 = arith.constant 0 : i32
      %dma_wait3A_72 = tpu.memref_slice %arg10[%add3A_50, %dma_wait3A_71] : memref<10240x128xf32, #tpu.memory_space<vmem_shared>> -> memref<80x128xf32, #tpu.memory_space<vmem_shared>>
      tpu.wait_dma2 semaphore(%run_scoped3A : memref<!tpu.dma_semaphore, #tpu.memory_space<semaphore_mem>>) src(%dma_wait3A_72 : memref<80x128xf32, #tpu.memory_space<vmem_shared>>) dst(%arg8 : memref<80x128xf32, #tpu.memory_space<vmem>>)
      tpu.yield
    }) : () -> ()
    "tpu.region"() ({
      %run_scoped3A = tpu.sem_alloc : memref<!tpu.dma_semaphore, #tpu.memory_space<semaphore_mem>>
      %dma_start3A = arith.constant 0 : i32
      %dma_start3A_67 = tpu.memref_slice %arg5[%arg0, %add3A_50, %dma_start3A] : memref<2x10240x128xf32, #tpu.memory_space<hbm>> -> memref<1x80x128xf32, #tpu.memory_space<hbm>>
      %dma_start3A_68 = tpu.memref_squeeze %dma_start3A_67 : memref<1x80x128xf32, #tpu.memory_space<hbm>> -> memref<80x128xf32, #tpu.memory_space<hbm>>
      %dma_start3A_69 = arith.constant 0 : i32
      %dma_start3A_70 = tpu.memref_slice %arg5[%arg0, %add3A_50, %dma_start3A_69] : memref<2x10240x128xf32, #tpu.memory_space<hbm>> -> memref<1x80x128xf32, #tpu.memory_space<hbm>>
      %dma_start3A_71 = tpu.memref_squeeze %dma_start3A_70 : memref<1x80x128xf32, #tpu.memory_space<hbm>> -> memref<80x128xf32, #tpu.memory_space<hbm>>
      tpu.enqueue_dma source(%arg8 : memref<80x128xf32, #tpu.memory_space<vmem>>) target(%dma_start3A_71 : memref<80x128xf32, #tpu.memory_space<hbm>>) target_semaphore(%run_scoped3A : memref<!tpu.dma_semaphore, #tpu.memory_space<semaphore_mem>>)
      %dma_wait3A = arith.constant 0 : i32
      %dma_wait3A_72 = tpu.memref_slice %arg5[%arg0, %add3A_50, %dma_wait3A] : memref<2x10240x128xf32, #tpu.memory_space<hbm>> -> memref<1x80x128xf32, #tpu.memory_space<hbm>>
      %dma_wait3A_73 = tpu.memref_squeeze %dma_wait3A_72 : memref<1x80x128xf32, #tpu.memory_space<hbm>> -> memref<80x128xf32, #tpu.memory_space<hbm>>
      %dma_wait3A_74 = arith.constant 0 : i32
      %dma_wait3A_75 = tpu.memref_slice %arg5[%arg0, %add3A_50, %dma_wait3A_74] : memref<2x10240x128xf32, #tpu.memory_space<hbm>> -> memref<1x80x128xf32, #tpu.memory_space<hbm>>
      %dma_wait3A_76 = tpu.memref_squeeze %dma_wait3A_75 : memref<1x80x128xf32, #tpu.memory_space<hbm>> -> memref<80x128xf32, #tpu.memory_space<hbm>>
      tpu.wait_dma2 semaphore(%run_scoped3A : memref<!tpu.dma_semaphore, #tpu.memory_space<semaphore_mem>>) src(%arg8 : memref<80x128xf32, #tpu.memory_space<vmem>>) dst(%dma_wait3A_76 : memref<80x128xf32, #tpu.memory_space<hbm>>)
      tpu.yield
    }) : () -> ()
    %mul3A_51 = arith.constant 640 : i32
    %mul3A_52 = arith.muli %arg1, %mul3A_51 : i32
    %add3A_53 = arith.constant 320 : i32
    %add3A_54 = arith.addi %mul3A_52, %add3A_53 : i32
    "tpu.region"() ({
      %run_scoped3A = tpu.sem_alloc : memref<!tpu.dma_semaphore, #tpu.memory_space<semaphore_mem>>
      %dma_start3A = arith.constant 0 : i32
      %dma_start3A_67 = tpu.memref_slice %arg10[%add3A_54, %dma_start3A] : memref<10240x128xf32, #tpu.memory_space<vmem_shared>> -> memref<80x128xf32, #tpu.memory_space<vmem_shared>>
      %dma_start3A_68 = arith.constant 0 : i32
      %dma_start3A_69 = tpu.memref_slice %arg10[%add3A_54, %dma_start3A_68] : memref<10240x128xf32, #tpu.memory_space<vmem_shared>> -> memref<80x128xf32, #tpu.memory_space<vmem_shared>>
      tpu.enqueue_dma source(%dma_start3A_69 : memref<80x128xf32, #tpu.memory_space<vmem_shared>>) target(%arg8 : memref<80x128xf32, #tpu.memory_space<vmem>>) target_semaphore(%run_scoped3A : memref<!tpu.dma_semaphore, #tpu.memory_space<semaphore_mem>>)
      %dma_wait3A = arith.constant 0 : i32
      %dma_wait3A_70 = tpu.memref_slice %arg10[%add3A_54, %dma_wait3A] : memref<10240x128xf32, #tpu.memory_space<vmem_shared>> -> memref<80x128xf32, #tpu.memory_space<vmem_shared>>
      %dma_wait3A_71 = arith.constant 0 : i32
      %dma_wait3A_72 = tpu.memref_slice %arg10[%add3A_54, %dma_wait3A_71] : memref<10240x128xf32, #tpu.memory_space<vmem_shared>> -> memref<80x128xf32, #tpu.memory_space<vmem_shared>>
      tpu.wait_dma2 semaphore(%run_scoped3A : memref<!tpu.dma_semaphore, #tpu.memory_space<semaphore_mem>>) src(%dma_wait3A_72 : memref<80x128xf32, #tpu.memory_space<vmem_shared>>) dst(%arg8 : memref<80x128xf32, #tpu.memory_space<vmem>>)
      tpu.yield
    }) : () -> ()
    "tpu.region"() ({
      %run_scoped3A = tpu.sem_alloc : memref<!tpu.dma_semaphore, #tpu.memory_space<semaphore_mem>>
      %dma_start3A = arith.constant 0 : i32
      %dma_start3A_67 = tpu.memref_slice %arg5[%arg0, %add3A_54, %dma_start3A] : memref<2x10240x128xf32, #tpu.memory_space<hbm>> -> memref<1x80x128xf32, #tpu.memory_space<hbm>>
      %dma_start3A_68 = tpu.memref_squeeze %dma_start3A_67 : memref<1x80x128xf32, #tpu.memory_space<hbm>> -> memref<80x128xf32, #tpu.memory_space<hbm>>
      %dma_start3A_69 = arith.constant 0 : i32
      %dma_start3A_70 = tpu.memref_slice %arg5[%arg0, %add3A_54, %dma_start3A_69] : memref<2x10240x128xf32, #tpu.memory_space<hbm>> -> memref<1x80x128xf32, #tpu.memory_space<hbm>>
      %dma_start3A_71 = tpu.memref_squeeze %dma_start3A_70 : memref<1x80x128xf32, #tpu.memory_space<hbm>> -> memref<80x128xf32, #tpu.memory_space<hbm>>
      tpu.enqueue_dma source(%arg8 : memref<80x128xf32, #tpu.memory_space<vmem>>) target(%dma_start3A_71 : memref<80x128xf32, #tpu.memory_space<hbm>>) target_semaphore(%run_scoped3A : memref<!tpu.dma_semaphore, #tpu.memory_space<semaphore_mem>>)
      %dma_wait3A = arith.constant 0 : i32
      %dma_wait3A_72 = tpu.memref_slice %arg5[%arg0, %add3A_54, %dma_wait3A] : memref<2x10240x128xf32, #tpu.memory_space<hbm>> -> memref<1x80x128xf32, #tpu.memory_space<hbm>>
      %dma_wait3A_73 = tpu.memref_squeeze %dma_wait3A_72 : memref<1x80x128xf32, #tpu.memory_space<hbm>> -> memref<80x128xf32, #tpu.memory_space<hbm>>
      %dma_wait3A_74 = arith.constant 0 : i32
      %dma_wait3A_75 = tpu.memref_slice %arg5[%arg0, %add3A_54, %dma_wait3A_74] : memref<2x10240x128xf32, #tpu.memory_space<hbm>> -> memref<1x80x128xf32, #tpu.memory_space<hbm>>
      %dma_wait3A_76 = tpu.memref_squeeze %dma_wait3A_75 : memref<1x80x128xf32, #tpu.memory_space<hbm>> -> memref<80x128xf32, #tpu.memory_space<hbm>>
      tpu.wait_dma2 semaphore(%run_scoped3A : memref<!tpu.dma_semaphore, #tpu.memory_space<semaphore_mem>>) src(%arg8 : memref<80x128xf32, #tpu.memory_space<vmem>>) dst(%dma_wait3A_76 : memref<80x128xf32, #tpu.memory_space<hbm>>)
      tpu.yield
    }) : () -> ()
    %mul3A_55 = arith.constant 640 : i32
    %mul3A_56 = arith.muli %arg1, %mul3A_55 : i32
    %add3A_57 = arith.constant 400 : i32
    %add3A_58 = arith.addi %mul3A_56, %add3A_57 : i32
    "tpu.region"() ({
      %run_scoped3A = tpu.sem_alloc : memref<!tpu.dma_semaphore, #tpu.memory_space<semaphore_mem>>
      %dma_start3A = arith.constant 0 : i32
      %dma_start3A_67 = tpu.memref_slice %arg10[%add3A_58, %dma_start3A] : memref<10240x128xf32, #tpu.memory_space<vmem_shared>> -> memref<80x128xf32, #tpu.memory_space<vmem_shared>>
      %dma_start3A_68 = arith.constant 0 : i32
      %dma_start3A_69 = tpu.memref_slice %arg10[%add3A_58, %dma_start3A_68] : memref<10240x128xf32, #tpu.memory_space<vmem_shared>> -> memref<80x128xf32, #tpu.memory_space<vmem_shared>>
      tpu.enqueue_dma source(%dma_start3A_69 : memref<80x128xf32, #tpu.memory_space<vmem_shared>>) target(%arg8 : memref<80x128xf32, #tpu.memory_space<vmem>>) target_semaphore(%run_scoped3A : memref<!tpu.dma_semaphore, #tpu.memory_space<semaphore_mem>>)
      %dma_wait3A = arith.constant 0 : i32
      %dma_wait3A_70 = tpu.memref_slice %arg10[%add3A_58, %dma_wait3A] : memref<10240x128xf32, #tpu.memory_space<vmem_shared>> -> memref<80x128xf32, #tpu.memory_space<vmem_shared>>
      %dma_wait3A_71 = arith.constant 0 : i32
      %dma_wait3A_72 = tpu.memref_slice %arg10[%add3A_58, %dma_wait3A_71] : memref<10240x128xf32, #tpu.memory_space<vmem_shared>> -> memref<80x128xf32, #tpu.memory_space<vmem_shared>>
      tpu.wait_dma2 semaphore(%run_scoped3A : memref<!tpu.dma_semaphore, #tpu.memory_space<semaphore_mem>>) src(%dma_wait3A_72 : memref<80x128xf32, #tpu.memory_space<vmem_shared>>) dst(%arg8 : memref<80x128xf32, #tpu.memory_space<vmem>>)
      tpu.yield
    }) : () -> ()
    "tpu.region"() ({
      %run_scoped3A = tpu.sem_alloc : memref<!tpu.dma_semaphore, #tpu.memory_space<semaphore_mem>>
      %dma_start3A = arith.constant 0 : i32
      %dma_start3A_67 = tpu.memref_slice %arg5[%arg0, %add3A_58, %dma_start3A] : memref<2x10240x128xf32, #tpu.memory_space<hbm>> -> memref<1x80x128xf32, #tpu.memory_space<hbm>>
      %dma_start3A_68 = tpu.memref_squeeze %dma_start3A_67 : memref<1x80x128xf32, #tpu.memory_space<hbm>> -> memref<80x128xf32, #tpu.memory_space<hbm>>
      %dma_start3A_69 = arith.constant 0 : i32
      %dma_start3A_70 = tpu.memref_slice %arg5[%arg0, %add3A_58, %dma_start3A_69] : memref<2x10240x128xf32, #tpu.memory_space<hbm>> -> memref<1x80x128xf32, #tpu.memory_space<hbm>>
      %dma_start3A_71 = tpu.memref_squeeze %dma_start3A_70 : memref<1x80x128xf32, #tpu.memory_space<hbm>> -> memref<80x128xf32, #tpu.memory_space<hbm>>
      tpu.enqueue_dma source(%arg8 : memref<80x128xf32, #tpu.memory_space<vmem>>) target(%dma_start3A_71 : memref<80x128xf32, #tpu.memory_space<hbm>>) target_semaphore(%run_scoped3A : memref<!tpu.dma_semaphore, #tpu.memory_space<semaphore_mem>>)
      %dma_wait3A = arith.constant 0 : i32
      %dma_wait3A_72 = tpu.memref_slice %arg5[%arg0, %add3A_58, %dma_wait3A] : memref<2x10240x128xf32, #tpu.memory_space<hbm>> -> memref<1x80x128xf32, #tpu.memory_space<hbm>>
      %dma_wait3A_73 = tpu.memref_squeeze %dma_wait3A_72 : memref<1x80x128xf32, #tpu.memory_space<hbm>> -> memref<80x128xf32, #tpu.memory_space<hbm>>
      %dma_wait3A_74 = arith.constant 0 : i32
      %dma_wait3A_75 = tpu.memref_slice %arg5[%arg0, %add3A_58, %dma_wait3A_74] : memref<2x10240x128xf32, #tpu.memory_space<hbm>> -> memref<1x80x128xf32, #tpu.memory_space<hbm>>
      %dma_wait3A_76 = tpu.memref_squeeze %dma_wait3A_75 : memref<1x80x128xf32, #tpu.memory_space<hbm>> -> memref<80x128xf32, #tpu.memory_space<hbm>>
      tpu.wait_dma2 semaphore(%run_scoped3A : memref<!tpu.dma_semaphore, #tpu.memory_space<semaphore_mem>>) src(%arg8 : memref<80x128xf32, #tpu.memory_space<vmem>>) dst(%dma_wait3A_76 : memref<80x128xf32, #tpu.memory_space<hbm>>)
      tpu.yield
    }) : () -> ()
    %mul3A_59 = arith.constant 640 : i32
    %mul3A_60 = arith.muli %arg1, %mul3A_59 : i32
    %add3A_61 = arith.constant 480 : i32
    %add3A_62 = arith.addi %mul3A_60, %add3A_61 : i32
    "tpu.region"() ({
      %run_scoped3A = tpu.sem_alloc : memref<!tpu.dma_semaphore, #tpu.memory_space<semaphore_mem>>
      %dma_start3A = arith.constant 0 : i32
      %dma_start3A_67 = tpu.memref_slice %arg10[%add3A_62, %dma_start3A] : memref<10240x128xf32, #tpu.memory_space<vmem_shared>> -> memref<80x128xf32, #tpu.memory_space<vmem_shared>>
      %dma_start3A_68 = arith.constant 0 : i32
      %dma_start3A_69 = tpu.memref_slice %arg10[%add3A_62, %dma_start3A_68] : memref<10240x128xf32, #tpu.memory_space<vmem_shared>> -> memref<80x128xf32, #tpu.memory_space<vmem_shared>>
      tpu.enqueue_dma source(%dma_start3A_69 : memref<80x128xf32, #tpu.memory_space<vmem_shared>>) target(%arg8 : memref<80x128xf32, #tpu.memory_space<vmem>>) target_semaphore(%run_scoped3A : memref<!tpu.dma_semaphore, #tpu.memory_space<semaphore_mem>>)
      %dma_wait3A = arith.constant 0 : i32
      %dma_wait3A_70 = tpu.memref_slice %arg10[%add3A_62, %dma_wait3A] : memref<10240x128xf32, #tpu.memory_space<vmem_shared>> -> memref<80x128xf32, #tpu.memory_space<vmem_shared>>
      %dma_wait3A_71 = arith.constant 0 : i32
      %dma_wait3A_72 = tpu.memref_slice %arg10[%add3A_62, %dma_wait3A_71] : memref<10240x128xf32, #tpu.memory_space<vmem_shared>> -> memref<80x128xf32, #tpu.memory_space<vmem_shared>>
      tpu.wait_dma2 semaphore(%run_scoped3A : memref<!tpu.dma_semaphore, #tpu.memory_space<semaphore_mem>>) src(%dma_wait3A_72 : memref<80x128xf32, #tpu.memory_space<vmem_shared>>) dst(%arg8 : memref<80x128xf32, #tpu.memory_space<vmem>>)
      tpu.yield
    }) : () -> ()
    "tpu.region"() ({
      %run_scoped3A = tpu.sem_alloc : memref<!tpu.dma_semaphore, #tpu.memory_space<semaphore_mem>>
      %dma_start3A = arith.constant 0 : i32
      %dma_start3A_67 = tpu.memref_slice %arg5[%arg0, %add3A_62, %dma_start3A] : memref<2x10240x128xf32, #tpu.memory_space<hbm>> -> memref<1x80x128xf32, #tpu.memory_space<hbm>>
      %dma_start3A_68 = tpu.memref_squeeze %dma_start3A_67 : memref<1x80x128xf32, #tpu.memory_space<hbm>> -> memref<80x128xf32, #tpu.memory_space<hbm>>
      %dma_start3A_69 = arith.constant 0 : i32
      %dma_start3A_70 = tpu.memref_slice %arg5[%arg0, %add3A_62, %dma_start3A_69] : memref<2x10240x128xf32, #tpu.memory_space<hbm>> -> memref<1x80x128xf32, #tpu.memory_space<hbm>>
      %dma_start3A_71 = tpu.memref_squeeze %dma_start3A_70 : memref<1x80x128xf32, #tpu.memory_space<hbm>> -> memref<80x128xf32, #tpu.memory_space<hbm>>
      tpu.enqueue_dma source(%arg8 : memref<80x128xf32, #tpu.memory_space<vmem>>) target(%dma_start3A_71 : memref<80x128xf32, #tpu.memory_space<hbm>>) target_semaphore(%run_scoped3A : memref<!tpu.dma_semaphore, #tpu.memory_space<semaphore_mem>>)
      %dma_wait3A = arith.constant 0 : i32
      %dma_wait3A_72 = tpu.memref_slice %arg5[%arg0, %add3A_62, %dma_wait3A] : memref<2x10240x128xf32, #tpu.memory_space<hbm>> -> memref<1x80x128xf32, #tpu.memory_space<hbm>>
      %dma_wait3A_73 = tpu.memref_squeeze %dma_wait3A_72 : memref<1x80x128xf32, #tpu.memory_space<hbm>> -> memref<80x128xf32, #tpu.memory_space<hbm>>
      %dma_wait3A_74 = arith.constant 0 : i32
      %dma_wait3A_75 = tpu.memref_slice %arg5[%arg0, %add3A_62, %dma_wait3A_74] : memref<2x10240x128xf32, #tpu.memory_space<hbm>> -> memref<1x80x128xf32, #tpu.memory_space<hbm>>
      %dma_wait3A_76 = tpu.memref_squeeze %dma_wait3A_75 : memref<1x80x128xf32, #tpu.memory_space<hbm>> -> memref<80x128xf32, #tpu.memory_space<hbm>>
      tpu.wait_dma2 semaphore(%run_scoped3A : memref<!tpu.dma_semaphore, #tpu.memory_space<semaphore_mem>>) src(%arg8 : memref<80x128xf32, #tpu.memory_space<vmem>>) dst(%dma_wait3A_76 : memref<80x128xf32, #tpu.memory_space<hbm>>)
      tpu.yield
    }) : () -> ()
    %mul3A_63 = arith.constant 640 : i32
    %mul3A_64 = arith.muli %arg1, %mul3A_63 : i32
    %add3A_65 = arith.constant 560 : i32
    %add3A_66 = arith.addi %mul3A_64, %add3A_65 : i32
    "tpu.region"() ({
      %run_scoped3A = tpu.sem_alloc : memref<!tpu.dma_semaphore, #tpu.memory_space<semaphore_mem>>
      %dma_start3A = arith.constant 0 : i32
      %dma_start3A_67 = tpu.memref_slice %arg10[%add3A_66, %dma_start3A] : memref<10240x128xf32, #tpu.memory_space<vmem_shared>> -> memref<80x128xf32, #tpu.memory_space<vmem_shared>>
      %dma_start3A_68 = arith.constant 0 : i32
      %dma_start3A_69 = tpu.memref_slice %arg10[%add3A_66, %dma_start3A_68] : memref<10240x128xf32, #tpu.memory_space<vmem_shared>> -> memref<80x128xf32, #tpu.memory_space<vmem_shared>>
      tpu.enqueue_dma source(%dma_start3A_69 : memref<80x128xf32, #tpu.memory_space<vmem_shared>>) target(%arg8 : memref<80x128xf32, #tpu.memory_space<vmem>>) target_semaphore(%run_scoped3A : memref<!tpu.dma_semaphore, #tpu.memory_space<semaphore_mem>>)
      %dma_wait3A = arith.constant 0 : i32
      %dma_wait3A_70 = tpu.memref_slice %arg10[%add3A_66, %dma_wait3A] : memref<10240x128xf32, #tpu.memory_space<vmem_shared>> -> memref<80x128xf32, #tpu.memory_space<vmem_shared>>
      %dma_wait3A_71 = arith.constant 0 : i32
      %dma_wait3A_72 = tpu.memref_slice %arg10[%add3A_66, %dma_wait3A_71] : memref<10240x128xf32, #tpu.memory_space<vmem_shared>> -> memref<80x128xf32, #tpu.memory_space<vmem_shared>>
      tpu.wait_dma2 semaphore(%run_scoped3A : memref<!tpu.dma_semaphore, #tpu.memory_space<semaphore_mem>>) src(%dma_wait3A_72 : memref<80x128xf32, #tpu.memory_space<vmem_shared>>) dst(%arg8 : memref<80x128xf32, #tpu.memory_space<vmem>>)
      tpu.yield
    }) : () -> ()
    "tpu.region"() ({
      %run_scoped3A = tpu.sem_alloc : memref<!tpu.dma_semaphore, #tpu.memory_space<semaphore_mem>>
      %dma_start3A = arith.constant 0 : i32
      %dma_start3A_67 = tpu.memref_slice %arg5[%arg0, %add3A_66, %dma_start3A] : memref<2x10240x128xf32, #tpu.memory_space<hbm>> -> memref<1x80x128xf32, #tpu.memory_space<hbm>>
      %dma_start3A_68 = tpu.memref_squeeze %dma_start3A_67 : memref<1x80x128xf32, #tpu.memory_space<hbm>> -> memref<80x128xf32, #tpu.memory_space<hbm>>
      %dma_start3A_69 = arith.constant 0 : i32
      %dma_start3A_70 = tpu.memref_slice %arg5[%arg0, %add3A_66, %dma_start3A_69] : memref<2x10240x128xf32, #tpu.memory_space<hbm>> -> memref<1x80x128xf32, #tpu.memory_space<hbm>>
      %dma_start3A_71 = tpu.memref_squeeze %dma_start3A_70 : memref<1x80x128xf32, #tpu.memory_space<hbm>> -> memref<80x128xf32, #tpu.memory_space<hbm>>
      tpu.enqueue_dma source(%arg8 : memref<80x128xf32, #tpu.memory_space<vmem>>) target(%dma_start3A_71 : memref<80x128xf32, #tpu.memory_space<hbm>>) target_semaphore(%run_scoped3A : memref<!tpu.dma_semaphore, #tpu.memory_space<semaphore_mem>>)
      %dma_wait3A = arith.constant 0 : i32
      %dma_wait3A_72 = tpu.memref_slice %arg5[%arg0, %add3A_66, %dma_wait3A] : memref<2x10240x128xf32, #tpu.memory_space<hbm>> -> memref<1x80x128xf32, #tpu.memory_space<hbm>>
      %dma_wait3A_73 = tpu.memref_squeeze %dma_wait3A_72 : memref<1x80x128xf32, #tpu.memory_space<hbm>> -> memref<80x128xf32, #tpu.memory_space<hbm>>
      %dma_wait3A_74 = arith.constant 0 : i32
      %dma_wait3A_75 = tpu.memref_slice %arg5[%arg0, %add3A_66, %dma_wait3A_74] : memref<2x10240x128xf32, #tpu.memory_space<hbm>> -> memref<1x80x128xf32, #tpu.memory_space<hbm>>
      %dma_wait3A_76 = tpu.memref_squeeze %dma_wait3A_75 : memref<1x80x128xf32, #tpu.memory_space<hbm>> -> memref<80x128xf32, #tpu.memory_space<hbm>>
      tpu.wait_dma2 semaphore(%run_scoped3A : memref<!tpu.dma_semaphore, #tpu.memory_space<semaphore_mem>>) src(%arg8 : memref<80x128xf32, #tpu.memory_space<vmem>>) dst(%dma_wait3A_76 : memref<80x128xf32, #tpu.memory_space<hbm>>)
      tpu.yield
    }) : () -> ()
    return
  }
}

#map = affine_map<(d0, d1) -> (0, 0)>
#map1 = affine_map<(d0, d1) -> (0, 0, 0, 0, 0)>
#map2 = affine_map<(d0, d1) -> (0, 0, 0)>
module attributes {stable_mosaic.version = 14 : i64} {
  func.func @_sc_spmm_body(%arg0: i32, %arg1: i32, %arg2: memref<10000x128xf32, #tpu.memory_space<hbm>>, %arg3: memref<2x16x5x50x80xi32, #tpu.memory_space<hbm>>, %arg4: memref<80x128xf32, #tpu.memory_space<hbm>>, %arg5: memref<2x10240x128xf32, #tpu.memory_space<hbm>>, %arg6: memref<50x80xi32, #tpu.memory_space<vmem>>, %arg7: memref<50x80xi32, #tpu.memory_space<vmem>>, %arg8: memref<80x128xf32, #tpu.memory_space<vmem>>, %arg9: memref<80x128xf32, #tpu.memory_space<vmem>>, %arg10: memref<10240x128xf32, #tpu.memory_space<vmem_shared>>, %arg11: memref<!tpu.dma_semaphore, #tpu.memory_space<semaphore_mem>>, %arg12: memref<!tpu.dma_semaphore, #tpu.memory_space<semaphore_mem>>, %arg13: memref<!tpu.dma_semaphore, #tpu.memory_space<semaphore_mem>>, %arg14: memref<!tpu.dma_semaphore, #tpu.memory_space<semaphore_mem>>) attributes {dimension_semantics = [#tpu.dimension_semantics<core_parallel>, #tpu.dimension_semantics<subcore_parallel>], iteration_bounds = array<i64: 2, 16>, scalar_prefetch = 0 : i64, scratch_operands = 9 : i64, tpu.core_type = #tpu.core_type<sc_vector_subcore>, window_params = [{transform_indices = #map}, {transform_indices = #map1}, {transform_indices = #map}, {transform_indices = #map2}]} {
    "tpu.region"() ({
      %run_scoped3A = tpu.sem_alloc : memref<!tpu.dma_semaphore, #tpu.memory_space<semaphore_mem>>
      tpu.enqueue_dma source(%arg4 : memref<80x128xf32, #tpu.memory_space<hbm>>) target(%arg8 : memref<80x128xf32, #tpu.memory_space<vmem>>) target_semaphore(%run_scoped3A : memref<!tpu.dma_semaphore, #tpu.memory_space<semaphore_mem>>)
      tpu.wait_dma2 semaphore(%run_scoped3A : memref<!tpu.dma_semaphore, #tpu.memory_space<semaphore_mem>>) src(%arg4 : memref<80x128xf32, #tpu.memory_space<hbm>>) dst(%arg8 : memref<80x128xf32, #tpu.memory_space<vmem>>)
      tpu.yield
    }) : () -> ()
    %mul3A = arith.constant 640 : i32
    %mul3A_0 = arith.muli %arg1, %mul3A : i32
    %add3A = arith.constant 0 : i32
    %add3A_1 = arith.addi %mul3A_0, %add3A : i32
    "tpu.region"() ({
      %run_scoped3A = tpu.sem_alloc : memref<!tpu.dma_semaphore, #tpu.memory_space<semaphore_mem>>
      %dma_start3A = arith.constant 0 : i32
      %dma_start3A_67 = tpu.memref_slice %arg10[%add3A_1, %dma_start3A] : memref<10240x128xf32, #tpu.memory_space<vmem_shared>> -> memref<80x128xf32, #tpu.memory_space<vmem_shared>>
      %dma_start3A_68 = arith.constant 0 : i32
      %dma_start3A_69 = tpu.memref_slice %arg10[%add3A_1, %dma_start3A_68] : memref<10240x128xf32, #tpu.memory_space<vmem_shared>> -> memref<80x128xf32, #tpu.memory_space<vmem_shared>>
      tpu.enqueue_dma source(%arg8 : memref<80x128xf32, #tpu.memory_space<vmem>>) target(%dma_start3A_69 : memref<80x128xf32, #tpu.memory_space<vmem_shared>>) target_semaphore(%run_scoped3A : memref<!tpu.dma_semaphore, #tpu.memory_space<semaphore_mem>>)
      %dma_wait3A = arith.constant 0 : i32
      %dma_wait3A_70 = tpu.memref_slice %arg10[%add3A_1, %dma_wait3A] : memref<10240x128xf32, #tpu.memory_space<vmem_shared>> -> memref<80x128xf32, #tpu.memory_space<vmem_shared>>
      %dma_wait3A_71 = arith.constant 0 : i32
      %dma_wait3A_72 = tpu.memref_slice %arg10[%add3A_1, %dma_wait3A_71] : memref<10240x128xf32, #tpu.memory_space<vmem_shared>> -> memref<80x128xf32, #tpu.memory_space<vmem_shared>>
      tpu.wait_dma2 semaphore(%run_scoped3A : memref<!tpu.dma_semaphore, #tpu.memory_space<semaphore_mem>>) src(%arg8 : memref<80x128xf32, #tpu.memory_space<vmem>>) dst(%dma_wait3A_72 : memref<80x128xf32, #tpu.memory_space<vmem_shared>>)
      tpu.yield
    }) : () -> ()
    %mul3A_2 = arith.constant 640 : i32
    %mul3A_3 = arith.muli %arg1, %mul3A_2 : i32
    %add3A_4 = arith.constant 80 : i32
    %add3A_5 = arith.addi %mul3A_3, %add3A_4 : i32
    "tpu.region"() ({
      %run_scoped3A = tpu.sem_alloc : memref<!tpu.dma_semaphore, #tpu.memory_space<semaphore_mem>>
      %dma_start3A = arith.constant 0 : i32
      %dma_start3A_67 = tpu.memref_slice %arg10[%add3A_5, %dma_start3A] : memref<10240x128xf32, #tpu.memory_space<vmem_shared>> -> memref<80x128xf32, #tpu.memory_space<vmem_shared>>
      %dma_start3A_68 = arith.constant 0 : i32
      %dma_start3A_69 = tpu.memref_slice %arg10[%add3A_5, %dma_start3A_68] : memref<10240x128xf32, #tpu.memory_space<vmem_shared>> -> memref<80x128xf32, #tpu.memory_space<vmem_shared>>
      tpu.enqueue_dma source(%arg8 : memref<80x128xf32, #tpu.memory_space<vmem>>) target(%dma_start3A_69 : memref<80x128xf32, #tpu.memory_space<vmem_shared>>) target_semaphore(%run_scoped3A : memref<!tpu.dma_semaphore, #tpu.memory_space<semaphore_mem>>)
      %dma_wait3A = arith.constant 0 : i32
      %dma_wait3A_70 = tpu.memref_slice %arg10[%add3A_5, %dma_wait3A] : memref<10240x128xf32, #tpu.memory_space<vmem_shared>> -> memref<80x128xf32, #tpu.memory_space<vmem_shared>>
      %dma_wait3A_71 = arith.constant 0 : i32
      %dma_wait3A_72 = tpu.memref_slice %arg10[%add3A_5, %dma_wait3A_71] : memref<10240x128xf32, #tpu.memory_space<vmem_shared>> -> memref<80x128xf32, #tpu.memory_space<vmem_shared>>
      tpu.wait_dma2 semaphore(%run_scoped3A : memref<!tpu.dma_semaphore, #tpu.memory_space<semaphore_mem>>) src(%arg8 : memref<80x128xf32, #tpu.memory_space<vmem>>) dst(%dma_wait3A_72 : memref<80x128xf32, #tpu.memory_space<vmem_shared>>)
      tpu.yield
    }) : () -> ()
    %mul3A_6 = arith.constant 640 : i32
    %mul3A_7 = arith.muli %arg1, %mul3A_6 : i32
    %add3A_8 = arith.constant 160 : i32
    %add3A_9 = arith.addi %mul3A_7, %add3A_8 : i32
    "tpu.region"() ({
      %run_scoped3A = tpu.sem_alloc : memref<!tpu.dma_semaphore, #tpu.memory_space<semaphore_mem>>
      %dma_start3A = arith.constant 0 : i32
      %dma_start3A_67 = tpu.memref_slice %arg10[%add3A_9, %dma_start3A] : memref<10240x128xf32, #tpu.memory_space<vmem_shared>> -> memref<80x128xf32, #tpu.memory_space<vmem_shared>>
      %dma_start3A_68 = arith.constant 0 : i32
      %dma_start3A_69 = tpu.memref_slice %arg10[%add3A_9, %dma_start3A_68] : memref<10240x128xf32, #tpu.memory_space<vmem_shared>> -> memref<80x128xf32, #tpu.memory_space<vmem_shared>>
      tpu.enqueue_dma source(%arg8 : memref<80x128xf32, #tpu.memory_space<vmem>>) target(%dma_start3A_69 : memref<80x128xf32, #tpu.memory_space<vmem_shared>>) target_semaphore(%run_scoped3A : memref<!tpu.dma_semaphore, #tpu.memory_space<semaphore_mem>>)
      %dma_wait3A = arith.constant 0 : i32
      %dma_wait3A_70 = tpu.memref_slice %arg10[%add3A_9, %dma_wait3A] : memref<10240x128xf32, #tpu.memory_space<vmem_shared>> -> memref<80x128xf32, #tpu.memory_space<vmem_shared>>
      %dma_wait3A_71 = arith.constant 0 : i32
      %dma_wait3A_72 = tpu.memref_slice %arg10[%add3A_9, %dma_wait3A_71] : memref<10240x128xf32, #tpu.memory_space<vmem_shared>> -> memref<80x128xf32, #tpu.memory_space<vmem_shared>>
      tpu.wait_dma2 semaphore(%run_scoped3A : memref<!tpu.dma_semaphore, #tpu.memory_space<semaphore_mem>>) src(%arg8 : memref<80x128xf32, #tpu.memory_space<vmem>>) dst(%dma_wait3A_72 : memref<80x128xf32, #tpu.memory_space<vmem_shared>>)
      tpu.yield
    }) : () -> ()
    %mul3A_10 = arith.constant 640 : i32
    %mul3A_11 = arith.muli %arg1, %mul3A_10 : i32
    %add3A_12 = arith.constant 240 : i32
    %add3A_13 = arith.addi %mul3A_11, %add3A_12 : i32
    "tpu.region"() ({
      %run_scoped3A = tpu.sem_alloc : memref<!tpu.dma_semaphore, #tpu.memory_space<semaphore_mem>>
      %dma_start3A = arith.constant 0 : i32
      %dma_start3A_67 = tpu.memref_slice %arg10[%add3A_13, %dma_start3A] : memref<10240x128xf32, #tpu.memory_space<vmem_shared>> -> memref<80x128xf32, #tpu.memory_space<vmem_shared>>
      %dma_start3A_68 = arith.constant 0 : i32
      %dma_start3A_69 = tpu.memref_slice %arg10[%add3A_13, %dma_start3A_68] : memref<10240x128xf32, #tpu.memory_space<vmem_shared>> -> memref<80x128xf32, #tpu.memory_space<vmem_shared>>
      tpu.enqueue_dma source(%arg8 : memref<80x128xf32, #tpu.memory_space<vmem>>) target(%dma_start3A_69 : memref<80x128xf32, #tpu.memory_space<vmem_shared>>) target_semaphore(%run_scoped3A : memref<!tpu.dma_semaphore, #tpu.memory_space<semaphore_mem>>)
      %dma_wait3A = arith.constant 0 : i32
      %dma_wait3A_70 = tpu.memref_slice %arg10[%add3A_13, %dma_wait3A] : memref<10240x128xf32, #tpu.memory_space<vmem_shared>> -> memref<80x128xf32, #tpu.memory_space<vmem_shared>>
      %dma_wait3A_71 = arith.constant 0 : i32
      %dma_wait3A_72 = tpu.memref_slice %arg10[%add3A_13, %dma_wait3A_71] : memref<10240x128xf32, #tpu.memory_space<vmem_shared>> -> memref<80x128xf32, #tpu.memory_space<vmem_shared>>
      tpu.wait_dma2 semaphore(%run_scoped3A : memref<!tpu.dma_semaphore, #tpu.memory_space<semaphore_mem>>) src(%arg8 : memref<80x128xf32, #tpu.memory_space<vmem>>) dst(%dma_wait3A_72 : memref<80x128xf32, #tpu.memory_space<vmem_shared>>)
      tpu.yield
    }) : () -> ()
    %mul3A_14 = arith.constant 640 : i32
    %mul3A_15 = arith.muli %arg1, %mul3A_14 : i32
    %add3A_16 = arith.constant 320 : i32
    %add3A_17 = arith.addi %mul3A_15, %add3A_16 : i32
    "tpu.region"() ({
      %run_scoped3A = tpu.sem_alloc : memref<!tpu.dma_semaphore, #tpu.memory_space<semaphore_mem>>
      %dma_start3A = arith.constant 0 : i32
      %dma_start3A_67 = tpu.memref_slice %arg10[%add3A_17, %dma_start3A] : memref<10240x128xf32, #tpu.memory_space<vmem_shared>> -> memref<80x128xf32, #tpu.memory_space<vmem_shared>>
      %dma_start3A_68 = arith.constant 0 : i32
      %dma_start3A_69 = tpu.memref_slice %arg10[%add3A_17, %dma_start3A_68] : memref<10240x128xf32, #tpu.memory_space<vmem_shared>> -> memref<80x128xf32, #tpu.memory_space<vmem_shared>>
      tpu.enqueue_dma source(%arg8 : memref<80x128xf32, #tpu.memory_space<vmem>>) target(%dma_start3A_69 : memref<80x128xf32, #tpu.memory_space<vmem_shared>>) target_semaphore(%run_scoped3A : memref<!tpu.dma_semaphore, #tpu.memory_space<semaphore_mem>>)
      %dma_wait3A = arith.constant 0 : i32
      %dma_wait3A_70 = tpu.memref_slice %arg10[%add3A_17, %dma_wait3A] : memref<10240x128xf32, #tpu.memory_space<vmem_shared>> -> memref<80x128xf32, #tpu.memory_space<vmem_shared>>
      %dma_wait3A_71 = arith.constant 0 : i32
      %dma_wait3A_72 = tpu.memref_slice %arg10[%add3A_17, %dma_wait3A_71] : memref<10240x128xf32, #tpu.memory_space<vmem_shared>> -> memref<80x128xf32, #tpu.memory_space<vmem_shared>>
      tpu.wait_dma2 semaphore(%run_scoped3A : memref<!tpu.dma_semaphore, #tpu.memory_space<semaphore_mem>>) src(%arg8 : memref<80x128xf32, #tpu.memory_space<vmem>>) dst(%dma_wait3A_72 : memref<80x128xf32, #tpu.memory_space<vmem_shared>>)
      tpu.yield
    }) : () -> ()
    %mul3A_18 = arith.constant 640 : i32
    %mul3A_19 = arith.muli %arg1, %mul3A_18 : i32
    %add3A_20 = arith.constant 400 : i32
    %add3A_21 = arith.addi %mul3A_19, %add3A_20 : i32
    "tpu.region"() ({
      %run_scoped3A = tpu.sem_alloc : memref<!tpu.dma_semaphore, #tpu.memory_space<semaphore_mem>>
      %dma_start3A = arith.constant 0 : i32
      %dma_start3A_67 = tpu.memref_slice %arg10[%add3A_21, %dma_start3A] : memref<10240x128xf32, #tpu.memory_space<vmem_shared>> -> memref<80x128xf32, #tpu.memory_space<vmem_shared>>
      %dma_start3A_68 = arith.constant 0 : i32
      %dma_start3A_69 = tpu.memref_slice %arg10[%add3A_21, %dma_start3A_68] : memref<10240x128xf32, #tpu.memory_space<vmem_shared>> -> memref<80x128xf32, #tpu.memory_space<vmem_shared>>
      tpu.enqueue_dma source(%arg8 : memref<80x128xf32, #tpu.memory_space<vmem>>) target(%dma_start3A_69 : memref<80x128xf32, #tpu.memory_space<vmem_shared>>) target_semaphore(%run_scoped3A : memref<!tpu.dma_semaphore, #tpu.memory_space<semaphore_mem>>)
      %dma_wait3A = arith.constant 0 : i32
      %dma_wait3A_70 = tpu.memref_slice %arg10[%add3A_21, %dma_wait3A] : memref<10240x128xf32, #tpu.memory_space<vmem_shared>> -> memref<80x128xf32, #tpu.memory_space<vmem_shared>>
      %dma_wait3A_71 = arith.constant 0 : i32
      %dma_wait3A_72 = tpu.memref_slice %arg10[%add3A_21, %dma_wait3A_71] : memref<10240x128xf32, #tpu.memory_space<vmem_shared>> -> memref<80x128xf32, #tpu.memory_space<vmem_shared>>
      tpu.wait_dma2 semaphore(%run_scoped3A : memref<!tpu.dma_semaphore, #tpu.memory_space<semaphore_mem>>) src(%arg8 : memref<80x128xf32, #tpu.memory_space<vmem>>) dst(%dma_wait3A_72 : memref<80x128xf32, #tpu.memory_space<vmem_shared>>)
      tpu.yield
    }) : () -> ()
    %mul3A_22 = arith.constant 640 : i32
    %mul3A_23 = arith.muli %arg1, %mul3A_22 : i32
    %add3A_24 = arith.constant 480 : i32
    %add3A_25 = arith.addi %mul3A_23, %add3A_24 : i32
    "tpu.region"() ({
      %run_scoped3A = tpu.sem_alloc : memref<!tpu.dma_semaphore, #tpu.memory_space<semaphore_mem>>
      %dma_start3A = arith.constant 0 : i32
      %dma_start3A_67 = tpu.memref_slice %arg10[%add3A_25, %dma_start3A] : memref<10240x128xf32, #tpu.memory_space<vmem_shared>> -> memref<80x128xf32, #tpu.memory_space<vmem_shared>>
      %dma_start3A_68 = arith.constant 0 : i32
      %dma_start3A_69 = tpu.memref_slice %arg10[%add3A_25, %dma_start3A_68] : memref<10240x128xf32, #tpu.memory_space<vmem_shared>> -> memref<80x128xf32, #tpu.memory_space<vmem_shared>>
      tpu.enqueue_dma source(%arg8 : memref<80x128xf32, #tpu.memory_space<vmem>>) target(%dma_start3A_69 : memref<80x128xf32, #tpu.memory_space<vmem_shared>>) target_semaphore(%run_scoped3A : memref<!tpu.dma_semaphore, #tpu.memory_space<semaphore_mem>>)
      %dma_wait3A = arith.constant 0 : i32
      %dma_wait3A_70 = tpu.memref_slice %arg10[%add3A_25, %dma_wait3A] : memref<10240x128xf32, #tpu.memory_space<vmem_shared>> -> memref<80x128xf32, #tpu.memory_space<vmem_shared>>
      %dma_wait3A_71 = arith.constant 0 : i32
      %dma_wait3A_72 = tpu.memref_slice %arg10[%add3A_25, %dma_wait3A_71] : memref<10240x128xf32, #tpu.memory_space<vmem_shared>> -> memref<80x128xf32, #tpu.memory_space<vmem_shared>>
      tpu.wait_dma2 semaphore(%run_scoped3A : memref<!tpu.dma_semaphore, #tpu.memory_space<semaphore_mem>>) src(%arg8 : memref<80x128xf32, #tpu.memory_space<vmem>>) dst(%dma_wait3A_72 : memref<80x128xf32, #tpu.memory_space<vmem_shared>>)
      tpu.yield
    }) : () -> ()
    %mul3A_26 = arith.constant 640 : i32
    %mul3A_27 = arith.muli %arg1, %mul3A_26 : i32
    %add3A_28 = arith.constant 560 : i32
    %add3A_29 = arith.addi %mul3A_27, %add3A_28 : i32
    "tpu.region"() ({
      %run_scoped3A = tpu.sem_alloc : memref<!tpu.dma_semaphore, #tpu.memory_space<semaphore_mem>>
      %dma_start3A = arith.constant 0 : i32
      %dma_start3A_67 = tpu.memref_slice %arg10[%add3A_29, %dma_start3A] : memref<10240x128xf32, #tpu.memory_space<vmem_shared>> -> memref<80x128xf32, #tpu.memory_space<vmem_shared>>
      %dma_start3A_68 = arith.constant 0 : i32
      %dma_start3A_69 = tpu.memref_slice %arg10[%add3A_29, %dma_start3A_68] : memref<10240x128xf32, #tpu.memory_space<vmem_shared>> -> memref<80x128xf32, #tpu.memory_space<vmem_shared>>
      tpu.enqueue_dma source(%arg8 : memref<80x128xf32, #tpu.memory_space<vmem>>) target(%dma_start3A_69 : memref<80x128xf32, #tpu.memory_space<vmem_shared>>) target_semaphore(%run_scoped3A : memref<!tpu.dma_semaphore, #tpu.memory_space<semaphore_mem>>)
      %dma_wait3A = arith.constant 0 : i32
      %dma_wait3A_70 = tpu.memref_slice %arg10[%add3A_29, %dma_wait3A] : memref<10240x128xf32, #tpu.memory_space<vmem_shared>> -> memref<80x128xf32, #tpu.memory_space<vmem_shared>>
      %dma_wait3A_71 = arith.constant 0 : i32
      %dma_wait3A_72 = tpu.memref_slice %arg10[%add3A_29, %dma_wait3A_71] : memref<10240x128xf32, #tpu.memory_space<vmem_shared>> -> memref<80x128xf32, #tpu.memory_space<vmem_shared>>
      tpu.wait_dma2 semaphore(%run_scoped3A : memref<!tpu.dma_semaphore, #tpu.memory_space<semaphore_mem>>) src(%arg8 : memref<80x128xf32, #tpu.memory_space<vmem>>) dst(%dma_wait3A_72 : memref<80x128xf32, #tpu.memory_space<vmem_shared>>)
      tpu.yield
    }) : () -> ()
    %barrier3A = arith.constant 0 : index
    tpu.barrier barrier_id(%barrier3A)
    %scan3A = arith.constant 0 : i32
    %scan3A_30 = arith.constant 5 : i32
    %scan3A_31 = arith.addi %scan3A, %scan3A_30 : i32
    %scan3A_32 = arith.constant 1 : i32
    scf.for %scan3A_67 = %scan3A to %scan3A_31 step %scan3A_32  : i32 {
      "tpu.region"() ({
        %run_scoped3A = tpu.sem_alloc : memref<!tpu.dma_semaphore, #tpu.memory_space<semaphore_mem>>
        %dma_start3A_129 = arith.constant 0 : i32
        %dma_start3A_130 = arith.constant 0 : i32
        %dma_start3A_131 = tpu.memref_slice %arg3[%arg0, %arg1, %scan3A_67, %dma_start3A_129, %dma_start3A_130] : memref<2x16x5x50x80xi32, #tpu.memory_space<hbm>> -> memref<1x1x1x50x80xi32, #tpu.memory_space<hbm>>
        %dma_start3A_132 = tpu.memref_squeeze %dma_start3A_131 : memref<1x1x1x50x80xi32, #tpu.memory_space<hbm>> -> memref<50x80xi32, #tpu.memory_space<hbm>>
        %dma_start3A_133 = arith.constant 0 : i32
        %dma_start3A_134 = arith.constant 0 : i32
        %dma_start3A_135 = tpu.memref_slice %arg3[%arg0, %arg1, %scan3A_67, %dma_start3A_133, %dma_start3A_134] : memref<2x16x5x50x80xi32, #tpu.memory_space<hbm>> -> memref<1x1x1x50x80xi32, #tpu.memory_space<hbm>>
        %dma_start3A_136 = tpu.memref_squeeze %dma_start3A_135 : memref<1x1x1x50x80xi32, #tpu.memory_space<hbm>> -> memref<50x80xi32, #tpu.memory_space<hbm>>
        tpu.enqueue_dma source(%dma_start3A_136 : memref<50x80xi32, #tpu.memory_space<hbm>>) target(%arg6 : memref<50x80xi32, #tpu.memory_space<vmem>>) target_semaphore(%run_scoped3A : memref<!tpu.dma_semaphore, #tpu.memory_space<semaphore_mem>>)
        %dma_wait3A_137 = arith.constant 0 : i32
        %dma_wait3A_138 = arith.constant 0 : i32
        %dma_wait3A_139 = tpu.memref_slice %arg3[%arg0, %arg1, %scan3A_67, %dma_wait3A_137, %dma_wait3A_138] : memref<2x16x5x50x80xi32, #tpu.memory_space<hbm>> -> memref<1x1x1x50x80xi32, #tpu.memory_space<hbm>>
        %dma_wait3A_140 = tpu.memref_squeeze %dma_wait3A_139 : memref<1x1x1x50x80xi32, #tpu.memory_space<hbm>> -> memref<50x80xi32, #tpu.memory_space<hbm>>
        %dma_wait3A_141 = arith.constant 0 : i32
        %dma_wait3A_142 = arith.constant 0 : i32
        %dma_wait3A_143 = tpu.memref_slice %arg3[%arg0, %arg1, %scan3A_67, %dma_wait3A_141, %dma_wait3A_142] : memref<2x16x5x50x80xi32, #tpu.memory_space<hbm>> -> memref<1x1x1x50x80xi32, #tpu.memory_space<hbm>>
        %dma_wait3A_144 = tpu.memref_squeeze %dma_wait3A_143 : memref<1x1x1x50x80xi32, #tpu.memory_space<hbm>> -> memref<50x80xi32, #tpu.memory_space<hbm>>
        tpu.wait_dma2 semaphore(%run_scoped3A : memref<!tpu.dma_semaphore, #tpu.memory_space<semaphore_mem>>) src(%dma_wait3A_144 : memref<50x80xi32, #tpu.memory_space<hbm>>) dst(%arg6 : memref<50x80xi32, #tpu.memory_space<vmem>>)
        tpu.yield
      }) : () -> ()
      %sub3A = arith.constant 1 : i32
      %sub3A_68 = arith.subi %sub3A, %arg0 : i32
      "tpu.region"() ({
        %run_scoped3A = tpu.sem_alloc : memref<!tpu.dma_semaphore, #tpu.memory_space<semaphore_mem>>
        %dma_start3A_129 = arith.constant 0 : i32
        %dma_start3A_130 = arith.constant 0 : i32
        %dma_start3A_131 = tpu.memref_slice %arg3[%sub3A_68, %arg1, %scan3A_67, %dma_start3A_129, %dma_start3A_130] : memref<2x16x5x50x80xi32, #tpu.memory_space<hbm>> -> memref<1x1x1x50x80xi32, #tpu.memory_space<hbm>>
        %dma_start3A_132 = tpu.memref_squeeze %dma_start3A_131 : memref<1x1x1x50x80xi32, #tpu.memory_space<hbm>> -> memref<50x80xi32, #tpu.memory_space<hbm>>
        %dma_start3A_133 = arith.constant 0 : i32
        %dma_start3A_134 = arith.constant 0 : i32
        %dma_start3A_135 = tpu.memref_slice %arg3[%sub3A_68, %arg1, %scan3A_67, %dma_start3A_133, %dma_start3A_134] : memref<2x16x5x50x80xi32, #tpu.memory_space<hbm>> -> memref<1x1x1x50x80xi32, #tpu.memory_space<hbm>>
        %dma_start3A_136 = tpu.memref_squeeze %dma_start3A_135 : memref<1x1x1x50x80xi32, #tpu.memory_space<hbm>> -> memref<50x80xi32, #tpu.memory_space<hbm>>
        tpu.enqueue_dma source(%dma_start3A_136 : memref<50x80xi32, #tpu.memory_space<hbm>>) target(%arg7 : memref<50x80xi32, #tpu.memory_space<vmem>>) target_semaphore(%run_scoped3A : memref<!tpu.dma_semaphore, #tpu.memory_space<semaphore_mem>>)
        %dma_wait3A_137 = arith.constant 0 : i32
        %dma_wait3A_138 = arith.constant 0 : i32
        %dma_wait3A_139 = tpu.memref_slice %arg3[%sub3A_68, %arg1, %scan3A_67, %dma_wait3A_137, %dma_wait3A_138] : memref<2x16x5x50x80xi32, #tpu.memory_space<hbm>> -> memref<1x1x1x50x80xi32, #tpu.memory_space<hbm>>
        %dma_wait3A_140 = tpu.memref_squeeze %dma_wait3A_139 : memref<1x1x1x50x80xi32, #tpu.memory_space<hbm>> -> memref<50x80xi32, #tpu.memory_space<hbm>>
        %dma_wait3A_141 = arith.constant 0 : i32
        %dma_wait3A_142 = arith.constant 0 : i32
        %dma_wait3A_143 = tpu.memref_slice %arg3[%sub3A_68, %arg1, %scan3A_67, %dma_wait3A_141, %dma_wait3A_142] : memref<2x16x5x50x80xi32, #tpu.memory_space<hbm>> -> memref<1x1x1x50x80xi32, #tpu.memory_space<hbm>>
        %dma_wait3A_144 = tpu.memref_squeeze %dma_wait3A_143 : memref<1x1x1x50x80xi32, #tpu.memory_space<hbm>> -> memref<50x80xi32, #tpu.memory_space<hbm>>
        tpu.wait_dma2 semaphore(%run_scoped3A : memref<!tpu.dma_semaphore, #tpu.memory_space<semaphore_mem>>) src(%dma_wait3A_144 : memref<50x80xi32, #tpu.memory_space<hbm>>) dst(%arg7 : memref<50x80xi32, #tpu.memory_space<vmem>>)
        tpu.yield
      }) : () -> ()
      %dma_start3A = arith.constant 0 : i32
      %dma_start3A_69 = arith.constant 0 : i32
      %dma_start3A_70 = tpu.memref_slice %arg6[%dma_start3A, %dma_start3A_69] : memref<50x80xi32, #tpu.memory_space<vmem>> -> memref<1x80xi32, #tpu.memory_space<vmem>>
      %dma_start3A_71 = tpu.memref_squeeze %dma_start3A_70 : memref<1x80xi32, #tpu.memory_space<vmem>> -> memref<80xi32, #tpu.memory_space<vmem>>
      %dma_start3A_72 = arith.constant 0 : i32
      %dma_start3A_73 = arith.constant 0 : i32
      %dma_start3A_74 = tpu.memref_slice %arg2[%dma_start3A_72, %dma_start3A_73] : memref<10000x128xf32, #tpu.memory_space<hbm>> -> memref<10000x128xf32, #tpu.memory_space<hbm>>
      tpu.enqueue_indirect_dma source(%dma_start3A_74 : memref<10000x128xf32, #tpu.memory_space<hbm>>) target(%arg8 : memref<80x128xf32, #tpu.memory_space<vmem>>) offsets(%dma_start3A_71 : memref<80xi32, #tpu.memory_space<vmem>>) semaphore(%arg11 : memref<!tpu.dma_semaphore, #tpu.memory_space<semaphore_mem>>)
      %dma_start3A_75 = arith.constant 1 : i32
      %dma_start3A_76 = arith.constant 0 : i32
      %dma_start3A_77 = tpu.memref_slice %arg6[%dma_start3A_75, %dma_start3A_76] : memref<50x80xi32, #tpu.memory_space<vmem>> -> memref<1x80xi32, #tpu.memory_space<vmem>>
      %dma_start3A_78 = tpu.memref_squeeze %dma_start3A_77 : memref<1x80xi32, #tpu.memory_space<vmem>> -> memref<80xi32, #tpu.memory_space<vmem>>
      %dma_start3A_79 = arith.constant 0 : i32
      %dma_start3A_80 = arith.constant 0 : i32
      %dma_start3A_81 = tpu.memref_slice %arg2[%dma_start3A_79, %dma_start3A_80] : memref<10000x128xf32, #tpu.memory_space<hbm>> -> memref<10000x128xf32, #tpu.memory_space<hbm>>
      tpu.enqueue_indirect_dma source(%dma_start3A_81 : memref<10000x128xf32, #tpu.memory_space<hbm>>) target(%arg9 : memref<80x128xf32, #tpu.memory_space<vmem>>) offsets(%dma_start3A_78 : memref<80xi32, #tpu.memory_space<vmem>>) semaphore(%arg12 : memref<!tpu.dma_semaphore, #tpu.memory_space<semaphore_mem>>)
      %scan3A_82 = arith.constant 0 : i32
      %scan3A_83 = arith.constant 0 : i32
      %scan3A_84 = arith.constant 24 : i32
      %scan3A_85 = arith.addi %scan3A_83, %scan3A_84 : i32
      %scan3A_86 = arith.constant 1 : i32
      scf.for %scan3A_129 = %scan3A_83 to %scan3A_85 step %scan3A_86  : i32 {
        %mul3A_130 = arith.constant 2 : i32
        %mul3A_131 = arith.muli %mul3A_130, %scan3A_129 : i32
        %dma_wait3A_132 = arith.constant 0 : i32
        %dma_wait3A_133 = tpu.memref_slice %arg6[%mul3A_131, %dma_wait3A_132] : memref<50x80xi32, #tpu.memory_space<vmem>> -> memref<1x80xi32, #tpu.memory_space<vmem>>
        %dma_wait3A_134 = tpu.memref_squeeze %dma_wait3A_133 : memref<1x80xi32, #tpu.memory_space<vmem>> -> memref<80xi32, #tpu.memory_space<vmem>>
        %dma_wait3A_135 = arith.constant 0 : i32
        %dma_wait3A_136 = arith.constant 0 : i32
        %dma_wait3A_137 = tpu.memref_slice %arg2[%dma_wait3A_135, %dma_wait3A_136] : memref<10000x128xf32, #tpu.memory_space<hbm>> -> memref<10000x128xf32, #tpu.memory_space<hbm>>
        tpu.wait_indirect_dma semaphore(%arg11 : memref<!tpu.dma_semaphore, #tpu.memory_space<semaphore_mem>>) src(%dma_wait3A_137 : memref<10000x128xf32, #tpu.memory_space<hbm>>) dst(%arg8 : memref<80x128xf32, #tpu.memory_space<vmem>>)
        %dma_start3A_138 = arith.constant 0 : i32
        %dma_start3A_139 = tpu.memref_slice %arg7[%mul3A_131, %dma_start3A_138] : memref<50x80xi32, #tpu.memory_space<vmem>> -> memref<1x80xi32, #tpu.memory_space<vmem>>
        %dma_start3A_140 = tpu.memref_squeeze %dma_start3A_139 : memref<1x80xi32, #tpu.memory_space<vmem>> -> memref<80xi32, #tpu.memory_space<vmem>>
        %dma_start3A_141 = arith.constant 0 : i32
        %dma_start3A_142 = arith.constant 0 : i32
        %dma_start3A_143 = tpu.memref_slice %arg10[%dma_start3A_141, %dma_start3A_142] : memref<10240x128xf32, #tpu.memory_space<vmem_shared>> -> memref<10240x128xf32, #tpu.memory_space<vmem_shared>>
        tpu.enqueue_indirect_dma source(%arg8 : memref<80x128xf32, #tpu.memory_space<vmem>>) target(%dma_start3A_143 : memref<10240x128xf32, #tpu.memory_space<vmem_shared>>) offsets(%dma_start3A_140 : memref<80xi32, #tpu.memory_space<vmem>>) semaphore(%arg13 : memref<!tpu.dma_semaphore, #tpu.memory_space<semaphore_mem>>) {add = true}
        %add3A_144 = arith.constant 1 : i32
        %add3A_145 = arith.addi %mul3A_131, %add3A_144 : i32
        %dma_wait3A_146 = arith.constant 0 : i32
        %dma_wait3A_147 = tpu.memref_slice %arg6[%add3A_145, %dma_wait3A_146] : memref<50x80xi32, #tpu.memory_space<vmem>> -> memref<1x80xi32, #tpu.memory_space<vmem>>
        %dma_wait3A_148 = tpu.memref_squeeze %dma_wait3A_147 : memref<1x80xi32, #tpu.memory_space<vmem>> -> memref<80xi32, #tpu.memory_space<vmem>>
        %dma_wait3A_149 = arith.constant 0 : i32
        %dma_wait3A_150 = arith.constant 0 : i32
        %dma_wait3A_151 = tpu.memref_slice %arg2[%dma_wait3A_149, %dma_wait3A_150] : memref<10000x128xf32, #tpu.memory_space<hbm>> -> memref<10000x128xf32, #tpu.memory_space<hbm>>
        tpu.wait_indirect_dma semaphore(%arg12 : memref<!tpu.dma_semaphore, #tpu.memory_space<semaphore_mem>>) src(%dma_wait3A_151 : memref<10000x128xf32, #tpu.memory_space<hbm>>) dst(%arg9 : memref<80x128xf32, #tpu.memory_space<vmem>>)
        %add3A_152 = arith.constant 1 : i32
        %add3A_153 = arith.addi %mul3A_131, %add3A_152 : i32
        %dma_start3A_154 = arith.constant 0 : i32
        %dma_start3A_155 = tpu.memref_slice %arg7[%add3A_153, %dma_start3A_154] : memref<50x80xi32, #tpu.memory_space<vmem>> -> memref<1x80xi32, #tpu.memory_space<vmem>>
        %dma_start3A_156 = tpu.memref_squeeze %dma_start3A_155 : memref<1x80xi32, #tpu.memory_space<vmem>> -> memref<80xi32, #tpu.memory_space<vmem>>
        %dma_start3A_157 = arith.constant 0 : i32
        %dma_start3A_158 = arith.constant 0 : i32
        %dma_start3A_159 = tpu.memref_slice %arg10[%dma_start3A_157, %dma_start3A_158] : memref<10240x128xf32, #tpu.memory_space<vmem_shared>> -> memref<10240x128xf32, #tpu.memory_space<vmem_shared>>
        tpu.enqueue_indirect_dma source(%arg9 : memref<80x128xf32, #tpu.memory_space<vmem>>) target(%dma_start3A_159 : memref<10240x128xf32, #tpu.memory_space<vmem_shared>>) offsets(%dma_start3A_156 : memref<80xi32, #tpu.memory_space<vmem>>) semaphore(%arg14 : memref<!tpu.dma_semaphore, #tpu.memory_space<semaphore_mem>>) {add = true}
        %dma_wait3A_160 = arith.constant 0 : i32
        %dma_wait3A_161 = tpu.memref_slice %arg7[%mul3A_131, %dma_wait3A_160] : memref<50x80xi32, #tpu.memory_space<vmem>> -> memref<1x80xi32, #tpu.memory_space<vmem>>
        %dma_wait3A_162 = tpu.memref_squeeze %dma_wait3A_161 : memref<1x80xi32, #tpu.memory_space<vmem>> -> memref<80xi32, #tpu.memory_space<vmem>>
        %dma_wait3A_163 = arith.constant 0 : i32
        %dma_wait3A_164 = arith.constant 0 : i32
        %dma_wait3A_165 = tpu.memref_slice %arg10[%dma_wait3A_163, %dma_wait3A_164] : memref<10240x128xf32, #tpu.memory_space<vmem_shared>> -> memref<10240x128xf32, #tpu.memory_space<vmem_shared>>
        tpu.wait_indirect_dma semaphore(%arg13 : memref<!tpu.dma_semaphore, #tpu.memory_space<semaphore_mem>>) src(%arg8 : memref<80x128xf32, #tpu.memory_space<vmem>>) dst(%dma_wait3A_165 : memref<10240x128xf32, #tpu.memory_space<vmem_shared>>)
        %add3A_166 = arith.constant 2 : i32
        %add3A_167 = arith.addi %mul3A_131, %add3A_166 : i32
        %dma_start3A_168 = arith.constant 0 : i32
        %dma_start3A_169 = tpu.memref_slice %arg6[%add3A_167, %dma_start3A_168] : memref<50x80xi32, #tpu.memory_space<vmem>> -> memref<1x80xi32, #tpu.memory_space<vmem>>
        %dma_start3A_170 = tpu.memref_squeeze %dma_start3A_169 : memref<1x80xi32, #tpu.memory_space<vmem>> -> memref<80xi32, #tpu.memory_space<vmem>>
        %dma_start3A_171 = arith.constant 0 : i32
        %dma_start3A_172 = arith.constant 0 : i32
        %dma_start3A_173 = tpu.memref_slice %arg2[%dma_start3A_171, %dma_start3A_172] : memref<10000x128xf32, #tpu.memory_space<hbm>> -> memref<10000x128xf32, #tpu.memory_space<hbm>>
        tpu.enqueue_indirect_dma source(%dma_start3A_173 : memref<10000x128xf32, #tpu.memory_space<hbm>>) target(%arg8 : memref<80x128xf32, #tpu.memory_space<vmem>>) offsets(%dma_start3A_170 : memref<80xi32, #tpu.memory_space<vmem>>) semaphore(%arg11 : memref<!tpu.dma_semaphore, #tpu.memory_space<semaphore_mem>>)
        %add3A_174 = arith.constant 1 : i32
        %add3A_175 = arith.addi %mul3A_131, %add3A_174 : i32
        %dma_wait3A_176 = arith.constant 0 : i32
        %dma_wait3A_177 = tpu.memref_slice %arg7[%add3A_175, %dma_wait3A_176] : memref<50x80xi32, #tpu.memory_space<vmem>> -> memref<1x80xi32, #tpu.memory_space<vmem>>
        %dma_wait3A_178 = tpu.memref_squeeze %dma_wait3A_177 : memref<1x80xi32, #tpu.memory_space<vmem>> -> memref<80xi32, #tpu.memory_space<vmem>>
        %dma_wait3A_179 = arith.constant 0 : i32
        %dma_wait3A_180 = arith.constant 0 : i32
        %dma_wait3A_181 = tpu.memref_slice %arg10[%dma_wait3A_179, %dma_wait3A_180] : memref<10240x128xf32, #tpu.memory_space<vmem_shared>> -> memref<10240x128xf32, #tpu.memory_space<vmem_shared>>
        tpu.wait_indirect_dma semaphore(%arg14 : memref<!tpu.dma_semaphore, #tpu.memory_space<semaphore_mem>>) src(%arg9 : memref<80x128xf32, #tpu.memory_space<vmem>>) dst(%dma_wait3A_181 : memref<10240x128xf32, #tpu.memory_space<vmem_shared>>)
        %add3A_182 = arith.constant 3 : i32
        %add3A_183 = arith.addi %mul3A_131, %add3A_182 : i32
        %dma_start3A_184 = arith.constant 0 : i32
        %dma_start3A_185 = tpu.memref_slice %arg6[%add3A_183, %dma_start3A_184] : memref<50x80xi32, #tpu.memory_space<vmem>> -> memref<1x80xi32, #tpu.memory_space<vmem>>
        %dma_start3A_186 = tpu.memref_squeeze %dma_start3A_185 : memref<1x80xi32, #tpu.memory_space<vmem>> -> memref<80xi32, #tpu.memory_space<vmem>>
        %dma_start3A_187 = arith.constant 0 : i32
        %dma_start3A_188 = arith.constant 0 : i32
        %dma_start3A_189 = tpu.memref_slice %arg2[%dma_start3A_187, %dma_start3A_188] : memref<10000x128xf32, #tpu.memory_space<hbm>> -> memref<10000x128xf32, #tpu.memory_space<hbm>>
        tpu.enqueue_indirect_dma source(%dma_start3A_189 : memref<10000x128xf32, #tpu.memory_space<hbm>>) target(%arg9 : memref<80x128xf32, #tpu.memory_space<vmem>>) offsets(%dma_start3A_186 : memref<80xi32, #tpu.memory_space<vmem>>) semaphore(%arg12 : memref<!tpu.dma_semaphore, #tpu.memory_space<semaphore_mem>>)
      }
      %scan3A_87 = arith.constant 24 : i32
      %dma_wait3A = arith.constant 48 : i32
      %dma_wait3A_88 = arith.constant 0 : i32
      %dma_wait3A_89 = tpu.memref_slice %arg6[%dma_wait3A, %dma_wait3A_88] : memref<50x80xi32, #tpu.memory_space<vmem>> -> memref<1x80xi32, #tpu.memory_space<vmem>>
      %dma_wait3A_90 = tpu.memref_squeeze %dma_wait3A_89 : memref<1x80xi32, #tpu.memory_space<vmem>> -> memref<80xi32, #tpu.memory_space<vmem>>
      %dma_wait3A_91 = arith.constant 0 : i32
      %dma_wait3A_92 = arith.constant 0 : i32
      %dma_wait3A_93 = tpu.memref_slice %arg2[%dma_wait3A_91, %dma_wait3A_92] : memref<10000x128xf32, #tpu.memory_space<hbm>> -> memref<10000x128xf32, #tpu.memory_space<hbm>>
      tpu.wait_indirect_dma semaphore(%arg11 : memref<!tpu.dma_semaphore, #tpu.memory_space<semaphore_mem>>) src(%dma_wait3A_93 : memref<10000x128xf32, #tpu.memory_space<hbm>>) dst(%arg8 : memref<80x128xf32, #tpu.memory_space<vmem>>)
      %dma_start3A_94 = arith.constant 48 : i32
      %dma_start3A_95 = arith.constant 0 : i32
      %dma_start3A_96 = tpu.memref_slice %arg7[%dma_start3A_94, %dma_start3A_95] : memref<50x80xi32, #tpu.memory_space<vmem>> -> memref<1x80xi32, #tpu.memory_space<vmem>>
      %dma_start3A_97 = tpu.memref_squeeze %dma_start3A_96 : memref<1x80xi32, #tpu.memory_space<vmem>> -> memref<80xi32, #tpu.memory_space<vmem>>
      %dma_start3A_98 = arith.constant 0 : i32
      %dma_start3A_99 = arith.constant 0 : i32
      %dma_start3A_100 = tpu.memref_slice %arg10[%dma_start3A_98, %dma_start3A_99] : memref<10240x128xf32, #tpu.memory_space<vmem_shared>> -> memref<10240x128xf32, #tpu.memory_space<vmem_shared>>
      tpu.enqueue_indirect_dma source(%arg8 : memref<80x128xf32, #tpu.memory_space<vmem>>) target(%dma_start3A_100 : memref<10240x128xf32, #tpu.memory_space<vmem_shared>>) offsets(%dma_start3A_97 : memref<80xi32, #tpu.memory_space<vmem>>) semaphore(%arg13 : memref<!tpu.dma_semaphore, #tpu.memory_space<semaphore_mem>>) {add = true}
      %dma_wait3A_101 = arith.constant 49 : i32
      %dma_wait3A_102 = arith.constant 0 : i32
      %dma_wait3A_103 = tpu.memref_slice %arg6[%dma_wait3A_101, %dma_wait3A_102] : memref<50x80xi32, #tpu.memory_space<vmem>> -> memref<1x80xi32, #tpu.memory_space<vmem>>
      %dma_wait3A_104 = tpu.memref_squeeze %dma_wait3A_103 : memref<1x80xi32, #tpu.memory_space<vmem>> -> memref<80xi32, #tpu.memory_space<vmem>>
      %dma_wait3A_105 = arith.constant 0 : i32
      %dma_wait3A_106 = arith.constant 0 : i32
      %dma_wait3A_107 = tpu.memref_slice %arg2[%dma_wait3A_105, %dma_wait3A_106] : memref<10000x128xf32, #tpu.memory_space<hbm>> -> memref<10000x128xf32, #tpu.memory_space<hbm>>
      tpu.wait_indirect_dma semaphore(%arg12 : memref<!tpu.dma_semaphore, #tpu.memory_space<semaphore_mem>>) src(%dma_wait3A_107 : memref<10000x128xf32, #tpu.memory_space<hbm>>) dst(%arg9 : memref<80x128xf32, #tpu.memory_space<vmem>>)
      %dma_start3A_108 = arith.constant 49 : i32
      %dma_start3A_109 = arith.constant 0 : i32
      %dma_start3A_110 = tpu.memref_slice %arg7[%dma_start3A_108, %dma_start3A_109] : memref<50x80xi32, #tpu.memory_space<vmem>> -> memref<1x80xi32, #tpu.memory_space<vmem>>
      %dma_start3A_111 = tpu.memref_squeeze %dma_start3A_110 : memref<1x80xi32, #tpu.memory_space<vmem>> -> memref<80xi32, #tpu.memory_space<vmem>>
      %dma_start3A_112 = arith.constant 0 : i32
      %dma_start3A_113 = arith.constant 0 : i32
      %dma_start3A_114 = tpu.memref_slice %arg10[%dma_start3A_112, %dma_start3A_113] : memref<10240x128xf32, #tpu.memory_space<vmem_shared>> -> memref<10240x128xf32, #tpu.memory_space<vmem_shared>>
      tpu.enqueue_indirect_dma source(%arg9 : memref<80x128xf32, #tpu.memory_space<vmem>>) target(%dma_start3A_114 : memref<10240x128xf32, #tpu.memory_space<vmem_shared>>) offsets(%dma_start3A_111 : memref<80xi32, #tpu.memory_space<vmem>>) semaphore(%arg14 : memref<!tpu.dma_semaphore, #tpu.memory_space<semaphore_mem>>) {add = true}
      %dma_wait3A_115 = arith.constant 48 : i32
      %dma_wait3A_116 = arith.constant 0 : i32
      %dma_wait3A_117 = tpu.memref_slice %arg7[%dma_wait3A_115, %dma_wait3A_116] : memref<50x80xi32, #tpu.memory_space<vmem>> -> memref<1x80xi32, #tpu.memory_space<vmem>>
      %dma_wait3A_118 = tpu.memref_squeeze %dma_wait3A_117 : memref<1x80xi32, #tpu.memory_space<vmem>> -> memref<80xi32, #tpu.memory_space<vmem>>
      %dma_wait3A_119 = arith.constant 0 : i32
      %dma_wait3A_120 = arith.constant 0 : i32
      %dma_wait3A_121 = tpu.memref_slice %arg10[%dma_wait3A_119, %dma_wait3A_120] : memref<10240x128xf32, #tpu.memory_space<vmem_shared>> -> memref<10240x128xf32, #tpu.memory_space<vmem_shared>>
      tpu.wait_indirect_dma semaphore(%arg13 : memref<!tpu.dma_semaphore, #tpu.memory_space<semaphore_mem>>) src(%arg8 : memref<80x128xf32, #tpu.memory_space<vmem>>) dst(%dma_wait3A_121 : memref<10240x128xf32, #tpu.memory_space<vmem_shared>>)
      %dma_wait3A_122 = arith.constant 49 : i32
      %dma_wait3A_123 = arith.constant 0 : i32
      %dma_wait3A_124 = tpu.memref_slice %arg7[%dma_wait3A_122, %dma_wait3A_123] : memref<50x80xi32, #tpu.memory_space<vmem>> -> memref<1x80xi32, #tpu.memory_space<vmem>>
      %dma_wait3A_125 = tpu.memref_squeeze %dma_wait3A_124 : memref<1x80xi32, #tpu.memory_space<vmem>> -> memref<80xi32, #tpu.memory_space<vmem>>
      %dma_wait3A_126 = arith.constant 0 : i32
      %dma_wait3A_127 = arith.constant 0 : i32
      %dma_wait3A_128 = tpu.memref_slice %arg10[%dma_wait3A_126, %dma_wait3A_127] : memref<10240x128xf32, #tpu.memory_space<vmem_shared>> -> memref<10240x128xf32, #tpu.memory_space<vmem_shared>>
      tpu.wait_indirect_dma semaphore(%arg14 : memref<!tpu.dma_semaphore, #tpu.memory_space<semaphore_mem>>) src(%arg9 : memref<80x128xf32, #tpu.memory_space<vmem>>) dst(%dma_wait3A_128 : memref<10240x128xf32, #tpu.memory_space<vmem_shared>>)
    }
    %scan3A_33 = arith.constant 5 : i32
    %barrier3A_34 = arith.constant 0 : index
    tpu.barrier barrier_id(%barrier3A_34)
    %mul3A_35 = arith.constant 640 : i32
    %mul3A_36 = arith.muli %arg1, %mul3A_35 : i32
    %add3A_37 = arith.constant 0 : i32
    %add3A_38 = arith.addi %mul3A_36, %add3A_37 : i32
    "tpu.region"() ({
      %run_scoped3A = tpu.sem_alloc : memref<!tpu.dma_semaphore, #tpu.memory_space<semaphore_mem>>
      %dma_start3A = arith.constant 0 : i32
      %dma_start3A_67 = tpu.memref_slice %arg10[%add3A_38, %dma_start3A] : memref<10240x128xf32, #tpu.memory_space<vmem_shared>> -> memref<80x128xf32, #tpu.memory_space<vmem_shared>>
      %dma_start3A_68 = arith.constant 0 : i32
      %dma_start3A_69 = tpu.memref_slice %arg10[%add3A_38, %dma_start3A_68] : memref<10240x128xf32, #tpu.memory_space<vmem_shared>> -> memref<80x128xf32, #tpu.memory_space<vmem_shared>>
      tpu.enqueue_dma source(%dma_start3A_69 : memref<80x128xf32, #tpu.memory_space<vmem_shared>>) target(%arg8 : memref<80x128xf32, #tpu.memory_space<vmem>>) target_semaphore(%run_scoped3A : memref<!tpu.dma_semaphore, #tpu.memory_space<semaphore_mem>>)
      %dma_wait3A = arith.constant 0 : i32
      %dma_wait3A_70 = tpu.memref_slice %arg10[%add3A_38, %dma_wait3A] : memref<10240x128xf32, #tpu.memory_space<vmem_shared>> -> memref<80x128xf32, #tpu.memory_space<vmem_shared>>
      %dma_wait3A_71 = arith.constant 0 : i32
      %dma_wait3A_72 = tpu.memref_slice %arg10[%add3A_38, %dma_wait3A_71] : memref<10240x128xf32, #tpu.memory_space<vmem_shared>> -> memref<80x128xf32, #tpu.memory_space<vmem_shared>>
      tpu.wait_dma2 semaphore(%run_scoped3A : memref<!tpu.dma_semaphore, #tpu.memory_space<semaphore_mem>>) src(%dma_wait3A_72 : memref<80x128xf32, #tpu.memory_space<vmem_shared>>) dst(%arg8 : memref<80x128xf32, #tpu.memory_space<vmem>>)
      tpu.yield
    }) : () -> ()
    "tpu.region"() ({
      %run_scoped3A = tpu.sem_alloc : memref<!tpu.dma_semaphore, #tpu.memory_space<semaphore_mem>>
      %dma_start3A = arith.constant 0 : i32
      %dma_start3A_67 = tpu.memref_slice %arg5[%arg0, %add3A_38, %dma_start3A] : memref<2x10240x128xf32, #tpu.memory_space<hbm>> -> memref<1x80x128xf32, #tpu.memory_space<hbm>>
      %dma_start3A_68 = tpu.memref_squeeze %dma_start3A_67 : memref<1x80x128xf32, #tpu.memory_space<hbm>> -> memref<80x128xf32, #tpu.memory_space<hbm>>
      %dma_start3A_69 = arith.constant 0 : i32
      %dma_start3A_70 = tpu.memref_slice %arg5[%arg0, %add3A_38, %dma_start3A_69] : memref<2x10240x128xf32, #tpu.memory_space<hbm>> -> memref<1x80x128xf32, #tpu.memory_space<hbm>>
      %dma_start3A_71 = tpu.memref_squeeze %dma_start3A_70 : memref<1x80x128xf32, #tpu.memory_space<hbm>> -> memref<80x128xf32, #tpu.memory_space<hbm>>
      tpu.enqueue_dma source(%arg8 : memref<80x128xf32, #tpu.memory_space<vmem>>) target(%dma_start3A_71 : memref<80x128xf32, #tpu.memory_space<hbm>>) target_semaphore(%run_scoped3A : memref<!tpu.dma_semaphore, #tpu.memory_space<semaphore_mem>>)
      %dma_wait3A = arith.constant 0 : i32
      %dma_wait3A_72 = tpu.memref_slice %arg5[%arg0, %add3A_38, %dma_wait3A] : memref<2x10240x128xf32, #tpu.memory_space<hbm>> -> memref<1x80x128xf32, #tpu.memory_space<hbm>>
      %dma_wait3A_73 = tpu.memref_squeeze %dma_wait3A_72 : memref<1x80x128xf32, #tpu.memory_space<hbm>> -> memref<80x128xf32, #tpu.memory_space<hbm>>
      %dma_wait3A_74 = arith.constant 0 : i32
      %dma_wait3A_75 = tpu.memref_slice %arg5[%arg0, %add3A_38, %dma_wait3A_74] : memref<2x10240x128xf32, #tpu.memory_space<hbm>> -> memref<1x80x128xf32, #tpu.memory_space<hbm>>
      %dma_wait3A_76 = tpu.memref_squeeze %dma_wait3A_75 : memref<1x80x128xf32, #tpu.memory_space<hbm>> -> memref<80x128xf32, #tpu.memory_space<hbm>>
      tpu.wait_dma2 semaphore(%run_scoped3A : memref<!tpu.dma_semaphore, #tpu.memory_space<semaphore_mem>>) src(%arg8 : memref<80x128xf32, #tpu.memory_space<vmem>>) dst(%dma_wait3A_76 : memref<80x128xf32, #tpu.memory_space<hbm>>)
      tpu.yield
    }) : () -> ()
    %mul3A_39 = arith.constant 640 : i32
    %mul3A_40 = arith.muli %arg1, %mul3A_39 : i32
    %add3A_41 = arith.constant 80 : i32
    %add3A_42 = arith.addi %mul3A_40, %add3A_41 : i32
    "tpu.region"() ({
      %run_scoped3A = tpu.sem_alloc : memref<!tpu.dma_semaphore, #tpu.memory_space<semaphore_mem>>
      %dma_start3A = arith.constant 0 : i32
      %dma_start3A_67 = tpu.memref_slice %arg10[%add3A_42, %dma_start3A] : memref<10240x128xf32, #tpu.memory_space<vmem_shared>> -> memref<80x128xf32, #tpu.memory_space<vmem_shared>>
      %dma_start3A_68 = arith.constant 0 : i32
      %dma_start3A_69 = tpu.memref_slice %arg10[%add3A_42, %dma_start3A_68] : memref<10240x128xf32, #tpu.memory_space<vmem_shared>> -> memref<80x128xf32, #tpu.memory_space<vmem_shared>>
      tpu.enqueue_dma source(%dma_start3A_69 : memref<80x128xf32, #tpu.memory_space<vmem_shared>>) target(%arg8 : memref<80x128xf32, #tpu.memory_space<vmem>>) target_semaphore(%run_scoped3A : memref<!tpu.dma_semaphore, #tpu.memory_space<semaphore_mem>>)
      %dma_wait3A = arith.constant 0 : i32
      %dma_wait3A_70 = tpu.memref_slice %arg10[%add3A_42, %dma_wait3A] : memref<10240x128xf32, #tpu.memory_space<vmem_shared>> -> memref<80x128xf32, #tpu.memory_space<vmem_shared>>
      %dma_wait3A_71 = arith.constant 0 : i32
      %dma_wait3A_72 = tpu.memref_slice %arg10[%add3A_42, %dma_wait3A_71] : memref<10240x128xf32, #tpu.memory_space<vmem_shared>> -> memref<80x128xf32, #tpu.memory_space<vmem_shared>>
      tpu.wait_dma2 semaphore(%run_scoped3A : memref<!tpu.dma_semaphore, #tpu.memory_space<semaphore_mem>>) src(%dma_wait3A_72 : memref<80x128xf32, #tpu.memory_space<vmem_shared>>) dst(%arg8 : memref<80x128xf32, #tpu.memory_space<vmem>>)
      tpu.yield
    }) : () -> ()
    "tpu.region"() ({
      %run_scoped3A = tpu.sem_alloc : memref<!tpu.dma_semaphore, #tpu.memory_space<semaphore_mem>>
      %dma_start3A = arith.constant 0 : i32
      %dma_start3A_67 = tpu.memref_slice %arg5[%arg0, %add3A_42, %dma_start3A] : memref<2x10240x128xf32, #tpu.memory_space<hbm>> -> memref<1x80x128xf32, #tpu.memory_space<hbm>>
      %dma_start3A_68 = tpu.memref_squeeze %dma_start3A_67 : memref<1x80x128xf32, #tpu.memory_space<hbm>> -> memref<80x128xf32, #tpu.memory_space<hbm>>
      %dma_start3A_69 = arith.constant 0 : i32
      %dma_start3A_70 = tpu.memref_slice %arg5[%arg0, %add3A_42, %dma_start3A_69] : memref<2x10240x128xf32, #tpu.memory_space<hbm>> -> memref<1x80x128xf32, #tpu.memory_space<hbm>>
      %dma_start3A_71 = tpu.memref_squeeze %dma_start3A_70 : memref<1x80x128xf32, #tpu.memory_space<hbm>> -> memref<80x128xf32, #tpu.memory_space<hbm>>
      tpu.enqueue_dma source(%arg8 : memref<80x128xf32, #tpu.memory_space<vmem>>) target(%dma_start3A_71 : memref<80x128xf32, #tpu.memory_space<hbm>>) target_semaphore(%run_scoped3A : memref<!tpu.dma_semaphore, #tpu.memory_space<semaphore_mem>>)
      %dma_wait3A = arith.constant 0 : i32
      %dma_wait3A_72 = tpu.memref_slice %arg5[%arg0, %add3A_42, %dma_wait3A] : memref<2x10240x128xf32, #tpu.memory_space<hbm>> -> memref<1x80x128xf32, #tpu.memory_space<hbm>>
      %dma_wait3A_73 = tpu.memref_squeeze %dma_wait3A_72 : memref<1x80x128xf32, #tpu.memory_space<hbm>> -> memref<80x128xf32, #tpu.memory_space<hbm>>
      %dma_wait3A_74 = arith.constant 0 : i32
      %dma_wait3A_75 = tpu.memref_slice %arg5[%arg0, %add3A_42, %dma_wait3A_74] : memref<2x10240x128xf32, #tpu.memory_space<hbm>> -> memref<1x80x128xf32, #tpu.memory_space<hbm>>
      %dma_wait3A_76 = tpu.memref_squeeze %dma_wait3A_75 : memref<1x80x128xf32, #tpu.memory_space<hbm>> -> memref<80x128xf32, #tpu.memory_space<hbm>>
      tpu.wait_dma2 semaphore(%run_scoped3A : memref<!tpu.dma_semaphore, #tpu.memory_space<semaphore_mem>>) src(%arg8 : memref<80x128xf32, #tpu.memory_space<vmem>>) dst(%dma_wait3A_76 : memref<80x128xf32, #tpu.memory_space<hbm>>)
      tpu.yield
    }) : () -> ()
    %mul3A_43 = arith.constant 640 : i32
    %mul3A_44 = arith.muli %arg1, %mul3A_43 : i32
    %add3A_45 = arith.constant 160 : i32
    %add3A_46 = arith.addi %mul3A_44, %add3A_45 : i32
    "tpu.region"() ({
      %run_scoped3A = tpu.sem_alloc : memref<!tpu.dma_semaphore, #tpu.memory_space<semaphore_mem>>
      %dma_start3A = arith.constant 0 : i32
      %dma_start3A_67 = tpu.memref_slice %arg10[%add3A_46, %dma_start3A] : memref<10240x128xf32, #tpu.memory_space<vmem_shared>> -> memref<80x128xf32, #tpu.memory_space<vmem_shared>>
      %dma_start3A_68 = arith.constant 0 : i32
      %dma_start3A_69 = tpu.memref_slice %arg10[%add3A_46, %dma_start3A_68] : memref<10240x128xf32, #tpu.memory_space<vmem_shared>> -> memref<80x128xf32, #tpu.memory_space<vmem_shared>>
      tpu.enqueue_dma source(%dma_start3A_69 : memref<80x128xf32, #tpu.memory_space<vmem_shared>>) target(%arg8 : memref<80x128xf32, #tpu.memory_space<vmem>>) target_semaphore(%run_scoped3A : memref<!tpu.dma_semaphore, #tpu.memory_space<semaphore_mem>>)
      %dma_wait3A = arith.constant 0 : i32
      %dma_wait3A_70 = tpu.memref_slice %arg10[%add3A_46, %dma_wait3A] : memref<10240x128xf32, #tpu.memory_space<vmem_shared>> -> memref<80x128xf32, #tpu.memory_space<vmem_shared>>
      %dma_wait3A_71 = arith.constant 0 : i32
      %dma_wait3A_72 = tpu.memref_slice %arg10[%add3A_46, %dma_wait3A_71] : memref<10240x128xf32, #tpu.memory_space<vmem_shared>> -> memref<80x128xf32, #tpu.memory_space<vmem_shared>>
      tpu.wait_dma2 semaphore(%run_scoped3A : memref<!tpu.dma_semaphore, #tpu.memory_space<semaphore_mem>>) src(%dma_wait3A_72 : memref<80x128xf32, #tpu.memory_space<vmem_shared>>) dst(%arg8 : memref<80x128xf32, #tpu.memory_space<vmem>>)
      tpu.yield
    }) : () -> ()
    "tpu.region"() ({
      %run_scoped3A = tpu.sem_alloc : memref<!tpu.dma_semaphore, #tpu.memory_space<semaphore_mem>>
      %dma_start3A = arith.constant 0 : i32
      %dma_start3A_67 = tpu.memref_slice %arg5[%arg0, %add3A_46, %dma_start3A] : memref<2x10240x128xf32, #tpu.memory_space<hbm>> -> memref<1x80x128xf32, #tpu.memory_space<hbm>>
      %dma_start3A_68 = tpu.memref_squeeze %dma_start3A_67 : memref<1x80x128xf32, #tpu.memory_space<hbm>> -> memref<80x128xf32, #tpu.memory_space<hbm>>
      %dma_start3A_69 = arith.constant 0 : i32
      %dma_start3A_70 = tpu.memref_slice %arg5[%arg0, %add3A_46, %dma_start3A_69] : memref<2x10240x128xf32, #tpu.memory_space<hbm>> -> memref<1x80x128xf32, #tpu.memory_space<hbm>>
      %dma_start3A_71 = tpu.memref_squeeze %dma_start3A_70 : memref<1x80x128xf32, #tpu.memory_space<hbm>> -> memref<80x128xf32, #tpu.memory_space<hbm>>
      tpu.enqueue_dma source(%arg8 : memref<80x128xf32, #tpu.memory_space<vmem>>) target(%dma_start3A_71 : memref<80x128xf32, #tpu.memory_space<hbm>>) target_semaphore(%run_scoped3A : memref<!tpu.dma_semaphore, #tpu.memory_space<semaphore_mem>>)
      %dma_wait3A = arith.constant 0 : i32
      %dma_wait3A_72 = tpu.memref_slice %arg5[%arg0, %add3A_46, %dma_wait3A] : memref<2x10240x128xf32, #tpu.memory_space<hbm>> -> memref<1x80x128xf32, #tpu.memory_space<hbm>>
      %dma_wait3A_73 = tpu.memref_squeeze %dma_wait3A_72 : memref<1x80x128xf32, #tpu.memory_space<hbm>> -> memref<80x128xf32, #tpu.memory_space<hbm>>
      %dma_wait3A_74 = arith.constant 0 : i32
      %dma_wait3A_75 = tpu.memref_slice %arg5[%arg0, %add3A_46, %dma_wait3A_74] : memref<2x10240x128xf32, #tpu.memory_space<hbm>> -> memref<1x80x128xf32, #tpu.memory_space<hbm>>
      %dma_wait3A_76 = tpu.memref_squeeze %dma_wait3A_75 : memref<1x80x128xf32, #tpu.memory_space<hbm>> -> memref<80x128xf32, #tpu.memory_space<hbm>>
      tpu.wait_dma2 semaphore(%run_scoped3A : memref<!tpu.dma_semaphore, #tpu.memory_space<semaphore_mem>>) src(%arg8 : memref<80x128xf32, #tpu.memory_space<vmem>>) dst(%dma_wait3A_76 : memref<80x128xf32, #tpu.memory_space<hbm>>)
      tpu.yield
    }) : () -> ()
    %mul3A_47 = arith.constant 640 : i32
    %mul3A_48 = arith.muli %arg1, %mul3A_47 : i32
    %add3A_49 = arith.constant 240 : i32
    %add3A_50 = arith.addi %mul3A_48, %add3A_49 : i32
    "tpu.region"() ({
      %run_scoped3A = tpu.sem_alloc : memref<!tpu.dma_semaphore, #tpu.memory_space<semaphore_mem>>
      %dma_start3A = arith.constant 0 : i32
      %dma_start3A_67 = tpu.memref_slice %arg10[%add3A_50, %dma_start3A] : memref<10240x128xf32, #tpu.memory_space<vmem_shared>> -> memref<80x128xf32, #tpu.memory_space<vmem_shared>>
      %dma_start3A_68 = arith.constant 0 : i32
      %dma_start3A_69 = tpu.memref_slice %arg10[%add3A_50, %dma_start3A_68] : memref<10240x128xf32, #tpu.memory_space<vmem_shared>> -> memref<80x128xf32, #tpu.memory_space<vmem_shared>>
      tpu.enqueue_dma source(%dma_start3A_69 : memref<80x128xf32, #tpu.memory_space<vmem_shared>>) target(%arg8 : memref<80x128xf32, #tpu.memory_space<vmem>>) target_semaphore(%run_scoped3A : memref<!tpu.dma_semaphore, #tpu.memory_space<semaphore_mem>>)
      %dma_wait3A = arith.constant 0 : i32
      %dma_wait3A_70 = tpu.memref_slice %arg10[%add3A_50, %dma_wait3A] : memref<10240x128xf32, #tpu.memory_space<vmem_shared>> -> memref<80x128xf32, #tpu.memory_space<vmem_shared>>
      %dma_wait3A_71 = arith.constant 0 : i32
      %dma_wait3A_72 = tpu.memref_slice %arg10[%add3A_50, %dma_wait3A_71] : memref<10240x128xf32, #tpu.memory_space<vmem_shared>> -> memref<80x128xf32, #tpu.memory_space<vmem_shared>>
      tpu.wait_dma2 semaphore(%run_scoped3A : memref<!tpu.dma_semaphore, #tpu.memory_space<semaphore_mem>>) src(%dma_wait3A_72 : memref<80x128xf32, #tpu.memory_space<vmem_shared>>) dst(%arg8 : memref<80x128xf32, #tpu.memory_space<vmem>>)
      tpu.yield
    }) : () -> ()
    "tpu.region"() ({
      %run_scoped3A = tpu.sem_alloc : memref<!tpu.dma_semaphore, #tpu.memory_space<semaphore_mem>>
      %dma_start3A = arith.constant 0 : i32
      %dma_start3A_67 = tpu.memref_slice %arg5[%arg0, %add3A_50, %dma_start3A] : memref<2x10240x128xf32, #tpu.memory_space<hbm>> -> memref<1x80x128xf32, #tpu.memory_space<hbm>>
      %dma_start3A_68 = tpu.memref_squeeze %dma_start3A_67 : memref<1x80x128xf32, #tpu.memory_space<hbm>> -> memref<80x128xf32, #tpu.memory_space<hbm>>
      %dma_start3A_69 = arith.constant 0 : i32
      %dma_start3A_70 = tpu.memref_slice %arg5[%arg0, %add3A_50, %dma_start3A_69] : memref<2x10240x128xf32, #tpu.memory_space<hbm>> -> memref<1x80x128xf32, #tpu.memory_space<hbm>>
      %dma_start3A_71 = tpu.memref_squeeze %dma_start3A_70 : memref<1x80x128xf32, #tpu.memory_space<hbm>> -> memref<80x128xf32, #tpu.memory_space<hbm>>
      tpu.enqueue_dma source(%arg8 : memref<80x128xf32, #tpu.memory_space<vmem>>) target(%dma_start3A_71 : memref<80x128xf32, #tpu.memory_space<hbm>>) target_semaphore(%run_scoped3A : memref<!tpu.dma_semaphore, #tpu.memory_space<semaphore_mem>>)
      %dma_wait3A = arith.constant 0 : i32
      %dma_wait3A_72 = tpu.memref_slice %arg5[%arg0, %add3A_50, %dma_wait3A] : memref<2x10240x128xf32, #tpu.memory_space<hbm>> -> memref<1x80x128xf32, #tpu.memory_space<hbm>>
      %dma_wait3A_73 = tpu.memref_squeeze %dma_wait3A_72 : memref<1x80x128xf32, #tpu.memory_space<hbm>> -> memref<80x128xf32, #tpu.memory_space<hbm>>
      %dma_wait3A_74 = arith.constant 0 : i32
      %dma_wait3A_75 = tpu.memref_slice %arg5[%arg0, %add3A_50, %dma_wait3A_74] : memref<2x10240x128xf32, #tpu.memory_space<hbm>> -> memref<1x80x128xf32, #tpu.memory_space<hbm>>
      %dma_wait3A_76 = tpu.memref_squeeze %dma_wait3A_75 : memref<1x80x128xf32, #tpu.memory_space<hbm>> -> memref<80x128xf32, #tpu.memory_space<hbm>>
      tpu.wait_dma2 semaphore(%run_scoped3A : memref<!tpu.dma_semaphore, #tpu.memory_space<semaphore_mem>>) src(%arg8 : memref<80x128xf32, #tpu.memory_space<vmem>>) dst(%dma_wait3A_76 : memref<80x128xf32, #tpu.memory_space<hbm>>)
      tpu.yield
    }) : () -> ()
    %mul3A_51 = arith.constant 640 : i32
    %mul3A_52 = arith.muli %arg1, %mul3A_51 : i32
    %add3A_53 = arith.constant 320 : i32
    %add3A_54 = arith.addi %mul3A_52, %add3A_53 : i32
    "tpu.region"() ({
      %run_scoped3A = tpu.sem_alloc : memref<!tpu.dma_semaphore, #tpu.memory_space<semaphore_mem>>
      %dma_start3A = arith.constant 0 : i32
      %dma_start3A_67 = tpu.memref_slice %arg10[%add3A_54, %dma_start3A] : memref<10240x128xf32, #tpu.memory_space<vmem_shared>> -> memref<80x128xf32, #tpu.memory_space<vmem_shared>>
      %dma_start3A_68 = arith.constant 0 : i32
      %dma_start3A_69 = tpu.memref_slice %arg10[%add3A_54, %dma_start3A_68] : memref<10240x128xf32, #tpu.memory_space<vmem_shared>> -> memref<80x128xf32, #tpu.memory_space<vmem_shared>>
      tpu.enqueue_dma source(%dma_start3A_69 : memref<80x128xf32, #tpu.memory_space<vmem_shared>>) target(%arg8 : memref<80x128xf32, #tpu.memory_space<vmem>>) target_semaphore(%run_scoped3A : memref<!tpu.dma_semaphore, #tpu.memory_space<semaphore_mem>>)
      %dma_wait3A = arith.constant 0 : i32
      %dma_wait3A_70 = tpu.memref_slice %arg10[%add3A_54, %dma_wait3A] : memref<10240x128xf32, #tpu.memory_space<vmem_shared>> -> memref<80x128xf32, #tpu.memory_space<vmem_shared>>
      %dma_wait3A_71 = arith.constant 0 : i32
      %dma_wait3A_72 = tpu.memref_slice %arg10[%add3A_54, %dma_wait3A_71] : memref<10240x128xf32, #tpu.memory_space<vmem_shared>> -> memref<80x128xf32, #tpu.memory_space<vmem_shared>>
      tpu.wait_dma2 semaphore(%run_scoped3A : memref<!tpu.dma_semaphore, #tpu.memory_space<semaphore_mem>>) src(%dma_wait3A_72 : memref<80x128xf32, #tpu.memory_space<vmem_shared>>) dst(%arg8 : memref<80x128xf32, #tpu.memory_space<vmem>>)
      tpu.yield
    }) : () -> ()
    "tpu.region"() ({
      %run_scoped3A = tpu.sem_alloc : memref<!tpu.dma_semaphore, #tpu.memory_space<semaphore_mem>>
      %dma_start3A = arith.constant 0 : i32
      %dma_start3A_67 = tpu.memref_slice %arg5[%arg0, %add3A_54, %dma_start3A] : memref<2x10240x128xf32, #tpu.memory_space<hbm>> -> memref<1x80x128xf32, #tpu.memory_space<hbm>>
      %dma_start3A_68 = tpu.memref_squeeze %dma_start3A_67 : memref<1x80x128xf32, #tpu.memory_space<hbm>> -> memref<80x128xf32, #tpu.memory_space<hbm>>
      %dma_start3A_69 = arith.constant 0 : i32
      %dma_start3A_70 = tpu.memref_slice %arg5[%arg0, %add3A_54, %dma_start3A_69] : memref<2x10240x128xf32, #tpu.memory_space<hbm>> -> memref<1x80x128xf32, #tpu.memory_space<hbm>>
      %dma_start3A_71 = tpu.memref_squeeze %dma_start3A_70 : memref<1x80x128xf32, #tpu.memory_space<hbm>> -> memref<80x128xf32, #tpu.memory_space<hbm>>
      tpu.enqueue_dma source(%arg8 : memref<80x128xf32, #tpu.memory_space<vmem>>) target(%dma_start3A_71 : memref<80x128xf32, #tpu.memory_space<hbm>>) target_semaphore(%run_scoped3A : memref<!tpu.dma_semaphore, #tpu.memory_space<semaphore_mem>>)
      %dma_wait3A = arith.constant 0 : i32
      %dma_wait3A_72 = tpu.memref_slice %arg5[%arg0, %add3A_54, %dma_wait3A] : memref<2x10240x128xf32, #tpu.memory_space<hbm>> -> memref<1x80x128xf32, #tpu.memory_space<hbm>>
      %dma_wait3A_73 = tpu.memref_squeeze %dma_wait3A_72 : memref<1x80x128xf32, #tpu.memory_space<hbm>> -> memref<80x128xf32, #tpu.memory_space<hbm>>
      %dma_wait3A_74 = arith.constant 0 : i32
      %dma_wait3A_75 = tpu.memref_slice %arg5[%arg0, %add3A_54, %dma_wait3A_74] : memref<2x10240x128xf32, #tpu.memory_space<hbm>> -> memref<1x80x128xf32, #tpu.memory_space<hbm>>
      %dma_wait3A_76 = tpu.memref_squeeze %dma_wait3A_75 : memref<1x80x128xf32, #tpu.memory_space<hbm>> -> memref<80x128xf32, #tpu.memory_space<hbm>>
      tpu.wait_dma2 semaphore(%run_scoped3A : memref<!tpu.dma_semaphore, #tpu.memory_space<semaphore_mem>>) src(%arg8 : memref<80x128xf32, #tpu.memory_space<vmem>>) dst(%dma_wait3A_76 : memref<80x128xf32, #tpu.memory_space<hbm>>)
      tpu.yield
    }) : () -> ()
    %mul3A_55 = arith.constant 640 : i32
    %mul3A_56 = arith.muli %arg1, %mul3A_55 : i32
    %add3A_57 = arith.constant 400 : i32
    %add3A_58 = arith.addi %mul3A_56, %add3A_57 : i32
    "tpu.region"() ({
      %run_scoped3A = tpu.sem_alloc : memref<!tpu.dma_semaphore, #tpu.memory_space<semaphore_mem>>
      %dma_start3A = arith.constant 0 : i32
      %dma_start3A_67 = tpu.memref_slice %arg10[%add3A_58, %dma_start3A] : memref<10240x128xf32, #tpu.memory_space<vmem_shared>> -> memref<80x128xf32, #tpu.memory_space<vmem_shared>>
      %dma_start3A_68 = arith.constant 0 : i32
      %dma_start3A_69 = tpu.memref_slice %arg10[%add3A_58, %dma_start3A_68] : memref<10240x128xf32, #tpu.memory_space<vmem_shared>> -> memref<80x128xf32, #tpu.memory_space<vmem_shared>>
      tpu.enqueue_dma source(%dma_start3A_69 : memref<80x128xf32, #tpu.memory_space<vmem_shared>>) target(%arg8 : memref<80x128xf32, #tpu.memory_space<vmem>>) target_semaphore(%run_scoped3A : memref<!tpu.dma_semaphore, #tpu.memory_space<semaphore_mem>>)
      %dma_wait3A = arith.constant 0 : i32
      %dma_wait3A_70 = tpu.memref_slice %arg10[%add3A_58, %dma_wait3A] : memref<10240x128xf32, #tpu.memory_space<vmem_shared>> -> memref<80x128xf32, #tpu.memory_space<vmem_shared>>
      %dma_wait3A_71 = arith.constant 0 : i32
      %dma_wait3A_72 = tpu.memref_slice %arg10[%add3A_58, %dma_wait3A_71] : memref<10240x128xf32, #tpu.memory_space<vmem_shared>> -> memref<80x128xf32, #tpu.memory_space<vmem_shared>>
      tpu.wait_dma2 semaphore(%run_scoped3A : memref<!tpu.dma_semaphore, #tpu.memory_space<semaphore_mem>>) src(%dma_wait3A_72 : memref<80x128xf32, #tpu.memory_space<vmem_shared>>) dst(%arg8 : memref<80x128xf32, #tpu.memory_space<vmem>>)
      tpu.yield
    }) : () -> ()
    "tpu.region"() ({
      %run_scoped3A = tpu.sem_alloc : memref<!tpu.dma_semaphore, #tpu.memory_space<semaphore_mem>>
      %dma_start3A = arith.constant 0 : i32
      %dma_start3A_67 = tpu.memref_slice %arg5[%arg0, %add3A_58, %dma_start3A] : memref<2x10240x128xf32, #tpu.memory_space<hbm>> -> memref<1x80x128xf32, #tpu.memory_space<hbm>>
      %dma_start3A_68 = tpu.memref_squeeze %dma_start3A_67 : memref<1x80x128xf32, #tpu.memory_space<hbm>> -> memref<80x128xf32, #tpu.memory_space<hbm>>
      %dma_start3A_69 = arith.constant 0 : i32
      %dma_start3A_70 = tpu.memref_slice %arg5[%arg0, %add3A_58, %dma_start3A_69] : memref<2x10240x128xf32, #tpu.memory_space<hbm>> -> memref<1x80x128xf32, #tpu.memory_space<hbm>>
      %dma_start3A_71 = tpu.memref_squeeze %dma_start3A_70 : memref<1x80x128xf32, #tpu.memory_space<hbm>> -> memref<80x128xf32, #tpu.memory_space<hbm>>
      tpu.enqueue_dma source(%arg8 : memref<80x128xf32, #tpu.memory_space<vmem>>) target(%dma_start3A_71 : memref<80x128xf32, #tpu.memory_space<hbm>>) target_semaphore(%run_scoped3A : memref<!tpu.dma_semaphore, #tpu.memory_space<semaphore_mem>>)
      %dma_wait3A = arith.constant 0 : i32
      %dma_wait3A_72 = tpu.memref_slice %arg5[%arg0, %add3A_58, %dma_wait3A] : memref<2x10240x128xf32, #tpu.memory_space<hbm>> -> memref<1x80x128xf32, #tpu.memory_space<hbm>>
      %dma_wait3A_73 = tpu.memref_squeeze %dma_wait3A_72 : memref<1x80x128xf32, #tpu.memory_space<hbm>> -> memref<80x128xf32, #tpu.memory_space<hbm>>
      %dma_wait3A_74 = arith.constant 0 : i32
      %dma_wait3A_75 = tpu.memref_slice %arg5[%arg0, %add3A_58, %dma_wait3A_74] : memref<2x10240x128xf32, #tpu.memory_space<hbm>> -> memref<1x80x128xf32, #tpu.memory_space<hbm>>
      %dma_wait3A_76 = tpu.memref_squeeze %dma_wait3A_75 : memref<1x80x128xf32, #tpu.memory_space<hbm>> -> memref<80x128xf32, #tpu.memory_space<hbm>>
      tpu.wait_dma2 semaphore(%run_scoped3A : memref<!tpu.dma_semaphore, #tpu.memory_space<semaphore_mem>>) src(%arg8 : memref<80x128xf32, #tpu.memory_space<vmem>>) dst(%dma_wait3A_76 : memref<80x128xf32, #tpu.memory_space<hbm>>)
      tpu.yield
    }) : () -> ()
    %mul3A_59 = arith.constant 640 : i32
    %mul3A_60 = arith.muli %arg1, %mul3A_59 : i32
    %add3A_61 = arith.constant 480 : i32
    %add3A_62 = arith.addi %mul3A_60, %add3A_61 : i32
    "tpu.region"() ({
      %run_scoped3A = tpu.sem_alloc : memref<!tpu.dma_semaphore, #tpu.memory_space<semaphore_mem>>
      %dma_start3A = arith.constant 0 : i32
      %dma_start3A_67 = tpu.memref_slice %arg10[%add3A_62, %dma_start3A] : memref<10240x128xf32, #tpu.memory_space<vmem_shared>> -> memref<80x128xf32, #tpu.memory_space<vmem_shared>>
      %dma_start3A_68 = arith.constant 0 : i32
      %dma_start3A_69 = tpu.memref_slice %arg10[%add3A_62, %dma_start3A_68] : memref<10240x128xf32, #tpu.memory_space<vmem_shared>> -> memref<80x128xf32, #tpu.memory_space<vmem_shared>>
      tpu.enqueue_dma source(%dma_start3A_69 : memref<80x128xf32, #tpu.memory_space<vmem_shared>>) target(%arg8 : memref<80x128xf32, #tpu.memory_space<vmem>>) target_semaphore(%run_scoped3A : memref<!tpu.dma_semaphore, #tpu.memory_space<semaphore_mem>>)
      %dma_wait3A = arith.constant 0 : i32
      %dma_wait3A_70 = tpu.memref_slice %arg10[%add3A_62, %dma_wait3A] : memref<10240x128xf32, #tpu.memory_space<vmem_shared>> -> memref<80x128xf32, #tpu.memory_space<vmem_shared>>
      %dma_wait3A_71 = arith.constant 0 : i32
      %dma_wait3A_72 = tpu.memref_slice %arg10[%add3A_62, %dma_wait3A_71] : memref<10240x128xf32, #tpu.memory_space<vmem_shared>> -> memref<80x128xf32, #tpu.memory_space<vmem_shared>>
      tpu.wait_dma2 semaphore(%run_scoped3A : memref<!tpu.dma_semaphore, #tpu.memory_space<semaphore_mem>>) src(%dma_wait3A_72 : memref<80x128xf32, #tpu.memory_space<vmem_shared>>) dst(%arg8 : memref<80x128xf32, #tpu.memory_space<vmem>>)
      tpu.yield
    }) : () -> ()
    "tpu.region"() ({
      %run_scoped3A = tpu.sem_alloc : memref<!tpu.dma_semaphore, #tpu.memory_space<semaphore_mem>>
      %dma_start3A = arith.constant 0 : i32
      %dma_start3A_67 = tpu.memref_slice %arg5[%arg0, %add3A_62, %dma_start3A] : memref<2x10240x128xf32, #tpu.memory_space<hbm>> -> memref<1x80x128xf32, #tpu.memory_space<hbm>>
      %dma_start3A_68 = tpu.memref_squeeze %dma_start3A_67 : memref<1x80x128xf32, #tpu.memory_space<hbm>> -> memref<80x128xf32, #tpu.memory_space<hbm>>
      %dma_start3A_69 = arith.constant 0 : i32
      %dma_start3A_70 = tpu.memref_slice %arg5[%arg0, %add3A_62, %dma_start3A_69] : memref<2x10240x128xf32, #tpu.memory_space<hbm>> -> memref<1x80x128xf32, #tpu.memory_space<hbm>>
      %dma_start3A_71 = tpu.memref_squeeze %dma_start3A_70 : memref<1x80x128xf32, #tpu.memory_space<hbm>> -> memref<80x128xf32, #tpu.memory_space<hbm>>
      tpu.enqueue_dma source(%arg8 : memref<80x128xf32, #tpu.memory_space<vmem>>) target(%dma_start3A_71 : memref<80x128xf32, #tpu.memory_space<hbm>>) target_semaphore(%run_scoped3A : memref<!tpu.dma_semaphore, #tpu.memory_space<semaphore_mem>>)
      %dma_wait3A = arith.constant 0 : i32
      %dma_wait3A_72 = tpu.memref_slice %arg5[%arg0, %add3A_62, %dma_wait3A] : memref<2x10240x128xf32, #tpu.memory_space<hbm>> -> memref<1x80x128xf32, #tpu.memory_space<hbm>>
      %dma_wait3A_73 = tpu.memref_squeeze %dma_wait3A_72 : memref<1x80x128xf32, #tpu.memory_space<hbm>> -> memref<80x128xf32, #tpu.memory_space<hbm>>
      %dma_wait3A_74 = arith.constant 0 : i32
      %dma_wait3A_75 = tpu.memref_slice %arg5[%arg0, %add3A_62, %dma_wait3A_74] : memref<2x10240x128xf32, #tpu.memory_space<hbm>> -> memref<1x80x128xf32, #tpu.memory_space<hbm>>
      %dma_wait3A_76 = tpu.memref_squeeze %dma_wait3A_75 : memref<1x80x128xf32, #tpu.memory_space<hbm>> -> memref<80x128xf32, #tpu.memory_space<hbm>>
      tpu.wait_dma2 semaphore(%run_scoped3A : memref<!tpu.dma_semaphore, #tpu.memory_space<semaphore_mem>>) src(%arg8 : memref<80x128xf32, #tpu.memory_space<vmem>>) dst(%dma_wait3A_76 : memref<80x128xf32, #tpu.memory_space<hbm>>)
      tpu.yield
    }) : () -> ()
    %mul3A_63 = arith.constant 640 : i32
    %mul3A_64 = arith.muli %arg1, %mul3A_63 : i32
    %add3A_65 = arith.constant 560 : i32
    %add3A_66 = arith.addi %mul3A_64, %add3A_65 : i32
    "tpu.region"() ({
      %run_scoped3A = tpu.sem_alloc : memref<!tpu.dma_semaphore, #tpu.memory_space<semaphore_mem>>
      %dma_start3A = arith.constant 0 : i32
      %dma_start3A_67 = tpu.memref_slice %arg10[%add3A_66, %dma_start3A] : memref<10240x128xf32, #tpu.memory_space<vmem_shared>> -> memref<80x128xf32, #tpu.memory_space<vmem_shared>>
      %dma_start3A_68 = arith.constant 0 : i32
      %dma_start3A_69 = tpu.memref_slice %arg10[%add3A_66, %dma_start3A_68] : memref<10240x128xf32, #tpu.memory_space<vmem_shared>> -> memref<80x128xf32, #tpu.memory_space<vmem_shared>>
      tpu.enqueue_dma source(%dma_start3A_69 : memref<80x128xf32, #tpu.memory_space<vmem_shared>>) target(%arg8 : memref<80x128xf32, #tpu.memory_space<vmem>>) target_semaphore(%run_scoped3A : memref<!tpu.dma_semaphore, #tpu.memory_space<semaphore_mem>>)
      %dma_wait3A = arith.constant 0 : i32
      %dma_wait3A_70 = tpu.memref_slice %arg10[%add3A_66, %dma_wait3A] : memref<10240x128xf32, #tpu.memory_space<vmem_shared>> -> memref<80x128xf32, #tpu.memory_space<vmem_shared>>
      %dma_wait3A_71 = arith.constant 0 : i32
      %dma_wait3A_72 = tpu.memref_slice %arg10[%add3A_66, %dma_wait3A_71] : memref<10240x128xf32, #tpu.memory_space<vmem_shared>> -> memref<80x128xf32, #tpu.memory_space<vmem_shared>>
      tpu.wait_dma2 semaphore(%run_scoped3A : memref<!tpu.dma_semaphore, #tpu.memory_space<semaphore_mem>>) src(%dma_wait3A_72 : memref<80x128xf32, #tpu.memory_space<vmem_shared>>) dst(%arg8 : memref<80x128xf32, #tpu.memory_space<vmem>>)
      tpu.yield
    }) : () -> ()
    "tpu.region"() ({
      %run_scoped3A = tpu.sem_alloc : memref<!tpu.dma_semaphore, #tpu.memory_space<semaphore_mem>>
      %dma_start3A = arith.constant 0 : i32
      %dma_start3A_67 = tpu.memref_slice %arg5[%arg0, %add3A_66, %dma_start3A] : memref<2x10240x128xf32, #tpu.memory_space<hbm>> -> memref<1x80x128xf32, #tpu.memory_space<hbm>>
      %dma_start3A_68 = tpu.memref_squeeze %dma_start3A_67 : memref<1x80x128xf32, #tpu.memory_space<hbm>> -> memref<80x128xf32, #tpu.memory_space<hbm>>
      %dma_start3A_69 = arith.constant 0 : i32
      %dma_start3A_70 = tpu.memref_slice %arg5[%arg0, %add3A_66, %dma_start3A_69] : memref<2x10240x128xf32, #tpu.memory_space<hbm>> -> memref<1x80x128xf32, #tpu.memory_space<hbm>>
      %dma_start3A_71 = tpu.memref_squeeze %dma_start3A_70 : memref<1x80x128xf32, #tpu.memory_space<hbm>> -> memref<80x128xf32, #tpu.memory_space<hbm>>
      tpu.enqueue_dma source(%arg8 : memref<80x128xf32, #tpu.memory_space<vmem>>) target(%dma_start3A_71 : memref<80x128xf32, #tpu.memory_space<hbm>>) target_semaphore(%run_scoped3A : memref<!tpu.dma_semaphore, #tpu.memory_space<semaphore_mem>>)
      %dma_wait3A = arith.constant 0 : i32
      %dma_wait3A_72 = tpu.memref_slice %arg5[%arg0, %add3A_66, %dma_wait3A] : memref<2x10240x128xf32, #tpu.memory_space<hbm>> -> memref<1x80x128xf32, #tpu.memory_space<hbm>>
      %dma_wait3A_73 = tpu.memref_squeeze %dma_wait3A_72 : memref<1x80x128xf32, #tpu.memory_space<hbm>> -> memref<80x128xf32, #tpu.memory_space<hbm>>
      %dma_wait3A_74 = arith.constant 0 : i32
      %dma_wait3A_75 = tpu.memref_slice %arg5[%arg0, %add3A_66, %dma_wait3A_74] : memref<2x10240x128xf32, #tpu.memory_space<hbm>> -> memref<1x80x128xf32, #tpu.memory_space<hbm>>
      %dma_wait3A_76 = tpu.memref_squeeze %dma_wait3A_75 : memref<1x80x128xf32, #tpu.memory_space<hbm>> -> memref<80x128xf32, #tpu.memory_space<hbm>>
      tpu.wait_dma2 semaphore(%run_scoped3A : memref<!tpu.dma_semaphore, #tpu.memory_space<semaphore_mem>>) src(%arg8 : memref<80x128xf32, #tpu.memory_space<vmem>>) dst(%dma_wait3A_76 : memref<80x128xf32, #tpu.memory_space<hbm>>)
      tpu.yield
    }) : () -> ()
    return
  }
}

#map = affine_map<(d0, d1) -> (0, 0, 0, 0, 0)>
#map1 = affine_map<(d0, d1) -> (0, 0)>
#map2 = affine_map<(d0, d1) -> (0, 0, 0)>
module attributes {stable_mosaic.version = 14 : i64} {
  func.func @_sc_deg_body(%arg0: i32, %arg1: i32, %arg2: memref<2x16x5x50x80xi32, #tpu.memory_space<hbm>>, %arg3: memref<80x128xf32, #tpu.memory_space<hbm>>, %arg4: memref<80x128xf32, #tpu.memory_space<hbm>>, %arg5: memref<2x10240x128xf32, #tpu.memory_space<hbm>>, %arg6: memref<50x80xi32, #tpu.memory_space<vmem>>, %arg7: memref<80x128xf32, #tpu.memory_space<vmem>>, %arg8: memref<80x128xf32, #tpu.memory_space<vmem>>, %arg9: memref<10240x128xf32, #tpu.memory_space<vmem_shared>>) attributes {dimension_semantics = [#tpu.dimension_semantics<core_parallel>, #tpu.dimension_semantics<subcore_parallel>], iteration_bounds = array<i64: 2, 16>, scalar_prefetch = 0 : i64, scratch_operands = 4 : i64, tpu.core_type = #tpu.core_type<sc_vector_subcore>, window_params = [{transform_indices = #map}, {transform_indices = #map1}, {transform_indices = #map1}, {transform_indices = #map2}]} {
    "tpu.region"() ({
      %run_scoped3A = tpu.sem_alloc : memref<!tpu.dma_semaphore, #tpu.memory_space<semaphore_mem>>
      tpu.enqueue_dma source(%arg4 : memref<80x128xf32, #tpu.memory_space<hbm>>) target(%arg7 : memref<80x128xf32, #tpu.memory_space<vmem>>) target_semaphore(%run_scoped3A : memref<!tpu.dma_semaphore, #tpu.memory_space<semaphore_mem>>)
      tpu.wait_dma2 semaphore(%run_scoped3A : memref<!tpu.dma_semaphore, #tpu.memory_space<semaphore_mem>>) src(%arg4 : memref<80x128xf32, #tpu.memory_space<hbm>>) dst(%arg7 : memref<80x128xf32, #tpu.memory_space<vmem>>)
      tpu.yield
    }) : () -> ()
    "tpu.region"() ({
      %run_scoped3A = tpu.sem_alloc : memref<!tpu.dma_semaphore, #tpu.memory_space<semaphore_mem>>
      tpu.enqueue_dma source(%arg3 : memref<80x128xf32, #tpu.memory_space<hbm>>) target(%arg8 : memref<80x128xf32, #tpu.memory_space<vmem>>) target_semaphore(%run_scoped3A : memref<!tpu.dma_semaphore, #tpu.memory_space<semaphore_mem>>)
      tpu.wait_dma2 semaphore(%run_scoped3A : memref<!tpu.dma_semaphore, #tpu.memory_space<semaphore_mem>>) src(%arg3 : memref<80x128xf32, #tpu.memory_space<hbm>>) dst(%arg8 : memref<80x128xf32, #tpu.memory_space<vmem>>)
      tpu.yield
    }) : () -> ()
    %mul3A = arith.constant 640 : i32
    %mul3A_0 = arith.muli %arg1, %mul3A : i32
    %add3A = arith.constant 0 : i32
    %add3A_1 = arith.addi %mul3A_0, %add3A : i32
    "tpu.region"() ({
      %run_scoped3A = tpu.sem_alloc : memref<!tpu.dma_semaphore, #tpu.memory_space<semaphore_mem>>
      %dma_start3A = arith.constant 0 : i32
      %dma_start3A_67 = tpu.memref_slice %arg9[%add3A_1, %dma_start3A] : memref<10240x128xf32, #tpu.memory_space<vmem_shared>> -> memref<80x128xf32, #tpu.memory_space<vmem_shared>>
      %dma_start3A_68 = arith.constant 0 : i32
      %dma_start3A_69 = tpu.memref_slice %arg9[%add3A_1, %dma_start3A_68] : memref<10240x128xf32, #tpu.memory_space<vmem_shared>> -> memref<80x128xf32, #tpu.memory_space<vmem_shared>>
      tpu.enqueue_dma source(%arg8 : memref<80x128xf32, #tpu.memory_space<vmem>>) target(%dma_start3A_69 : memref<80x128xf32, #tpu.memory_space<vmem_shared>>) target_semaphore(%run_scoped3A : memref<!tpu.dma_semaphore, #tpu.memory_space<semaphore_mem>>)
      %dma_wait3A = arith.constant 0 : i32
      %dma_wait3A_70 = tpu.memref_slice %arg9[%add3A_1, %dma_wait3A] : memref<10240x128xf32, #tpu.memory_space<vmem_shared>> -> memref<80x128xf32, #tpu.memory_space<vmem_shared>>
      %dma_wait3A_71 = arith.constant 0 : i32
      %dma_wait3A_72 = tpu.memref_slice %arg9[%add3A_1, %dma_wait3A_71] : memref<10240x128xf32, #tpu.memory_space<vmem_shared>> -> memref<80x128xf32, #tpu.memory_space<vmem_shared>>
      tpu.wait_dma2 semaphore(%run_scoped3A : memref<!tpu.dma_semaphore, #tpu.memory_space<semaphore_mem>>) src(%arg8 : memref<80x128xf32, #tpu.memory_space<vmem>>) dst(%dma_wait3A_72 : memref<80x128xf32, #tpu.memory_space<vmem_shared>>)
      tpu.yield
    }) : () -> ()
    %mul3A_2 = arith.constant 640 : i32
    %mul3A_3 = arith.muli %arg1, %mul3A_2 : i32
    %add3A_4 = arith.constant 80 : i32
    %add3A_5 = arith.addi %mul3A_3, %add3A_4 : i32
    "tpu.region"() ({
      %run_scoped3A = tpu.sem_alloc : memref<!tpu.dma_semaphore, #tpu.memory_space<semaphore_mem>>
      %dma_start3A = arith.constant 0 : i32
      %dma_start3A_67 = tpu.memref_slice %arg9[%add3A_5, %dma_start3A] : memref<10240x128xf32, #tpu.memory_space<vmem_shared>> -> memref<80x128xf32, #tpu.memory_space<vmem_shared>>
      %dma_start3A_68 = arith.constant 0 : i32
      %dma_start3A_69 = tpu.memref_slice %arg9[%add3A_5, %dma_start3A_68] : memref<10240x128xf32, #tpu.memory_space<vmem_shared>> -> memref<80x128xf32, #tpu.memory_space<vmem_shared>>
      tpu.enqueue_dma source(%arg8 : memref<80x128xf32, #tpu.memory_space<vmem>>) target(%dma_start3A_69 : memref<80x128xf32, #tpu.memory_space<vmem_shared>>) target_semaphore(%run_scoped3A : memref<!tpu.dma_semaphore, #tpu.memory_space<semaphore_mem>>)
      %dma_wait3A = arith.constant 0 : i32
      %dma_wait3A_70 = tpu.memref_slice %arg9[%add3A_5, %dma_wait3A] : memref<10240x128xf32, #tpu.memory_space<vmem_shared>> -> memref<80x128xf32, #tpu.memory_space<vmem_shared>>
      %dma_wait3A_71 = arith.constant 0 : i32
      %dma_wait3A_72 = tpu.memref_slice %arg9[%add3A_5, %dma_wait3A_71] : memref<10240x128xf32, #tpu.memory_space<vmem_shared>> -> memref<80x128xf32, #tpu.memory_space<vmem_shared>>
      tpu.wait_dma2 semaphore(%run_scoped3A : memref<!tpu.dma_semaphore, #tpu.memory_space<semaphore_mem>>) src(%arg8 : memref<80x128xf32, #tpu.memory_space<vmem>>) dst(%dma_wait3A_72 : memref<80x128xf32, #tpu.memory_space<vmem_shared>>)
      tpu.yield
    }) : () -> ()
    %mul3A_6 = arith.constant 640 : i32
    %mul3A_7 = arith.muli %arg1, %mul3A_6 : i32
    %add3A_8 = arith.constant 160 : i32
    %add3A_9 = arith.addi %mul3A_7, %add3A_8 : i32
    "tpu.region"() ({
      %run_scoped3A = tpu.sem_alloc : memref<!tpu.dma_semaphore, #tpu.memory_space<semaphore_mem>>
      %dma_start3A = arith.constant 0 : i32
      %dma_start3A_67 = tpu.memref_slice %arg9[%add3A_9, %dma_start3A] : memref<10240x128xf32, #tpu.memory_space<vmem_shared>> -> memref<80x128xf32, #tpu.memory_space<vmem_shared>>
      %dma_start3A_68 = arith.constant 0 : i32
      %dma_start3A_69 = tpu.memref_slice %arg9[%add3A_9, %dma_start3A_68] : memref<10240x128xf32, #tpu.memory_space<vmem_shared>> -> memref<80x128xf32, #tpu.memory_space<vmem_shared>>
      tpu.enqueue_dma source(%arg8 : memref<80x128xf32, #tpu.memory_space<vmem>>) target(%dma_start3A_69 : memref<80x128xf32, #tpu.memory_space<vmem_shared>>) target_semaphore(%run_scoped3A : memref<!tpu.dma_semaphore, #tpu.memory_space<semaphore_mem>>)
      %dma_wait3A = arith.constant 0 : i32
      %dma_wait3A_70 = tpu.memref_slice %arg9[%add3A_9, %dma_wait3A] : memref<10240x128xf32, #tpu.memory_space<vmem_shared>> -> memref<80x128xf32, #tpu.memory_space<vmem_shared>>
      %dma_wait3A_71 = arith.constant 0 : i32
      %dma_wait3A_72 = tpu.memref_slice %arg9[%add3A_9, %dma_wait3A_71] : memref<10240x128xf32, #tpu.memory_space<vmem_shared>> -> memref<80x128xf32, #tpu.memory_space<vmem_shared>>
      tpu.wait_dma2 semaphore(%run_scoped3A : memref<!tpu.dma_semaphore, #tpu.memory_space<semaphore_mem>>) src(%arg8 : memref<80x128xf32, #tpu.memory_space<vmem>>) dst(%dma_wait3A_72 : memref<80x128xf32, #tpu.memory_space<vmem_shared>>)
      tpu.yield
    }) : () -> ()
    %mul3A_10 = arith.constant 640 : i32
    %mul3A_11 = arith.muli %arg1, %mul3A_10 : i32
    %add3A_12 = arith.constant 240 : i32
    %add3A_13 = arith.addi %mul3A_11, %add3A_12 : i32
    "tpu.region"() ({
      %run_scoped3A = tpu.sem_alloc : memref<!tpu.dma_semaphore, #tpu.memory_space<semaphore_mem>>
      %dma_start3A = arith.constant 0 : i32
      %dma_start3A_67 = tpu.memref_slice %arg9[%add3A_13, %dma_start3A] : memref<10240x128xf32, #tpu.memory_space<vmem_shared>> -> memref<80x128xf32, #tpu.memory_space<vmem_shared>>
      %dma_start3A_68 = arith.constant 0 : i32
      %dma_start3A_69 = tpu.memref_slice %arg9[%add3A_13, %dma_start3A_68] : memref<10240x128xf32, #tpu.memory_space<vmem_shared>> -> memref<80x128xf32, #tpu.memory_space<vmem_shared>>
      tpu.enqueue_dma source(%arg8 : memref<80x128xf32, #tpu.memory_space<vmem>>) target(%dma_start3A_69 : memref<80x128xf32, #tpu.memory_space<vmem_shared>>) target_semaphore(%run_scoped3A : memref<!tpu.dma_semaphore, #tpu.memory_space<semaphore_mem>>)
      %dma_wait3A = arith.constant 0 : i32
      %dma_wait3A_70 = tpu.memref_slice %arg9[%add3A_13, %dma_wait3A] : memref<10240x128xf32, #tpu.memory_space<vmem_shared>> -> memref<80x128xf32, #tpu.memory_space<vmem_shared>>
      %dma_wait3A_71 = arith.constant 0 : i32
      %dma_wait3A_72 = tpu.memref_slice %arg9[%add3A_13, %dma_wait3A_71] : memref<10240x128xf32, #tpu.memory_space<vmem_shared>> -> memref<80x128xf32, #tpu.memory_space<vmem_shared>>
      tpu.wait_dma2 semaphore(%run_scoped3A : memref<!tpu.dma_semaphore, #tpu.memory_space<semaphore_mem>>) src(%arg8 : memref<80x128xf32, #tpu.memory_space<vmem>>) dst(%dma_wait3A_72 : memref<80x128xf32, #tpu.memory_space<vmem_shared>>)
      tpu.yield
    }) : () -> ()
    %mul3A_14 = arith.constant 640 : i32
    %mul3A_15 = arith.muli %arg1, %mul3A_14 : i32
    %add3A_16 = arith.constant 320 : i32
    %add3A_17 = arith.addi %mul3A_15, %add3A_16 : i32
    "tpu.region"() ({
      %run_scoped3A = tpu.sem_alloc : memref<!tpu.dma_semaphore, #tpu.memory_space<semaphore_mem>>
      %dma_start3A = arith.constant 0 : i32
      %dma_start3A_67 = tpu.memref_slice %arg9[%add3A_17, %dma_start3A] : memref<10240x128xf32, #tpu.memory_space<vmem_shared>> -> memref<80x128xf32, #tpu.memory_space<vmem_shared>>
      %dma_start3A_68 = arith.constant 0 : i32
      %dma_start3A_69 = tpu.memref_slice %arg9[%add3A_17, %dma_start3A_68] : memref<10240x128xf32, #tpu.memory_space<vmem_shared>> -> memref<80x128xf32, #tpu.memory_space<vmem_shared>>
      tpu.enqueue_dma source(%arg8 : memref<80x128xf32, #tpu.memory_space<vmem>>) target(%dma_start3A_69 : memref<80x128xf32, #tpu.memory_space<vmem_shared>>) target_semaphore(%run_scoped3A : memref<!tpu.dma_semaphore, #tpu.memory_space<semaphore_mem>>)
      %dma_wait3A = arith.constant 0 : i32
      %dma_wait3A_70 = tpu.memref_slice %arg9[%add3A_17, %dma_wait3A] : memref<10240x128xf32, #tpu.memory_space<vmem_shared>> -> memref<80x128xf32, #tpu.memory_space<vmem_shared>>
      %dma_wait3A_71 = arith.constant 0 : i32
      %dma_wait3A_72 = tpu.memref_slice %arg9[%add3A_17, %dma_wait3A_71] : memref<10240x128xf32, #tpu.memory_space<vmem_shared>> -> memref<80x128xf32, #tpu.memory_space<vmem_shared>>
      tpu.wait_dma2 semaphore(%run_scoped3A : memref<!tpu.dma_semaphore, #tpu.memory_space<semaphore_mem>>) src(%arg8 : memref<80x128xf32, #tpu.memory_space<vmem>>) dst(%dma_wait3A_72 : memref<80x128xf32, #tpu.memory_space<vmem_shared>>)
      tpu.yield
    }) : () -> ()
    %mul3A_18 = arith.constant 640 : i32
    %mul3A_19 = arith.muli %arg1, %mul3A_18 : i32
    %add3A_20 = arith.constant 400 : i32
    %add3A_21 = arith.addi %mul3A_19, %add3A_20 : i32
    "tpu.region"() ({
      %run_scoped3A = tpu.sem_alloc : memref<!tpu.dma_semaphore, #tpu.memory_space<semaphore_mem>>
      %dma_start3A = arith.constant 0 : i32
      %dma_start3A_67 = tpu.memref_slice %arg9[%add3A_21, %dma_start3A] : memref<10240x128xf32, #tpu.memory_space<vmem_shared>> -> memref<80x128xf32, #tpu.memory_space<vmem_shared>>
      %dma_start3A_68 = arith.constant 0 : i32
      %dma_start3A_69 = tpu.memref_slice %arg9[%add3A_21, %dma_start3A_68] : memref<10240x128xf32, #tpu.memory_space<vmem_shared>> -> memref<80x128xf32, #tpu.memory_space<vmem_shared>>
      tpu.enqueue_dma source(%arg8 : memref<80x128xf32, #tpu.memory_space<vmem>>) target(%dma_start3A_69 : memref<80x128xf32, #tpu.memory_space<vmem_shared>>) target_semaphore(%run_scoped3A : memref<!tpu.dma_semaphore, #tpu.memory_space<semaphore_mem>>)
      %dma_wait3A = arith.constant 0 : i32
      %dma_wait3A_70 = tpu.memref_slice %arg9[%add3A_21, %dma_wait3A] : memref<10240x128xf32, #tpu.memory_space<vmem_shared>> -> memref<80x128xf32, #tpu.memory_space<vmem_shared>>
      %dma_wait3A_71 = arith.constant 0 : i32
      %dma_wait3A_72 = tpu.memref_slice %arg9[%add3A_21, %dma_wait3A_71] : memref<10240x128xf32, #tpu.memory_space<vmem_shared>> -> memref<80x128xf32, #tpu.memory_space<vmem_shared>>
      tpu.wait_dma2 semaphore(%run_scoped3A : memref<!tpu.dma_semaphore, #tpu.memory_space<semaphore_mem>>) src(%arg8 : memref<80x128xf32, #tpu.memory_space<vmem>>) dst(%dma_wait3A_72 : memref<80x128xf32, #tpu.memory_space<vmem_shared>>)
      tpu.yield
    }) : () -> ()
    %mul3A_22 = arith.constant 640 : i32
    %mul3A_23 = arith.muli %arg1, %mul3A_22 : i32
    %add3A_24 = arith.constant 480 : i32
    %add3A_25 = arith.addi %mul3A_23, %add3A_24 : i32
    "tpu.region"() ({
      %run_scoped3A = tpu.sem_alloc : memref<!tpu.dma_semaphore, #tpu.memory_space<semaphore_mem>>
      %dma_start3A = arith.constant 0 : i32
      %dma_start3A_67 = tpu.memref_slice %arg9[%add3A_25, %dma_start3A] : memref<10240x128xf32, #tpu.memory_space<vmem_shared>> -> memref<80x128xf32, #tpu.memory_space<vmem_shared>>
      %dma_start3A_68 = arith.constant 0 : i32
      %dma_start3A_69 = tpu.memref_slice %arg9[%add3A_25, %dma_start3A_68] : memref<10240x128xf32, #tpu.memory_space<vmem_shared>> -> memref<80x128xf32, #tpu.memory_space<vmem_shared>>
      tpu.enqueue_dma source(%arg8 : memref<80x128xf32, #tpu.memory_space<vmem>>) target(%dma_start3A_69 : memref<80x128xf32, #tpu.memory_space<vmem_shared>>) target_semaphore(%run_scoped3A : memref<!tpu.dma_semaphore, #tpu.memory_space<semaphore_mem>>)
      %dma_wait3A = arith.constant 0 : i32
      %dma_wait3A_70 = tpu.memref_slice %arg9[%add3A_25, %dma_wait3A] : memref<10240x128xf32, #tpu.memory_space<vmem_shared>> -> memref<80x128xf32, #tpu.memory_space<vmem_shared>>
      %dma_wait3A_71 = arith.constant 0 : i32
      %dma_wait3A_72 = tpu.memref_slice %arg9[%add3A_25, %dma_wait3A_71] : memref<10240x128xf32, #tpu.memory_space<vmem_shared>> -> memref<80x128xf32, #tpu.memory_space<vmem_shared>>
      tpu.wait_dma2 semaphore(%run_scoped3A : memref<!tpu.dma_semaphore, #tpu.memory_space<semaphore_mem>>) src(%arg8 : memref<80x128xf32, #tpu.memory_space<vmem>>) dst(%dma_wait3A_72 : memref<80x128xf32, #tpu.memory_space<vmem_shared>>)
      tpu.yield
    }) : () -> ()
    %mul3A_26 = arith.constant 640 : i32
    %mul3A_27 = arith.muli %arg1, %mul3A_26 : i32
    %add3A_28 = arith.constant 560 : i32
    %add3A_29 = arith.addi %mul3A_27, %add3A_28 : i32
    "tpu.region"() ({
      %run_scoped3A = tpu.sem_alloc : memref<!tpu.dma_semaphore, #tpu.memory_space<semaphore_mem>>
      %dma_start3A = arith.constant 0 : i32
      %dma_start3A_67 = tpu.memref_slice %arg9[%add3A_29, %dma_start3A] : memref<10240x128xf32, #tpu.memory_space<vmem_shared>> -> memref<80x128xf32, #tpu.memory_space<vmem_shared>>
      %dma_start3A_68 = arith.constant 0 : i32
      %dma_start3A_69 = tpu.memref_slice %arg9[%add3A_29, %dma_start3A_68] : memref<10240x128xf32, #tpu.memory_space<vmem_shared>> -> memref<80x128xf32, #tpu.memory_space<vmem_shared>>
      tpu.enqueue_dma source(%arg8 : memref<80x128xf32, #tpu.memory_space<vmem>>) target(%dma_start3A_69 : memref<80x128xf32, #tpu.memory_space<vmem_shared>>) target_semaphore(%run_scoped3A : memref<!tpu.dma_semaphore, #tpu.memory_space<semaphore_mem>>)
      %dma_wait3A = arith.constant 0 : i32
      %dma_wait3A_70 = tpu.memref_slice %arg9[%add3A_29, %dma_wait3A] : memref<10240x128xf32, #tpu.memory_space<vmem_shared>> -> memref<80x128xf32, #tpu.memory_space<vmem_shared>>
      %dma_wait3A_71 = arith.constant 0 : i32
      %dma_wait3A_72 = tpu.memref_slice %arg9[%add3A_29, %dma_wait3A_71] : memref<10240x128xf32, #tpu.memory_space<vmem_shared>> -> memref<80x128xf32, #tpu.memory_space<vmem_shared>>
      tpu.wait_dma2 semaphore(%run_scoped3A : memref<!tpu.dma_semaphore, #tpu.memory_space<semaphore_mem>>) src(%arg8 : memref<80x128xf32, #tpu.memory_space<vmem>>) dst(%dma_wait3A_72 : memref<80x128xf32, #tpu.memory_space<vmem_shared>>)
      tpu.yield
    }) : () -> ()
    %barrier3A = arith.constant 0 : index
    tpu.barrier barrier_id(%barrier3A)
    %scan3A = arith.constant 0 : i32
    %scan3A_30 = arith.constant 5 : i32
    %scan3A_31 = arith.addi %scan3A, %scan3A_30 : i32
    %scan3A_32 = arith.constant 1 : i32
    scf.for %scan3A_67 = %scan3A to %scan3A_31 step %scan3A_32  : i32 {
      %sub3A = arith.constant 1 : i32
      %sub3A_68 = arith.subi %sub3A, %arg0 : i32
      "tpu.region"() ({
        %run_scoped3A = tpu.sem_alloc : memref<!tpu.dma_semaphore, #tpu.memory_space<semaphore_mem>>
        %dma_start3A = arith.constant 0 : i32
        %dma_start3A_74 = arith.constant 0 : i32
        %dma_start3A_75 = tpu.memref_slice %arg2[%sub3A_68, %arg1, %scan3A_67, %dma_start3A, %dma_start3A_74] : memref<2x16x5x50x80xi32, #tpu.memory_space<hbm>> -> memref<1x1x1x50x80xi32, #tpu.memory_space<hbm>>
        %dma_start3A_76 = tpu.memref_squeeze %dma_start3A_75 : memref<1x1x1x50x80xi32, #tpu.memory_space<hbm>> -> memref<50x80xi32, #tpu.memory_space<hbm>>
        %dma_start3A_77 = arith.constant 0 : i32
        %dma_start3A_78 = arith.constant 0 : i32
        %dma_start3A_79 = tpu.memref_slice %arg2[%sub3A_68, %arg1, %scan3A_67, %dma_start3A_77, %dma_start3A_78] : memref<2x16x5x50x80xi32, #tpu.memory_space<hbm>> -> memref<1x1x1x50x80xi32, #tpu.memory_space<hbm>>
        %dma_start3A_80 = tpu.memref_squeeze %dma_start3A_79 : memref<1x1x1x50x80xi32, #tpu.memory_space<hbm>> -> memref<50x80xi32, #tpu.memory_space<hbm>>
        tpu.enqueue_dma source(%dma_start3A_80 : memref<50x80xi32, #tpu.memory_space<hbm>>) target(%arg6 : memref<50x80xi32, #tpu.memory_space<vmem>>) target_semaphore(%run_scoped3A : memref<!tpu.dma_semaphore, #tpu.memory_space<semaphore_mem>>)
        %dma_wait3A = arith.constant 0 : i32
        %dma_wait3A_81 = arith.constant 0 : i32
        %dma_wait3A_82 = tpu.memref_slice %arg2[%sub3A_68, %arg1, %scan3A_67, %dma_wait3A, %dma_wait3A_81] : memref<2x16x5x50x80xi32, #tpu.memory_space<hbm>> -> memref<1x1x1x50x80xi32, #tpu.memory_space<hbm>>
        %dma_wait3A_83 = tpu.memref_squeeze %dma_wait3A_82 : memref<1x1x1x50x80xi32, #tpu.memory_space<hbm>> -> memref<50x80xi32, #tpu.memory_space<hbm>>
        %dma_wait3A_84 = arith.constant 0 : i32
        %dma_wait3A_85 = arith.constant 0 : i32
        %dma_wait3A_86 = tpu.memref_slice %arg2[%sub3A_68, %arg1, %scan3A_67, %dma_wait3A_84, %dma_wait3A_85] : memref<2x16x5x50x80xi32, #tpu.memory_space<hbm>> -> memref<1x1x1x50x80xi32, #tpu.memory_space<hbm>>
        %dma_wait3A_87 = tpu.memref_squeeze %dma_wait3A_86 : memref<1x1x1x50x80xi32, #tpu.memory_space<hbm>> -> memref<50x80xi32, #tpu.memory_space<hbm>>
        tpu.wait_dma2 semaphore(%run_scoped3A : memref<!tpu.dma_semaphore, #tpu.memory_space<semaphore_mem>>) src(%dma_wait3A_87 : memref<50x80xi32, #tpu.memory_space<hbm>>) dst(%arg6 : memref<50x80xi32, #tpu.memory_space<vmem>>)
        tpu.yield
      }) : () -> ()
      %scan3A_69 = arith.constant 0 : i32
      %scan3A_70 = arith.constant 50 : i32
      %scan3A_71 = arith.addi %scan3A_69, %scan3A_70 : i32
      %scan3A_72 = arith.constant 1 : i32
      scf.for %scan3A_74 = %scan3A_69 to %scan3A_71 step %scan3A_72  : i32 {
        "tpu.region"() ({
          %run_scoped3A = tpu.sem_alloc : memref<!tpu.dma_semaphore, #tpu.memory_space<semaphore_mem>>
          %dma_start3A = arith.constant 0 : i32
          %dma_start3A_75 = tpu.memref_slice %arg6[%scan3A_74, %dma_start3A] : memref<50x80xi32, #tpu.memory_space<vmem>> -> memref<1x80xi32, #tpu.memory_space<vmem>>
          %dma_start3A_76 = tpu.memref_squeeze %dma_start3A_75 : memref<1x80xi32, #tpu.memory_space<vmem>> -> memref<80xi32, #tpu.memory_space<vmem>>
          %dma_start3A_77 = arith.constant 0 : i32
          %dma_start3A_78 = arith.constant 0 : i32
          %dma_start3A_79 = tpu.memref_slice %arg9[%dma_start3A_77, %dma_start3A_78] : memref<10240x128xf32, #tpu.memory_space<vmem_shared>> -> memref<10240x128xf32, #tpu.memory_space<vmem_shared>>
          tpu.enqueue_indirect_dma source(%arg7 : memref<80x128xf32, #tpu.memory_space<vmem>>) target(%dma_start3A_79 : memref<10240x128xf32, #tpu.memory_space<vmem_shared>>) offsets(%dma_start3A_76 : memref<80xi32, #tpu.memory_space<vmem>>) semaphore(%run_scoped3A : memref<!tpu.dma_semaphore, #tpu.memory_space<semaphore_mem>>) {add = true}
          %dma_wait3A = arith.constant 0 : i32
          %dma_wait3A_80 = tpu.memref_slice %arg6[%scan3A_74, %dma_wait3A] : memref<50x80xi32, #tpu.memory_space<vmem>> -> memref<1x80xi32, #tpu.memory_space<vmem>>
          %dma_wait3A_81 = tpu.memref_squeeze %dma_wait3A_80 : memref<1x80xi32, #tpu.memory_space<vmem>> -> memref<80xi32, #tpu.memory_space<vmem>>
          %dma_wait3A_82 = arith.constant 0 : i32
          %dma_wait3A_83 = arith.constant 0 : i32
          %dma_wait3A_84 = tpu.memref_slice %arg9[%dma_wait3A_82, %dma_wait3A_83] : memref<10240x128xf32, #tpu.memory_space<vmem_shared>> -> memref<10240x128xf32, #tpu.memory_space<vmem_shared>>
          tpu.wait_indirect_dma semaphore(%run_scoped3A : memref<!tpu.dma_semaphore, #tpu.memory_space<semaphore_mem>>) src(%arg7 : memref<80x128xf32, #tpu.memory_space<vmem>>) dst(%dma_wait3A_84 : memref<10240x128xf32, #tpu.memory_space<vmem_shared>>)
          tpu.yield
        }) : () -> ()
      }
      %scan3A_73 = arith.constant 50 : i32
    }
    %scan3A_33 = arith.constant 5 : i32
    %barrier3A_34 = arith.constant 0 : index
    tpu.barrier barrier_id(%barrier3A_34)
    %mul3A_35 = arith.constant 640 : i32
    %mul3A_36 = arith.muli %arg1, %mul3A_35 : i32
    %add3A_37 = arith.constant 0 : i32
    %add3A_38 = arith.addi %mul3A_36, %add3A_37 : i32
    "tpu.region"() ({
      %run_scoped3A = tpu.sem_alloc : memref<!tpu.dma_semaphore, #tpu.memory_space<semaphore_mem>>
      %dma_start3A = arith.constant 0 : i32
      %dma_start3A_67 = tpu.memref_slice %arg9[%add3A_38, %dma_start3A] : memref<10240x128xf32, #tpu.memory_space<vmem_shared>> -> memref<80x128xf32, #tpu.memory_space<vmem_shared>>
      %dma_start3A_68 = arith.constant 0 : i32
      %dma_start3A_69 = tpu.memref_slice %arg9[%add3A_38, %dma_start3A_68] : memref<10240x128xf32, #tpu.memory_space<vmem_shared>> -> memref<80x128xf32, #tpu.memory_space<vmem_shared>>
      tpu.enqueue_dma source(%dma_start3A_69 : memref<80x128xf32, #tpu.memory_space<vmem_shared>>) target(%arg8 : memref<80x128xf32, #tpu.memory_space<vmem>>) target_semaphore(%run_scoped3A : memref<!tpu.dma_semaphore, #tpu.memory_space<semaphore_mem>>)
      %dma_wait3A = arith.constant 0 : i32
      %dma_wait3A_70 = tpu.memref_slice %arg9[%add3A_38, %dma_wait3A] : memref<10240x128xf32, #tpu.memory_space<vmem_shared>> -> memref<80x128xf32, #tpu.memory_space<vmem_shared>>
      %dma_wait3A_71 = arith.constant 0 : i32
      %dma_wait3A_72 = tpu.memref_slice %arg9[%add3A_38, %dma_wait3A_71] : memref<10240x128xf32, #tpu.memory_space<vmem_shared>> -> memref<80x128xf32, #tpu.memory_space<vmem_shared>>
      tpu.wait_dma2 semaphore(%run_scoped3A : memref<!tpu.dma_semaphore, #tpu.memory_space<semaphore_mem>>) src(%dma_wait3A_72 : memref<80x128xf32, #tpu.memory_space<vmem_shared>>) dst(%arg8 : memref<80x128xf32, #tpu.memory_space<vmem>>)
      tpu.yield
    }) : () -> ()
    "tpu.region"() ({
      %run_scoped3A = tpu.sem_alloc : memref<!tpu.dma_semaphore, #tpu.memory_space<semaphore_mem>>
      %dma_start3A = arith.constant 0 : i32
      %dma_start3A_67 = tpu.memref_slice %arg5[%arg0, %add3A_38, %dma_start3A] : memref<2x10240x128xf32, #tpu.memory_space<hbm>> -> memref<1x80x128xf32, #tpu.memory_space<hbm>>
      %dma_start3A_68 = tpu.memref_squeeze %dma_start3A_67 : memref<1x80x128xf32, #tpu.memory_space<hbm>> -> memref<80x128xf32, #tpu.memory_space<hbm>>
      %dma_start3A_69 = arith.constant 0 : i32
      %dma_start3A_70 = tpu.memref_slice %arg5[%arg0, %add3A_38, %dma_start3A_69] : memref<2x10240x128xf32, #tpu.memory_space<hbm>> -> memref<1x80x128xf32, #tpu.memory_space<hbm>>
      %dma_start3A_71 = tpu.memref_squeeze %dma_start3A_70 : memref<1x80x128xf32, #tpu.memory_space<hbm>> -> memref<80x128xf32, #tpu.memory_space<hbm>>
      tpu.enqueue_dma source(%arg8 : memref<80x128xf32, #tpu.memory_space<vmem>>) target(%dma_start3A_71 : memref<80x128xf32, #tpu.memory_space<hbm>>) target_semaphore(%run_scoped3A : memref<!tpu.dma_semaphore, #tpu.memory_space<semaphore_mem>>)
      %dma_wait3A = arith.constant 0 : i32
      %dma_wait3A_72 = tpu.memref_slice %arg5[%arg0, %add3A_38, %dma_wait3A] : memref<2x10240x128xf32, #tpu.memory_space<hbm>> -> memref<1x80x128xf32, #tpu.memory_space<hbm>>
      %dma_wait3A_73 = tpu.memref_squeeze %dma_wait3A_72 : memref<1x80x128xf32, #tpu.memory_space<hbm>> -> memref<80x128xf32, #tpu.memory_space<hbm>>
      %dma_wait3A_74 = arith.constant 0 : i32
      %dma_wait3A_75 = tpu.memref_slice %arg5[%arg0, %add3A_38, %dma_wait3A_74] : memref<2x10240x128xf32, #tpu.memory_space<hbm>> -> memref<1x80x128xf32, #tpu.memory_space<hbm>>
      %dma_wait3A_76 = tpu.memref_squeeze %dma_wait3A_75 : memref<1x80x128xf32, #tpu.memory_space<hbm>> -> memref<80x128xf32, #tpu.memory_space<hbm>>
      tpu.wait_dma2 semaphore(%run_scoped3A : memref<!tpu.dma_semaphore, #tpu.memory_space<semaphore_mem>>) src(%arg8 : memref<80x128xf32, #tpu.memory_space<vmem>>) dst(%dma_wait3A_76 : memref<80x128xf32, #tpu.memory_space<hbm>>)
      tpu.yield
    }) : () -> ()
    %mul3A_39 = arith.constant 640 : i32
    %mul3A_40 = arith.muli %arg1, %mul3A_39 : i32
    %add3A_41 = arith.constant 80 : i32
    %add3A_42 = arith.addi %mul3A_40, %add3A_41 : i32
    "tpu.region"() ({
      %run_scoped3A = tpu.sem_alloc : memref<!tpu.dma_semaphore, #tpu.memory_space<semaphore_mem>>
      %dma_start3A = arith.constant 0 : i32
      %dma_start3A_67 = tpu.memref_slice %arg9[%add3A_42, %dma_start3A] : memref<10240x128xf32, #tpu.memory_space<vmem_shared>> -> memref<80x128xf32, #tpu.memory_space<vmem_shared>>
      %dma_start3A_68 = arith.constant 0 : i32
      %dma_start3A_69 = tpu.memref_slice %arg9[%add3A_42, %dma_start3A_68] : memref<10240x128xf32, #tpu.memory_space<vmem_shared>> -> memref<80x128xf32, #tpu.memory_space<vmem_shared>>
      tpu.enqueue_dma source(%dma_start3A_69 : memref<80x128xf32, #tpu.memory_space<vmem_shared>>) target(%arg8 : memref<80x128xf32, #tpu.memory_space<vmem>>) target_semaphore(%run_scoped3A : memref<!tpu.dma_semaphore, #tpu.memory_space<semaphore_mem>>)
      %dma_wait3A = arith.constant 0 : i32
      %dma_wait3A_70 = tpu.memref_slice %arg9[%add3A_42, %dma_wait3A] : memref<10240x128xf32, #tpu.memory_space<vmem_shared>> -> memref<80x128xf32, #tpu.memory_space<vmem_shared>>
      %dma_wait3A_71 = arith.constant 0 : i32
      %dma_wait3A_72 = tpu.memref_slice %arg9[%add3A_42, %dma_wait3A_71] : memref<10240x128xf32, #tpu.memory_space<vmem_shared>> -> memref<80x128xf32, #tpu.memory_space<vmem_shared>>
      tpu.wait_dma2 semaphore(%run_scoped3A : memref<!tpu.dma_semaphore, #tpu.memory_space<semaphore_mem>>) src(%dma_wait3A_72 : memref<80x128xf32, #tpu.memory_space<vmem_shared>>) dst(%arg8 : memref<80x128xf32, #tpu.memory_space<vmem>>)
      tpu.yield
    }) : () -> ()
    "tpu.region"() ({
      %run_scoped3A = tpu.sem_alloc : memref<!tpu.dma_semaphore, #tpu.memory_space<semaphore_mem>>
      %dma_start3A = arith.constant 0 : i32
      %dma_start3A_67 = tpu.memref_slice %arg5[%arg0, %add3A_42, %dma_start3A] : memref<2x10240x128xf32, #tpu.memory_space<hbm>> -> memref<1x80x128xf32, #tpu.memory_space<hbm>>
      %dma_start3A_68 = tpu.memref_squeeze %dma_start3A_67 : memref<1x80x128xf32, #tpu.memory_space<hbm>> -> memref<80x128xf32, #tpu.memory_space<hbm>>
      %dma_start3A_69 = arith.constant 0 : i32
      %dma_start3A_70 = tpu.memref_slice %arg5[%arg0, %add3A_42, %dma_start3A_69] : memref<2x10240x128xf32, #tpu.memory_space<hbm>> -> memref<1x80x128xf32, #tpu.memory_space<hbm>>
      %dma_start3A_71 = tpu.memref_squeeze %dma_start3A_70 : memref<1x80x128xf32, #tpu.memory_space<hbm>> -> memref<80x128xf32, #tpu.memory_space<hbm>>
      tpu.enqueue_dma source(%arg8 : memref<80x128xf32, #tpu.memory_space<vmem>>) target(%dma_start3A_71 : memref<80x128xf32, #tpu.memory_space<hbm>>) target_semaphore(%run_scoped3A : memref<!tpu.dma_semaphore, #tpu.memory_space<semaphore_mem>>)
      %dma_wait3A = arith.constant 0 : i32
      %dma_wait3A_72 = tpu.memref_slice %arg5[%arg0, %add3A_42, %dma_wait3A] : memref<2x10240x128xf32, #tpu.memory_space<hbm>> -> memref<1x80x128xf32, #tpu.memory_space<hbm>>
      %dma_wait3A_73 = tpu.memref_squeeze %dma_wait3A_72 : memref<1x80x128xf32, #tpu.memory_space<hbm>> -> memref<80x128xf32, #tpu.memory_space<hbm>>
      %dma_wait3A_74 = arith.constant 0 : i32
      %dma_wait3A_75 = tpu.memref_slice %arg5[%arg0, %add3A_42, %dma_wait3A_74] : memref<2x10240x128xf32, #tpu.memory_space<hbm>> -> memref<1x80x128xf32, #tpu.memory_space<hbm>>
      %dma_wait3A_76 = tpu.memref_squeeze %dma_wait3A_75 : memref<1x80x128xf32, #tpu.memory_space<hbm>> -> memref<80x128xf32, #tpu.memory_space<hbm>>
      tpu.wait_dma2 semaphore(%run_scoped3A : memref<!tpu.dma_semaphore, #tpu.memory_space<semaphore_mem>>) src(%arg8 : memref<80x128xf32, #tpu.memory_space<vmem>>) dst(%dma_wait3A_76 : memref<80x128xf32, #tpu.memory_space<hbm>>)
      tpu.yield
    }) : () -> ()
    %mul3A_43 = arith.constant 640 : i32
    %mul3A_44 = arith.muli %arg1, %mul3A_43 : i32
    %add3A_45 = arith.constant 160 : i32
    %add3A_46 = arith.addi %mul3A_44, %add3A_45 : i32
    "tpu.region"() ({
      %run_scoped3A = tpu.sem_alloc : memref<!tpu.dma_semaphore, #tpu.memory_space<semaphore_mem>>
      %dma_start3A = arith.constant 0 : i32
      %dma_start3A_67 = tpu.memref_slice %arg9[%add3A_46, %dma_start3A] : memref<10240x128xf32, #tpu.memory_space<vmem_shared>> -> memref<80x128xf32, #tpu.memory_space<vmem_shared>>
      %dma_start3A_68 = arith.constant 0 : i32
      %dma_start3A_69 = tpu.memref_slice %arg9[%add3A_46, %dma_start3A_68] : memref<10240x128xf32, #tpu.memory_space<vmem_shared>> -> memref<80x128xf32, #tpu.memory_space<vmem_shared>>
      tpu.enqueue_dma source(%dma_start3A_69 : memref<80x128xf32, #tpu.memory_space<vmem_shared>>) target(%arg8 : memref<80x128xf32, #tpu.memory_space<vmem>>) target_semaphore(%run_scoped3A : memref<!tpu.dma_semaphore, #tpu.memory_space<semaphore_mem>>)
      %dma_wait3A = arith.constant 0 : i32
      %dma_wait3A_70 = tpu.memref_slice %arg9[%add3A_46, %dma_wait3A] : memref<10240x128xf32, #tpu.memory_space<vmem_shared>> -> memref<80x128xf32, #tpu.memory_space<vmem_shared>>
      %dma_wait3A_71 = arith.constant 0 : i32
      %dma_wait3A_72 = tpu.memref_slice %arg9[%add3A_46, %dma_wait3A_71] : memref<10240x128xf32, #tpu.memory_space<vmem_shared>> -> memref<80x128xf32, #tpu.memory_space<vmem_shared>>
      tpu.wait_dma2 semaphore(%run_scoped3A : memref<!tpu.dma_semaphore, #tpu.memory_space<semaphore_mem>>) src(%dma_wait3A_72 : memref<80x128xf32, #tpu.memory_space<vmem_shared>>) dst(%arg8 : memref<80x128xf32, #tpu.memory_space<vmem>>)
      tpu.yield
    }) : () -> ()
    "tpu.region"() ({
      %run_scoped3A = tpu.sem_alloc : memref<!tpu.dma_semaphore, #tpu.memory_space<semaphore_mem>>
      %dma_start3A = arith.constant 0 : i32
      %dma_start3A_67 = tpu.memref_slice %arg5[%arg0, %add3A_46, %dma_start3A] : memref<2x10240x128xf32, #tpu.memory_space<hbm>> -> memref<1x80x128xf32, #tpu.memory_space<hbm>>
      %dma_start3A_68 = tpu.memref_squeeze %dma_start3A_67 : memref<1x80x128xf32, #tpu.memory_space<hbm>> -> memref<80x128xf32, #tpu.memory_space<hbm>>
      %dma_start3A_69 = arith.constant 0 : i32
      %dma_start3A_70 = tpu.memref_slice %arg5[%arg0, %add3A_46, %dma_start3A_69] : memref<2x10240x128xf32, #tpu.memory_space<hbm>> -> memref<1x80x128xf32, #tpu.memory_space<hbm>>
      %dma_start3A_71 = tpu.memref_squeeze %dma_start3A_70 : memref<1x80x128xf32, #tpu.memory_space<hbm>> -> memref<80x128xf32, #tpu.memory_space<hbm>>
      tpu.enqueue_dma source(%arg8 : memref<80x128xf32, #tpu.memory_space<vmem>>) target(%dma_start3A_71 : memref<80x128xf32, #tpu.memory_space<hbm>>) target_semaphore(%run_scoped3A : memref<!tpu.dma_semaphore, #tpu.memory_space<semaphore_mem>>)
      %dma_wait3A = arith.constant 0 : i32
      %dma_wait3A_72 = tpu.memref_slice %arg5[%arg0, %add3A_46, %dma_wait3A] : memref<2x10240x128xf32, #tpu.memory_space<hbm>> -> memref<1x80x128xf32, #tpu.memory_space<hbm>>
      %dma_wait3A_73 = tpu.memref_squeeze %dma_wait3A_72 : memref<1x80x128xf32, #tpu.memory_space<hbm>> -> memref<80x128xf32, #tpu.memory_space<hbm>>
      %dma_wait3A_74 = arith.constant 0 : i32
      %dma_wait3A_75 = tpu.memref_slice %arg5[%arg0, %add3A_46, %dma_wait3A_74] : memref<2x10240x128xf32, #tpu.memory_space<hbm>> -> memref<1x80x128xf32, #tpu.memory_space<hbm>>
      %dma_wait3A_76 = tpu.memref_squeeze %dma_wait3A_75 : memref<1x80x128xf32, #tpu.memory_space<hbm>> -> memref<80x128xf32, #tpu.memory_space<hbm>>
      tpu.wait_dma2 semaphore(%run_scoped3A : memref<!tpu.dma_semaphore, #tpu.memory_space<semaphore_mem>>) src(%arg8 : memref<80x128xf32, #tpu.memory_space<vmem>>) dst(%dma_wait3A_76 : memref<80x128xf32, #tpu.memory_space<hbm>>)
      tpu.yield
    }) : () -> ()
    %mul3A_47 = arith.constant 640 : i32
    %mul3A_48 = arith.muli %arg1, %mul3A_47 : i32
    %add3A_49 = arith.constant 240 : i32
    %add3A_50 = arith.addi %mul3A_48, %add3A_49 : i32
    "tpu.region"() ({
      %run_scoped3A = tpu.sem_alloc : memref<!tpu.dma_semaphore, #tpu.memory_space<semaphore_mem>>
      %dma_start3A = arith.constant 0 : i32
      %dma_start3A_67 = tpu.memref_slice %arg9[%add3A_50, %dma_start3A] : memref<10240x128xf32, #tpu.memory_space<vmem_shared>> -> memref<80x128xf32, #tpu.memory_space<vmem_shared>>
      %dma_start3A_68 = arith.constant 0 : i32
      %dma_start3A_69 = tpu.memref_slice %arg9[%add3A_50, %dma_start3A_68] : memref<10240x128xf32, #tpu.memory_space<vmem_shared>> -> memref<80x128xf32, #tpu.memory_space<vmem_shared>>
      tpu.enqueue_dma source(%dma_start3A_69 : memref<80x128xf32, #tpu.memory_space<vmem_shared>>) target(%arg8 : memref<80x128xf32, #tpu.memory_space<vmem>>) target_semaphore(%run_scoped3A : memref<!tpu.dma_semaphore, #tpu.memory_space<semaphore_mem>>)
      %dma_wait3A = arith.constant 0 : i32
      %dma_wait3A_70 = tpu.memref_slice %arg9[%add3A_50, %dma_wait3A] : memref<10240x128xf32, #tpu.memory_space<vmem_shared>> -> memref<80x128xf32, #tpu.memory_space<vmem_shared>>
      %dma_wait3A_71 = arith.constant 0 : i32
      %dma_wait3A_72 = tpu.memref_slice %arg9[%add3A_50, %dma_wait3A_71] : memref<10240x128xf32, #tpu.memory_space<vmem_shared>> -> memref<80x128xf32, #tpu.memory_space<vmem_shared>>
      tpu.wait_dma2 semaphore(%run_scoped3A : memref<!tpu.dma_semaphore, #tpu.memory_space<semaphore_mem>>) src(%dma_wait3A_72 : memref<80x128xf32, #tpu.memory_space<vmem_shared>>) dst(%arg8 : memref<80x128xf32, #tpu.memory_space<vmem>>)
      tpu.yield
    }) : () -> ()
    "tpu.region"() ({
      %run_scoped3A = tpu.sem_alloc : memref<!tpu.dma_semaphore, #tpu.memory_space<semaphore_mem>>
      %dma_start3A = arith.constant 0 : i32
      %dma_start3A_67 = tpu.memref_slice %arg5[%arg0, %add3A_50, %dma_start3A] : memref<2x10240x128xf32, #tpu.memory_space<hbm>> -> memref<1x80x128xf32, #tpu.memory_space<hbm>>
      %dma_start3A_68 = tpu.memref_squeeze %dma_start3A_67 : memref<1x80x128xf32, #tpu.memory_space<hbm>> -> memref<80x128xf32, #tpu.memory_space<hbm>>
      %dma_start3A_69 = arith.constant 0 : i32
      %dma_start3A_70 = tpu.memref_slice %arg5[%arg0, %add3A_50, %dma_start3A_69] : memref<2x10240x128xf32, #tpu.memory_space<hbm>> -> memref<1x80x128xf32, #tpu.memory_space<hbm>>
      %dma_start3A_71 = tpu.memref_squeeze %dma_start3A_70 : memref<1x80x128xf32, #tpu.memory_space<hbm>> -> memref<80x128xf32, #tpu.memory_space<hbm>>
      tpu.enqueue_dma source(%arg8 : memref<80x128xf32, #tpu.memory_space<vmem>>) target(%dma_start3A_71 : memref<80x128xf32, #tpu.memory_space<hbm>>) target_semaphore(%run_scoped3A : memref<!tpu.dma_semaphore, #tpu.memory_space<semaphore_mem>>)
      %dma_wait3A = arith.constant 0 : i32
      %dma_wait3A_72 = tpu.memref_slice %arg5[%arg0, %add3A_50, %dma_wait3A] : memref<2x10240x128xf32, #tpu.memory_space<hbm>> -> memref<1x80x128xf32, #tpu.memory_space<hbm>>
      %dma_wait3A_73 = tpu.memref_squeeze %dma_wait3A_72 : memref<1x80x128xf32, #tpu.memory_space<hbm>> -> memref<80x128xf32, #tpu.memory_space<hbm>>
      %dma_wait3A_74 = arith.constant 0 : i32
      %dma_wait3A_75 = tpu.memref_slice %arg5[%arg0, %add3A_50, %dma_wait3A_74] : memref<2x10240x128xf32, #tpu.memory_space<hbm>> -> memref<1x80x128xf32, #tpu.memory_space<hbm>>
      %dma_wait3A_76 = tpu.memref_squeeze %dma_wait3A_75 : memref<1x80x128xf32, #tpu.memory_space<hbm>> -> memref<80x128xf32, #tpu.memory_space<hbm>>
      tpu.wait_dma2 semaphore(%run_scoped3A : memref<!tpu.dma_semaphore, #tpu.memory_space<semaphore_mem>>) src(%arg8 : memref<80x128xf32, #tpu.memory_space<vmem>>) dst(%dma_wait3A_76 : memref<80x128xf32, #tpu.memory_space<hbm>>)
      tpu.yield
    }) : () -> ()
    %mul3A_51 = arith.constant 640 : i32
    %mul3A_52 = arith.muli %arg1, %mul3A_51 : i32
    %add3A_53 = arith.constant 320 : i32
    %add3A_54 = arith.addi %mul3A_52, %add3A_53 : i32
    "tpu.region"() ({
      %run_scoped3A = tpu.sem_alloc : memref<!tpu.dma_semaphore, #tpu.memory_space<semaphore_mem>>
      %dma_start3A = arith.constant 0 : i32
      %dma_start3A_67 = tpu.memref_slice %arg9[%add3A_54, %dma_start3A] : memref<10240x128xf32, #tpu.memory_space<vmem_shared>> -> memref<80x128xf32, #tpu.memory_space<vmem_shared>>
      %dma_start3A_68 = arith.constant 0 : i32
      %dma_start3A_69 = tpu.memref_slice %arg9[%add3A_54, %dma_start3A_68] : memref<10240x128xf32, #tpu.memory_space<vmem_shared>> -> memref<80x128xf32, #tpu.memory_space<vmem_shared>>
      tpu.enqueue_dma source(%dma_start3A_69 : memref<80x128xf32, #tpu.memory_space<vmem_shared>>) target(%arg8 : memref<80x128xf32, #tpu.memory_space<vmem>>) target_semaphore(%run_scoped3A : memref<!tpu.dma_semaphore, #tpu.memory_space<semaphore_mem>>)
      %dma_wait3A = arith.constant 0 : i32
      %dma_wait3A_70 = tpu.memref_slice %arg9[%add3A_54, %dma_wait3A] : memref<10240x128xf32, #tpu.memory_space<vmem_shared>> -> memref<80x128xf32, #tpu.memory_space<vmem_shared>>
      %dma_wait3A_71 = arith.constant 0 : i32
      %dma_wait3A_72 = tpu.memref_slice %arg9[%add3A_54, %dma_wait3A_71] : memref<10240x128xf32, #tpu.memory_space<vmem_shared>> -> memref<80x128xf32, #tpu.memory_space<vmem_shared>>
      tpu.wait_dma2 semaphore(%run_scoped3A : memref<!tpu.dma_semaphore, #tpu.memory_space<semaphore_mem>>) src(%dma_wait3A_72 : memref<80x128xf32, #tpu.memory_space<vmem_shared>>) dst(%arg8 : memref<80x128xf32, #tpu.memory_space<vmem>>)
      tpu.yield
    }) : () -> ()
    "tpu.region"() ({
      %run_scoped3A = tpu.sem_alloc : memref<!tpu.dma_semaphore, #tpu.memory_space<semaphore_mem>>
      %dma_start3A = arith.constant 0 : i32
      %dma_start3A_67 = tpu.memref_slice %arg5[%arg0, %add3A_54, %dma_start3A] : memref<2x10240x128xf32, #tpu.memory_space<hbm>> -> memref<1x80x128xf32, #tpu.memory_space<hbm>>
      %dma_start3A_68 = tpu.memref_squeeze %dma_start3A_67 : memref<1x80x128xf32, #tpu.memory_space<hbm>> -> memref<80x128xf32, #tpu.memory_space<hbm>>
      %dma_start3A_69 = arith.constant 0 : i32
      %dma_start3A_70 = tpu.memref_slice %arg5[%arg0, %add3A_54, %dma_start3A_69] : memref<2x10240x128xf32, #tpu.memory_space<hbm>> -> memref<1x80x128xf32, #tpu.memory_space<hbm>>
      %dma_start3A_71 = tpu.memref_squeeze %dma_start3A_70 : memref<1x80x128xf32, #tpu.memory_space<hbm>> -> memref<80x128xf32, #tpu.memory_space<hbm>>
      tpu.enqueue_dma source(%arg8 : memref<80x128xf32, #tpu.memory_space<vmem>>) target(%dma_start3A_71 : memref<80x128xf32, #tpu.memory_space<hbm>>) target_semaphore(%run_scoped3A : memref<!tpu.dma_semaphore, #tpu.memory_space<semaphore_mem>>)
      %dma_wait3A = arith.constant 0 : i32
      %dma_wait3A_72 = tpu.memref_slice %arg5[%arg0, %add3A_54, %dma_wait3A] : memref<2x10240x128xf32, #tpu.memory_space<hbm>> -> memref<1x80x128xf32, #tpu.memory_space<hbm>>
      %dma_wait3A_73 = tpu.memref_squeeze %dma_wait3A_72 : memref<1x80x128xf32, #tpu.memory_space<hbm>> -> memref<80x128xf32, #tpu.memory_space<hbm>>
      %dma_wait3A_74 = arith.constant 0 : i32
      %dma_wait3A_75 = tpu.memref_slice %arg5[%arg0, %add3A_54, %dma_wait3A_74] : memref<2x10240x128xf32, #tpu.memory_space<hbm>> -> memref<1x80x128xf32, #tpu.memory_space<hbm>>
      %dma_wait3A_76 = tpu.memref_squeeze %dma_wait3A_75 : memref<1x80x128xf32, #tpu.memory_space<hbm>> -> memref<80x128xf32, #tpu.memory_space<hbm>>
      tpu.wait_dma2 semaphore(%run_scoped3A : memref<!tpu.dma_semaphore, #tpu.memory_space<semaphore_mem>>) src(%arg8 : memref<80x128xf32, #tpu.memory_space<vmem>>) dst(%dma_wait3A_76 : memref<80x128xf32, #tpu.memory_space<hbm>>)
      tpu.yield
    }) : () -> ()
    %mul3A_55 = arith.constant 640 : i32
    %mul3A_56 = arith.muli %arg1, %mul3A_55 : i32
    %add3A_57 = arith.constant 400 : i32
    %add3A_58 = arith.addi %mul3A_56, %add3A_57 : i32
    "tpu.region"() ({
      %run_scoped3A = tpu.sem_alloc : memref<!tpu.dma_semaphore, #tpu.memory_space<semaphore_mem>>
      %dma_start3A = arith.constant 0 : i32
      %dma_start3A_67 = tpu.memref_slice %arg9[%add3A_58, %dma_start3A] : memref<10240x128xf32, #tpu.memory_space<vmem_shared>> -> memref<80x128xf32, #tpu.memory_space<vmem_shared>>
      %dma_start3A_68 = arith.constant 0 : i32
      %dma_start3A_69 = tpu.memref_slice %arg9[%add3A_58, %dma_start3A_68] : memref<10240x128xf32, #tpu.memory_space<vmem_shared>> -> memref<80x128xf32, #tpu.memory_space<vmem_shared>>
      tpu.enqueue_dma source(%dma_start3A_69 : memref<80x128xf32, #tpu.memory_space<vmem_shared>>) target(%arg8 : memref<80x128xf32, #tpu.memory_space<vmem>>) target_semaphore(%run_scoped3A : memref<!tpu.dma_semaphore, #tpu.memory_space<semaphore_mem>>)
      %dma_wait3A = arith.constant 0 : i32
      %dma_wait3A_70 = tpu.memref_slice %arg9[%add3A_58, %dma_wait3A] : memref<10240x128xf32, #tpu.memory_space<vmem_shared>> -> memref<80x128xf32, #tpu.memory_space<vmem_shared>>
      %dma_wait3A_71 = arith.constant 0 : i32
      %dma_wait3A_72 = tpu.memref_slice %arg9[%add3A_58, %dma_wait3A_71] : memref<10240x128xf32, #tpu.memory_space<vmem_shared>> -> memref<80x128xf32, #tpu.memory_space<vmem_shared>>
      tpu.wait_dma2 semaphore(%run_scoped3A : memref<!tpu.dma_semaphore, #tpu.memory_space<semaphore_mem>>) src(%dma_wait3A_72 : memref<80x128xf32, #tpu.memory_space<vmem_shared>>) dst(%arg8 : memref<80x128xf32, #tpu.memory_space<vmem>>)
      tpu.yield
    }) : () -> ()
    "tpu.region"() ({
      %run_scoped3A = tpu.sem_alloc : memref<!tpu.dma_semaphore, #tpu.memory_space<semaphore_mem>>
      %dma_start3A = arith.constant 0 : i32
      %dma_start3A_67 = tpu.memref_slice %arg5[%arg0, %add3A_58, %dma_start3A] : memref<2x10240x128xf32, #tpu.memory_space<hbm>> -> memref<1x80x128xf32, #tpu.memory_space<hbm>>
      %dma_start3A_68 = tpu.memref_squeeze %dma_start3A_67 : memref<1x80x128xf32, #tpu.memory_space<hbm>> -> memref<80x128xf32, #tpu.memory_space<hbm>>
      %dma_start3A_69 = arith.constant 0 : i32
      %dma_start3A_70 = tpu.memref_slice %arg5[%arg0, %add3A_58, %dma_start3A_69] : memref<2x10240x128xf32, #tpu.memory_space<hbm>> -> memref<1x80x128xf32, #tpu.memory_space<hbm>>
      %dma_start3A_71 = tpu.memref_squeeze %dma_start3A_70 : memref<1x80x128xf32, #tpu.memory_space<hbm>> -> memref<80x128xf32, #tpu.memory_space<hbm>>
      tpu.enqueue_dma source(%arg8 : memref<80x128xf32, #tpu.memory_space<vmem>>) target(%dma_start3A_71 : memref<80x128xf32, #tpu.memory_space<hbm>>) target_semaphore(%run_scoped3A : memref<!tpu.dma_semaphore, #tpu.memory_space<semaphore_mem>>)
      %dma_wait3A = arith.constant 0 : i32
      %dma_wait3A_72 = tpu.memref_slice %arg5[%arg0, %add3A_58, %dma_wait3A] : memref<2x10240x128xf32, #tpu.memory_space<hbm>> -> memref<1x80x128xf32, #tpu.memory_space<hbm>>
      %dma_wait3A_73 = tpu.memref_squeeze %dma_wait3A_72 : memref<1x80x128xf32, #tpu.memory_space<hbm>> -> memref<80x128xf32, #tpu.memory_space<hbm>>
      %dma_wait3A_74 = arith.constant 0 : i32
      %dma_wait3A_75 = tpu.memref_slice %arg5[%arg0, %add3A_58, %dma_wait3A_74] : memref<2x10240x128xf32, #tpu.memory_space<hbm>> -> memref<1x80x128xf32, #tpu.memory_space<hbm>>
      %dma_wait3A_76 = tpu.memref_squeeze %dma_wait3A_75 : memref<1x80x128xf32, #tpu.memory_space<hbm>> -> memref<80x128xf32, #tpu.memory_space<hbm>>
      tpu.wait_dma2 semaphore(%run_scoped3A : memref<!tpu.dma_semaphore, #tpu.memory_space<semaphore_mem>>) src(%arg8 : memref<80x128xf32, #tpu.memory_space<vmem>>) dst(%dma_wait3A_76 : memref<80x128xf32, #tpu.memory_space<hbm>>)
      tpu.yield
    }) : () -> ()
    %mul3A_59 = arith.constant 640 : i32
    %mul3A_60 = arith.muli %arg1, %mul3A_59 : i32
    %add3A_61 = arith.constant 480 : i32
    %add3A_62 = arith.addi %mul3A_60, %add3A_61 : i32
    "tpu.region"() ({
      %run_scoped3A = tpu.sem_alloc : memref<!tpu.dma_semaphore, #tpu.memory_space<semaphore_mem>>
      %dma_start3A = arith.constant 0 : i32
      %dma_start3A_67 = tpu.memref_slice %arg9[%add3A_62, %dma_start3A] : memref<10240x128xf32, #tpu.memory_space<vmem_shared>> -> memref<80x128xf32, #tpu.memory_space<vmem_shared>>
      %dma_start3A_68 = arith.constant 0 : i32
      %dma_start3A_69 = tpu.memref_slice %arg9[%add3A_62, %dma_start3A_68] : memref<10240x128xf32, #tpu.memory_space<vmem_shared>> -> memref<80x128xf32, #tpu.memory_space<vmem_shared>>
      tpu.enqueue_dma source(%dma_start3A_69 : memref<80x128xf32, #tpu.memory_space<vmem_shared>>) target(%arg8 : memref<80x128xf32, #tpu.memory_space<vmem>>) target_semaphore(%run_scoped3A : memref<!tpu.dma_semaphore, #tpu.memory_space<semaphore_mem>>)
      %dma_wait3A = arith.constant 0 : i32
      %dma_wait3A_70 = tpu.memref_slice %arg9[%add3A_62, %dma_wait3A] : memref<10240x128xf32, #tpu.memory_space<vmem_shared>> -> memref<80x128xf32, #tpu.memory_space<vmem_shared>>
      %dma_wait3A_71 = arith.constant 0 : i32
      %dma_wait3A_72 = tpu.memref_slice %arg9[%add3A_62, %dma_wait3A_71] : memref<10240x128xf32, #tpu.memory_space<vmem_shared>> -> memref<80x128xf32, #tpu.memory_space<vmem_shared>>
      tpu.wait_dma2 semaphore(%run_scoped3A : memref<!tpu.dma_semaphore, #tpu.memory_space<semaphore_mem>>) src(%dma_wait3A_72 : memref<80x128xf32, #tpu.memory_space<vmem_shared>>) dst(%arg8 : memref<80x128xf32, #tpu.memory_space<vmem>>)
      tpu.yield
    }) : () -> ()
    "tpu.region"() ({
      %run_scoped3A = tpu.sem_alloc : memref<!tpu.dma_semaphore, #tpu.memory_space<semaphore_mem>>
      %dma_start3A = arith.constant 0 : i32
      %dma_start3A_67 = tpu.memref_slice %arg5[%arg0, %add3A_62, %dma_start3A] : memref<2x10240x128xf32, #tpu.memory_space<hbm>> -> memref<1x80x128xf32, #tpu.memory_space<hbm>>
      %dma_start3A_68 = tpu.memref_squeeze %dma_start3A_67 : memref<1x80x128xf32, #tpu.memory_space<hbm>> -> memref<80x128xf32, #tpu.memory_space<hbm>>
      %dma_start3A_69 = arith.constant 0 : i32
      %dma_start3A_70 = tpu.memref_slice %arg5[%arg0, %add3A_62, %dma_start3A_69] : memref<2x10240x128xf32, #tpu.memory_space<hbm>> -> memref<1x80x128xf32, #tpu.memory_space<hbm>>
      %dma_start3A_71 = tpu.memref_squeeze %dma_start3A_70 : memref<1x80x128xf32, #tpu.memory_space<hbm>> -> memref<80x128xf32, #tpu.memory_space<hbm>>
      tpu.enqueue_dma source(%arg8 : memref<80x128xf32, #tpu.memory_space<vmem>>) target(%dma_start3A_71 : memref<80x128xf32, #tpu.memory_space<hbm>>) target_semaphore(%run_scoped3A : memref<!tpu.dma_semaphore, #tpu.memory_space<semaphore_mem>>)
      %dma_wait3A = arith.constant 0 : i32
      %dma_wait3A_72 = tpu.memref_slice %arg5[%arg0, %add3A_62, %dma_wait3A] : memref<2x10240x128xf32, #tpu.memory_space<hbm>> -> memref<1x80x128xf32, #tpu.memory_space<hbm>>
      %dma_wait3A_73 = tpu.memref_squeeze %dma_wait3A_72 : memref<1x80x128xf32, #tpu.memory_space<hbm>> -> memref<80x128xf32, #tpu.memory_space<hbm>>
      %dma_wait3A_74 = arith.constant 0 : i32
      %dma_wait3A_75 = tpu.memref_slice %arg5[%arg0, %add3A_62, %dma_wait3A_74] : memref<2x10240x128xf32, #tpu.memory_space<hbm>> -> memref<1x80x128xf32, #tpu.memory_space<hbm>>
      %dma_wait3A_76 = tpu.memref_squeeze %dma_wait3A_75 : memref<1x80x128xf32, #tpu.memory_space<hbm>> -> memref<80x128xf32, #tpu.memory_space<hbm>>
      tpu.wait_dma2 semaphore(%run_scoped3A : memref<!tpu.dma_semaphore, #tpu.memory_space<semaphore_mem>>) src(%arg8 : memref<80x128xf32, #tpu.memory_space<vmem>>) dst(%dma_wait3A_76 : memref<80x128xf32, #tpu.memory_space<hbm>>)
      tpu.yield
    }) : () -> ()
    %mul3A_63 = arith.constant 640 : i32
    %mul3A_64 = arith.muli %arg1, %mul3A_63 : i32
    %add3A_65 = arith.constant 560 : i32
    %add3A_66 = arith.addi %mul3A_64, %add3A_65 : i32
    "tpu.region"() ({
      %run_scoped3A = tpu.sem_alloc : memref<!tpu.dma_semaphore, #tpu.memory_space<semaphore_mem>>
      %dma_start3A = arith.constant 0 : i32
      %dma_start3A_67 = tpu.memref_slice %arg9[%add3A_66, %dma_start3A] : memref<10240x128xf32, #tpu.memory_space<vmem_shared>> -> memref<80x128xf32, #tpu.memory_space<vmem_shared>>
      %dma_start3A_68 = arith.constant 0 : i32
      %dma_start3A_69 = tpu.memref_slice %arg9[%add3A_66, %dma_start3A_68] : memref<10240x128xf32, #tpu.memory_space<vmem_shared>> -> memref<80x128xf32, #tpu.memory_space<vmem_shared>>
      tpu.enqueue_dma source(%dma_start3A_69 : memref<80x128xf32, #tpu.memory_space<vmem_shared>>) target(%arg8 : memref<80x128xf32, #tpu.memory_space<vmem>>) target_semaphore(%run_scoped3A : memref<!tpu.dma_semaphore, #tpu.memory_space<semaphore_mem>>)
      %dma_wait3A = arith.constant 0 : i32
      %dma_wait3A_70 = tpu.memref_slice %arg9[%add3A_66, %dma_wait3A] : memref<10240x128xf32, #tpu.memory_space<vmem_shared>> -> memref<80x128xf32, #tpu.memory_space<vmem_shared>>
      %dma_wait3A_71 = arith.constant 0 : i32
      %dma_wait3A_72 = tpu.memref_slice %arg9[%add3A_66, %dma_wait3A_71] : memref<10240x128xf32, #tpu.memory_space<vmem_shared>> -> memref<80x128xf32, #tpu.memory_space<vmem_shared>>
      tpu.wait_dma2 semaphore(%run_scoped3A : memref<!tpu.dma_semaphore, #tpu.memory_space<semaphore_mem>>) src(%dma_wait3A_72 : memref<80x128xf32, #tpu.memory_space<vmem_shared>>) dst(%arg8 : memref<80x128xf32, #tpu.memory_space<vmem>>)
      tpu.yield
    }) : () -> ()
    "tpu.region"() ({
      %run_scoped3A = tpu.sem_alloc : memref<!tpu.dma_semaphore, #tpu.memory_space<semaphore_mem>>
      %dma_start3A = arith.constant 0 : i32
      %dma_start3A_67 = tpu.memref_slice %arg5[%arg0, %add3A_66, %dma_start3A] : memref<2x10240x128xf32, #tpu.memory_space<hbm>> -> memref<1x80x128xf32, #tpu.memory_space<hbm>>
      %dma_start3A_68 = tpu.memref_squeeze %dma_start3A_67 : memref<1x80x128xf32, #tpu.memory_space<hbm>> -> memref<80x128xf32, #tpu.memory_space<hbm>>
      %dma_start3A_69 = arith.constant 0 : i32
      %dma_start3A_70 = tpu.memref_slice %arg5[%arg0, %add3A_66, %dma_start3A_69] : memref<2x10240x128xf32, #tpu.memory_space<hbm>> -> memref<1x80x128xf32, #tpu.memory_space<hbm>>
      %dma_start3A_71 = tpu.memref_squeeze %dma_start3A_70 : memref<1x80x128xf32, #tpu.memory_space<hbm>> -> memref<80x128xf32, #tpu.memory_space<hbm>>
      tpu.enqueue_dma source(%arg8 : memref<80x128xf32, #tpu.memory_space<vmem>>) target(%dma_start3A_71 : memref<80x128xf32, #tpu.memory_space<hbm>>) target_semaphore(%run_scoped3A : memref<!tpu.dma_semaphore, #tpu.memory_space<semaphore_mem>>)
      %dma_wait3A = arith.constant 0 : i32
      %dma_wait3A_72 = tpu.memref_slice %arg5[%arg0, %add3A_66, %dma_wait3A] : memref<2x10240x128xf32, #tpu.memory_space<hbm>> -> memref<1x80x128xf32, #tpu.memory_space<hbm>>
      %dma_wait3A_73 = tpu.memref_squeeze %dma_wait3A_72 : memref<1x80x128xf32, #tpu.memory_space<hbm>> -> memref<80x128xf32, #tpu.memory_space<hbm>>
      %dma_wait3A_74 = arith.constant 0 : i32
      %dma_wait3A_75 = tpu.memref_slice %arg5[%arg0, %add3A_66, %dma_wait3A_74] : memref<2x10240x128xf32, #tpu.memory_space<hbm>> -> memref<1x80x128xf32, #tpu.memory_space<hbm>>
      %dma_wait3A_76 = tpu.memref_squeeze %dma_wait3A_75 : memref<1x80x128xf32, #tpu.memory_space<hbm>> -> memref<80x128xf32, #tpu.memory_space<hbm>>
      tpu.wait_dma2 semaphore(%run_scoped3A : memref<!tpu.dma_semaphore, #tpu.memory_space<semaphore_mem>>) src(%arg8 : memref<80x128xf32, #tpu.memory_space<vmem>>) dst(%dma_wait3A_76 : memref<80x128xf32, #tpu.memory_space<hbm>>)
      tpu.yield
    }) : () -> ()
    return
  }
}

module attributes {stable_mosaic.version = 14 : i64} {
  func.func @_gru_body(%arg0: i32, %arg1: memref<1000x128xf32, #tpu.memory_space<vmem>>, %arg2: memref<1x1000x128xf32, #tpu.memory_space<vmem>>, %arg3: memref<1x1000x128xf32, #tpu.memory_space<vmem>>, %arg4: memref<1x1000x128xf32, #tpu.memory_space<vmem>>, %arg5: memref<1x1000x128xf32, #tpu.memory_space<vmem>>, %arg6: memref<128x256xf32, #tpu.memory_space<vmem>>, %arg7: memref<128x256xf32, #tpu.memory_space<vmem>>, %arg8: memref<128x256xf32, #tpu.memory_space<vmem>>, %arg9: memref<128x256xf32, #tpu.memory_space<vmem>>, %arg10: memref<256x384xf32, #tpu.memory_space<vmem>>, %arg11: memref<128x384xf32, #tpu.memory_space<vmem>>, %arg12: memref<1x256xf32, #tpu.memory_space<vmem>>, %arg13: memref<1x256xf32, #tpu.memory_space<vmem>>, %arg14: memref<1x384xf32, #tpu.memory_space<vmem>>, %arg15: memref<1x384xf32, #tpu.memory_space<vmem>>, %arg16: memref<1000x128xf32, #tpu.memory_space<vmem>>) attributes {dimension_semantics = [#tpu.dimension_semantics<arbitrary>], iteration_bounds = array<i64: 10>, scalar_prefetch = 0 : i64, scratch_operands = 0 : i64, tpu.core_type = #tpu.core_type<tc>, window_params = [{transform_indices = @transform_0, window_bounds = array<i64: 1000, 128>}, {transform_indices = @transform_1, window_bounds = array<i64: 1, 1000, 128>}, {transform_indices = @transform_2, window_bounds = array<i64: 1, 1000, 128>}, {transform_indices = @transform_3, window_bounds = array<i64: 1, 1000, 128>}, {transform_indices = @transform_4, window_bounds = array<i64: 1, 1000, 128>}, {pipeline_mode = #tpu.pipeline_mode<synchronous>, transform_indices = @transform_5, window_bounds = array<i64: 128, 256>}, {pipeline_mode = #tpu.pipeline_mode<synchronous>, transform_indices = @transform_6, window_bounds = array<i64: 128, 256>}, {pipeline_mode = #tpu.pipeline_mode<synchronous>, transform_indices = @transform_7, window_bounds = array<i64: 128, 256>}, {pipeline_mode = #tpu.pipeline_mode<synchronous>, transform_indices = @transform_8, window_bounds = array<i64: 128, 256>}, {pipeline_mode = #tpu.pipeline_mode<synchronous>, transform_indices = @transform_9, window_bounds = array<i64: 256, 384>}, {pipeline_mode = #tpu.pipeline_mode<synchronous>, transform_indices = @transform_10, window_bounds = array<i64: 128, 384>}, {pipeline_mode = #tpu.pipeline_mode<synchronous>, transform_indices = @transform_11, window_bounds = array<i64: 1, 256>}, {pipeline_mode = #tpu.pipeline_mode<synchronous>, transform_indices = @transform_12, window_bounds = array<i64: 1, 256>}, {pipeline_mode = #tpu.pipeline_mode<synchronous>, transform_indices = @transform_13, window_bounds = array<i64: 1, 384>}, {pipeline_mode = #tpu.pipeline_mode<synchronous>, transform_indices = @transform_14, window_bounds = array<i64: 1, 384>}, {transform_indices = @transform_15, window_bounds = array<i64: 1000, 128>}]} {
    %get3A = arith.constant 0 : index
    %get3A_0 = arith.constant 0 : index
    %get3A_1 = vector.load %arg1[%get3A, %get3A_0] : memref<1000x128xf32, #tpu.memory_space<vmem>>, vector<1000x128xf32>
    %convert_element_type3A = arith.truncf %get3A_1 : vector<1000x128xf32> to vector<1000x128xbf16>
    %convert_element_type3A_2 = arith.extf %convert_element_type3A : vector<1000x128xbf16> to vector<1000x128xf32>
    %get3A_3 = arith.constant 0 : index
    %get3A_4 = arith.constant 0 : index
    %get3A_5 = arith.constant 0 : index
    %get3A_6 = vector.load %arg4[%get3A_3, %get3A_4, %get3A_5] : memref<1x1000x128xf32, #tpu.memory_space<vmem>>, vector<1x1000x128xf32>
    %get3A_7 = vector.shape_cast %get3A_6 : vector<1x1000x128xf32> to vector<1000x128xf32>
    %slice3A = vector.extract_strided_slice %get3A_7 {offsets = [0, 0], sizes = [1000, 1], strides = [1, 1]} : vector<1000x128xf32> to vector<1000x1xf32>
    %get3A_8 = arith.constant 0 : index
    %get3A_9 = arith.constant 0 : index
    %get3A_10 = arith.constant 0 : index
    %get3A_11 = vector.load %arg5[%get3A_8, %get3A_9, %get3A_10] : memref<1x1000x128xf32, #tpu.memory_space<vmem>>, vector<1x1000x128xf32>
    %get3A_12 = vector.shape_cast %get3A_11 : vector<1x1000x128xf32> to vector<1000x128xf32>
    %slice3A_13 = vector.extract_strided_slice %get3A_12 {offsets = [0, 0], sizes = [1000, 1], strides = [1, 1]} : vector<1000x128xf32> to vector<1000x1xf32>
    %get3A_14 = arith.constant 0 : index
    %get3A_15 = arith.constant 0 : index
    %get3A_16 = arith.constant 0 : index
    %get3A_17 = vector.load %arg2[%get3A_14, %get3A_15, %get3A_16] : memref<1x1000x128xf32, #tpu.memory_space<vmem>>, vector<1x1000x128xf32>
    %get3A_18 = vector.shape_cast %get3A_17 : vector<1x1000x128xf32> to vector<1000x128xf32>
    %convert_element_type3A_19 = arith.truncf %get3A_18 : vector<1000x128xf32> to vector<1000x128xbf16>
    %convert_element_type3A_20 = arith.extf %convert_element_type3A_19 : vector<1000x128xbf16> to vector<1000x128xf32>
    %get3A_21 = arith.constant 0 : index
    %get3A_22 = arith.constant 0 : index
    %get3A_23 = vector.load %arg6[%get3A_21, %get3A_22] : memref<128x256xf32, #tpu.memory_space<vmem>>, vector<128x256xf32>
    %dot_general3A = arith.constant dense<0.000000e+00> : vector<1000x256xf32>
    %dot_general3A_24 = tpu.matmul %convert_element_type3A_20, %get3A_23, %dot_general3A {dimension_numbers = #tpu.dot_dimension_numbers<[1], [0], [0], [1], [0, 0, 1, 1], [], []>, transpose_lhs_hint = false} : vector<1000x128xf32>, vector<128x256xf32>, vector<1000x256xf32> -> vector<1000x256xf32>
    %sub3A = arith.subf %get3A_18, %convert_element_type3A_20 : vector<1000x128xf32>
    %get3A_25 = arith.constant 0 : index
    %get3A_26 = arith.constant 0 : index
    %get3A_27 = vector.load %arg6[%get3A_25, %get3A_26] : memref<128x256xf32, #tpu.memory_space<vmem>>, vector<128x256xf32>
    %dot_general3A_28 = arith.constant dense<0.000000e+00> : vector<1000x256xf32>
    %dot_general3A_29 = tpu.matmul %sub3A, %get3A_27, %dot_general3A_28 {dimension_numbers = #tpu.dot_dimension_numbers<[1], [0], [0], [1], [0, 0, 1, 1], [], []>, transpose_lhs_hint = false} : vector<1000x128xf32>, vector<128x256xf32>, vector<1000x256xf32> -> vector<1000x256xf32>
    %add3A = arith.addf %dot_general3A_24, %dot_general3A_29 : vector<1000x256xf32>
    %get3A_30 = arith.constant 0 : index
    %get3A_31 = arith.constant 0 : index
    %get3A_32 = arith.constant 0 : index
    %get3A_33 = vector.load %arg3[%get3A_30, %get3A_31, %get3A_32] : memref<1x1000x128xf32, #tpu.memory_space<vmem>>, vector<1x1000x128xf32>
    %get3A_34 = vector.shape_cast %get3A_33 : vector<1x1000x128xf32> to vector<1000x128xf32>
    %convert_element_type3A_35 = arith.truncf %get3A_34 : vector<1000x128xf32> to vector<1000x128xbf16>
    %convert_element_type3A_36 = arith.extf %convert_element_type3A_35 : vector<1000x128xbf16> to vector<1000x128xf32>
    %get3A_37 = arith.constant 0 : index
    %get3A_38 = arith.constant 0 : index
    %get3A_39 = vector.load %arg7[%get3A_37, %get3A_38] : memref<128x256xf32, #tpu.memory_space<vmem>>, vector<128x256xf32>
    %dot_general3A_40 = arith.constant dense<0.000000e+00> : vector<1000x256xf32>
    %dot_general3A_41 = tpu.matmul %convert_element_type3A_36, %get3A_39, %dot_general3A_40 {dimension_numbers = #tpu.dot_dimension_numbers<[1], [0], [0], [1], [0, 0, 1, 1], [], []>, transpose_lhs_hint = false} : vector<1000x128xf32>, vector<128x256xf32>, vector<1000x256xf32> -> vector<1000x256xf32>
    %sub3A_42 = arith.subf %get3A_34, %convert_element_type3A_36 : vector<1000x128xf32>
    %get3A_43 = arith.constant 0 : index
    %get3A_44 = arith.constant 0 : index
    %get3A_45 = vector.load %arg7[%get3A_43, %get3A_44] : memref<128x256xf32, #tpu.memory_space<vmem>>, vector<128x256xf32>
    %dot_general3A_46 = arith.constant dense<0.000000e+00> : vector<1000x256xf32>
    %dot_general3A_47 = tpu.matmul %sub3A_42, %get3A_45, %dot_general3A_46 {dimension_numbers = #tpu.dot_dimension_numbers<[1], [0], [0], [1], [0, 0, 1, 1], [], []>, transpose_lhs_hint = false} : vector<1000x128xf32>, vector<128x256xf32>, vector<1000x256xf32> -> vector<1000x256xf32>
    %add3A_48 = arith.addf %dot_general3A_41, %dot_general3A_47 : vector<1000x256xf32>
    %add3A_49 = arith.addf %add3A, %add3A_48 : vector<1000x256xf32>
    %get3A_50 = arith.constant 0 : index
    %get3A_51 = arith.constant 0 : index
    %get3A_52 = vector.load %arg8[%get3A_50, %get3A_51] : memref<128x256xf32, #tpu.memory_space<vmem>>, vector<128x256xf32>
    %dot_general3A_53 = arith.constant dense<0.000000e+00> : vector<1000x256xf32>
    %dot_general3A_54 = tpu.matmul %convert_element_type3A_2, %get3A_52, %dot_general3A_53 {dimension_numbers = #tpu.dot_dimension_numbers<[1], [0], [0], [1], [0, 0, 1, 1], [], []>, transpose_lhs_hint = false} : vector<1000x128xf32>, vector<128x256xf32>, vector<1000x256xf32> -> vector<1000x256xf32>
    %get3A_55 = arith.constant 0 : index
    %get3A_56 = arith.constant 0 : index
    %get3A_57 = vector.load %arg12[%get3A_55, %get3A_56] : memref<1x256xf32, #tpu.memory_space<vmem>>, vector<1x256xf32>
    %add3A_58 = vector.broadcast %get3A_57 : vector<1x256xf32> to vector<1000x256xf32>
    %add3A_59 = arith.addf %dot_general3A_54, %add3A_58 : vector<1000x256xf32>
    %mul3A = vector.broadcast %slice3A : vector<1000x1xf32> to vector<1000x256xf32>
    %mul3A_60 = arith.mulf %mul3A, %add3A_59 : vector<1000x256xf32>
    %add3A_61 = arith.addf %add3A_49, %mul3A_60 : vector<1000x256xf32>
    %get3A_62 = arith.constant 0 : index
    %get3A_63 = arith.constant 0 : index
    %get3A_64 = vector.load %arg9[%get3A_62, %get3A_63] : memref<128x256xf32, #tpu.memory_space<vmem>>, vector<128x256xf32>
    %dot_general3A_65 = arith.constant dense<0.000000e+00> : vector<1000x256xf32>
    %dot_general3A_66 = tpu.matmul %convert_element_type3A_2, %get3A_64, %dot_general3A_65 {dimension_numbers = #tpu.dot_dimension_numbers<[1], [0], [0], [1], [0, 0, 1, 1], [], []>, transpose_lhs_hint = false} : vector<1000x128xf32>, vector<128x256xf32>, vector<1000x256xf32> -> vector<1000x256xf32>
    %get3A_67 = arith.constant 0 : index
    %get3A_68 = arith.constant 0 : index
    %get3A_69 = vector.load %arg13[%get3A_67, %get3A_68] : memref<1x256xf32, #tpu.memory_space<vmem>>, vector<1x256xf32>
    %add3A_70 = vector.broadcast %get3A_69 : vector<1x256xf32> to vector<1000x256xf32>
    %add3A_71 = arith.addf %dot_general3A_66, %add3A_70 : vector<1000x256xf32>
    %mul3A_72 = vector.broadcast %slice3A_13 : vector<1000x1xf32> to vector<1000x256xf32>
    %mul3A_73 = arith.mulf %mul3A_72, %add3A_71 : vector<1000x256xf32>
    %add3A_74 = arith.addf %add3A_61, %mul3A_73 : vector<1000x256xf32>
    %convert_element_type3A_75 = arith.truncf %add3A_74 : vector<1000x256xf32> to vector<1000x256xbf16>
    %convert_element_type3A_76 = arith.extf %convert_element_type3A_75 : vector<1000x256xbf16> to vector<1000x256xf32>
    %get3A_77 = arith.constant 0 : index
    %get3A_78 = arith.constant 0 : index
    %get3A_79 = vector.load %arg10[%get3A_77, %get3A_78] : memref<256x384xf32, #tpu.memory_space<vmem>>, vector<256x384xf32>
    %dot_general3A_80 = arith.constant dense<0.000000e+00> : vector<1000x384xf32>
    %dot_general3A_81 = tpu.matmul %convert_element_type3A_76, %get3A_79, %dot_general3A_80 {dimension_numbers = #tpu.dot_dimension_numbers<[1], [0], [0], [1], [0, 0, 1, 1], [], []>, transpose_lhs_hint = false} : vector<1000x256xf32>, vector<256x384xf32>, vector<1000x384xf32> -> vector<1000x384xf32>
    %get3A_82 = arith.constant 0 : index
    %get3A_83 = arith.constant 0 : index
    %get3A_84 = vector.load %arg14[%get3A_82, %get3A_83] : memref<1x384xf32, #tpu.memory_space<vmem>>, vector<1x384xf32>
    %add3A_85 = vector.broadcast %get3A_84 : vector<1x384xf32> to vector<1000x384xf32>
    %add3A_86 = arith.addf %dot_general3A_81, %add3A_85 : vector<1000x384xf32>
    %get3A_87 = arith.constant 0 : index
    %get3A_88 = arith.constant 0 : index
    %get3A_89 = vector.load %arg11[%get3A_87, %get3A_88] : memref<128x384xf32, #tpu.memory_space<vmem>>, vector<128x384xf32>
    %dot_general3A_90 = arith.constant dense<0.000000e+00> : vector<1000x384xf32>
    %dot_general3A_91 = tpu.matmul %convert_element_type3A_2, %get3A_89, %dot_general3A_90 {dimension_numbers = #tpu.dot_dimension_numbers<[1], [0], [0], [1], [0, 0, 1, 1], [], []>, transpose_lhs_hint = false} : vector<1000x128xf32>, vector<128x384xf32>, vector<1000x384xf32> -> vector<1000x384xf32>
    %get3A_92 = arith.constant 0 : index
    %get3A_93 = arith.constant 0 : index
    %get3A_94 = vector.load %arg15[%get3A_92, %get3A_93] : memref<1x384xf32, #tpu.memory_space<vmem>>, vector<1x384xf32>
    %add3A_95 = vector.broadcast %get3A_94 : vector<1x384xf32> to vector<1000x384xf32>
    %add3A_96 = arith.addf %dot_general3A_91, %add3A_95 : vector<1000x384xf32>
    %slice3A_97 = vector.extract_strided_slice %add3A_86 {offsets = [0, 0], sizes = [1000, 128], strides = [1, 1]} : vector<1000x384xf32> to vector<1000x128xf32>
    %slice3A_98 = vector.extract_strided_slice %add3A_96 {offsets = [0, 0], sizes = [1000, 128], strides = [1, 1]} : vector<1000x384xf32> to vector<1000x128xf32>
    %add3A_99 = arith.addf %slice3A_97, %slice3A_98 : vector<1000x128xf32>
    %logistic3A = arith.negf %add3A_99 : vector<1000x128xf32>
    %logistic3A_100 = math.exp %logistic3A : vector<1000x128xf32>
    %logistic3A_101 = arith.constant 1.000000e+00 : f32
    %logistic3A_102 = vector.broadcast %logistic3A_101 : f32 to vector<1000x128xf32>
    %logistic3A_103 = arith.addf %logistic3A_102, %logistic3A_100 : vector<1000x128xf32>
    %logistic3A_104 = arith.divf %logistic3A_102, %logistic3A_103 : vector<1000x128xf32>
    %slice3A_105 = vector.extract_strided_slice %add3A_86 {offsets = [0, 128], sizes = [1000, 128], strides = [1, 1]} : vector<1000x384xf32> to vector<1000x128xf32>
    %slice3A_106 = vector.extract_strided_slice %add3A_96 {offsets = [0, 128], sizes = [1000, 128], strides = [1, 1]} : vector<1000x384xf32> to vector<1000x128xf32>
    %add3A_107 = arith.addf %slice3A_105, %slice3A_106 : vector<1000x128xf32>
    %logistic3A_108 = arith.negf %add3A_107 : vector<1000x128xf32>
    %logistic3A_109 = math.exp %logistic3A_108 : vector<1000x128xf32>
    %logistic3A_110 = arith.constant 1.000000e+00 : f32
    %logistic3A_111 = vector.broadcast %logistic3A_110 : f32 to vector<1000x128xf32>
    %logistic3A_112 = arith.addf %logistic3A_111, %logistic3A_109 : vector<1000x128xf32>
    %logistic3A_113 = arith.divf %logistic3A_111, %logistic3A_112 : vector<1000x128xf32>
    %slice3A_114 = vector.extract_strided_slice %add3A_86 {offsets = [0, 256], sizes = [1000, 128], strides = [1, 1]} : vector<1000x384xf32> to vector<1000x128xf32>
    %slice3A_115 = vector.extract_strided_slice %add3A_96 {offsets = [0, 256], sizes = [1000, 128], strides = [1, 1]} : vector<1000x384xf32> to vector<1000x128xf32>
    %mul3A_116 = arith.mulf %logistic3A_104, %slice3A_115 : vector<1000x128xf32>
    %add3A_117 = arith.addf %slice3A_114, %mul3A_116 : vector<1000x128xf32>
    %tanh3A = math.tanh %add3A_117 : vector<1000x128xf32>
    %sub3A_118 = arith.constant 1.000000e+00 : f32
    %sub3A_119 = vector.broadcast %sub3A_118 : f32 to vector<1000x128xf32>
    %sub3A_120 = arith.subf %sub3A_119, %logistic3A_113 : vector<1000x128xf32>
    %mul3A_121 = arith.mulf %sub3A_120, %tanh3A : vector<1000x128xf32>
    %mul3A_122 = arith.mulf %logistic3A_113, %get3A_1 : vector<1000x128xf32>
    %add3A_123 = arith.addf %mul3A_121, %mul3A_122 : vector<1000x128xf32>
    %swap3A = arith.constant 0 : index
    %swap3A_124 = arith.constant 0 : index
    %swap3A_125 = vector.load %arg16[%swap3A, %swap3A_124] : memref<1000x128xf32, #tpu.memory_space<vmem>>, vector<1000x128xf32>
    tpu.vector_store %arg16[%swap3A, %swap3A_124], %add3A_123 {strides = array<i32>} : memref<1000x128xf32, #tpu.memory_space<vmem>>, vector<1000x128xf32>,
    return
  }
  func.func @transform_0(%arg0: i32) -> (i32, i32) {
    %c0_i32 = arith.constant 0 : i32
    %c0_i32_0 = arith.constant 0 : i32
    return %arg0, %c0_i32 : i32, i32
  }
  func.func @transform_1(%arg0: i32) -> (i32, i32, i32) {
    %c0_i32 = arith.constant 0 : i32
    %c0_i32_0 = arith.constant 0 : i32
    %c0_i32_1 = arith.constant 0 : i32
    return %c0_i32, %arg0, %c0_i32_0 : i32, i32, i32
  }
  func.func @transform_2(%arg0: i32) -> (i32, i32, i32) {
    %c1_i32 = arith.constant 1 : i32
    %c0_i32 = arith.constant 0 : i32
    %c0_i32_0 = arith.constant 0 : i32
    return %c1_i32, %arg0, %c0_i32 : i32, i32, i32
  }
  func.func @transform_3(%arg0: i32) -> (i32, i32, i32) {
    %c0_i32 = arith.constant 0 : i32
    %c0_i32_0 = arith.constant 0 : i32
    %c0_i32_1 = arith.constant 0 : i32
    return %c0_i32, %arg0, %c0_i32_0 : i32, i32, i32
  }
  func.func @transform_4(%arg0: i32) -> (i32, i32, i32) {
    %c1_i32 = arith.constant 1 : i32
    %c0_i32 = arith.constant 0 : i32
    %c0_i32_0 = arith.constant 0 : i32
    return %c1_i32, %arg0, %c0_i32 : i32, i32, i32
  }
  func.func @transform_5(%arg0: i32) -> (i32, i32) {
    %c0_i32 = arith.constant 0 : i32
    %c0_i32_0 = arith.constant 0 : i32
    %c0_i32_1 = arith.constant 0 : i32
    return %c0_i32, %c0_i32_0 : i32, i32
  }
  func.func @transform_6(%arg0: i32) -> (i32, i32) {
    %c0_i32 = arith.constant 0 : i32
    %c0_i32_0 = arith.constant 0 : i32
    %c0_i32_1 = arith.constant 0 : i32
    return %c0_i32, %c0_i32_0 : i32, i32
  }
  func.func @transform_7(%arg0: i32) -> (i32, i32) {
    %c0_i32 = arith.constant 0 : i32
    %c0_i32_0 = arith.constant 0 : i32
    %c0_i32_1 = arith.constant 0 : i32
    return %c0_i32, %c0_i32_0 : i32, i32
  }
  func.func @transform_8(%arg0: i32) -> (i32, i32) {
    %c0_i32 = arith.constant 0 : i32
    %c0_i32_0 = arith.constant 0 : i32
    %c0_i32_1 = arith.constant 0 : i32
    return %c0_i32, %c0_i32_0 : i32, i32
  }
  func.func @transform_9(%arg0: i32) -> (i32, i32) {
    %c0_i32 = arith.constant 0 : i32
    %c0_i32_0 = arith.constant 0 : i32
    %c0_i32_1 = arith.constant 0 : i32
    return %c0_i32, %c0_i32_0 : i32, i32
  }
  func.func @transform_10(%arg0: i32) -> (i32, i32) {
    %c0_i32 = arith.constant 0 : i32
    %c0_i32_0 = arith.constant 0 : i32
    %c0_i32_1 = arith.constant 0 : i32
    return %c0_i32, %c0_i32_0 : i32, i32
  }
  func.func @transform_11(%arg0: i32) -> (i32, i32) {
    %c0_i32 = arith.constant 0 : i32
    %c0_i32_0 = arith.constant 0 : i32
    %c0_i32_1 = arith.constant 0 : i32
    return %c0_i32, %c0_i32_0 : i32, i32
  }
  func.func @transform_12(%arg0: i32) -> (i32, i32) {
    %c0_i32 = arith.constant 0 : i32
    %c0_i32_0 = arith.constant 0 : i32
    %c0_i32_1 = arith.constant 0 : i32
    return %c0_i32, %c0_i32_0 : i32, i32
  }
  func.func @transform_13(%arg0: i32) -> (i32, i32) {
    %c0_i32 = arith.constant 0 : i32
    %c0_i32_0 = arith.constant 0 : i32
    %c0_i32_1 = arith.constant 0 : i32
    return %c0_i32, %c0_i32_0 : i32, i32
  }
  func.func @transform_14(%arg0: i32) -> (i32, i32) {
    %c0_i32 = arith.constant 0 : i32
    %c0_i32_0 = arith.constant 0 : i32
    %c0_i32_1 = arith.constant 0 : i32
    return %c0_i32, %c0_i32_0 : i32, i32
  }
  func.func @transform_15(%arg0: i32) -> (i32, i32) {
    %c0_i32 = arith.constant 0 : i32
    %c0_i32_0 = arith.constant 0 : i32
    return %arg0, %c0_i32 : i32, i32
  }
}

module attributes {stable_mosaic.version = 14 : i64} {
  func.func @_final_body(%arg0: i32, %arg1: memref<1000x128xf32, #tpu.memory_space<vmem>>, %arg2: memref<128x128xf32, #tpu.memory_space<vmem>>, %arg3: memref<1x128xf32, #tpu.memory_space<vmem>>, %arg4: memref<128x128xf32, #tpu.memory_space<vmem>>, %arg5: memref<1x128xf32, #tpu.memory_space<vmem>>, %arg6: memref<1000x128xf32, #tpu.memory_space<vmem>>, %arg7: memref<10x128xf32, #tpu.memory_space<vmem>>, %arg8: memref<10x128xf32, #tpu.memory_space<vmem>>) attributes {dimension_semantics = [#tpu.dimension_semantics<arbitrary>], iteration_bounds = array<i64: 10>, scalar_prefetch = 0 : i64, scratch_operands = 0 : i64, tpu.core_type = #tpu.core_type<tc>, window_params = [{transform_indices = @transform_0, window_bounds = array<i64: 1000, 128>}, {pipeline_mode = #tpu.pipeline_mode<synchronous>, transform_indices = @transform_1, window_bounds = array<i64: 128, 128>}, {pipeline_mode = #tpu.pipeline_mode<synchronous>, transform_indices = @transform_2, window_bounds = array<i64: 1, 128>}, {pipeline_mode = #tpu.pipeline_mode<synchronous>, transform_indices = @transform_3, window_bounds = array<i64: 128, 128>}, {pipeline_mode = #tpu.pipeline_mode<synchronous>, transform_indices = @transform_4, window_bounds = array<i64: 1, 128>}, {transform_indices = @transform_5, window_bounds = array<i64: 1000, 128>}, {pipeline_mode = #tpu.pipeline_mode<synchronous>, transform_indices = @transform_6, window_bounds = array<i64: 10, 128>}, {pipeline_mode = #tpu.pipeline_mode<synchronous>, transform_indices = @transform_7, window_bounds = array<i64: 10, 128>}]} {
    %get3A = arith.constant 0 : index
    %get3A_0 = arith.constant 0 : index
    %get3A_1 = vector.load %arg1[%get3A, %get3A_0] : memref<1000x128xf32, #tpu.memory_space<vmem>>, vector<1000x128xf32>
    %mul3A = arith.mulf %get3A_1, %get3A_1 : vector<1000x128xf32>
    %reduce_sum3A = arith.constant dense<0.000000e+00> : vector<1000xf32>
    %reduce_sum3A_2 = vector.multi_reduction <add>, %mul3A, %reduce_sum3A [1] : vector<1000x128xf32> to vector<1000xf32>
    %broadcast_in_dim3A = vector.shape_cast %reduce_sum3A_2 : vector<1000xf32> to vector<1000x1xf32>
    %sqrt3A = math.sqrt %broadcast_in_dim3A : vector<1000x1xf32>
    %max3A = arith.constant 9.99999996E-13 : f32
    %max3A_3 = vector.broadcast %max3A : f32 to vector<1000x1xf32>
    %max3A_4 = arith.maximumf %sqrt3A, %max3A_3 : vector<1000x1xf32>
    %div3A = vector.broadcast %max3A_4 : vector<1000x1xf32> to vector<1000x128xf32>
    %div3A_5 = arith.divf %get3A_1, %div3A : vector<1000x128xf32>
    %swap3A = arith.constant 0 : index
    %swap3A_6 = arith.constant 0 : index
    %swap3A_7 = vector.load %arg6[%swap3A, %swap3A_6] : memref<1000x128xf32, #tpu.memory_space<vmem>>, vector<1000x128xf32>
    tpu.vector_store %arg6[%swap3A, %swap3A_6], %div3A_5 {strides = array<i32>} : memref<1000x128xf32, #tpu.memory_space<vmem>>, vector<1000x128xf32>,
    %convert_element_type3A = arith.truncf %div3A_5 : vector<1000x128xf32> to vector<1000x128xbf16>
    %convert_element_type3A_8 = arith.extf %convert_element_type3A : vector<1000x128xbf16> to vector<1000x128xf32>
    %reduce_sum3A_9 = arith.constant dense<0.000000e+00> : vector<128xf32>
    %reduce_sum3A_10 = vector.multi_reduction <add>, %convert_element_type3A_8, %reduce_sum3A_9 [0] : vector<1000x128xf32> to vector<128xf32>
    %broadcast_in_dim3A_11 = vector.shape_cast %reduce_sum3A_10 : vector<128xf32> to vector<1x128xf32>
    %mul3A_12 = arith.constant 1.000000e-03 : f32
    %mul3A_13 = vector.broadcast %mul3A_12 : f32 to vector<1x128xf32>
    %mul3A_14 = arith.mulf %broadcast_in_dim3A_11, %mul3A_13 : vector<1x128xf32>
    %convert_element_type3A_15 = arith.truncf %mul3A_14 : vector<1x128xf32> to vector<1x128xbf16>
    %convert_element_type3A_16 = arith.extf %convert_element_type3A_15 : vector<1x128xbf16> to vector<1x128xf32>
    %sub3A = arith.subf %mul3A_14, %convert_element_type3A_16 : vector<1x128xf32>
    %get3A_17 = arith.constant 0 : index
    %get3A_18 = arith.constant 0 : index
    %get3A_19 = vector.load %arg2[%get3A_17, %get3A_18] : memref<128x128xf32, #tpu.memory_space<vmem>>, vector<128x128xf32>
    %dot_general3A = arith.constant dense<0.000000e+00> : vector<1x128xf32>
    %dot_general3A_20 = tpu.matmul %convert_element_type3A_16, %get3A_19, %dot_general3A {dimension_numbers = #tpu.dot_dimension_numbers<[1], [0], [0], [1], [0, 0, 1, 1], [], []>, transpose_lhs_hint = false} : vector<1x128xf32>, vector<128x128xf32>, vector<1x128xf32> -> vector<1x128xf32>
    %get3A_21 = arith.constant 0 : index
    %get3A_22 = arith.constant 0 : index
    %get3A_23 = vector.load %arg2[%get3A_21, %get3A_22] : memref<128x128xf32, #tpu.memory_space<vmem>>, vector<128x128xf32>
    %dot_general3A_24 = arith.constant dense<0.000000e+00> : vector<1x128xf32>
    %dot_general3A_25 = tpu.matmul %sub3A, %get3A_23, %dot_general3A_24 {dimension_numbers = #tpu.dot_dimension_numbers<[1], [0], [0], [1], [0, 0, 1, 1], [], []>, transpose_lhs_hint = false} : vector<1x128xf32>, vector<128x128xf32>, vector<1x128xf32> -> vector<1x128xf32>
    %add3A = arith.addf %dot_general3A_20, %dot_general3A_25 : vector<1x128xf32>
    %get3A_26 = arith.constant 0 : index
    %get3A_27 = arith.constant 0 : index
    %get3A_28 = vector.load %arg3[%get3A_26, %get3A_27] : memref<1x128xf32, #tpu.memory_space<vmem>>, vector<1x128xf32>
    %add3A_29 = arith.addf %add3A, %get3A_28 : vector<1x128xf32>
    %mul3A_30 = arith.mulf %add3A_29, %add3A_29 : vector<1x128xf32>
    %reduce_sum3A_31 = arith.constant dense<0.000000e+00> : vector<1xf32>
    %reduce_sum3A_32 = vector.multi_reduction <add>, %mul3A_30, %reduce_sum3A_31 [1] : vector<1x128xf32> to vector<1xf32>
    %broadcast_in_dim3A_33 = vector.shape_cast %reduce_sum3A_32 : vector<1xf32> to vector<1x1xf32>
    %sqrt3A_34 = math.sqrt %broadcast_in_dim3A_33 : vector<1x1xf32>
    %max3A_35 = arith.constant 9.99999996E-13 : f32
    %max3A_36 = vector.broadcast %max3A_35 : f32 to vector<1x1xf32>
    %max3A_37 = arith.maximumf %sqrt3A_34, %max3A_36 : vector<1x1xf32>
    %div3A_38 = vector.broadcast %max3A_37 : vector<1x1xf32> to vector<1x128xf32>
    %div3A_39 = arith.divf %add3A_29, %div3A_38 : vector<1x128xf32>
    %swap3A_40 = arith.index_cast %arg0 : i32 to index
    %swap3A_41 = arith.constant 0 : index
    %swap3A_42 = vector.load %arg7[%swap3A_40, %swap3A_41] : memref<10x128xf32, #tpu.memory_space<vmem>>, vector<1x128xf32>
    tpu.vector_store %arg7[%swap3A_40, %swap3A_41], %div3A_39 {strides = array<i32>} : memref<10x128xf32, #tpu.memory_space<vmem>>, vector<1x128xf32>,
    %get3A_43 = arith.constant 0 : index
    %get3A_44 = arith.constant 0 : index
    %get3A_45 = vector.load %arg4[%get3A_43, %get3A_44] : memref<128x128xf32, #tpu.memory_space<vmem>>, vector<128x128xf32>
    %dot_general3A_46 = arith.constant dense<0.000000e+00> : vector<1x128xf32>
    %dot_general3A_47 = tpu.matmul %convert_element_type3A_16, %get3A_45, %dot_general3A_46 {dimension_numbers = #tpu.dot_dimension_numbers<[1], [0], [0], [1], [0, 0, 1, 1], [], []>, transpose_lhs_hint = false} : vector<1x128xf32>, vector<128x128xf32>, vector<1x128xf32> -> vector<1x128xf32>
    %get3A_48 = arith.constant 0 : index
    %get3A_49 = arith.constant 0 : index
    %get3A_50 = vector.load %arg4[%get3A_48, %get3A_49] : memref<128x128xf32, #tpu.memory_space<vmem>>, vector<128x128xf32>
    %dot_general3A_51 = arith.constant dense<0.000000e+00> : vector<1x128xf32>
    %dot_general3A_52 = tpu.matmul %sub3A, %get3A_50, %dot_general3A_51 {dimension_numbers = #tpu.dot_dimension_numbers<[1], [0], [0], [1], [0, 0, 1, 1], [], []>, transpose_lhs_hint = false} : vector<1x128xf32>, vector<128x128xf32>, vector<1x128xf32> -> vector<1x128xf32>
    %add3A_53 = arith.addf %dot_general3A_47, %dot_general3A_52 : vector<1x128xf32>
    %get3A_54 = arith.constant 0 : index
    %get3A_55 = arith.constant 0 : index
    %get3A_56 = vector.load %arg5[%get3A_54, %get3A_55] : memref<1x128xf32, #tpu.memory_space<vmem>>, vector<1x128xf32>
    %add3A_57 = arith.addf %add3A_53, %get3A_56 : vector<1x128xf32>
    %mul3A_58 = arith.mulf %add3A_57, %add3A_57 : vector<1x128xf32>
    %reduce_sum3A_59 = arith.constant dense<0.000000e+00> : vector<1xf32>
    %reduce_sum3A_60 = vector.multi_reduction <add>, %mul3A_58, %reduce_sum3A_59 [1] : vector<1x128xf32> to vector<1xf32>
    %broadcast_in_dim3A_61 = vector.shape_cast %reduce_sum3A_60 : vector<1xf32> to vector<1x1xf32>
    %sqrt3A_62 = math.sqrt %broadcast_in_dim3A_61 : vector<1x1xf32>
    %max3A_63 = arith.constant 9.99999996E-13 : f32
    %max3A_64 = vector.broadcast %max3A_63 : f32 to vector<1x1xf32>
    %max3A_65 = arith.maximumf %sqrt3A_62, %max3A_64 : vector<1x1xf32>
    %div3A_66 = vector.broadcast %max3A_65 : vector<1x1xf32> to vector<1x128xf32>
    %div3A_67 = arith.divf %add3A_57, %div3A_66 : vector<1x128xf32>
    %swap3A_68 = arith.index_cast %arg0 : i32 to index
    %swap3A_69 = arith.constant 0 : index
    %swap3A_70 = vector.load %arg8[%swap3A_68, %swap3A_69] : memref<10x128xf32, #tpu.memory_space<vmem>>, vector<1x128xf32>
    tpu.vector_store %arg8[%swap3A_68, %swap3A_69], %div3A_67 {strides = array<i32>} : memref<10x128xf32, #tpu.memory_space<vmem>>, vector<1x128xf32>,
    return
  }
  func.func @transform_0(%arg0: i32) -> (i32, i32) {
    %c0_i32 = arith.constant 0 : i32
    %c0_i32_0 = arith.constant 0 : i32
    return %arg0, %c0_i32 : i32, i32
  }
  func.func @transform_1(%arg0: i32) -> (i32, i32) {
    %c0_i32 = arith.constant 0 : i32
    %c0_i32_0 = arith.constant 0 : i32
    %c0_i32_1 = arith.constant 0 : i32
    return %c0_i32, %c0_i32_0 : i32, i32
  }
  func.func @transform_2(%arg0: i32) -> (i32, i32) {
    %c0_i32 = arith.constant 0 : i32
    %c0_i32_0 = arith.constant 0 : i32
    %c0_i32_1 = arith.constant 0 : i32
    return %c0_i32, %c0_i32_0 : i32, i32
  }
  func.func @transform_3(%arg0: i32) -> (i32, i32) {
    %c0_i32 = arith.constant 0 : i32
    %c0_i32_0 = arith.constant 0 : i32
    %c0_i32_1 = arith.constant 0 : i32
    return %c0_i32, %c0_i32_0 : i32, i32
  }
  func.func @transform_4(%arg0: i32) -> (i32, i32) {
    %c0_i32 = arith.constant 0 : i32
    %c0_i32_0 = arith.constant 0 : i32
    %c0_i32_1 = arith.constant 0 : i32
    return %c0_i32, %c0_i32_0 : i32, i32
  }
  func.func @transform_5(%arg0: i32) -> (i32, i32) {
    %c0_i32 = arith.constant 0 : i32
    %c0_i32_0 = arith.constant 0 : i32
    return %arg0, %c0_i32 : i32, i32
  }
  func.func @transform_6(%arg0: i32) -> (i32, i32) {
    %c0_i32 = arith.constant 0 : i32
    %c0_i32_0 = arith.constant 0 : i32
    %c0_i32_1 = arith.constant 0 : i32
    return %c0_i32, %c0_i32_0 : i32, i32
  }
  func.func @transform_7(%arg0: i32) -> (i32, i32) {
    %c0_i32 = arith.constant 0 : i32
    %c0_i32_0 = arith.constant 0 : i32
    %c0_i32_1 = arith.constant 0 : i32
    return %c0_i32, %c0_i32_0 : i32, i32
  }
}

</mosaic_0001>

<sc_bundles>
// kernel: kernel.11.cloned.1.call-start
scs
__scs_entry_jumppad:
0x0: {  	(pc) =	sbr.rel $0x88, $3  }
0x1: {  	(tag) =	ssettag $0x0;
	lr =	simm.s32 $0x1  }
0x2: {  	[smem:$0x3F8B] =	sst lr;
	_ =	strace $0xD0000000  }
0x3: {  	_ = 	snop  }
0x4: {  	_ = 	snop  }
0x5: {  	_ = 	snop  }
0x6: {  	_ = 	snop  }
0x7: {  	_ = 	snop  }
__scs_overlays_trampoline_lowered:
0x8: {  	[smem:$0x3F9A] =	sst s0  }
0x9: {  	[smem:$0x3F9B] =	sst s1  }
0xa: {  	[smem:$0x3F9C] =	sst s2  }
0xb: {  	[smem:$0x3F9D] =	sst s3  }
0xc: {  	[smem:$0x3F9E] =	sst s4  }
0xd: {  	[smem:$0x3F9F] =	sst s5  }
0xe: {  	[smem:$0x3FA0] =	sst s6  }
0xf: {  	[smem:$0x3FA1] =	sst s7  }
0x10: {  	[smem:$0x3FA2] =	sst s8  }
0x11: {  	[smem:$0x3FA3] =	sst s9;
	s0 =	simm.s32 @!p0 $0x0  }
0x12: {  	s1 =	sld [smem:$0x3F89];
	s0 =	simm.s32 @p0 $0x1  }
0x13: {  	[smem:$0x3FA4] =	sst s0;
	s0 =	simm.s32 @!p1 $0x0  }
0x14: {  	s2 =	sld [smem:$0x3F88];
	s0 =	simm.s32 @p1 $0x1  }
0x15: {  	[smem:$0x3FA5] =	sst s0;
	s0 =	simm.s32 @!p2 $0x0  }
0x16: {  	s3 =	sld [smem:$0x3FDB];
	s0 =	simm.s32 @p2 $0x1  }
0x17: {  	s4 =	simm.s32 $0x1BF5;
	[smem:$0x3FA7] =	sst s0  }
0x18: {  	s0 =	sld [smem:$0x3F8A];
	_ =	swait.ge [sflag:s4], $0x0  }
0x19: {  	s7 =	sld [smem:$0x3F8B]  }
0x1a: {  	s8 =	sadd.s32 $0xFFFFE003, lr  }
0x1b: {  	s9 =	sadd.s32 $0xFFFFFEF7, lr;
	s5 =	simm.s32 $0xFFFFFFFF;
	p2 =	slt.u32 s8, $0xFFFFF086  }
0x1c: {  	p1 =	slt.u32 s9, $0xF7A;
	s5 =	simm.s32 @!p2 $0x0  }
0x1d: {  	s5 =	simm.s32 @p1 $0x1;
	p0 =	seq.s32 s7, s2  }
0x1e: {  	s7 =	smul.u32 @!p0 $0xF7A, s2;
	p2 =	seq.s32 @!p0 s5, $0x0  }
0x1f: {  	s9 =	smul.u32 $0xF7A, s1;
	s8 =	simm.s32 @!p0 $0x1BF5;
	p2 =	por !p2, p0  }
0x20: {  	[sflag:s8] =	ssyncset.s32 @!p0 $0xFFFFF086;
	s6 =	sadd.s32 @!p0 s3, s7;
	s7 =	simm.s32 @!p0 $0x108  }
0x21: {  	s3 =	sadd.s32 s3, s9;
	s6 =	sadd.s32 @!p0 $0x88, s6;
	s7 =	simm.s32 @p2 $0x1082  }
0x22: {  	[simem:s7], [sflag:s8] =	dma.local @!p0 [hbm:s6], $0xF7A  }
0x23: {  	s9 =	sor.u32 $0xD0000000, s2;
	s6 =	simm.s32 $0x108;
	_ =	swait.ge @!p0 [sflag:s8], $0x0  }
0x24: {  	s3 =	sadd.s32 $0x88, s3;
	s6 =	simm.s32 @!p1 $0x1082;
	[sflag:s4] =	ssyncset.s32 $0xFFFFF086  }
0x25: {  	[simem:s6], [sflag:s4] =	dma.local [hbm:s3], $0xF7A  }
0x26: {  	[smem:$0x3F8B] =	sst s1;
	(tag) =	ssettag s2;
	_ =	strace s9  }
0x27: {  	s1 =	sld [smem:$0x3F9B]  }
0x28: {  	s2 =	sld [smem:$0x3F9C]  }
0x29: {  	s4 =	sld [smem:$0x3F9E]  }
0x2a: {  	p0 =	seq.s32 s5, $0x0;
	s5 =	sld [smem:$0x3F9F]  }
0x2b: {  	s6 =	sld [smem:$0x3FA0]  }
0x2c: {  	s7 =	sld [smem:$0x3FA1]  }
0x2d: {  	s3 =	simm.s32 $0x108;
	s8 =	sld [smem:$0x3FA2]  }
0x2e: {  	s3 =	simm.s32 @!p0 $0x1082;
	s9 =	sld [smem:$0x3FA3]  }
0x2f: {  	lr =	sadd.s32 s0, s3;
	s0 =	sld [smem:$0x3F9A]  }
0x30: {  	s3 =	sld [smem:$0x3F9D]  }
0x31: {  	[smem:$0x3FA6] =	sst s10  }
0x32: {  	s10 =	sld [smem:$0x3FA4];
	_ =	sdelay $0x3  }
0x33: {  	p0 =	seq.s32 s10, $0x1;
	s10 =	sld [smem:$0x3FA6];
	_ =	sdelay $0x3  }
0x34: {  	[smem:$0x3FA6] =	sst s10  }
0x35: {  	s10 =	sld [smem:$0x3FA5];
	_ =	sdelay $0x3  }
0x36: {  	p1 =	seq.s32 s10, $0x1;
	s10 =	sld [smem:$0x3FA6];
	_ =	sdelay $0x3  }
0x37: {  	[smem:$0x3FA6] =	sst s10  }
0x38: {  	s10 =	sld [smem:$0x3FA7]  }
0x39: {  	_ = 	snop;
	(pc) =	sbr.ind lr, $3  }
0x3a: {  	_ = 	snop  }
0x3b: {  	_ = 	snop  }
0x3c: {  	p2 =	seq.s32 s10, $0x1;
	s10 =	sld [smem:$0x3FA6]  }
0x3d: {  	_ =	shalt  }
0x3e: {  	_ =	shalt  }
0x3f: {  	_ =	shalt  }
0x40: {  	_ =	shalt  }
0x41: {  	_ =	shalt  }
0x42: {  	_ =	shalt  }
0x43: {  	_ =	shalt  }
0x44: {  	_ =	shalt  }
0x45: {  	_ =	shalt  }
0x46: {  	_ =	shalt  }
0x47: {  	_ =	shalt  }
0x48: {  	_ =	shalt  }
0x49: {  	_ =	shalt  }
0x4a: {  	_ =	shalt  }
0x4b: {  	_ =	shalt  }
0x4c: {  	_ =	shalt  }
0x4d: {  	_ =	shalt  }
0x4e: {  	_ =	shalt  }
0x4f: {  	_ =	shalt  }
0x50: {  	_ =	shalt  }
0x51: {  	_ =	shalt  }
0x52: {  	_ =	shalt  }
0x53: {  	_ =	shalt  }
0x54: {  	_ =	shalt  }
0x55: {  	_ =	shalt  }
0x56: {  	_ =	shalt  }
0x57: {  	_ =	shalt  }
0x58: {  	_ =	shalt  }
0x59: {  	_ =	shalt  }
0x5a: {  	_ =	shalt  }
0x5b: {  	_ =	shalt  }
0x5c: {  	_ =	shalt  }
0x5d: {  	_ =	shalt  }
0x5e: {  	_ =	shalt  }
0x5f: {  	_ =	shalt  }
0x60: {  	_ =	shalt  }
0x61: {  	_ =	shalt  }
0x62: {  	_ =	shalt  }
0x63: {  	_ =	shalt  }
0x64: {  	_ =	shalt  }
0x65: {  	_ =	shalt  }
0x66: {  	_ =	shalt  }
0x67: {  	_ =	shalt  }
0x68: {  	_ =	shalt  }
0x69: {  	_ =	shalt  }
0x6a: {  	_ =	shalt  }
0x6b: {  	_ =	shalt  }
0x6c: {  	_ =	shalt  }
0x6d: {  	_ =	shalt  }
0x6e: {  	_ =	shalt  }
0x6f: {  	_ =	shalt  }
0x70: {  	_ =	shalt  }
0x71: {  	_ =	shalt  }
0x72: {  	_ =	shalt  }
0x73: {  	_ =	shalt  }
0x74: {  	_ =	shalt  }
0x75: {  	_ =	shalt  }
0x76: {  	_ =	shalt  }
0x77: {  	_ =	shalt  }
0x78: {  	_ =	shalt  }
0x79: {  	_ =	shalt  }
0x7a: {  	_ =	shalt  }
0x7b: {  	_ =	shalt  }
0x7c: {  	_ =	shalt  }
0x7d: {  	_ =	shalt  }
0x7e: {  	_ =	shalt  }
0x7f: {  	_ =	shalt  }
0x80: {  	_ =	shalt  }
0x81: {  	_ =	shalt  }
0x82: {  	_ =	shalt  }
0x83: {  	_ =	shalt  }
0x84: {  	_ =	shalt  }
0x85: {  	_ =	shalt  }
0x86: {  	_ =	shalt  }
0x87: {  	_ =	shalt  }
.Lfunc_end0:
.L_simem_size_0:
called_computation.1_lowered:
.L_overlay_start_0:
0x88: {  	s2 =	sld [smem:$0x3FD9]  }
0x89: {  	s3 =	sld [smem:$0x3FFE];
	_ =	sdelay $0x1  }
0x8a: {  	s1 =	srdreg.scid  }
0x8b: {  	s0 =	sand.u32 $0x1, s1  }
0x8c: {  	s14 =	sshll.u32 s0, $0xA;
	s2 =	sadd.s32 s3, s2  }
0x8d: {  	s2 =	sadd.s32 s2, s14  }
0x8e: {  	[smem:$0x3FB2] =	sst s2  }
0x8f: {  	_ = 	snop  }
0x90: {  	s2 =	sld [smem:$0x3FD0];
	_ =	sdelay $0x2  }
0x91: {  	s15 =	simm.s32 $0xB;
	s4 =	simm.s32 $0x10  }
0x92: {  	[smem:s4], [sflag:s15] =	dma.local [hbm:s2], $0x1  }
0x93: {  	_ =	swait.eq [sflag:s15], $0x1  }
0x94: {  	[sflag:s15] =	ssyncset.done $0x0  }
0x95: {  	[sflag:s15] =	ssyncadd.s32 $0xFFFFFFFF  }
0x96: {  	s16 =	sld [smem:$0x10];
	(tm) =	ssettm $0x1  }
0x97: {  	s17 =	sld [smem:$0x3FFB];
	_ =	sdelay $0x3  }
0x98: {  	_ =	strace s17  }
0x99: {  	s3 =	sld [smem:$0x3FFC];
	_ =	sdelay $0x3  }
0x9a: {  	_ =	strace s3  }
0x9b: {  	s3 =	sld [smem:$0x3FFD];
	_ =	sdelay $0x3  }
0x9c: {  	_ =	strace s3  }
0x9d: {  	_ =	strace $0x8FFFFFFF  }
0x9e: {  	s18 =	sld [smem:$0x3FDB];
	_ =	sdelay $0x1  }
0x9f: {  	s19 =	simm.s32 $_scs_section_size  }
0xa0: {  	s5 =	simm.s32 $_size__tile_overlayer_lowered;
	s6 =	simm.s32 $_tile_overlayer_lowered  }
0xa1: {  	s22 =	simm.s32 $0x1BFF;
	s21 =	sshll.u32 s6, $0x1;
	s3 =	sadd.s32 s19, s18  }
0xa2: {  	s7 =	simm.s32 $0x0;
	s20 =	sshll.u32 s5, $0x1;
	s5 =	sadd.s32 s21, s3  }
0xa3: {  	[timem:s7], [sflag:s22] =	dma.local [hbm:s5], s20  }
0xa4: {  	_ =	swait.ge [sflag:s22], s20  }
0xa5: {  	s4 =	ssub.s32 $0x0, s20;
	[sflag:s22] =	ssyncset.done $0x0  }
0xa6: {  	[sflag:s22] =	ssyncadd.s32 s4;
	_ =	sdelay $0x1  }
0xa7: {  	s23 =	simm.s32 $0x1B8B  }
0xa8: {  	_ =	swait.ge [sflag:s23], $0x1  }
0xa9: {  	[sflag:s23] =	ssyncset.done $0x0  }
0xaa: {  	s25 =	simm.s32 $0x1B8E;
	s24 =	sld [smem:$0x3FFE];
	[sflag:s23] =	ssyncadd.s32 $0xFFFFFFFF  }
0xab: {  	s26 =	simm.s32 $execute0_lowered;
	[smem:$0x3FD2] =	sst s25  }
0xac: {  	s5 =	sshll.u32 s26, $0x1;
	_ =	strace $0x80000046;
	[dreg:$0x1] =	wrdreg $0xFFFFFFFF  }
0xad: {  	s28 =	simm.s32 $_size_execute0_lowered;
	s3 =	sadd.s32 s3, s5;
	[dreg:$0x0] =	wrdreg $0x0  }
0xae: {  	s5 =	sshll.u32 s28, $0x1;
	[dreg:$0x2] =	wrdreg s3  }
0xaf: {  	[dreg:$0x3] =	wrdreg s5  }
0xb0: {  	[dreg:$0x4] =	wrdreg $0xC0  }
0xb1: {  	_ =	task [dreg:s7], $0x5FFFF  }
0xb2: {  	[dreg:$0x1] =	wrdreg $0xFFFFFFFF  }
0xb3: {  	[dreg:$0x0] =	wrdreg $0x60  }
0xb4: {  	[dreg:$0x2] =	wrdreg s16  }
0xb5: {  	[dreg:$0x3] =	wrdreg s24  }
0xb6: {  	[dreg:$0x4] =	wrdreg $0x88000  }
0xb7: {  	[dreg:$0x5] =	wrdreg $0xA  }
0xb8: {  	_ =	task.clear_ibuf [dreg:s7], $0x6FFFF;
	_ =	strace $0x90000046  }
0xb9: {  	s29 =	simm.s32 $0xA;
	_ =	strace $0x80000048  }
0xba: {  	_ =	swait.ge [sflag:s29], $0x1  }
0xbb: {  	[sflag:s29] =	ssyncadd.s32 $0xFFFFFFFF  }
0xbc: {  	_ =	strace $0x90000048  }
0xbd: {  	_ =	sfence  }
0xbe: {  	s30 =	sld [smem:$0x0];
	_ =	sdelay $0x2  }
0xbf: {  	s31 =	sshll.u32 s1, $0xD;
	s1 =	sshrl.u32 s1, $0x2  }
0xc0: {  	s3 =	sand.u32 $0x4000, s31;
	s1 =	sadd.s32 s1, s30  }
0xc1: {  	s0 =	sor.u32 s3, s0;
	s1 =	sshll.u32 s1, $0x11  }
0xc2: {  	s0 =	sor.u32 s1, s0  }
0xc3: {  	s0 =	sadd.s32 $0x8F2B, s0  }
0xc4: {  	[sflag:s0] =	ssyncadd.remote.s32 $0x1  }
0xc5: {  	_ =	sfence.sel $0xFFFF  }
0xc6: {  	[dreg:$0x0] =	wrdreg $0xFFFFFFFF;
	(pc) =	sbr.abs _section_cstart, $3  }
0xc7: {  	[dreg:$0x1] =	wrdreg $0xFFFFFFFF  }
0xc8: {  	_ =	task.clear_ibuf [dreg:s7], $0x2FFFF;
	_ =	strace $0x9FFFFFFF  }
0xc9: {  	(tm) =	ssettm $0x7FFFFFFF  }
tec
execute0_lowered:
.L_overlay_start_1:
0x0: {  	(tag) =	ssettag $0x1  }
0x1: {  	s1 =	rddreg [dreg:$0x0]  }
0x2: {  	s0 =	rddreg [dreg:$0x1]  }
0x3: {  	s3 =	rddreg [dreg:$0x2];
	s2 =	srdreg.scid  }
0x4: {  	s17 =	stileid.u32;
	s4 =	simm.s32 $0x0;
	s28 =	simm.s32 $0x5  }
0x5: {  	s29 =	simm.s32 $0x1C00;
	s30 =	simm.s32 $0x50;
	s6 =	smul.u32 $0x50000, s17  }
0x6: {  	s31 =	simm.s32 $0x80;
	s2 =	sand.u32 $0x1, s2;
	s8 =	smul.u32 $0x14000, s17  }
0x7: {  	[smem:$0x7FF] =	sst s4;
	s9 =	sadd.s32 $0x27800, s0;
	s18 =	smul.u32 $0x8C00, s17  }
0x8: {  	s5 =	ssub.s32 $0x2, s2;
	_ =	strace $0x80000047;
	s15 =	smul.u32 $0x140000, s2  }
0x9: {  	s7 =	sshrl.u32 s5, $0x1;
	s10 =	sshrl.u32 s6, $0x2;
	s11 =	sor.u32 $0x2800, s8  }
0xa: {  	s12 =	sadd.s32 $0x5000, s8;
	s13 =	sadd.s32 $0x7800, s8;
	s14 =	sadd.s32 $0xA000, s8  }
0xb: {  	s6 =	smul.u32 $0x8C000, s2;
	s16 =	sadd.s32 $0xC800, s8;
	s23 =	sadd.s32 $0xF000, s8  }
0xc: {  	s24 =	sadd.s32 $0x11800, s8;
	s2 =	sxor.u32 $0x1, s2;
	s7 =	ssub.s32 s5, s7  }
0xd: {  	s2 =	smul.u32 $0x8C000, s2;
	s8 =	sadd.s32 s8, s15;
	s19 =	sadd.s32 s15, s11  }
0xe: {  	s22 =	sadd.s32 s15, s12;
	s25 =	sadd.s32 s15, s13;
	s26 =	sadd.s32 s15, s14  }
0xf: {  	s5 =	sadd.s32 s6, s18;
	s8 =	sshrl.u32 s8, $0x3;
	s17 =	sshrl.u32 s19, $0x3  }
0x10: {  	s6 =	sadd.s32 s2, s18;
	s20 =	sadd.s32 s9, s8;
	s21 =	sadd.s32 s9, s17  }
0x11: {  	s2 =	sshrl.u32 s22, $0x3;
	s8 =	sshrl.u32 s25, $0x3;
	s17 =	sshrl.u32 s26, $0x3  }
0x12: {  	s26 =	smax.u32 s7, $0x1;
	s7 =	simm.s32 $0x2;
	[dreg:$0x4] =	wrdreg s20  }
0x13: {  	[dreg:$0x5] =	wrdreg s21;
	s2 =	sadd.s32 s9, s2;
	s18 =	sadd.s32 s9, s8  }
0x14: {  	s19 =	sadd.s32 s9, s17;
	s20 =	sadd.s32 s15, s16;
	s21 =	sadd.s32 s15, s23  }
0x15: {  	s15 =	sadd.s32 s15, s24;
	s17 =	sadd.s32 s10, s3;
	[dreg:$0xd] =	wrdreg s26  }
0x16: {  	s23 =	sadd.s32 s23, s3;
	s24 =	sadd.s32 s24, s3;
	[dreg:$0x6] =	wrdreg s2  }
0x17: {  	s26 =	simm.s32 $0x3800;
	s10 =	simm.s32 $0x3400;
	[dreg:$0x7] =	wrdreg s18  }
0x18: {  	[dreg:$0x8] =	wrdreg s19;
	s2 =	sshrl.u32 s20, $0x3;
	s8 =	sshrl.u32 s21, $0x3  }
0x19: {  	s15 =	sshrl.u32 s15, $0x3;
	s18 =	sadd.s32 s11, s3;
	s19 =	sadd.s32 s12, s3  }
0x1a: {  	s20 =	sadd.s32 s13, s3;
	s21 =	sadd.s32 s14, s3;
	s2 =	sadd.s32 s9, s2  }
0x1b: {  	s11 =	simm.s32 $0x3480;
	s22 =	sadd.s32 s9, s8;
	[dreg:$0x9] =	wrdreg s2  }
0x1c: {  	s12 =	simm.s32 $0x0;
	s25 =	sadd.s32 s9, s15;
	[dreg:$0xa] =	wrdreg s22  }
0x1d: {  	s15 =	sadd.s32 $0x4200, s0;
	s0 =	sadd.s32 $0x27200, s0;
	[dreg:$0xb] =	wrdreg s25  }
0x1e: {  	s8 =	simm.s32 $0x3;
	s9 =	simm.s32 $0x4;
	[dreg:$0xc] =	wrdreg s0  }
0x1f: {  	s22 =	sadd.s32 s16, s3;
	s0 =	simm.s32 $0x6000;
	s2 =	simm.s32 $0x1  }
.LBB2_1:
0x20: {  	s13 =	rddreg [dreg:$0xc]  }
0x21: {  	[tilespmem:s26], [sflag:$0x5] =	stream.linear.gather [hbm4b:s13+s4], $0x2800, $0x38;
	[tilespmem:$0x1C800] =	vst v63  }
0x22: {  	_ =	swait.ge [sflag:s28], $0x2800  }
0x23: {  	[sflag:s28] =	ssyncset.done $0x0  }
0x24: {  	[sflag:s28] =	ssyncadd.s32 $0xFFFFD800  }
0x25: {  	[spmem:s17] =	stream.linear.scatter [tilespmem:s26], [sflag:$0x5], $0x2800, $0x38;
	[tilespmem:$0x1C800] =	vst v63  }
0x26: {  	_ =	swait.ge [sflag:s28], $0x2800  }
0x27: {  	[sflag:s28] =	ssyncset.done $0x0  }
0x28: {  	[sflag:s28] =	ssyncadd.s32 $0xFFFFD800  }
0x29: {  	[spmem:s18] =	stream.linear.scatter [tilespmem:s26], [sflag:$0x5], $0x2800, $0x38;
	[tilespmem:$0x1C800] =	vst v63  }
0x2a: {  	_ =	swait.ge [sflag:s28], $0x2800  }
0x2b: {  	[sflag:s28] =	ssyncset.done $0x0  }
0x2c: {  	[sflag:s28] =	ssyncadd.s32 $0xFFFFD800  }
0x2d: {  	[spmem:s19] =	stream.linear.scatter [tilespmem:s26], [sflag:$0x5], $0x2800, $0x38;
	[tilespmem:$0x1C800] =	vst v63  }
0x2e: {  	_ =	swait.ge [sflag:s28], $0x2800  }
0x2f: {  	[sflag:s28] =	ssyncset.done $0x0  }
0x30: {  	[sflag:s28] =	ssyncadd.s32 $0xFFFFD800  }
0x31: {  	[spmem:s20] =	stream.linear.scatter [tilespmem:s26], [sflag:$0x5], $0x2800, $0x38;
	[tilespmem:$0x1C800] =	vst v63  }
0x32: {  	_ =	swait.ge [sflag:s28], $0x2800  }
0x33: {  	[sflag:s28] =	ssyncset.done $0x0  }
0x34: {  	[sflag:s28] =	ssyncadd.s32 $0xFFFFD800  }
0x35: {  	[spmem:s21] =	stream.linear.scatter [tilespmem:s26], [sflag:$0x5], $0x2800, $0x38;
	[tilespmem:$0x1C800] =	vst v63  }
0x36: {  	_ =	swait.ge [sflag:s28], $0x2800  }
0x37: {  	[sflag:s28] =	ssyncset.done $0x0  }
0x38: {  	[sflag:s28] =	ssyncadd.s32 $0xFFFFD800  }
0x39: {  	[spmem:s22] =	stream.linear.scatter [tilespmem:s26], [sflag:$0x5], $0x2800, $0x38;
	[tilespmem:$0x1C800] =	vst v63  }
0x3a: {  	_ =	swait.ge [sflag:s28], $0x2800  }
0x3b: {  	[sflag:s28] =	ssyncset.done $0x0  }
0x3c: {  	[sflag:s28] =	ssyncadd.s32 $0xFFFFD800  }
0x3d: {  	[spmem:s23] =	stream.linear.scatter [tilespmem:s26], [sflag:$0x5], $0x2800, $0x38;
	[tilespmem:$0x1C800] =	vst v63  }
0x3e: {  	_ =	swait.ge [sflag:s28], $0x2800  }
0x3f: {  	[sflag:s28] =	ssyncset.done $0x0  }
0x40: {  	[sflag:s28] =	ssyncadd.s32 $0xFFFFD800  }
0x41: {  	[spmem:s24] =	stream.linear.scatter [tilespmem:s26], [sflag:$0x5], $0x2800, $0x38;
	[tilespmem:$0x1C800] =	vst v63  }
0x42: {  	_ =	swait.ge [sflag:s28], $0x2800  }
0x43: {  	[sflag:s28] =	ssyncset.done $0x0  }
0x44: {  	[sflag:s28] =	ssyncadd.s32 $0xFFFFD800  }
0x45: {  	s13 =	simm.s32 $0x0;
	[bflag:$0x0] =	sbarrier.arrive $0xFFFF  }
.LBB2_2:
0x46: {  	s14 =	smul.u32 $0x1C00, s13;
	_ =	sdelay $0x1  }
0x47: {  	s16 =	sadd.s32 s5, s14  }
0x48: {  	s16 =	sshrl.u32 s16, $0x3  }
0x49: {  	s25 =	simm.s32 $0x0;
	s16 =	sadd.s32 s15, s16  }
0x4a: {  	[tilespmem:s25], [sflag:$0x5] =	stream.linear.gather [hbm4b:s16+s25], $0x1900, $0x38;
	[tilespmem:$0x1C800] =	vst v63  }
0x4b: {  	s14 =	sadd.s32 s6, s14;
	_ =	swait.ge [sflag:s28], $0x1900  }
0x4c: {  	s14 =	sshrl.u32 s14, $0x3;
	[sflag:s28] =	ssyncset.done $0x0  }
0x4d: {  	s14 =	sadd.s32 s15, s14;
	[sflag:s28] =	ssyncadd.s32 $0xFFFFE700  }
0x4e: {  	[tilespmem:s29], [sflag:$0x5] =	stream.linear.gather [hbm4b:s14+s25], $0x1900, $0x38;
	[tilespmem:$0x1C800] =	vst v63  }
0x4f: {  	_ =	swait.ge [sflag:s28], $0x1900  }
0x50: {  	[sflag:s28] =	ssyncset.done $0x0  }
0x51: {  	[sflag:s28] =	ssyncadd.s32 $0xFFFFE700  }
0x52: {  	[tilespmem:s26], [sflag:$0x1] =	stream.indirect.gather [hbm4b:s1+s30], $0x80, s25, s30, $0xb8;
	[tilespmem:$0x1C800] =	vst v63  }
0x53: {  	_ = 	snop  }
0x54: {  	[tilespmem:s0], [sflag:$0x2] =	stream.indirect.gather [hbm4b:s1+s30], $0x80, s31, s30, $0xb8;
	[tilespmem:$0x1C800] =	vst v63  }
0x55: {  	_ =	swait.ge [sflag:s2], $0x2800  }
0x56: {  	[sflag:s2] =	ssyncset.done $0x0  }
0x57: {  	s25 =	simm.s32 $0x1C00;
	[sflag:s2] =	ssyncadd.s32 $0xFFFFD800  }
0x58: {  	[spmem:s3] =	stream.indirect.scatter.add.f32 [tilespmem:s26], [sflag:$0x3], $0x80, s25, s30, $0xb8;
	[tilespmem:$0x1C800] =	vst v63  }
0x59: {  	_ =	swait.ge [sflag:s7], $0x2800  }
0x5a: {  	[sflag:s7] =	ssyncset.done $0x0  }
0x5b: {  	s16 =	simm.s32 $0x1C80;
	[sflag:s7] =	ssyncadd.s32 $0xFFFFD800  }
0x5c: {  	[spmem:s3] =	stream.indirect.scatter.add.f32 [tilespmem:s0], [sflag:$0x4], $0x80, s16, s30, $0xb8;
	[tilespmem:$0x1C800] =	vst v63  }
0x5d: {  	_ =	swait.ge [sflag:s8], $0x2800  }
0x5e: {  	[sflag:s8] =	ssyncset.done $0x0  }
0x5f: {  	s25 =	simm.s32 $0x100;
	[sflag:s8] =	ssyncadd.s32 $0xFFFFD800  }
0x60: {  	[tilespmem:s26], [sflag:$0x1] =	stream.indirect.gather [hbm4b:s1+s30], $0x80, s25, s30, $0xb8;
	[tilespmem:$0x1C800] =	vst v63  }
0x61: {  	_ =	swait.ge [sflag:s9], $0x2800  }
0x62: {  	[sflag:s9] =	ssyncset.done $0x0  }
0x63: {  	s14 =	simm.s32 $0x400;
	s16 =	simm.s32 $0x180;
	[sflag:s9] =	ssyncadd.s32 $0xFFFFD800  }
.LBB2_3:
0x64: {  	[tilespmem:s0], [sflag:$0x2] =	stream.indirect.gather [hbm4b:s1+s30], $0x80, s16, s30, $0xb8;
	[tilespmem:$0x1C800] =	vst v63  }
0x65: {  	s16 =	smov.u32 s14  }
0x66: {  	p0 =	sne.s32 s14, $0x5C00;
	s14 =	sadd.s32 $0x400, s14;
	_ =	swait.ge [sflag:s2], $0x2800  }
0x67: {  	s16 =	sshra.s32 s16, $0x2;
	[sflag:s2] =	ssyncset.done $0x0  }
0x68: {  	s25 =	sadd.s32 $0x1C00, s16;
	[sflag:s2] =	ssyncadd.s32 $0xFFFFD800  }
0x69: {  	[spmem:s3] =	stream.indirect.scatter.add.f32 [tilespmem:s26], [sflag:$0x3], $0x80, s25, s30, $0xb8;
	[tilespmem:$0x1C800] =	vst v63  }
0x6a: {  	_ =	swait.ge [sflag:s7], $0x2800  }
0x6b: {  	[sflag:s7] =	ssyncset.done $0x0  }
0x6c: {  	s25 =	sadd.s32 $0x1C80, s16;
	[sflag:s7] =	ssyncadd.s32 $0xFFFFD800  }
0x6d: {  	[spmem:s3] =	stream.indirect.scatter.add.f32 [tilespmem:s0], [sflag:$0x4], $0x80, s25, s30, $0xb8;
	[tilespmem:$0x1C800] =	vst v63  }
0x6e: {  	_ =	swait.ge [sflag:s8], $0x2800  }
0x6f: {  	[sflag:s8] =	ssyncset.done $0x0  }
.Ltmp0:
0x70: {  	s25 =	sadd.s32 $0x100, s16;
	[sflag:s8] =	ssyncadd.s32 $0xFFFFD800;
	(pc) =	sbr.rel @p0 .LBB2_3-.Ltmp0, $4  }
0x71: {  	[tilespmem:s26], [sflag:$0x1] =	stream.indirect.gather [hbm4b:s1+s30], $0x80, s25, s30, $0xb8;
	[tilespmem:$0x1C800] =	vst v63  }
0x72: {  	_ =	swait.ge [sflag:s9], $0x2800  }
0x73: {  	[sflag:s9] =	ssyncset.done $0x0  }
0x74: {  	s16 =	sadd.s32 $0x180, s16;
	[sflag:s9] =	ssyncadd.s32 $0xFFFFD800  }
0x75: {  	[tilespmem:s0], [sflag:$0x2] =	stream.indirect.gather [hbm4b:s1+s30], $0x80, s16, s30, $0xb8;
	[tilespmem:$0x1C800] =	vst v63  }
0x76: {  	_ =	swait.ge [sflag:s2], $0x2800  }
0x77: {  	[sflag:s2] =	ssyncset.done $0x0  }
0x78: {  	[sflag:s2] =	ssyncadd.s32 $0xFFFFD800  }
0x79: {  	[spmem:s3] =	stream.indirect.scatter.add.f32 [tilespmem:s26], [sflag:$0x3], $0x80, s10, s30, $0xb8;
	[tilespmem:$0x1C800] =	vst v63  }
0x7a: {  	_ =	swait.ge [sflag:s7], $0x2800  }
0x7b: {  	[sflag:s7] =	ssyncset.done $0x0  }
0x7c: {  	s13 =	sadd.s32 $0x1, s13;
	[sflag:s7] =	ssyncadd.s32 $0xFFFFD800  }
0x7d: {  	[spmem:s3] =	stream.indirect.scatter.add.f32 [tilespmem:s0], [sflag:$0x4], $0x80, s11, s30, $0xb8;
	[tilespmem:$0x1C800] =	vst v63  }
0x7e: {  	p0 =	sne.s32 s13, $0x5;
	_ =	swait.ge [sflag:s8], $0x2800  }
.Ltmp1:
0x7f: {  	[sflag:s8] =	ssyncset.done $0x0;
	(pc) =	sbr.rel @p0 .LBB2_2-.Ltmp1, $4  }
0x80: {  	[sflag:s8] =	ssyncadd.s32 $0xFFFFD800  }
0x81: {  	_ =	swait.ge [sflag:s9], $0x2800  }
0x82: {  	[sflag:s9] =	ssyncset.done $0x0  }
0x83: {  	[sflag:s9] =	ssyncadd.s32 $0xFFFFD800  }
0x84: {  	[bflag:$0x0] =	sbarrier.arrive $0xFFFF  }
0x85: {  	[tilespmem:s26], [sflag:$0x5] =	stream.linear.gather [spmem:s17], $0x2800, $0x38;
	[tilespmem:$0x1C800] =	vst v63  }
0x86: {  	_ =	swait.ge [sflag:s28], $0x2800  }
0x87: {  	[sflag:s28] =	ssyncset.done $0x0  }
0x88: {  	s13 =	rddreg [dreg:$0x4];
	[sflag:s28] =	ssyncadd.s32 $0xFFFFD800  }
0x89: {  	[hbm4b:s13+s4] =	stream.linear.scatter [tilespmem:s26], [sflag:$0x5], $0x2800, $0x38;
	[tilespmem:$0x1C800] =	vst v63  }
0x8a: {  	_ =	swait.ge [sflag:s28], $0x2800  }
0x8b: {  	[sflag:s28] =	ssyncset.done $0x0  }
0x8c: {  	[sflag:s28] =	ssyncadd.s32 $0xFFFFD800  }
0x8d: {  	[tilespmem:s26], [sflag:$0x5] =	stream.linear.gather [spmem:s18], $0x2800, $0x38;
	[tilespmem:$0x1C800] =	vst v63  }
0x8e: {  	_ =	swait.ge [sflag:s28], $0x2800  }
0x8f: {  	[sflag:s28] =	ssyncset.done $0x0  }
0x90: {  	s16 =	rddreg [dreg:$0x5];
	[sflag:s28] =	ssyncadd.s32 $0xFFFFD800  }
0x91: {  	[hbm4b:s16+s4] =	stream.linear.scatter [tilespmem:s26], [sflag:$0x5], $0x2800, $0x38;
	[tilespmem:$0x1C800] =	vst v63  }
0x92: {  	_ =	swait.ge [sflag:s28], $0x2800  }
0x93: {  	[sflag:s28] =	ssyncset.done $0x0  }
0x94: {  	[sflag:s28] =	ssyncadd.s32 $0xFFFFD800  }
0x95: {  	[tilespmem:s26], [sflag:$0x5] =	stream.linear.gather [spmem:s19], $0x2800, $0x38;
	[tilespmem:$0x1C800] =	vst v63  }
0x96: {  	_ =	swait.ge [sflag:s28], $0x2800  }
0x97: {  	[sflag:s28] =	ssyncset.done $0x0  }
0x98: {  	s25 =	rddreg [dreg:$0x6];
	[sflag:s28] =	ssyncadd.s32 $0xFFFFD800  }
0x99: {  	[hbm4b:s25+s4] =	stream.linear.scatter [tilespmem:s26], [sflag:$0x5], $0x2800, $0x38;
	[tilespmem:$0x1C800] =	vst v63  }
0x9a: {  	_ =	swait.ge [sflag:s28], $0x2800  }
0x9b: {  	[sflag:s28] =	ssyncset.done $0x0  }
0x9c: {  	[sflag:s28] =	ssyncadd.s32 $0xFFFFD800  }
0x9d: {  	[tilespmem:s26], [sflag:$0x5] =	stream.linear.gather [spmem:s20], $0x2800, $0x38;
	[tilespmem:$0x1C800] =	vst v63  }
0x9e: {  	_ =	swait.ge [sflag:s28], $0x2800  }
0x9f: {  	[sflag:s28] =	ssyncset.done $0x0  }
0xa0: {  	s14 =	rddreg [dreg:$0x7];
	[sflag:s28] =	ssyncadd.s32 $0xFFFFD800  }
0xa1: {  	[hbm4b:s14+s4] =	stream.linear.scatter [tilespmem:s26], [sflag:$0x5], $0x2800, $0x38;
	[tilespmem:$0x1C800] =	vst v63  }
0xa2: {  	_ =	swait.ge [sflag:s28], $0x2800  }
0xa3: {  	[sflag:s28] =	ssyncset.done $0x0  }
0xa4: {  	[sflag:s28] =	ssyncadd.s32 $0xFFFFD800  }
0xa5: {  	[tilespmem:s26], [sflag:$0x5] =	stream.linear.gather [spmem:s21], $0x2800, $0x38;
	[tilespmem:$0x1C800] =	vst v63  }
0xa6: {  	_ =	swait.ge [sflag:s28], $0x2800  }
0xa7: {  	[sflag:s28] =	ssyncset.done $0x0  }
0xa8: {  	s16 =	rddreg [dreg:$0x8];
	[sflag:s28] =	ssyncadd.s32 $0xFFFFD800  }
0xa9: {  	[hbm4b:s16+s4] =	stream.linear.scatter [tilespmem:s26], [sflag:$0x5], $0x2800, $0x38;
	[tilespmem:$0x1C800] =	vst v63  }
0xaa: {  	_ =	swait.ge [sflag:s28], $0x2800  }
0xab: {  	[sflag:s28] =	ssyncset.done $0x0  }
0xac: {  	[sflag:s28] =	ssyncadd.s32 $0xFFFFD800  }
0xad: {  	[tilespmem:s26], [sflag:$0x5] =	stream.linear.gather [spmem:s22], $0x2800, $0x38;
	[tilespmem:$0x1C800] =	vst v63  }
0xae: {  	_ =	swait.ge [sflag:s28], $0x2800  }
0xaf: {  	[sflag:s28] =	ssyncset.done $0x0  }
0xb0: {  	s25 =	rddreg [dreg:$0x9];
	[sflag:s28] =	ssyncadd.s32 $0xFFFFD800  }
0xb1: {  	[hbm4b:s25+s4] =	stream.linear.scatter [tilespmem:s26], [sflag:$0x5], $0x2800, $0x38;
	[tilespmem:$0x1C800] =	vst v63  }
0xb2: {  	_ =	swait.ge [sflag:s28], $0x2800  }
0xb3: {  	[sflag:s28] =	ssyncset.done $0x0  }
0xb4: {  	[sflag:s28] =	ssyncadd.s32 $0xFFFFD800  }
0xb5: {  	[tilespmem:s26], [sflag:$0x5] =	stream.linear.gather [spmem:s23], $0x2800, $0x38;
	[tilespmem:$0x1C800] =	vst v63  }
0xb6: {  	_ =	swait.ge [sflag:s28], $0x2800  }
0xb7: {  	[sflag:s28] =	ssyncset.done $0x0  }
0xb8: {  	s14 =	rddreg [dreg:$0xa];
	[sflag:s28] =	ssyncadd.s32 $0xFFFFD800  }
0xb9: {  	[hbm4b:s14+s4] =	stream.linear.scatter [tilespmem:s26], [sflag:$0x5], $0x2800, $0x38;
	[tilespmem:$0x1C800] =	vst v63  }
0xba: {  	_ =	swait.ge [sflag:s28], $0x2800  }
0xbb: {  	[sflag:s28] =	ssyncset.done $0x0  }
0xbc: {  	[sflag:s28] =	ssyncadd.s32 $0xFFFFD800  }
0xbd: {  	[tilespmem:s26], [sflag:$0x5] =	stream.linear.gather [spmem:s24], $0x2800, $0x38;
	[tilespmem:$0x1C800] =	vst v63  }
0xbe: {  	_ =	swait.ge [sflag:s28], $0x2800  }
0xbf: {  	[sflag:s28] =	ssyncset.done $0x0  }
0xc0: {  	s16 =	rddreg [dreg:$0xb];
	[sflag:s28] =	ssyncadd.s32 $0xFFFFD800  }
0xc1: {  	[hbm4b:s16+s4] =	stream.linear.scatter [tilespmem:s26], [sflag:$0x5], $0x2800, $0x38;
	[tilespmem:$0x1C800] =	vst v63  }
0xc2: {  	_ =	swait.ge [sflag:s28], $0x2800  }
0xc3: {  	s12 =	sadd.s32 $0x1, s12;
	s25 =	rddreg [dreg:$0xd]  }
0xc4: {  	p0 =	sne.s32 s12, s25  }
.Ltmp2:
0xc5: {  	_ = 	snop;
	(pc) =	sbr.rel @p0 .LBB2_1-.Ltmp2, $3  }
0xc6: {  	_ =	sdelay $0x1  }
0xc7: {  	[sflag:s28] =	ssyncset.done $0x0  }
0xc8: {  	[sflag:s28] =	ssyncadd.s32 $0xFFFFD800  }
0xc9: {  	_ =	sfence.sel $0x180000  }
0xca: {  	[bflag:$0x0] =	sbarrier.arrive $0xFFFF  }
0xcb: {  	_ =	strace $0x90000047  }
0xcc: {  	s0 =	stileid.u32;
	[bflag:$0x2] =	sbarrier.arrive $0xFFFF  }
0xcd: {  	p0 =	sne.s32 s0, $0x0;
	s0 =	rddreg [dreg:$0x3]  }
0xce: {  	s0 =	sadd.s32 @!p0 $0x100000, s0  }
0xcf: {  	[sflag:s0] =	ssyncadd.tile.s32 @!p0 $0x1;
	_ =	shalt  }
.Lfunc_end2:
_tile_overlayer_lowered:
.L_overlay_start_2:
0xd0: {  	(tag) =	ssettag $0x2  }
0xd1: {  	s0 =	rddreg [dreg:$0x0];
	s2 =	stileid.u32  }
0xd2: {  	s1 =	rddreg [dreg:$0x1];
	p0 =	sne.s32 s2, $0x0  }
0xd3: {  	s3 =	rddreg [dreg:$0x2];
	[bflag:$0x3] =	sbarrier.arrive $0xFFFF;
	s2 =	simm.s32 @!p0 $0x1C05  }
0xd4: {  	[timem:s3], [sflag:s2] =	dma.local @!p0 [hbm:s0], s1  }
0xd5: {  	s0 =	simm.s32 @!p0 $0x5  }
0xd6: {  	_ =	swait.ge @!p0 [sflag:s0], s1  }
0xd7: {  	s1 =	ssub.s32 @!p0 $0x0, s1;
	[sflag:s0] =	ssyncset.done @!p0 $0x0  }
0xd8: {  	[sflag:s0] =	ssyncadd.s32 @!p0 s1  }
0xd9: {  	[bflag:$0x3] =	sbarrier.arrive $0xFFFF  }
0xda: {  	_ =	shalt  }

// kernel: kernel.14.cloned.1.call-start
scs
__scs_entry_jumppad:
0x0: {  	(pc) =	sbr.rel $0x88, $3  }
0x1: {  	(tag) =	ssettag $0x0;
	lr =	simm.s32 $0x1  }
0x2: {  	[smem:$0x3F8B] =	sst lr;
	_ =	strace $0xD0000000  }
0x3: {  	_ = 	snop  }
0x4: {  	_ = 	snop  }
0x5: {  	_ = 	snop  }
0x6: {  	_ = 	snop  }
0x7: {  	_ = 	snop  }
__scs_overlays_trampoline_lowered:
0x8: {  	[smem:$0x3F9A] =	sst s0  }
0x9: {  	[smem:$0x3F9B] =	sst s1  }
0xa: {  	[smem:$0x3F9C] =	sst s2  }
0xb: {  	[smem:$0x3F9D] =	sst s3  }
0xc: {  	[smem:$0x3F9E] =	sst s4  }
0xd: {  	[smem:$0x3F9F] =	sst s5  }
0xe: {  	[smem:$0x3FA0] =	sst s6  }
0xf: {  	[smem:$0x3FA1] =	sst s7  }
0x10: {  	[smem:$0x3FA2] =	sst s8  }
0x11: {  	[smem:$0x3FA3] =	sst s9;
	s0 =	simm.s32 @!p0 $0x0  }
0x12: {  	s1 =	sld [smem:$0x3F89];
	s0 =	simm.s32 @p0 $0x1  }
0x13: {  	[smem:$0x3FA4] =	sst s0;
	s0 =	simm.s32 @!p1 $0x0  }
0x14: {  	s2 =	sld [smem:$0x3F88];
	s0 =	simm.s32 @p1 $0x1  }
0x15: {  	[smem:$0x3FA5] =	sst s0;
	s0 =	simm.s32 @!p2 $0x0  }
0x16: {  	s3 =	sld [smem:$0x3FDB];
	s0 =	simm.s32 @p2 $0x1  }
0x17: {  	s4 =	simm.s32 $0x1BF5;
	[smem:$0x3FA7] =	sst s0  }
0x18: {  	s0 =	sld [smem:$0x3F8A];
	_ =	swait.ge [sflag:s4], $0x0  }
0x19: {  	s7 =	sld [smem:$0x3F8B]  }
0x1a: {  	s8 =	sadd.s32 $0xFFFFE003, lr  }
0x1b: {  	s9 =	sadd.s32 $0xFFFFFEF7, lr;
	s5 =	simm.s32 $0xFFFFFFFF;
	p2 =	slt.u32 s8, $0xFFFFF086  }
0x1c: {  	p1 =	slt.u32 s9, $0xF7A;
	s5 =	simm.s32 @!p2 $0x0  }
0x1d: {  	s5 =	simm.s32 @p1 $0x1;
	p0 =	seq.s32 s7, s2  }
0x1e: {  	s7 =	smul.u32 @!p0 $0xF7A, s2;
	p2 =	seq.s32 @!p0 s5, $0x0  }
0x1f: {  	s9 =	smul.u32 $0xF7A, s1;
	s8 =	simm.s32 @!p0 $0x1BF5;
	p2 =	por !p2, p0  }
0x20: {  	[sflag:s8] =	ssyncset.s32 @!p0 $0xFFFFF086;
	s6 =	sadd.s32 @!p0 s3, s7;
	s7 =	simm.s32 @!p0 $0x108  }
0x21: {  	s3 =	sadd.s32 s3, s9;
	s6 =	sadd.s32 @!p0 $0x88, s6;
	s7 =	simm.s32 @p2 $0x1082  }
0x22: {  	[simem:s7], [sflag:s8] =	dma.local @!p0 [hbm:s6], $0xF7A  }
0x23: {  	s9 =	sor.u32 $0xD0000000, s2;
	s6 =	simm.s32 $0x108;
	_ =	swait.ge @!p0 [sflag:s8], $0x0  }
0x24: {  	s3 =	sadd.s32 $0x88, s3;
	s6 =	simm.s32 @!p1 $0x1082;
	[sflag:s4] =	ssyncset.s32 $0xFFFFF086  }
0x25: {  	[simem:s6], [sflag:s4] =	dma.local [hbm:s3], $0xF7A  }
0x26: {  	[smem:$0x3F8B] =	sst s1;
	(tag) =	ssettag s2;
	_ =	strace s9  }
0x27: {  	s1 =	sld [smem:$0x3F9B]  }
0x28: {  	s2 =	sld [smem:$0x3F9C]  }
0x29: {  	s4 =	sld [smem:$0x3F9E]  }
0x2a: {  	p0 =	seq.s32 s5, $0x0;
	s5 =	sld [smem:$0x3F9F]  }
0x2b: {  	s6 =	sld [smem:$0x3FA0]  }
0x2c: {  	s7 =	sld [smem:$0x3FA1]  }
0x2d: {  	s3 =	simm.s32 $0x108;
	s8 =	sld [smem:$0x3FA2]  }
0x2e: {  	s3 =	simm.s32 @!p0 $0x1082;
	s9 =	sld [smem:$0x3FA3]  }
0x2f: {  	lr =	sadd.s32 s0, s3;
	s0 =	sld [smem:$0x3F9A]  }
0x30: {  	s3 =	sld [smem:$0x3F9D]  }
0x31: {  	[smem:$0x3FA6] =	sst s10  }
0x32: {  	s10 =	sld [smem:$0x3FA4];
	_ =	sdelay $0x3  }
0x33: {  	p0 =	seq.s32 s10, $0x1;
	s10 =	sld [smem:$0x3FA6];
	_ =	sdelay $0x3  }
0x34: {  	[smem:$0x3FA6] =	sst s10  }
0x35: {  	s10 =	sld [smem:$0x3FA5];
	_ =	sdelay $0x3  }
0x36: {  	p1 =	seq.s32 s10, $0x1;
	s10 =	sld [smem:$0x3FA6];
	_ =	sdelay $0x3  }
0x37: {  	[smem:$0x3FA6] =	sst s10  }
0x38: {  	s10 =	sld [smem:$0x3FA7]  }
0x39: {  	_ = 	snop;
	(pc) =	sbr.ind lr, $3  }
0x3a: {  	_ = 	snop  }
0x3b: {  	_ = 	snop  }
0x3c: {  	p2 =	seq.s32 s10, $0x1;
	s10 =	sld [smem:$0x3FA6]  }
0x3d: {  	_ =	shalt  }
0x3e: {  	_ =	shalt  }
0x3f: {  	_ =	shalt  }
0x40: {  	_ =	shalt  }
0x41: {  	_ =	shalt  }
0x42: {  	_ =	shalt  }
0x43: {  	_ =	shalt  }
0x44: {  	_ =	shalt  }
0x45: {  	_ =	shalt  }
0x46: {  	_ =	shalt  }
0x47: {  	_ =	shalt  }
0x48: {  	_ =	shalt  }
0x49: {  	_ =	shalt  }
0x4a: {  	_ =	shalt  }
0x4b: {  	_ =	shalt  }
0x4c: {  	_ =	shalt  }
0x4d: {  	_ =	shalt  }
0x4e: {  	_ =	shalt  }
0x4f: {  	_ =	shalt  }
0x50: {  	_ =	shalt  }
0x51: {  	_ =	shalt  }
0x52: {  	_ =	shalt  }
0x53: {  	_ =	shalt  }
0x54: {  	_ =	shalt  }
0x55: {  	_ =	shalt  }
0x56: {  	_ =	shalt  }
0x57: {  	_ =	shalt  }
0x58: {  	_ =	shalt  }
0x59: {  	_ =	shalt  }
0x5a: {  	_ =	shalt  }
0x5b: {  	_ =	shalt  }
0x5c: {  	_ =	shalt  }
0x5d: {  	_ =	shalt  }
0x5e: {  	_ =	shalt  }
0x5f: {  	_ =	shalt  }
0x60: {  	_ =	shalt  }
0x61: {  	_ =	shalt  }
0x62: {  	_ =	shalt  }
0x63: {  	_ =	shalt  }
0x64: {  	_ =	shalt  }
0x65: {  	_ =	shalt  }
0x66: {  	_ =	shalt  }
0x67: {  	_ =	shalt  }
0x68: {  	_ =	shalt  }
0x69: {  	_ =	shalt  }
0x6a: {  	_ =	shalt  }
0x6b: {  	_ =	shalt  }
0x6c: {  	_ =	shalt  }
0x6d: {  	_ =	shalt  }
0x6e: {  	_ =	shalt  }
0x6f: {  	_ =	shalt  }
0x70: {  	_ =	shalt  }
0x71: {  	_ =	shalt  }
0x72: {  	_ =	shalt  }
0x73: {  	_ =	shalt  }
0x74: {  	_ =	shalt  }
0x75: {  	_ =	shalt  }
0x76: {  	_ =	shalt  }
0x77: {  	_ =	shalt  }
0x78: {  	_ =	shalt  }
0x79: {  	_ =	shalt  }
0x7a: {  	_ =	shalt  }
0x7b: {  	_ =	shalt  }
0x7c: {  	_ =	shalt  }
0x7d: {  	_ =	shalt  }
0x7e: {  	_ =	shalt  }
0x7f: {  	_ =	shalt  }
0x80: {  	_ =	shalt  }
0x81: {  	_ =	shalt  }
0x82: {  	_ =	shalt  }
0x83: {  	_ =	shalt  }
0x84: {  	_ =	shalt  }
0x85: {  	_ =	shalt  }
0x86: {  	_ =	shalt  }
0x87: {  	_ =	shalt  }
.Lfunc_end0:
.L_simem_size_0:
called_computation.2_lowered:
.L_overlay_start_0:
0x88: {  	s2 =	sld [smem:$0x3FD9]  }
0x89: {  	s3 =	sld [smem:$0x3FFE];
	_ =	sdelay $0x1  }
0x8a: {  	s1 =	srdreg.scid  }
0x8b: {  	s0 =	sand.u32 $0x1, s1  }
0x8c: {  	s14 =	sshll.u32 s0, $0xA;
	s2 =	sadd.s32 s3, s2  }
0x8d: {  	s2 =	sadd.s32 s2, s14  }
0x8e: {  	[smem:$0x3FB2] =	sst s2  }
0x8f: {  	_ = 	snop  }
0x90: {  	s2 =	sld [smem:$0x3FD0];
	_ =	sdelay $0x2  }
0x91: {  	s15 =	simm.s32 $0xB;
	s4 =	simm.s32 $0x10  }
0x92: {  	[smem:s4], [sflag:s15] =	dma.local [hbm:s2], $0x1  }
0x93: {  	_ =	swait.eq [sflag:s15], $0x1  }
0x94: {  	[sflag:s15] =	ssyncset.done $0x0  }
0x95: {  	[sflag:s15] =	ssyncadd.s32 $0xFFFFFFFF  }
0x96: {  	s16 =	sld [smem:$0x10];
	(tm) =	ssettm $0x1  }
0x97: {  	s17 =	sld [smem:$0x3FFB];
	_ =	sdelay $0x3  }
0x98: {  	_ =	strace s17  }
0x99: {  	s3 =	sld [smem:$0x3FFC];
	_ =	sdelay $0x3  }
0x9a: {  	_ =	strace s3  }
0x9b: {  	s3 =	sld [smem:$0x3FFD];
	_ =	sdelay $0x3  }
0x9c: {  	_ =	strace s3  }
0x9d: {  	_ =	strace $0x8FFFFFFF  }
0x9e: {  	s18 =	sld [smem:$0x3FDB];
	_ =	sdelay $0x1  }
0x9f: {  	s19 =	simm.s32 $_scs_section_size  }
0xa0: {  	s5 =	simm.s32 $_size__tile_overlayer_lowered;
	s6 =	simm.s32 $_tile_overlayer_lowered  }
0xa1: {  	s22 =	simm.s32 $0x1BFF;
	s21 =	sshll.u32 s6, $0x1;
	s3 =	sadd.s32 s19, s18  }
0xa2: {  	s7 =	simm.s32 $0x0;
	s20 =	sshll.u32 s5, $0x1;
	s5 =	sadd.s32 s21, s3  }
0xa3: {  	[timem:s7], [sflag:s22] =	dma.local [hbm:s5], s20  }
0xa4: {  	_ =	swait.ge [sflag:s22], s20  }
0xa5: {  	s4 =	ssub.s32 $0x0, s20;
	[sflag:s22] =	ssyncset.done $0x0  }
0xa6: {  	[sflag:s22] =	ssyncadd.s32 s4;
	_ =	sdelay $0x1  }
0xa7: {  	s23 =	simm.s32 $0x1B8B  }
0xa8: {  	_ =	swait.ge [sflag:s23], $0x1  }
0xa9: {  	[sflag:s23] =	ssyncset.done $0x0  }
0xaa: {  	s25 =	simm.s32 $0x1B8E;
	s24 =	sld [smem:$0x3FFE];
	[sflag:s23] =	ssyncadd.s32 $0xFFFFFFFF  }
0xab: {  	s26 =	simm.s32 $execute0_lowered;
	[smem:$0x3FD2] =	sst s25  }
0xac: {  	s5 =	sshll.u32 s26, $0x1;
	_ =	strace $0x8000004C;
	[dreg:$0x1] =	wrdreg $0xFFFFFFFF  }
0xad: {  	s28 =	simm.s32 $_size_execute0_lowered;
	s3 =	sadd.s32 s3, s5;
	[dreg:$0x0] =	wrdreg $0x0  }
0xae: {  	s5 =	sshll.u32 s28, $0x1;
	[dreg:$0x2] =	wrdreg s3  }
0xaf: {  	[dreg:$0x3] =	wrdreg s5  }
0xb0: {  	[dreg:$0x4] =	wrdreg $0xC0  }
0xb1: {  	_ =	task [dreg:s7], $0x5FFFF  }
0xb2: {  	[dreg:$0x1] =	wrdreg $0xFFFFFFFF  }
0xb3: {  	[dreg:$0x0] =	wrdreg $0x60  }
0xb4: {  	[dreg:$0x2] =	wrdreg s16  }
0xb5: {  	[dreg:$0x3] =	wrdreg s24  }
0xb6: {  	[dreg:$0x4] =	wrdreg $0x88000  }
0xb7: {  	[dreg:$0x5] =	wrdreg $0x9  }
0xb8: {  	_ =	task.clear_ibuf [dreg:s7], $0x6FFFF;
	_ =	strace $0x9000004C  }
0xb9: {  	s29 =	simm.s32 $0x9;
	_ =	strace $0x8000004E  }
0xba: {  	_ =	swait.ge [sflag:s29], $0x1  }
0xbb: {  	[sflag:s29] =	ssyncadd.s32 $0xFFFFFFFF  }
0xbc: {  	_ =	strace $0x9000004E  }
0xbd: {  	_ =	sfence  }
0xbe: {  	s30 =	sld [smem:$0x0];
	_ =	sdelay $0x2  }
0xbf: {  	s31 =	sshll.u32 s1, $0xD;
	s1 =	sshrl.u32 s1, $0x2  }
0xc0: {  	s3 =	sand.u32 $0x4000, s31;
	s1 =	sadd.s32 s1, s30  }
0xc1: {  	s0 =	sor.u32 s3, s0;
	s1 =	sshll.u32 s1, $0x11  }
0xc2: {  	s0 =	sor.u32 s1, s0  }
0xc3: {  	s0 =	sadd.s32 $0x8F2B, s0  }
0xc4: {  	[sflag:s0] =	ssyncadd.remote.s32 $0x1  }
0xc5: {  	_ =	sfence.sel $0xFFFF  }
0xc6: {  	[dreg:$0x0] =	wrdreg $0xFFFFFFFF;
	(pc) =	sbr.abs _section_cstart, $3  }
0xc7: {  	[dreg:$0x1] =	wrdreg $0xFFFFFFFF  }
0xc8: {  	_ =	task.clear_ibuf [dreg:s7], $0x2FFFF;
	_ =	strace $0x9FFFFFFF  }
0xc9: {  	(tm) =	ssettm $0x7FFFFFFF  }
tec
execute0_lowered:
.L_overlay_start_1:
0x0: {  	(tag) =	ssettag $0x1  }
0x1: {  	s1 =	rddreg [dreg:$0x0]  }
0x2: {  	s0 =	rddreg [dreg:$0x1]  }
0x3: {  	s3 =	rddreg [dreg:$0x2];
	s2 =	srdreg.scid  }
0x4: {  	s17 =	stileid.u32;
	s4 =	simm.s32 $0x0;
	s28 =	simm.s32 $0x5  }
0x5: {  	s29 =	simm.s32 $0x1C00;
	s30 =	simm.s32 $0x50;
	s6 =	smul.u32 $0x50000, s17  }
0x6: {  	s31 =	simm.s32 $0x80;
	s2 =	sand.u32 $0x1, s2;
	s8 =	smul.u32 $0x14000, s17  }
0x7: {  	[smem:$0x7FF] =	sst s4;
	s9 =	sadd.s32 $0x27800, s0;
	s18 =	smul.u32 $0x8C00, s17  }
0x8: {  	s5 =	ssub.s32 $0x2, s2;
	_ =	strace $0x8000004D;
	s15 =	smul.u32 $0x140000, s2  }
0x9: {  	s7 =	sshrl.u32 s5, $0x1;
	s10 =	sshrl.u32 s6, $0x2;
	s11 =	sor.u32 $0x2800, s8  }
0xa: {  	s12 =	sadd.s32 $0x5000, s8;
	s13 =	sadd.s32 $0x7800, s8;
	s14 =	sadd.s32 $0xA000, s8  }
0xb: {  	s6 =	smul.u32 $0x8C000, s2;
	s16 =	sadd.s32 $0xC800, s8;
	s23 =	sadd.s32 $0xF000, s8  }
0xc: {  	s24 =	sadd.s32 $0x11800, s8;
	s2 =	sxor.u32 $0x1, s2;
	s7 =	ssub.s32 s5, s7  }
0xd: {  	s2 =	smul.u32 $0x8C000, s2;
	s8 =	sadd.s32 s8, s15;
	s19 =	sadd.s32 s15, s11  }
0xe: {  	s22 =	sadd.s32 s15, s12;
	s25 =	sadd.s32 s15, s13;
	s26 =	sadd.s32 s15, s14  }
0xf: {  	s5 =	sadd.s32 s6, s18;
	s8 =	sshrl.u32 s8, $0x3;
	s17 =	sshrl.u32 s19, $0x3  }
0x10: {  	s6 =	sadd.s32 s2, s18;
	s20 =	sadd.s32 s9, s8;
	s21 =	sadd.s32 s9, s17  }
0x11: {  	s2 =	sshrl.u32 s22, $0x3;
	s8 =	sshrl.u32 s25, $0x3;
	s17 =	sshrl.u32 s26, $0x3  }
0x12: {  	s26 =	smax.u32 s7, $0x1;
	s7 =	simm.s32 $0x2;
	[dreg:$0x4] =	wrdreg s20  }
0x13: {  	[dreg:$0x5] =	wrdreg s21;
	s2 =	sadd.s32 s9, s2;
	s18 =	sadd.s32 s9, s8  }
0x14: {  	s19 =	sadd.s32 s9, s17;
	s20 =	sadd.s32 s15, s16;
	s21 =	sadd.s32 s15, s23  }
0x15: {  	s15 =	sadd.s32 s15, s24;
	s17 =	sadd.s32 s10, s3;
	[dreg:$0xd] =	wrdreg s26  }
0x16: {  	s23 =	sadd.s32 s23, s3;
	s24 =	sadd.s32 s24, s3;
	[dreg:$0x6] =	wrdreg s2  }
0x17: {  	s26 =	simm.s32 $0x3800;
	s10 =	simm.s32 $0x3400;
	[dreg:$0x7] =	wrdreg s18  }
0x18: {  	[dreg:$0x8] =	wrdreg s19;
	s2 =	sshrl.u32 s20, $0x3;
	s8 =	sshrl.u32 s21, $0x3  }
0x19: {  	s15 =	sshrl.u32 s15, $0x3;
	s18 =	sadd.s32 s11, s3;
	s19 =	sadd.s32 s12, s3  }
0x1a: {  	s20 =	sadd.s32 s13, s3;
	s21 =	sadd.s32 s14, s3;
	s2 =	sadd.s32 s9, s2  }
0x1b: {  	s11 =	simm.s32 $0x3480;
	s22 =	sadd.s32 s9, s8;
	[dreg:$0x9] =	wrdreg s2  }
0x1c: {  	s12 =	simm.s32 $0x0;
	s25 =	sadd.s32 s9, s15;
	[dreg:$0xa] =	wrdreg s22  }
0x1d: {  	s15 =	sadd.s32 $0x4200, s0;
	s0 =	sadd.s32 $0x27200, s0;
	[dreg:$0xb] =	wrdreg s25  }
0x1e: {  	s8 =	simm.s32 $0x3;
	s9 =	simm.s32 $0x4;
	[dreg:$0xc] =	wrdreg s0  }
0x1f: {  	s22 =	sadd.s32 s16, s3;
	s0 =	simm.s32 $0x6000;
	s2 =	simm.s32 $0x1  }
.LBB2_1:
0x20: {  	s13 =	rddreg [dreg:$0xc]  }
0x21: {  	[tilespmem:s26], [sflag:$0x5] =	stream.linear.gather [hbm4b:s13+s4], $0x2800, $0x38;
	[tilespmem:$0x1C800] =	vst v63  }
0x22: {  	_ =	swait.ge [sflag:s28], $0x2800  }
0x23: {  	[sflag:s28] =	ssyncset.done $0x0  }
0x24: {  	[sflag:s28] =	ssyncadd.s32 $0xFFFFD800  }
0x25: {  	[spmem:s17] =	stream.linear.scatter [tilespmem:s26], [sflag:$0x5], $0x2800, $0x38;
	[tilespmem:$0x1C800] =	vst v63  }
0x26: {  	_ =	swait.ge [sflag:s28], $0x2800  }
0x27: {  	[sflag:s28] =	ssyncset.done $0x0  }
0x28: {  	[sflag:s28] =	ssyncadd.s32 $0xFFFFD800  }
0x29: {  	[spmem:s18] =	stream.linear.scatter [tilespmem:s26], [sflag:$0x5], $0x2800, $0x38;
	[tilespmem:$0x1C800] =	vst v63  }
0x2a: {  	_ =	swait.ge [sflag:s28], $0x2800  }
0x2b: {  	[sflag:s28] =	ssyncset.done $0x0  }
0x2c: {  	[sflag:s28] =	ssyncadd.s32 $0xFFFFD800  }
0x2d: {  	[spmem:s19] =	stream.linear.scatter [tilespmem:s26], [sflag:$0x5], $0x2800, $0x38;
	[tilespmem:$0x1C800] =	vst v63  }
0x2e: {  	_ =	swait.ge [sflag:s28], $0x2800  }
0x2f: {  	[sflag:s28] =	ssyncset.done $0x0  }
0x30: {  	[sflag:s28] =	ssyncadd.s32 $0xFFFFD800  }
0x31: {  	[spmem:s20] =	stream.linear.scatter [tilespmem:s26], [sflag:$0x5], $0x2800, $0x38;
	[tilespmem:$0x1C800] =	vst v63  }
0x32: {  	_ =	swait.ge [sflag:s28], $0x2800  }
0x33: {  	[sflag:s28] =	ssyncset.done $0x0  }
0x34: {  	[sflag:s28] =	ssyncadd.s32 $0xFFFFD800  }
0x35: {  	[spmem:s21] =	stream.linear.scatter [tilespmem:s26], [sflag:$0x5], $0x2800, $0x38;
	[tilespmem:$0x1C800] =	vst v63  }
0x36: {  	_ =	swait.ge [sflag:s28], $0x2800  }
0x37: {  	[sflag:s28] =	ssyncset.done $0x0  }
0x38: {  	[sflag:s28] =	ssyncadd.s32 $0xFFFFD800  }
0x39: {  	[spmem:s22] =	stream.linear.scatter [tilespmem:s26], [sflag:$0x5], $0x2800, $0x38;
	[tilespmem:$0x1C800] =	vst v63  }
0x3a: {  	_ =	swait.ge [sflag:s28], $0x2800  }
0x3b: {  	[sflag:s28] =	ssyncset.done $0x0  }
0x3c: {  	[sflag:s28] =	ssyncadd.s32 $0xFFFFD800  }
0x3d: {  	[spmem:s23] =	stream.linear.scatter [tilespmem:s26], [sflag:$0x5], $0x2800, $0x38;
	[tilespmem:$0x1C800] =	vst v63  }
0x3e: {  	_ =	swait.ge [sflag:s28], $0x2800  }
0x3f: {  	[sflag:s28] =	ssyncset.done $0x0  }
0x40: {  	[sflag:s28] =	ssyncadd.s32 $0xFFFFD800  }
0x41: {  	[spmem:s24] =	stream.linear.scatter [tilespmem:s26], [sflag:$0x5], $0x2800, $0x38;
	[tilespmem:$0x1C800] =	vst v63  }
0x42: {  	_ =	swait.ge [sflag:s28], $0x2800  }
0x43: {  	[sflag:s28] =	ssyncset.done $0x0  }
0x44: {  	[sflag:s28] =	ssyncadd.s32 $0xFFFFD800  }
0x45: {  	s13 =	simm.s32 $0x0;
	[bflag:$0x0] =	sbarrier.arrive $0xFFFF  }
.LBB2_2:
0x46: {  	s14 =	smul.u32 $0x1C00, s13;
	_ =	sdelay $0x1  }
0x47: {  	s16 =	sadd.s32 s5, s14  }
0x48: {  	s16 =	sshrl.u32 s16, $0x3  }
0x49: {  	s25 =	simm.s32 $0x0;
	s16 =	sadd.s32 s15, s16  }
0x4a: {  	[tilespmem:s25], [sflag:$0x5] =	stream.linear.gather [hbm4b:s16+s25], $0x1900, $0x38;
	[tilespmem:$0x1C800] =	vst v63  }
0x4b: {  	s14 =	sadd.s32 s6, s14;
	_ =	swait.ge [sflag:s28], $0x1900  }
0x4c: {  	s14 =	sshrl.u32 s14, $0x3;
	[sflag:s28] =	ssyncset.done $0x0  }
0x4d: {  	s14 =	sadd.s32 s15, s14;
	[sflag:s28] =	ssyncadd.s32 $0xFFFFE700  }
0x4e: {  	[tilespmem:s29], [sflag:$0x5] =	stream.linear.gather [hbm4b:s14+s25], $0x1900, $0x38;
	[tilespmem:$0x1C800] =	vst v63  }
0x4f: {  	_ =	swait.ge [sflag:s28], $0x1900  }
0x50: {  	[sflag:s28] =	ssyncset.done $0x0  }
0x51: {  	[sflag:s28] =	ssyncadd.s32 $0xFFFFE700  }
0x52: {  	[tilespmem:s26], [sflag:$0x1] =	stream.indirect.gather [hbm4b:s1+s30], $0x80, s25, s30, $0xb8;
	[tilespmem:$0x1C800] =	vst v63  }
0x53: {  	_ = 	snop  }
0x54: {  	[tilespmem:s0], [sflag:$0x2] =	stream.indirect.gather [hbm4b:s1+s30], $0x80, s31, s30, $0xb8;
	[tilespmem:$0x1C800] =	vst v63  }
0x55: {  	_ =	swait.ge [sflag:s2], $0x2800  }
0x56: {  	[sflag:s2] =	ssyncset.done $0x0  }
0x57: {  	s25 =	simm.s32 $0x1C00;
	[sflag:s2] =	ssyncadd.s32 $0xFFFFD800  }
0x58: {  	[spmem:s3] =	stream.indirect.scatter.add.f32 [tilespmem:s26], [sflag:$0x3], $0x80, s25, s30, $0xb8;
	[tilespmem:$0x1C800] =	vst v63  }
0x59: {  	_ =	swait.ge [sflag:s7], $0x2800  }
0x5a: {  	[sflag:s7] =	ssyncset.done $0x0  }
0x5b: {  	s16 =	simm.s32 $0x1C80;
	[sflag:s7] =	ssyncadd.s32 $0xFFFFD800  }
0x5c: {  	[spmem:s3] =	stream.indirect.scatter.add.f32 [tilespmem:s0], [sflag:$0x4], $0x80, s16, s30, $0xb8;
	[tilespmem:$0x1C800] =	vst v63  }
0x5d: {  	_ =	swait.ge [sflag:s8], $0x2800  }
0x5e: {  	[sflag:s8] =	ssyncset.done $0x0  }
0x5f: {  	s25 =	simm.s32 $0x100;
	[sflag:s8] =	ssyncadd.s32 $0xFFFFD800  }
0x60: {  	[tilespmem:s26], [sflag:$0x1] =	stream.indirect.gather [hbm4b:s1+s30], $0x80, s25, s30, $0xb8;
	[tilespmem:$0x1C800] =	vst v63  }
0x61: {  	_ =	swait.ge [sflag:s9], $0x2800  }
0x62: {  	[sflag:s9] =	ssyncset.done $0x0  }
0x63: {  	s14 =	simm.s32 $0x400;
	s16 =	simm.s32 $0x180;
	[sflag:s9] =	ssyncadd.s32 $0xFFFFD800  }
.LBB2_3:
0x64: {  	[tilespmem:s0], [sflag:$0x2] =	stream.indirect.gather [hbm4b:s1+s30], $0x80, s16, s30, $0xb8;
	[tilespmem:$0x1C800] =	vst v63  }
0x65: {  	s16 =	smov.u32 s14  }
0x66: {  	p0 =	sne.s32 s14, $0x5C00;
	s14 =	sadd.s32 $0x400, s14;
	_ =	swait.ge [sflag:s2], $0x2800  }
0x67: {  	s16 =	sshra.s32 s16, $0x2;
	[sflag:s2] =	ssyncset.done $0x0  }
0x68: {  	s25 =	sadd.s32 $0x1C00, s16;
	[sflag:s2] =	ssyncadd.s32 $0xFFFFD800  }
0x69: {  	[spmem:s3] =	stream.indirect.scatter.add.f32 [tilespmem:s26], [sflag:$0x3], $0x80, s25, s30, $0xb8;
	[tilespmem:$0x1C800] =	vst v63  }
0x6a: {  	_ =	swait.ge [sflag:s7], $0x2800  }
0x6b: {  	[sflag:s7] =	ssyncset.done $0x0  }
0x6c: {  	s25 =	sadd.s32 $0x1C80, s16;
	[sflag:s7] =	ssyncadd.s32 $0xFFFFD800  }
0x6d: {  	[spmem:s3] =	stream.indirect.scatter.add.f32 [tilespmem:s0], [sflag:$0x4], $0x80, s25, s30, $0xb8;
	[tilespmem:$0x1C800] =	vst v63  }
0x6e: {  	_ =	swait.ge [sflag:s8], $0x2800  }
0x6f: {  	[sflag:s8] =	ssyncset.done $0x0  }
.Ltmp0:
0x70: {  	s25 =	sadd.s32 $0x100, s16;
	[sflag:s8] =	ssyncadd.s32 $0xFFFFD800;
	(pc) =	sbr.rel @p0 .LBB2_3-.Ltmp0, $4  }
0x71: {  	[tilespmem:s26], [sflag:$0x1] =	stream.indirect.gather [hbm4b:s1+s30], $0x80, s25, s30, $0xb8;
	[tilespmem:$0x1C800] =	vst v63  }
0x72: {  	_ =	swait.ge [sflag:s9], $0x2800  }
0x73: {  	[sflag:s9] =	ssyncset.done $0x0  }
0x74: {  	s16 =	sadd.s32 $0x180, s16;
	[sflag:s9] =	ssyncadd.s32 $0xFFFFD800  }
0x75: {  	[tilespmem:s0], [sflag:$0x2] =	stream.indirect.gather [hbm4b:s1+s30], $0x80, s16, s30, $0xb8;
	[tilespmem:$0x1C800] =	vst v63  }
0x76: {  	_ =	swait.ge [sflag:s2], $0x2800  }
0x77: {  	[sflag:s2] =	ssyncset.done $0x0  }
0x78: {  	[sflag:s2] =	ssyncadd.s32 $0xFFFFD800  }
0x79: {  	[spmem:s3] =	stream.indirect.scatter.add.f32 [tilespmem:s26], [sflag:$0x3], $0x80, s10, s30, $0xb8;
	[tilespmem:$0x1C800] =	vst v63  }
0x7a: {  	_ =	swait.ge [sflag:s7], $0x2800  }
0x7b: {  	[sflag:s7] =	ssyncset.done $0x0  }
0x7c: {  	s13 =	sadd.s32 $0x1, s13;
	[sflag:s7] =	ssyncadd.s32 $0xFFFFD800  }
0x7d: {  	[spmem:s3] =	stream.indirect.scatter.add.f32 [tilespmem:s0], [sflag:$0x4], $0x80, s11, s30, $0xb8;
	[tilespmem:$0x1C800] =	vst v63  }
0x7e: {  	p0 =	sne.s32 s13, $0x5;
	_ =	swait.ge [sflag:s8], $0x2800  }
.Ltmp1:
0x7f: {  	[sflag:s8] =	ssyncset.done $0x0;
	(pc) =	sbr.rel @p0 .LBB2_2-.Ltmp1, $4  }
0x80: {  	[sflag:s8] =	ssyncadd.s32 $0xFFFFD800  }
0x81: {  	_ =	swait.ge [sflag:s9], $0x2800  }
0x82: {  	[sflag:s9] =	ssyncset.done $0x0  }
0x83: {  	[sflag:s9] =	ssyncadd.s32 $0xFFFFD800  }
0x84: {  	[bflag:$0x0] =	sbarrier.arrive $0xFFFF  }
0x85: {  	[tilespmem:s26], [sflag:$0x5] =	stream.linear.gather [spmem:s17], $0x2800, $0x38;
	[tilespmem:$0x1C800] =	vst v63  }
0x86: {  	_ =	swait.ge [sflag:s28], $0x2800  }
0x87: {  	[sflag:s28] =	ssyncset.done $0x0  }
0x88: {  	s13 =	rddreg [dreg:$0x4];
	[sflag:s28] =	ssyncadd.s32 $0xFFFFD800  }
0x89: {  	[hbm4b:s13+s4] =	stream.linear.scatter [tilespmem:s26], [sflag:$0x5], $0x2800, $0x38;
	[tilespmem:$0x1C800] =	vst v63  }
0x8a: {  	_ =	swait.ge [sflag:s28], $0x2800  }
0x8b: {  	[sflag:s28] =	ssyncset.done $0x0  }
0x8c: {  	[sflag:s28] =	ssyncadd.s32 $0xFFFFD800  }
0x8d: {  	[tilespmem:s26], [sflag:$0x5] =	stream.linear.gather [spmem:s18], $0x2800, $0x38;
	[tilespmem:$0x1C800] =	vst v63  }
0x8e: {  	_ =	swait.ge [sflag:s28], $0x2800  }
0x8f: {  	[sflag:s28] =	ssyncset.done $0x0  }
0x90: {  	s16 =	rddreg [dreg:$0x5];
	[sflag:s28] =	ssyncadd.s32 $0xFFFFD800  }
0x91: {  	[hbm4b:s16+s4] =	stream.linear.scatter [tilespmem:s26], [sflag:$0x5], $0x2800, $0x38;
	[tilespmem:$0x1C800] =	vst v63  }
0x92: {  	_ =	swait.ge [sflag:s28], $0x2800  }
0x93: {  	[sflag:s28] =	ssyncset.done $0x0  }
0x94: {  	[sflag:s28] =	ssyncadd.s32 $0xFFFFD800  }
0x95: {  	[tilespmem:s26], [sflag:$0x5] =	stream.linear.gather [spmem:s19], $0x2800, $0x38;
	[tilespmem:$0x1C800] =	vst v63  }
0x96: {  	_ =	swait.ge [sflag:s28], $0x2800  }
0x97: {  	[sflag:s28] =	ssyncset.done $0x0  }
0x98: {  	s25 =	rddreg [dreg:$0x6];
	[sflag:s28] =	ssyncadd.s32 $0xFFFFD800  }
0x99: {  	[hbm4b:s25+s4] =	stream.linear.scatter [tilespmem:s26], [sflag:$0x5], $0x2800, $0x38;
	[tilespmem:$0x1C800] =	vst v63  }
0x9a: {  	_ =	swait.ge [sflag:s28], $0x2800  }
0x9b: {  	[sflag:s28] =	ssyncset.done $0x0  }
0x9c: {  	[sflag:s28] =	ssyncadd.s32 $0xFFFFD800  }
0x9d: {  	[tilespmem:s26], [sflag:$0x5] =	stream.linear.gather [spmem:s20], $0x2800, $0x38;
	[tilespmem:$0x1C800] =	vst v63  }
0x9e: {  	_ =	swait.ge [sflag:s28], $0x2800  }
0x9f: {  	[sflag:s28] =	ssyncset.done $0x0  }
0xa0: {  	s14 =	rddreg [dreg:$0x7];
	[sflag:s28] =	ssyncadd.s32 $0xFFFFD800  }
0xa1: {  	[hbm4b:s14+s4] =	stream.linear.scatter [tilespmem:s26], [sflag:$0x5], $0x2800, $0x38;
	[tilespmem:$0x1C800] =	vst v63  }
0xa2: {  	_ =	swait.ge [sflag:s28], $0x2800  }
0xa3: {  	[sflag:s28] =	ssyncset.done $0x0  }
0xa4: {  	[sflag:s28] =	ssyncadd.s32 $0xFFFFD800  }
0xa5: {  	[tilespmem:s26], [sflag:$0x5] =	stream.linear.gather [spmem:s21], $0x2800, $0x38;
	[tilespmem:$0x1C800] =	vst v63  }
0xa6: {  	_ =	swait.ge [sflag:s28], $0x2800  }
0xa7: {  	[sflag:s28] =	ssyncset.done $0x0  }
0xa8: {  	s16 =	rddreg [dreg:$0x8];
	[sflag:s28] =	ssyncadd.s32 $0xFFFFD800  }
0xa9: {  	[hbm4b:s16+s4] =	stream.linear.scatter [tilespmem:s26], [sflag:$0x5], $0x2800, $0x38;
	[tilespmem:$0x1C800] =	vst v63  }
0xaa: {  	_ =	swait.ge [sflag:s28], $0x2800  }
0xab: {  	[sflag:s28] =	ssyncset.done $0x0  }
0xac: {  	[sflag:s28] =	ssyncadd.s32 $0xFFFFD800  }
0xad: {  	[tilespmem:s26], [sflag:$0x5] =	stream.linear.gather [spmem:s22], $0x2800, $0x38;
	[tilespmem:$0x1C800] =	vst v63  }
0xae: {  	_ =	swait.ge [sflag:s28], $0x2800  }
0xaf: {  	[sflag:s28] =	ssyncset.done $0x0  }
0xb0: {  	s25 =	rddreg [dreg:$0x9];
	[sflag:s28] =	ssyncadd.s32 $0xFFFFD800  }
0xb1: {  	[hbm4b:s25+s4] =	stream.linear.scatter [tilespmem:s26], [sflag:$0x5], $0x2800, $0x38;
	[tilespmem:$0x1C800] =	vst v63  }
0xb2: {  	_ =	swait.ge [sflag:s28], $0x2800  }
0xb3: {  	[sflag:s28] =	ssyncset.done $0x0  }
0xb4: {  	[sflag:s28] =	ssyncadd.s32 $0xFFFFD800  }
0xb5: {  	[tilespmem:s26], [sflag:$0x5] =	stream.linear.gather [spmem:s23], $0x2800, $0x38;
	[tilespmem:$0x1C800] =	vst v63  }
0xb6: {  	_ =	swait.ge [sflag:s28], $0x2800  }
0xb7: {  	[sflag:s28] =	ssyncset.done $0x0  }
0xb8: {  	s14 =	rddreg [dreg:$0xa];
	[sflag:s28] =	ssyncadd.s32 $0xFFFFD800  }
0xb9: {  	[hbm4b:s14+s4] =	stream.linear.scatter [tilespmem:s26], [sflag:$0x5], $0x2800, $0x38;
	[tilespmem:$0x1C800] =	vst v63  }
0xba: {  	_ =	swait.ge [sflag:s28], $0x2800  }
0xbb: {  	[sflag:s28] =	ssyncset.done $0x0  }
0xbc: {  	[sflag:s28] =	ssyncadd.s32 $0xFFFFD800  }
0xbd: {  	[tilespmem:s26], [sflag:$0x5] =	stream.linear.gather [spmem:s24], $0x2800, $0x38;
	[tilespmem:$0x1C800] =	vst v63  }
0xbe: {  	_ =	swait.ge [sflag:s28], $0x2800  }
0xbf: {  	[sflag:s28] =	ssyncset.done $0x0  }
0xc0: {  	s16 =	rddreg [dreg:$0xb];
	[sflag:s28] =	ssyncadd.s32 $0xFFFFD800  }
0xc1: {  	[hbm4b:s16+s4] =	stream.linear.scatter [tilespmem:s26], [sflag:$0x5], $0x2800, $0x38;
	[tilespmem:$0x1C800] =	vst v63  }
0xc2: {  	_ =	swait.ge [sflag:s28], $0x2800  }
0xc3: {  	s12 =	sadd.s32 $0x1, s12;
	s25 =	rddreg [dreg:$0xd]  }
0xc4: {  	p0 =	sne.s32 s12, s25  }
.Ltmp2:
0xc5: {  	_ = 	snop;
	(pc) =	sbr.rel @p0 .LBB2_1-.Ltmp2, $3  }
0xc6: {  	_ =	sdelay $0x1  }
0xc7: {  	[sflag:s28] =	ssyncset.done $0x0  }
0xc8: {  	[sflag:s28] =	ssyncadd.s32 $0xFFFFD800  }
0xc9: {  	_ =	sfence.sel $0x180000  }
0xca: {  	[bflag:$0x0] =	sbarrier.arrive $0xFFFF  }
0xcb: {  	_ =	strace $0x9000004D  }
0xcc: {  	s0 =	stileid.u32;
	[bflag:$0x2] =	sbarrier.arrive $0xFFFF  }
0xcd: {  	p0 =	sne.s32 s0, $0x0;
	s0 =	rddreg [dreg:$0x3]  }
0xce: {  	s0 =	sadd.s32 @!p0 $0x100000, s0  }
0xcf: {  	[sflag:s0] =	ssyncadd.tile.s32 @!p0 $0x1;
	_ =	shalt  }
.Lfunc_end2:
_tile_overlayer_lowered:
.L_overlay_start_2:
0xd0: {  	(tag) =	ssettag $0x2  }
0xd1: {  	s0 =	rddreg [dreg:$0x0];
	s2 =	stileid.u32  }
0xd2: {  	s1 =	rddreg [dreg:$0x1];
	p0 =	sne.s32 s2, $0x0  }
0xd3: {  	s3 =	rddreg [dreg:$0x2];
	[bflag:$0x3] =	sbarrier.arrive $0xFFFF;
	s2 =	simm.s32 @!p0 $0x1C05  }
0xd4: {  	[timem:s3], [sflag:s2] =	dma.local @!p0 [hbm:s0], s1  }
0xd5: {  	s0 =	simm.s32 @!p0 $0x5  }
0xd6: {  	_ =	swait.ge @!p0 [sflag:s0], s1  }
0xd7: {  	s1 =	ssub.s32 @!p0 $0x0, s1;
	[sflag:s0] =	ssyncset.done @!p0 $0x0  }
0xd8: {  	[sflag:s0] =	ssyncadd.s32 @!p0 s1  }
0xd9: {  	[bflag:$0x3] =	sbarrier.arrive $0xFFFF  }
0xda: {  	_ =	shalt  }

// kernel: kernel.8.cloned.1.call-start
scs
__scs_entry_jumppad:
0x0: {  	(pc) =	sbr.rel $0x88, $3  }
0x1: {  	(tag) =	ssettag $0x0;
	lr =	simm.s32 $0x1  }
0x2: {  	[smem:$0x3F8B] =	sst lr;
	_ =	strace $0xD0000000  }
0x3: {  	_ = 	snop  }
0x4: {  	_ = 	snop  }
0x5: {  	_ = 	snop  }
0x6: {  	_ = 	snop  }
0x7: {  	_ = 	snop  }
__scs_overlays_trampoline_lowered:
0x8: {  	[smem:$0x3F9A] =	sst s0  }
0x9: {  	[smem:$0x3F9B] =	sst s1  }
0xa: {  	[smem:$0x3F9C] =	sst s2  }
0xb: {  	[smem:$0x3F9D] =	sst s3  }
0xc: {  	[smem:$0x3F9E] =	sst s4  }
0xd: {  	[smem:$0x3F9F] =	sst s5  }
0xe: {  	[smem:$0x3FA0] =	sst s6  }
0xf: {  	[smem:$0x3FA1] =	sst s7  }
0x10: {  	[smem:$0x3FA2] =	sst s8  }
0x11: {  	[smem:$0x3FA3] =	sst s9;
	s0 =	simm.s32 @!p0 $0x0  }
0x12: {  	s1 =	sld [smem:$0x3F89];
	s0 =	simm.s32 @p0 $0x1  }
0x13: {  	[smem:$0x3FA4] =	sst s0;
	s0 =	simm.s32 @!p1 $0x0  }
0x14: {  	s2 =	sld [smem:$0x3F88];
	s0 =	simm.s32 @p1 $0x1  }
0x15: {  	[smem:$0x3FA5] =	sst s0;
	s0 =	simm.s32 @!p2 $0x0  }
0x16: {  	s3 =	sld [smem:$0x3FDB];
	s0 =	simm.s32 @p2 $0x1  }
0x17: {  	s4 =	simm.s32 $0x1BF5;
	[smem:$0x3FA7] =	sst s0  }
0x18: {  	s0 =	sld [smem:$0x3F8A];
	_ =	swait.ge [sflag:s4], $0x0  }
0x19: {  	s7 =	sld [smem:$0x3F8B]  }
0x1a: {  	s8 =	sadd.s32 $0xFFFFE003, lr  }
0x1b: {  	s9 =	sadd.s32 $0xFFFFFEF7, lr;
	s5 =	simm.s32 $0xFFFFFFFF;
	p2 =	slt.u32 s8, $0xFFFFF086  }
0x1c: {  	p1 =	slt.u32 s9, $0xF7A;
	s5 =	simm.s32 @!p2 $0x0  }
0x1d: {  	s5 =	simm.s32 @p1 $0x1;
	p0 =	seq.s32 s7, s2  }
0x1e: {  	s7 =	smul.u32 @!p0 $0xF7A, s2;
	p2 =	seq.s32 @!p0 s5, $0x0  }
0x1f: {  	s9 =	smul.u32 $0xF7A, s1;
	s8 =	simm.s32 @!p0 $0x1BF5;
	p2 =	por !p2, p0  }
0x20: {  	[sflag:s8] =	ssyncset.s32 @!p0 $0xFFFFF086;
	s6 =	sadd.s32 @!p0 s3, s7;
	s7 =	simm.s32 @!p0 $0x108  }
0x21: {  	s3 =	sadd.s32 s3, s9;
	s6 =	sadd.s32 @!p0 $0x88, s6;
	s7 =	simm.s32 @p2 $0x1082  }
0x22: {  	[simem:s7], [sflag:s8] =	dma.local @!p0 [hbm:s6], $0xF7A  }
0x23: {  	s9 =	sor.u32 $0xD0000000, s2;
	s6 =	simm.s32 $0x108;
	_ =	swait.ge @!p0 [sflag:s8], $0x0  }
0x24: {  	s3 =	sadd.s32 $0x88, s3;
	s6 =	simm.s32 @!p1 $0x1082;
	[sflag:s4] =	ssyncset.s32 $0xFFFFF086  }
0x25: {  	[simem:s6], [sflag:s4] =	dma.local [hbm:s3], $0xF7A  }
0x26: {  	[smem:$0x3F8B] =	sst s1;
	(tag) =	ssettag s2;
	_ =	strace s9  }
0x27: {  	s1 =	sld [smem:$0x3F9B]  }
0x28: {  	s2 =	sld [smem:$0x3F9C]  }
0x29: {  	s4 =	sld [smem:$0x3F9E]  }
0x2a: {  	p0 =	seq.s32 s5, $0x0;
	s5 =	sld [smem:$0x3F9F]  }
0x2b: {  	s6 =	sld [smem:$0x3FA0]  }
0x2c: {  	s7 =	sld [smem:$0x3FA1]  }
0x2d: {  	s3 =	simm.s32 $0x108;
	s8 =	sld [smem:$0x3FA2]  }
0x2e: {  	s3 =	simm.s32 @!p0 $0x1082;
	s9 =	sld [smem:$0x3FA3]  }
0x2f: {  	lr =	sadd.s32 s0, s3;
	s0 =	sld [smem:$0x3F9A]  }
0x30: {  	s3 =	sld [smem:$0x3F9D]  }
0x31: {  	[smem:$0x3FA6] =	sst s10  }
0x32: {  	s10 =	sld [smem:$0x3FA4];
	_ =	sdelay $0x3  }
0x33: {  	p0 =	seq.s32 s10, $0x1;
	s10 =	sld [smem:$0x3FA6];
	_ =	sdelay $0x3  }
0x34: {  	[smem:$0x3FA6] =	sst s10  }
0x35: {  	s10 =	sld [smem:$0x3FA5];
	_ =	sdelay $0x3  }
0x36: {  	p1 =	seq.s32 s10, $0x1;
	s10 =	sld [smem:$0x3FA6];
	_ =	sdelay $0x3  }
0x37: {  	[smem:$0x3FA6] =	sst s10  }
0x38: {  	s10 =	sld [smem:$0x3FA7]  }
0x39: {  	_ = 	snop;
	(pc) =	sbr.ind lr, $3  }
0x3a: {  	_ = 	snop  }
0x3b: {  	_ = 	snop  }
0x3c: {  	p2 =	seq.s32 s10, $0x1;
	s10 =	sld [smem:$0x3FA6]  }
0x3d: {  	_ =	shalt  }
0x3e: {  	_ =	shalt  }
0x3f: {  	_ =	shalt  }
0x40: {  	_ =	shalt  }
0x41: {  	_ =	shalt  }
0x42: {  	_ =	shalt  }
0x43: {  	_ =	shalt  }
0x44: {  	_ =	shalt  }
0x45: {  	_ =	shalt  }
0x46: {  	_ =	shalt  }
0x47: {  	_ =	shalt  }
0x48: {  	_ =	shalt  }
0x49: {  	_ =	shalt  }
0x4a: {  	_ =	shalt  }
0x4b: {  	_ =	shalt  }
0x4c: {  	_ =	shalt  }
0x4d: {  	_ =	shalt  }
0x4e: {  	_ =	shalt  }
0x4f: {  	_ =	shalt  }
0x50: {  	_ =	shalt  }
0x51: {  	_ =	shalt  }
0x52: {  	_ =	shalt  }
0x53: {  	_ =	shalt  }
0x54: {  	_ =	shalt  }
0x55: {  	_ =	shalt  }
0x56: {  	_ =	shalt  }
0x57: {  	_ =	shalt  }
0x58: {  	_ =	shalt  }
0x59: {  	_ =	shalt  }
0x5a: {  	_ =	shalt  }
0x5b: {  	_ =	shalt  }
0x5c: {  	_ =	shalt  }
0x5d: {  	_ =	shalt  }
0x5e: {  	_ =	shalt  }
0x5f: {  	_ =	shalt  }
0x60: {  	_ =	shalt  }
0x61: {  	_ =	shalt  }
0x62: {  	_ =	shalt  }
0x63: {  	_ =	shalt  }
0x64: {  	_ =	shalt  }
0x65: {  	_ =	shalt  }
0x66: {  	_ =	shalt  }
0x67: {  	_ =	shalt  }
0x68: {  	_ =	shalt  }
0x69: {  	_ =	shalt  }
0x6a: {  	_ =	shalt  }
0x6b: {  	_ =	shalt  }
0x6c: {  	_ =	shalt  }
0x6d: {  	_ =	shalt  }
0x6e: {  	_ =	shalt  }
0x6f: {  	_ =	shalt  }
0x70: {  	_ =	shalt  }
0x71: {  	_ =	shalt  }
0x72: {  	_ =	shalt  }
0x73: {  	_ =	shalt  }
0x74: {  	_ =	shalt  }
0x75: {  	_ =	shalt  }
0x76: {  	_ =	shalt  }
0x77: {  	_ =	shalt  }
0x78: {  	_ =	shalt  }
0x79: {  	_ =	shalt  }
0x7a: {  	_ =	shalt  }
0x7b: {  	_ =	shalt  }
0x7c: {  	_ =	shalt  }
0x7d: {  	_ =	shalt  }
0x7e: {  	_ =	shalt  }
0x7f: {  	_ =	shalt  }
0x80: {  	_ =	shalt  }
0x81: {  	_ =	shalt  }
0x82: {  	_ =	shalt  }
0x83: {  	_ =	shalt  }
0x84: {  	_ =	shalt  }
0x85: {  	_ =	shalt  }
0x86: {  	_ =	shalt  }
0x87: {  	_ =	shalt  }
.Lfunc_end0:
.L_simem_size_0:
called_computation_lowered:
.L_overlay_start_0:
0x88: {  	s2 =	sld [smem:$0x3FD9]  }
0x89: {  	s3 =	sld [smem:$0x3FFE];
	_ =	sdelay $0x1  }
0x8a: {  	s1 =	srdreg.scid  }
0x8b: {  	s0 =	sand.u32 $0x1, s1  }
0x8c: {  	s17 =	sshll.u32 s0, $0xA;
	s2 =	sadd.s32 s3, s2  }
0x8d: {  	s2 =	sadd.s32 s2, s17  }
0x8e: {  	[smem:$0x3FB2] =	sst s2  }
0x8f: {  	_ = 	snop  }
0x90: {  	(tm) =	ssettm $0x1  }
0x91: {  	s18 =	sld [smem:$0x3FFB];
	_ =	sdelay $0x3  }
0x92: {  	_ =	strace s18  }
0x93: {  	s2 =	sld [smem:$0x3FFC];
	_ =	sdelay $0x3  }
0x94: {  	_ =	strace s2  }
0x95: {  	s2 =	sld [smem:$0x3FFD];
	_ =	sdelay $0x3  }
0x96: {  	_ =	strace s2  }
0x97: {  	_ =	strace $0x8FFFFFFF  }
0x98: {  	s19 =	sld [smem:$0x3FDB];
	_ =	sdelay $0x1  }
0x99: {  	s20 =	simm.s32 $_scs_section_size  }
0x9a: {  	s4 =	simm.s32 $_size__tile_overlayer_lowered;
	s5 =	simm.s32 $_tile_overlayer_lowered  }
0x9b: {  	s6 =	simm.s32 $0x1BFF;
	s21 =	sshll.u32 s5, $0x1;
	s3 =	sadd.s32 s20, s19  }
0x9c: {  	s22 =	simm.s32 $0x0;
	s4 =	sshll.u32 s4, $0x1;
	s5 =	sadd.s32 s21, s3  }
0x9d: {  	[timem:s22], [sflag:s6] =	dma.local [hbm:s5], s4  }
0x9e: {  	_ =	swait.ge [sflag:s6], s4  }
0x9f: {  	s4 =	ssub.s32 $0x0, s4;
	[sflag:s6] =	ssyncset.done $0x0  }
0xa0: {  	[sflag:s6] =	ssyncadd.s32 s4;
	_ =	sdelay $0x1  }
0xa1: {  	s23 =	simm.s32 $0x1B8B  }
0xa2: {  	_ =	swait.ge [sflag:s23], $0x1  }
0xa3: {  	[sflag:s23] =	ssyncset.done $0x0  }
0xa4: {  	[sflag:s23] =	ssyncadd.s32 $0xFFFFFFFF  }
0xa5: {  	s4 =	sld [smem:$0x0]  }
0xa6: {  	s5 =	sand.u32 $0xFFFFFFFE, s1  }
0xa7: {  	p0 =	sne.s32 s1, s5  }
0xa8: {  	s5 =	sshll.u32 @p0 s5, $0xE  }
0xa9: {  	s5 =	sadd.s32 @p0 $0x11B8D, s5;
	s6 =	sshll.u32 @p0 s4, $0x11  }
0xaa: {  	s5 =	sor.u32 @p0 s6, s5  }
0xab: {  	[sflag:s5] =	ssyncadd.remote.s32 @p0 $0x1;
	_ =	sdelay $0x1  }
0xac: {  	s5 =	simm.s32 @p0 $0x1B8D  }
0xad: {  	_ =	swait.eq @p0 [sflag:s5], $0x1  }
0xae: {  	[sflag:s5] =	ssyncadd.s32 @p0 $0xFFFFFFFF  }
0xaf: {  	s6 =	sshll.u32 @!p0 s1, $0xE  }
0xb0: {  	s6 =	sor.u32 @!p0 $0x4000, s6;
	s5 =	simm.s32 @!p0 $0x1B8D  }
0xb1: {  	s4 =	sshll.u32 @!p0 s4, $0x11;
	s6 =	sadd.s32 @!p0 $0x11B8D, s6;
	_ =	swait.eq @!p0 [sflag:s5], $0x1  }
0xb2: {  	s4 =	sor.u32 @!p0 s4, s6;
	[sflag:s5] =	ssyncadd.s32 @!p0 $0xFFFFFFFF  }
0xb3: {  	s25 =	simm.s32 $0x1B8E;
	s24 =	sld [smem:$0x3FFE];
	[sflag:s4] =	ssyncadd.remote.s32 @!p0 $0x1  }
0xb4: {  	s26 =	simm.s32 $execute0_lowered;
	[smem:$0x3FD2] =	sst s25  }
0xb5: {  	s5 =	sshll.u32 s26, $0x1;
	_ =	strace $0x80000049;
	[dreg:$0x1] =	wrdreg $0xFFFFFFFF  }
0xb6: {  	s28 =	simm.s32 $_size_execute0_lowered;
	s3 =	sadd.s32 s3, s5;
	[dreg:$0x0] =	wrdreg $0x0  }
0xb7: {  	s5 =	sshll.u32 s28, $0x1;
	[dreg:$0x2] =	wrdreg s3  }
0xb8: {  	[dreg:$0x3] =	wrdreg s5  }
0xb9: {  	[dreg:$0x4] =	wrdreg $0xC0  }
0xba: {  	_ =	task [dreg:s22], $0x5FFFF  }
0xbb: {  	[dreg:$0x1] =	wrdreg $0xFFFFFFFF  }
0xbc: {  	[dreg:$0x0] =	wrdreg $0x60  }
0xbd: {  	[dreg:$0x2] =	wrdreg s24  }
0xbe: {  	[dreg:$0x3] =	wrdreg $0x6C000  }
0xbf: {  	[dreg:$0x4] =	wrdreg $0x9  }
0xc0: {  	_ =	task.clear_ibuf [dreg:s22], $0x5FFFF;
	_ =	strace $0x90000049  }
0xc1: {  	s29 =	simm.s32 $0x9;
	_ =	strace $0x8000004B  }
0xc2: {  	_ =	swait.ge [sflag:s29], $0x1  }
0xc3: {  	[sflag:s29] =	ssyncadd.s32 $0xFFFFFFFF  }
0xc4: {  	_ =	strace $0x9000004B  }
0xc5: {  	_ =	sfence  }
0xc6: {  	s30 =	sld [smem:$0x0];
	_ =	sdelay $0x2  }
0xc7: {  	s31 =	sshll.u32 s1, $0xD;
	s1 =	sshrl.u32 s1, $0x2  }
0xc8: {  	s4 =	sand.u32 $0x4000, s31;
	s1 =	sadd.s32 s1, s30  }
0xc9: {  	s0 =	sor.u32 s4, s0;
	s1 =	sshll.u32 s1, $0x11  }
0xca: {  	s0 =	sor.u32 s1, s0  }
0xcb: {  	s0 =	sadd.s32 $0x8F2B, s0  }
0xcc: {  	[sflag:s0] =	ssyncadd.remote.s32 $0x1  }
0xcd: {  	_ =	sfence.sel $0xFFFF  }
0xce: {  	[dreg:$0x0] =	wrdreg $0xFFFFFFFF;
	(pc) =	sbr.abs _section_cstart, $3  }
0xcf: {  	[dreg:$0x1] =	wrdreg $0xFFFFFFFF  }
0xd0: {  	_ =	task.clear_ibuf [dreg:s22], $0x2FFFF;
	_ =	strace $0x9FFFFFFF  }
0xd1: {  	(tm) =	ssettm $0x7FFFFFFF  }
tec
execute0_lowered:
.L_overlay_start_1:
0x0: {  	(tag) =	ssettag $0x1  }
0x1: {  	s0 =	srdreg.scid;
	s4 =	rddreg [dreg:$0x0]  }
0x2: {  	s9 =	stileid.u32;
	s2 =	rddreg [dreg:$0x1]  }
0x3: {  	s3 =	simm.s32 $0x0;
	s29 =	simm.s32 $0x1C00;
	s30 =	simm.s32 $0x1  }
0x4: {  	s0 =	sand.u32 $0x1, s0;
	s5 =	smul.u32 $0x8C00, s9;
	[smem:$0x7FF] =	sst s3  }
0x5: {  	s23 =	sadd.s32 $0x27200, s4;
	s7 =	smul.u32 $0x50000, s9;
	s24 =	sadd.s32 $0x77800, s4  }
0x6: {  	s13 =	smul.u32 $0x14000, s9;
	s1 =	sxor.u32 $0x1, s0;
	_ =	strace $0x8000004A  }
0x7: {  	[dreg:$0x3] =	wrdreg s23;
	s6 =	ssub.s32 $0x2, s0;
	s0 =	smul.u32 $0x140000, s0  }
0x8: {  	s31 =	simm.s32 $0x4400;
	[dreg:$0x4] =	wrdreg s24;
	s1 =	smul.u32 $0x8C000, s1  }
0x9: {  	s8 =	sshrl.u32 s6, $0x1;
	s25 =	sshrl.u32 s7, $0x2;
	s14 =	sor.u32 $0x2800, s13  }
0xa: {  	s16 =	sadd.s32 $0x5000, s13;
	s17 =	sadd.s32 $0x7800, s13;
	s18 =	sadd.s32 $0xA000, s13  }
0xb: {  	s19 =	sadd.s32 $0xC800, s13;
	s20 =	sadd.s32 $0xF000, s13;
	s21 =	sadd.s32 $0x11800, s13  }
0xc: {  	s22 =	ssub.s32 s6, s8;
	s6 =	sadd.s32 s25, s2;
	s7 =	sadd.s32 s14, s2  }
0xd: {  	s8 =	sadd.s32 s16, s2;
	s9 =	sadd.s32 s17, s2;
	s10 =	sadd.s32 s18, s2  }
0xe: {  	s11 =	sadd.s32 s19, s2;
	s12 =	sadd.s32 s20, s2;
	s15 =	sadd.s32 s13, s0  }
0xf: {  	s23 =	sadd.s32 s0, s14;
	s13 =	sadd.s32 s21, s2;
	s16 =	sadd.s32 s0, s16  }
0x10: {  	s17 =	sadd.s32 s0, s17;
	s18 =	sadd.s32 s0, s18;
	s19 =	sadd.s32 s0, s19  }
0x11: {  	s20 =	sadd.s32 s0, s20;
	s0 =	sadd.s32 s0, s21;
	s1 =	sadd.s32 s5, s1  }
0x12: {  	s15 =	sshrl.u32 s15, $0x3;
	s26 =	sshrl.u32 s23, $0x3;
	s16 =	sshrl.u32 s16, $0x3  }
0x13: {  	s17 =	sshrl.u32 s17, $0x3;
	s18 =	sshrl.u32 s18, $0x3;
	s19 =	sshrl.u32 s19, $0x3  }
0x14: {  	s20 =	sshrl.u32 s20, $0x3;
	s0 =	sshrl.u32 s0, $0x3;
	s1 =	sshrl.u32 s1, $0x3  }
0x15: {  	s22 =	smax.u32 s22, $0x1;
	s1 =	sadd.s32 s1, s4;
	s4 =	sadd.s32 $0x77E00, s4  }
0x16: {  	s14 =	sadd.s32 s4, s15;
	s15 =	sadd.s32 s4, s26;
	s16 =	sadd.s32 s4, s16  }
0x17: {  	s17 =	sadd.s32 s4, s17;
	s18 =	sadd.s32 s4, s18;
	s19 =	sadd.s32 s4, s19  }
0x18: {  	s20 =	sadd.s32 s4, s20;
	s21 =	sadd.s32 s4, s0;
	s23 =	sadd.s32 $0x4200, s1  }
0x19: {  	s24 =	sadd.s32 $0x4580, s1;
	s25 =	sadd.s32 $0x4900, s1;
	s26 =	sadd.s32 $0x4C80, s1  }
0x1a: {  	s28 =	sadd.s32 $0x5000, s1;
	s1 =	simm.s32 $0x50;
	s0 =	simm.s32 $0x0  }
.LBB2_1:
0x1b: {  	s4 =	rddreg [dreg:$0x4]  }
0x1c: {  	[tilespmem:s29], [sflag:$0x1] =	stream.linear.gather [hbm4b:s4+s3], $0x2800, $0x38;
	[tilespmem:$0x1AC00] =	vst v63  }
0x1d: {  	_ =	swait.ge [sflag:s30], $0x2800  }
0x1e: {  	[sflag:s30] =	ssyncset.done $0x0  }
0x1f: {  	s5 =	rddreg [dreg:$0x3];
	[sflag:s30] =	ssyncadd.s32 $0xFFFFD800  }
0x20: {  	[tilespmem:s31], [sflag:$0x1] =	stream.linear.gather [hbm4b:s5+s3], $0x2800, $0x38;
	[tilespmem:$0x1AC00] =	vst v63  }
0x21: {  	_ =	swait.ge [sflag:s30], $0x2800  }
0x22: {  	[sflag:s30] =	ssyncset.done $0x0  }
0x23: {  	[sflag:s30] =	ssyncadd.s32 $0xFFFFD800  }
0x24: {  	[spmem:s6] =	stream.linear.scatter [tilespmem:s31], [sflag:$0x1], $0x2800, $0x38;
	[tilespmem:$0x1AC00] =	vst v63  }
0x25: {  	_ =	swait.ge [sflag:s30], $0x2800  }
0x26: {  	[sflag:s30] =	ssyncset.done $0x0  }
0x27: {  	[sflag:s30] =	ssyncadd.s32 $0xFFFFD800  }
0x28: {  	[spmem:s7] =	stream.linear.scatter [tilespmem:s31], [sflag:$0x1], $0x2800, $0x38;
	[tilespmem:$0x1AC00] =	vst v63  }
0x29: {  	_ =	swait.ge [sflag:s30], $0x2800  }
0x2a: {  	[sflag:s30] =	ssyncset.done $0x0  }
0x2b: {  	[sflag:s30] =	ssyncadd.s32 $0xFFFFD800  }
0x2c: {  	[spmem:s8] =	stream.linear.scatter [tilespmem:s31], [sflag:$0x1], $0x2800, $0x38;
	[tilespmem:$0x1AC00] =	vst v63  }
0x2d: {  	_ =	swait.ge [sflag:s30], $0x2800  }
0x2e: {  	[sflag:s30] =	ssyncset.done $0x0  }
0x2f: {  	[sflag:s30] =	ssyncadd.s32 $0xFFFFD800  }
0x30: {  	[spmem:s9] =	stream.linear.scatter [tilespmem:s31], [sflag:$0x1], $0x2800, $0x38;
	[tilespmem:$0x1AC00] =	vst v63  }
0x31: {  	_ =	swait.ge [sflag:s30], $0x2800  }
0x32: {  	[sflag:s30] =	ssyncset.done $0x0  }
0x33: {  	[sflag:s30] =	ssyncadd.s32 $0xFFFFD800  }
0x34: {  	[spmem:s10] =	stream.linear.scatter [tilespmem:s31], [sflag:$0x1], $0x2800, $0x38;
	[tilespmem:$0x1AC00] =	vst v63  }
0x35: {  	_ =	swait.ge [sflag:s30], $0x2800  }
0x36: {  	[sflag:s30] =	ssyncset.done $0x0  }
0x37: {  	[sflag:s30] =	ssyncadd.s32 $0xFFFFD800  }
0x38: {  	[spmem:s11] =	stream.linear.scatter [tilespmem:s31], [sflag:$0x1], $0x2800, $0x38;
	[tilespmem:$0x1AC00] =	vst v63  }
0x39: {  	_ =	swait.ge [sflag:s30], $0x2800  }
0x3a: {  	[sflag:s30] =	ssyncset.done $0x0  }
0x3b: {  	[sflag:s30] =	ssyncadd.s32 $0xFFFFD800  }
0x3c: {  	[spmem:s12] =	stream.linear.scatter [tilespmem:s31], [sflag:$0x1], $0x2800, $0x38;
	[tilespmem:$0x1AC00] =	vst v63  }
0x3d: {  	_ =	swait.ge [sflag:s30], $0x2800  }
0x3e: {  	[sflag:s30] =	ssyncset.done $0x0  }
0x3f: {  	[sflag:s30] =	ssyncadd.s32 $0xFFFFD800  }
0x40: {  	[spmem:s13] =	stream.linear.scatter [tilespmem:s31], [sflag:$0x1], $0x2800, $0x38;
	[tilespmem:$0x1AC00] =	vst v63  }
0x41: {  	_ =	swait.ge [sflag:s30], $0x2800  }
0x42: {  	[sflag:s30] =	ssyncset.done $0x0  }
0x43: {  	[sflag:s30] =	ssyncadd.s32 $0xFFFFD800  }
0x44: {  	[bflag:$0x0] =	sbarrier.arrive $0xFFFF  }
0x45: {  	[tilespmem:s3], [sflag:$0x1] =	stream.linear.gather [hbm4b:s23+s3], $0x1900, $0x38;
	[tilespmem:$0x1AC00] =	vst v63  }
0x46: {  	_ =	swait.ge [sflag:s30], $0x1900  }
0x47: {  	[sflag:s30] =	ssyncset.done $0x0  }
0x48: {  	s5 =	simm.s32 $0x0;
	[sflag:s30] =	ssyncadd.s32 $0xFFFFE700  }
0x49: {  	[spmem:s2] =	stream.indirect.scatter.add.f32 [tilespmem:s29], [sflag:$0x1], $0x80, s5, s1, $0xb8;
	[tilespmem:$0x1AC00] =	vst v63  }
0x4a: {  	_ =	swait.ge [sflag:s30], $0x2800  }
0x4b: {  	s4 =	simm.s32 $0x200;
	[sflag:s30] =	ssyncset.done $0x0  }
.LBB2_2:
0x4c: {  	s5 =	sshra.s32 s4, $0x2;
	[sflag:s30] =	ssyncadd.s32 $0xFFFFD800;
	p0 =	sne.s32 s4, $0x6200  }
0x4d: {  	[spmem:s2] =	stream.indirect.scatter.add.f32 [tilespmem:s29], [sflag:$0x1], $0x80, s5, s1, $0xb8;
	[tilespmem:$0x1AC00] =	vst v63  }
.Ltmp0:
0x4e: {  	_ = 	snop;
	(pc) =	sbr.rel @p0 .LBB2_2-.Ltmp0, $4  }
0x4f: {  	_ = 	snop  }
0x50: {  	s4 =	sadd.s32 $0x200, s4  }
0x51: {  	_ =	swait.ge [sflag:s30], $0x2800  }
0x52: {  	[sflag:s30] =	ssyncset.done $0x0  }
0x53: {  	[sflag:s30] =	ssyncadd.s32 $0xFFFFD800;
	s4 =	simm.s32 $0x0  }
0x54: {  	[tilespmem:s4], [sflag:$0x1] =	stream.linear.gather [hbm4b:s24+s4], $0x1900, $0x38;
	[tilespmem:$0x1AC00] =	vst v63  }
0x55: {  	_ =	swait.ge [sflag:s30], $0x1900  }
0x56: {  	[sflag:s30] =	ssyncset.done $0x0  }
0x57: {  	s5 =	simm.s32 $0x0;
	[sflag:s30] =	ssyncadd.s32 $0xFFFFE700  }
0x58: {  	[spmem:s2] =	stream.indirect.scatter.add.f32 [tilespmem:s29], [sflag:$0x1], $0x80, s5, s1, $0xb8;
	[tilespmem:$0x1AC00] =	vst v63  }
0x59: {  	_ =	swait.ge [sflag:s30], $0x2800  }
0x5a: {  	s4 =	simm.s32 $0x200;
	[sflag:s30] =	ssyncset.done $0x0  }
.LBB2_4:
0x5b: {  	s5 =	sshra.s32 s4, $0x2;
	[sflag:s30] =	ssyncadd.s32 $0xFFFFD800;
	p0 =	sne.s32 s4, $0x6200  }
0x5c: {  	[spmem:s2] =	stream.indirect.scatter.add.f32 [tilespmem:s29], [sflag:$0x1], $0x80, s5, s1, $0xb8;
	[tilespmem:$0x1AC00] =	vst v63  }
.Ltmp1:
0x5d: {  	_ = 	snop;
	(pc) =	sbr.rel @p0 .LBB2_4-.Ltmp1, $4  }
0x5e: {  	_ = 	snop  }
0x5f: {  	s4 =	sadd.s32 $0x200, s4  }
0x60: {  	_ =	swait.ge [sflag:s30], $0x2800  }
0x61: {  	[sflag:s30] =	ssyncset.done $0x0  }
0x62: {  	[sflag:s30] =	ssyncadd.s32 $0xFFFFD800;
	s4 =	simm.s32 $0x0  }
0x63: {  	[tilespmem:s4], [sflag:$0x1] =	stream.linear.gather [hbm4b:s25+s4], $0x1900, $0x38;
	[tilespmem:$0x1AC00] =	vst v63  }
0x64: {  	_ =	swait.ge [sflag:s30], $0x1900  }
0x65: {  	[sflag:s30] =	ssyncset.done $0x0  }
0x66: {  	s5 =	simm.s32 $0x0;
	[sflag:s30] =	ssyncadd.s32 $0xFFFFE700  }
0x67: {  	[spmem:s2] =	stream.indirect.scatter.add.f32 [tilespmem:s29], [sflag:$0x1], $0x80, s5, s1, $0xb8;
	[tilespmem:$0x1AC00] =	vst v63  }
0x68: {  	_ =	swait.ge [sflag:s30], $0x2800  }
0x69: {  	s4 =	simm.s32 $0x200;
	[sflag:s30] =	ssyncset.done $0x0  }
.LBB2_6:
0x6a: {  	s5 =	sshra.s32 s4, $0x2;
	[sflag:s30] =	ssyncadd.s32 $0xFFFFD800;
	p0 =	sne.s32 s4, $0x6200  }
0x6b: {  	[spmem:s2] =	stream.indirect.scatter.add.f32 [tilespmem:s29], [sflag:$0x1], $0x80, s5, s1, $0xb8;
	[tilespmem:$0x1AC00] =	vst v63  }
.Ltmp2:
0x6c: {  	_ = 	snop;
	(pc) =	sbr.rel @p0 .LBB2_6-.Ltmp2, $4  }
0x6d: {  	_ = 	snop  }
0x6e: {  	s4 =	sadd.s32 $0x200, s4  }
0x6f: {  	_ =	swait.ge [sflag:s30], $0x2800  }
0x70: {  	[sflag:s30] =	ssyncset.done $0x0  }
0x71: {  	[sflag:s30] =	ssyncadd.s32 $0xFFFFD800;
	s4 =	simm.s32 $0x0  }
0x72: {  	[tilespmem:s4], [sflag:$0x1] =	stream.linear.gather [hbm4b:s26+s4], $0x1900, $0x38;
	[tilespmem:$0x1AC00] =	vst v63  }
0x73: {  	_ =	swait.ge [sflag:s30], $0x1900  }
0x74: {  	[sflag:s30] =	ssyncset.done $0x0  }
0x75: {  	s5 =	simm.s32 $0x0;
	[sflag:s30] =	ssyncadd.s32 $0xFFFFE700  }
0x76: {  	[spmem:s2] =	stream.indirect.scatter.add.f32 [tilespmem:s29], [sflag:$0x1], $0x80, s5, s1, $0xb8;
	[tilespmem:$0x1AC00] =	vst v63  }
0x77: {  	_ =	swait.ge [sflag:s30], $0x2800  }
0x78: {  	s4 =	simm.s32 $0x200;
	[sflag:s30] =	ssyncset.done $0x0  }
.LBB2_8:
0x79: {  	s5 =	sshra.s32 s4, $0x2;
	[sflag:s30] =	ssyncadd.s32 $0xFFFFD800;
	p0 =	sne.s32 s4, $0x6200  }
0x7a: {  	[spmem:s2] =	stream.indirect.scatter.add.f32 [tilespmem:s29], [sflag:$0x1], $0x80, s5, s1, $0xb8;
	[tilespmem:$0x1AC00] =	vst v63  }
.Ltmp3:
0x7b: {  	_ = 	snop;
	(pc) =	sbr.rel @p0 .LBB2_8-.Ltmp3, $4  }
0x7c: {  	_ = 	snop  }
0x7d: {  	s4 =	sadd.s32 $0x200, s4  }
0x7e: {  	_ =	swait.ge [sflag:s30], $0x2800  }
0x7f: {  	[sflag:s30] =	ssyncset.done $0x0  }
0x80: {  	[sflag:s30] =	ssyncadd.s32 $0xFFFFD800;
	s4 =	simm.s32 $0x0  }
0x81: {  	[tilespmem:s4], [sflag:$0x1] =	stream.linear.gather [hbm4b:s28+s4], $0x1900, $0x38;
	[tilespmem:$0x1AC00] =	vst v63  }
0x82: {  	_ =	swait.ge [sflag:s30], $0x1900  }
0x83: {  	[sflag:s30] =	ssyncset.done $0x0  }
0x84: {  	s5 =	simm.s32 $0x0;
	[sflag:s30] =	ssyncadd.s32 $0xFFFFE700  }
0x85: {  	[spmem:s2] =	stream.indirect.scatter.add.f32 [tilespmem:s29], [sflag:$0x1], $0x80, s5, s1, $0xb8;
	[tilespmem:$0x1AC00] =	vst v63  }
0x86: {  	_ =	swait.ge [sflag:s30], $0x2800  }
0x87: {  	s4 =	simm.s32 $0x200;
	[sflag:s30] =	ssyncset.done $0x0  }
.LBB2_10:
0x88: {  	s5 =	sshra.s32 s4, $0x2;
	[sflag:s30] =	ssyncadd.s32 $0xFFFFD800;
	p0 =	sne.s32 s4, $0x6200  }
0x89: {  	[spmem:s2] =	stream.indirect.scatter.add.f32 [tilespmem:s29], [sflag:$0x1], $0x80, s5, s1, $0xb8;
	[tilespmem:$0x1AC00] =	vst v63  }
.Ltmp4:
0x8a: {  	_ = 	snop;
	(pc) =	sbr.rel @p0 .LBB2_10-.Ltmp4, $4  }
0x8b: {  	_ = 	snop  }
0x8c: {  	s4 =	sadd.s32 $0x200, s4  }
0x8d: {  	_ =	swait.ge [sflag:s30], $0x2800  }
0x8e: {  	[sflag:s30] =	ssyncset.done $0x0  }
0x8f: {  	[sflag:s30] =	ssyncadd.s32 $0xFFFFD800  }
0x90: {  	[bflag:$0x0] =	sbarrier.arrive $0xFFFF  }
0x91: {  	[tilespmem:s31], [sflag:$0x1] =	stream.linear.gather [spmem:s6], $0x2800, $0x38;
	[tilespmem:$0x1AC00] =	vst v63  }
0x92: {  	_ =	swait.ge [sflag:s30], $0x2800  }
0x93: {  	[sflag:s30] =	ssyncset.done $0x0  }
0x94: {  	[sflag:s30] =	ssyncadd.s32 $0xFFFFD800  }
0x95: {  	[hbm4b:s14+s3] =	stream.linear.scatter [tilespmem:s31], [sflag:$0x1], $0x2800, $0x38;
	[tilespmem:$0x1AC00] =	vst v63  }
0x96: {  	_ =	swait.ge [sflag:s30], $0x2800  }
0x97: {  	[sflag:s30] =	ssyncset.done $0x0  }
0x98: {  	[sflag:s30] =	ssyncadd.s32 $0xFFFFD800  }
0x99: {  	[tilespmem:s31], [sflag:$0x1] =	stream.linear.gather [spmem:s7], $0x2800, $0x38;
	[tilespmem:$0x1AC00] =	vst v63  }
0x9a: {  	_ =	swait.ge [sflag:s30], $0x2800  }
0x9b: {  	[sflag:s30] =	ssyncset.done $0x0  }
0x9c: {  	[sflag:s30] =	ssyncadd.s32 $0xFFFFD800  }
0x9d: {  	[hbm4b:s15+s3] =	stream.linear.scatter [tilespmem:s31], [sflag:$0x1], $0x2800, $0x38;
	[tilespmem:$0x1AC00] =	vst v63  }
0x9e: {  	_ =	swait.ge [sflag:s30], $0x2800  }
0x9f: {  	[sflag:s30] =	ssyncset.done $0x0  }
0xa0: {  	[sflag:s30] =	ssyncadd.s32 $0xFFFFD800  }
0xa1: {  	[tilespmem:s31], [sflag:$0x1] =	stream.linear.gather [spmem:s8], $0x2800, $0x38;
	[tilespmem:$0x1AC00] =	vst v63  }
0xa2: {  	_ =	swait.ge [sflag:s30], $0x2800  }
0xa3: {  	[sflag:s30] =	ssyncset.done $0x0  }
0xa4: {  	[sflag:s30] =	ssyncadd.s32 $0xFFFFD800  }
0xa5: {  	[hbm4b:s16+s3] =	stream.linear.scatter [tilespmem:s31], [sflag:$0x1], $0x2800, $0x38;
	[tilespmem:$0x1AC00] =	vst v63  }
0xa6: {  	_ =	swait.ge [sflag:s30], $0x2800  }
0xa7: {  	[sflag:s30] =	ssyncset.done $0x0  }
0xa8: {  	[sflag:s30] =	ssyncadd.s32 $0xFFFFD800  }
0xa9: {  	[tilespmem:s31], [sflag:$0x1] =	stream.linear.gather [spmem:s9], $0x2800, $0x38;
	[tilespmem:$0x1AC00] =	vst v63  }
0xaa: {  	_ =	swait.ge [sflag:s30], $0x2800  }
0xab: {  	[sflag:s30] =	ssyncset.done $0x0  }
0xac: {  	[sflag:s30] =	ssyncadd.s32 $0xFFFFD800  }
0xad: {  	[hbm4b:s17+s3] =	stream.linear.scatter [tilespmem:s31], [sflag:$0x1], $0x2800, $0x38;
	[tilespmem:$0x1AC00] =	vst v63  }
0xae: {  	_ =	swait.ge [sflag:s30], $0x2800  }
0xaf: {  	[sflag:s30] =	ssyncset.done $0x0  }
0xb0: {  	[sflag:s30] =	ssyncadd.s32 $0xFFFFD800  }
0xb1: {  	[tilespmem:s31], [sflag:$0x1] =	stream.linear.gather [spmem:s10], $0x2800, $0x38;
	[tilespmem:$0x1AC00] =	vst v63  }
0xb2: {  	_ =	swait.ge [sflag:s30], $0x2800  }
0xb3: {  	[sflag:s30] =	ssyncset.done $0x0  }
0xb4: {  	[sflag:s30] =	ssyncadd.s32 $0xFFFFD800  }
0xb5: {  	[hbm4b:s18+s3] =	stream.linear.scatter [tilespmem:s31], [sflag:$0x1], $0x2800, $0x38;
	[tilespmem:$0x1AC00] =	vst v63  }
0xb6: {  	_ =	swait.ge [sflag:s30], $0x2800  }
0xb7: {  	[sflag:s30] =	ssyncset.done $0x0  }
0xb8: {  	[sflag:s30] =	ssyncadd.s32 $0xFFFFD800  }
0xb9: {  	[tilespmem:s31], [sflag:$0x1] =	stream.linear.gather [spmem:s11], $0x2800, $0x38;
	[tilespmem:$0x1AC00] =	vst v63  }
0xba: {  	_ =	swait.ge [sflag:s30], $0x2800  }
0xbb: {  	[sflag:s30] =	ssyncset.done $0x0  }
0xbc: {  	[sflag:s30] =	ssyncadd.s32 $0xFFFFD800  }
0xbd: {  	[hbm4b:s19+s3] =	stream.linear.scatter [tilespmem:s31], [sflag:$0x1], $0x2800, $0x38;
	[tilespmem:$0x1AC00] =	vst v63  }
0xbe: {  	_ =	swait.ge [sflag:s30], $0x2800  }
0xbf: {  	[sflag:s30] =	ssyncset.done $0x0  }
0xc0: {  	[sflag:s30] =	ssyncadd.s32 $0xFFFFD800  }
0xc1: {  	[tilespmem:s31], [sflag:$0x1] =	stream.linear.gather [spmem:s12], $0x2800, $0x38;
	[tilespmem:$0x1AC00] =	vst v63  }
0xc2: {  	_ =	swait.ge [sflag:s30], $0x2800  }
0xc3: {  	[sflag:s30] =	ssyncset.done $0x0  }
0xc4: {  	[sflag:s30] =	ssyncadd.s32 $0xFFFFD800  }
0xc5: {  	[hbm4b:s20+s3] =	stream.linear.scatter [tilespmem:s31], [sflag:$0x1], $0x2800, $0x38;
	[tilespmem:$0x1AC00] =	vst v63  }
0xc6: {  	_ =	swait.ge [sflag:s30], $0x2800  }
0xc7: {  	[sflag:s30] =	ssyncset.done $0x0  }
0xc8: {  	[sflag:s30] =	ssyncadd.s32 $0xFFFFD800  }
0xc9: {  	[tilespmem:s31], [sflag:$0x1] =	stream.linear.gather [spmem:s13], $0x2800, $0x38;
	[tilespmem:$0x1AC00] =	vst v63  }
0xca: {  	s0 =	sadd.s32 $0x1, s0;
	_ =	swait.ge [sflag:s30], $0x2800  }
0xcb: {  	p0 =	sne.s32 s0, s22;
	[sflag:s30] =	ssyncset.done $0x0  }
.Ltmp5:
0xcc: {  	[sflag:s30] =	ssyncadd.s32 $0xFFFFD800;
	(pc) =	sbr.rel @p0 .LBB2_1-.Ltmp5, $4  }
0xcd: {  	[hbm4b:s21+s3] =	stream.linear.scatter [tilespmem:s31], [sflag:$0x1], $0x2800, $0x38;
	[tilespmem:$0x1AC00] =	vst v63  }
0xce: {  	_ =	swait.ge [sflag:s30], $0x2800  }
0xcf: {  	[sflag:s30] =	ssyncset.done $0x0  }
0xd0: {  	[sflag:s30] =	ssyncadd.s32 $0xFFFFD800  }
0xd1: {  	_ =	sfence.sel $0x180000  }
0xd2: {  	[bflag:$0x0] =	sbarrier.arrive $0xFFFF  }
0xd3: {  	_ =	strace $0x9000004A  }
0xd4: {  	s0 =	stileid.u32;
	[bflag:$0x2] =	sbarrier.arrive $0xFFFF  }
0xd5: {  	p0 =	sne.s32 s0, $0x0;
	s0 =	rddreg [dreg:$0x2]  }
0xd6: {  	s0 =	sadd.s32 @!p0 $0x100000, s0  }
0xd7: {  	[sflag:s0] =	ssyncadd.tile.s32 @!p0 $0x1;
	_ =	shalt  }
.Lfunc_end2:
_tile_overlayer_lowered:
.L_overlay_start_2:
0xd8: {  	(tag) =	ssettag $0x2  }
0xd9: {  	s0 =	rddreg [dreg:$0x0];
	s2 =	stileid.u32  }
0xda: {  	s1 =	rddreg [dreg:$0x1];
	p0 =	sne.s32 s2, $0x0  }
0xdb: {  	s3 =	rddreg [dreg:$0x2];
	[bflag:$0x3] =	sbarrier.arrive $0xFFFF;
	s2 =	simm.s32 @!p0 $0x1C01  }
0xdc: {  	[timem:s3], [sflag:s2] =	dma.local @!p0 [hbm:s0], s1  }
0xdd: {  	s0 =	simm.s32 @!p0 $0x1  }
0xde: {  	_ =	swait.ge @!p0 [sflag:s0], s1  }
0xdf: {  	s1 =	ssub.s32 @!p0 $0x0, s1;
	[sflag:s0] =	ssyncset.done @!p0 $0x0  }
0xe0: {  	[sflag:s0] =	ssyncadd.s32 @!p0 s1  }
0xe1: {  	[bflag:$0x3] =	sbarrier.arrive $0xFFFF  }
0xe2: {  	_ =	shalt  }

</sc_bundles>
